<compile_context>
chip_gen: v7x
topology: tpu7x:2x2x1
jax: 0.10.2.dev20260603
libtpu: 0.0.44.dev20260713+nightly
codegen_flags: <defaults>
</compile_context>

<pallas_src>
import functools

import jax
import jax.numpy as jnp
from jax import lax
from jax.experimental import pallas as pl
from jax.experimental.pallas import tpu as pltpu
from jax.experimental.pallas import tpu_sc as plsc

_TOP_K = 8
_LB_WEIGHT = 0.01


def _mlp_body(x_ref, W1_ref, b1_ref, W2_ref, b2_ref, W3_ref, b3_ref,
              scale_ref, lt_ref, loss_ref, usage_acc, *, n_total, grid_n):
    i = pl.program_id(0)
    E = W3_ref.shape[1]

    dot = functools.partial(
        jax.lax.dot_general,
        dimension_numbers=(((1,), (0,)), ((), ())),
        preferred_element_type=jnp.float32,
        precision=jax.lax.Precision.DEFAULT,
    )

    h = jnp.maximum(dot(x_ref[...], W1_ref[...]) + b1_ref[...], 0.0)
    h = jnp.maximum(dot(h, W2_ref[...]) + b2_ref[...], 0.0)
    logits = (dot(h, W3_ref[...]) + b3_ref[...]) * scale_ref[...]

    lt = logits.T
    lt_ref[...] = lt

    m = jnp.max(lt, axis=0, keepdims=True)
    e = jnp.exp(lt - m)
    p = e / jnp.sum(e, axis=0, keepdims=True)
    part = jnp.sum(p, axis=1).reshape(1, E)

    @pl.when(i == 0)
    def _init():
        usage_acc[...] = part

    @pl.when(i != 0)
    def _acc():
        usage_acc[...] += part

    @pl.when(i == grid_n - 1)
    def _loss():
        usage = usage_acc[...] / jnp.float32(n_total)
        u = jnp.float32(1.0 / E)
        kl = jnp.sum(u * (jnp.log(u) - jnp.log(usage + 1e-8))) / E
        loss_ref[0, 0] = kl * _LB_WEIGHT


def _mlp_logits(x, W1, b1, W2, b2, W3, b3, scale):
    N, D = x.shape
    H = W1.shape[1]
    E = W3.shape[1]
    BN = min(1024, N)
    grid_n = N // BN

    return pl.pallas_call(
        functools.partial(_mlp_body, n_total=N, grid_n=grid_n),
        grid=(grid_n,),
        in_specs=[
            pl.BlockSpec((BN, D), lambda i: (i, 0)),
            pl.BlockSpec((D, H), lambda i: (0, 0)),
            pl.BlockSpec((1, H), lambda i: (0, 0)),
            pl.BlockSpec((H, H), lambda i: (0, 0)),
            pl.BlockSpec((1, H), lambda i: (0, 0)),
            pl.BlockSpec((H, E), lambda i: (0, 0)),
            pl.BlockSpec((1, E), lambda i: (0, 0)),
            pl.BlockSpec((1, E), lambda i: (0, 0)),
        ],
        out_specs=[
            pl.BlockSpec((E, BN), lambda i: (0, i)),
            pl.BlockSpec(memory_space=pltpu.SMEM),
        ],
        out_shape=[
            jax.ShapeDtypeStruct((E, N), jnp.float32),
            jax.ShapeDtypeStruct((1, 1), jnp.float32),
        ],
        scratch_shapes=[pltpu.VMEM((1, E), jnp.float32)],
    )(x, W1, b1.reshape(1, H), W2, b2.reshape(1, H), W3, b3.reshape(1, E),
      scale)


def _sc_topk(logits_t):
    E, N = logits_t.shape
    info = plsc.get_sparse_core_info()
    NC, NS, L = info.num_cores, info.num_subcores, info.num_lanes
    NW = NC * NS
    TPW = N // NW
    G = TPW // L

    mesh = plsc.VectorSubcoreMesh(core_axis_name="c", subcore_axis_name="s")

    @functools.partial(
        pl.kernel,
        mesh=mesh,
        out_type=[
            jax.ShapeDtypeStruct((_TOP_K, N), jnp.float32),
            jax.ShapeDtypeStruct((_TOP_K, N), jnp.int32),
        ],
        scratch_types=[
            pltpu.VMEM((E, TPW), jnp.float32),
            pltpu.VMEM((_TOP_K, TPW), jnp.float32),
            pltpu.VMEM((_TOP_K, TPW), jnp.int32),
        ],
    )
    def route(lt_hbm, gates_hbm, idx_hbm, slab, gv, iv):
        wid = lax.axis_index("s") * NC + lax.axis_index("c")
        base = wid * TPW
        pltpu.sync_copy(lt_hbm.at[:, pl.ds(base, TPW)], slab)

        def one_group(off):
            neg = jnp.full((L,), -3.0e38, jnp.float32)
            zero = jnp.zeros((L,), jnp.int32)
            tv = [neg] * _TOP_K
            ti = [zero] * _TOP_K
            for e in range(E):
                v = slab[e, pl.ds(off, L)]
                vi = jnp.full((L,), e, jnp.int32)
                for k in range(_TOP_K):
                    gt = v > tv[k]
                    hi = jnp.maximum(tv[k], v)
                    lo = jnp.minimum(tv[k], v)
                    ni = jnp.where(gt, ti[k], vi)
                    ti[k] = jnp.where(gt, vi, ti[k])
                    tv[k] = hi
                    v, vi = lo, ni
            g = [jnp.exp(t - tv[0]) for t in tv]
            denom = g[0]
            for k in range(1, _TOP_K):
                denom = denom + g[k]
            for k in range(_TOP_K):
                gv[k, pl.ds(off, L)] = g[k] / denom
                iv[k, pl.ds(off, L)] = ti[k]

        def group(j, carry):
            one_group(j * L)
            return carry

        lax.fori_loop(0, G, group, 0)
        pltpu.sync_copy(gv, gates_hbm.at[:, pl.ds(base, TPW)])
        pltpu.sync_copy(iv, idx_hbm.at[:, pl.ds(base, TPW)])

    return route(logits_t)


def kernel(x, W1, b1, W2, b2, W3, b3, expert_importance, log_temperature):
    E = W3.shape[1]
    scale = (expert_importance * jnp.exp(-log_temperature)).reshape(1, E)
    logits_t, loss = _mlp_logits(x, W1, b1, W2, b2, W3, b3, scale)
    gates_t, idx_t = _sc_topk(logits_t)
    return gates_t.T, idx_t.T, loss.reshape(())

# --- scband reference (transcript-rebuilt; emitter-appended) ---
"""Pipeline reference for scband-adaptive-gating-72868415144305 (READ-ONLY COPY).

The authoritative reference and input builder live on the scoring server;
editing this copy changes nothing except your own understanding.
"""

import jax, jax.numpy as jnp
import numpy as np

N, D, H, E = 16384, 2048, 1024, 64
TOP_K = 8
LB_WEIGHT = 0.01

def setup_inputs(seed: int = 0) -> dict:
    key = jax.random.key(seed)
    ks = jax.random.split(key, 8)
    x = jax.random.normal(ks[0], (N, D), dtype=jnp.float32)
    s1 = 1.0 / np.sqrt(D)
    s2 = 1.0 / np.sqrt(H)
    W1 = jax.random.uniform(ks[1], (D, H), minval=-s1, maxval=s1, dtype=jnp.float32)
    b1 = jax.random.uniform(ks[2], (H,), minval=-s1, maxval=s1, dtype=jnp.float32)
    W2 = jax.random.uniform(ks[3], (H, H), minval=-s2, maxval=s2, dtype=jnp.float32)
    b2 = jax.random.uniform(ks[4], (H,), minval=-s2, maxval=s2, dtype=jnp.float32)
    W3 = jax.random.uniform(ks[5], (H, E), minval=-s2, maxval=s2, dtype=jnp.float32)
    b3 = jax.random.uniform(ks[6], (E,), minval=-s2, maxval=s2, dtype=jnp.float32)
    expert_importance = jnp.ones((E,), dtype=jnp.float32)
    log_temperature = jnp.array(0.0, dtype=jnp.float32)
    return {"x": x, "W1": W1, "b1": b1, "W2": W2, "b2": b2, "W3": W3, "b3": b3, "expert_importance": expert_importance, "log_temperature": log_temperature}

def reference(x, W1, b1, W2, b2, W3, b3, expert_importance, log_temperature):
    # Eval mode: dropout and exploration noise disabled
    h = jax.nn.relu(x @ W1 + b1)
    h = jax.nn.relu(h @ W2 + b2)
    gate_logits = h @ W3 + b3
    gate_logits = gate_logits * expert_importance
    temperature = jnp.exp(log_temperature)
    gate_logits = gate_logits / temperature
    gate_probs = jax.nn.softmax(gate_logits, axis=-1)
    top_k_gates, top_k_indices = jax.lax.top_k(gate_probs, TOP_K)
    top_k_gates = top_k_gates / jnp.sum(top_k_gates, axis=-1, keepdims=True)
    # load balancing loss: F.kl_div(log(usage+eps), uniform, reduction='batchmean')
    expert_usage = jnp.mean(gate_probs, axis=0)
    uniform_target = jnp.ones_like(expert_usage) / E
    log_input = jnp.log(expert_usage + 1e-8)
    kl = jnp.sum(uniform_target * (jnp.log(uniform_target) - log_input)) / E
    load_balance_loss = kl * LB_WEIGHT
    return top_k_gates, top_k_indices, load_balance_loss

if __name__ == "__main__":
    import jax
    _d = setup_inputs()
    print(jax.jit(kernel)(*tuple(_d.values())))

</pallas_src>

<mosaic_0001>
#map = affine_map<(d0, d1) -> (0, 0)>
module attributes {stable_mosaic.version = 14 : i64} {
  func.func @route(%arg0: i32, %arg1: i32, %arg2: memref<64x16384xf32, #tpu.memory_space<hbm>>, %arg3: memref<8x16384xf32, #tpu.memory_space<hbm>>, %arg4: memref<8x16384xi32, #tpu.memory_space<hbm>>, %arg5: memref<64x512xf32, #tpu.memory_space<vmem>>, %arg6: memref<8x512xf32, #tpu.memory_space<vmem>>, %arg7: memref<8x512xi32, #tpu.memory_space<vmem>>) attributes {dimension_semantics = [#tpu.dimension_semantics<core_parallel>, #tpu.dimension_semantics<subcore_parallel>], iteration_bounds = array<i64: 2, 16>, scalar_prefetch = 0 : i64, scratch_operands = 3 : i64, tpu.core_type = #tpu.core_type<sc_vector_subcore>, window_params = [{transform_indices = #map}, {transform_indices = #map}, {transform_indices = #map}]} {
    %mul3A = arith.constant 2 : i32
    %mul3A_0 = arith.muli %arg1, %mul3A : i32
    %add3A = arith.addi %mul3A_0, %arg0 : i32
    %mul3A_1 = arith.constant 512 : i32
    %mul3A_2 = arith.muli %add3A, %mul3A_1 : i32
    "tpu.region"() ({
      %run_scoped3A = tpu.sem_alloc : memref<!tpu.dma_semaphore, #tpu.memory_space<semaphore_mem>>
      %dma_start3A = arith.constant 0 : i32
      %dma_start3A_8 = tpu.memref_slice %arg2[%dma_start3A, %mul3A_2] : memref<64x16384xf32, #tpu.memory_space<hbm>> -> memref<64x512xf32, #tpu.memory_space<hbm>>
      %dma_start3A_9 = arith.constant 0 : i32
      %dma_start3A_10 = tpu.memref_slice %arg2[%dma_start3A_9, %mul3A_2] : memref<64x16384xf32, #tpu.memory_space<hbm>> -> memref<64x512xf32, #tpu.memory_space<hbm>>
      tpu.enqueue_dma source(%dma_start3A_10 : memref<64x512xf32, #tpu.memory_space<hbm>>) target(%arg5 : memref<64x512xf32, #tpu.memory_space<vmem>>) target_semaphore(%run_scoped3A : memref<!tpu.dma_semaphore, #tpu.memory_space<semaphore_mem>>)
      %dma_wait3A = arith.constant 0 : i32
      %dma_wait3A_11 = tpu.memref_slice %arg2[%dma_wait3A, %mul3A_2] : memref<64x16384xf32, #tpu.memory_space<hbm>> -> memref<64x512xf32, #tpu.memory_space<hbm>>
      %dma_wait3A_12 = arith.constant 0 : i32
      %dma_wait3A_13 = tpu.memref_slice %arg2[%dma_wait3A_12, %mul3A_2] : memref<64x16384xf32, #tpu.memory_space<hbm>> -> memref<64x512xf32, #tpu.memory_space<hbm>>
      tpu.wait_dma2 semaphore(%run_scoped3A : memref<!tpu.dma_semaphore, #tpu.memory_space<semaphore_mem>>) src(%dma_wait3A_13 : memref<64x512xf32, #tpu.memory_space<hbm>>) dst(%arg5 : memref<64x512xf32, #tpu.memory_space<vmem>>)
      tpu.yield
    }) : () -> ()
    %scan3A = arith.constant 0 : i32
    %scan3A_3 = arith.constant 0 : i32
    %scan3A_4 = arith.constant 32 : i32
    %scan3A_5 = arith.addi %scan3A_3, %scan3A_4 : i32
    %scan3A_6 = arith.constant 1 : i32
    scf.for %scan3A_8 = %scan3A_3 to %scan3A_5 step %scan3A_6  : i32 {
      %mul3A_9 = arith.constant 16 : i32
      %mul3A_10 = arith.muli %scan3A_8, %mul3A_9 : i32
      %broadcast_in_dim3A = arith.constant -3.000000e+38 : f32
      %broadcast_in_dim3A_11 = vector.broadcast %broadcast_in_dim3A : f32 to vector<16xf32>
      %broadcast_in_dim3A_12 = arith.constant 0 : i32
      %broadcast_in_dim3A_13 = vector.broadcast %broadcast_in_dim3A_12 : i32 to vector<16xi32>
      %get3A = arith.constant 0 : i32
      %get3A_14 = arith.index_cast %get3A : i32 to index
      %get3A_15 = arith.index_cast %mul3A_10 : i32 to index
      %get3A_16 = tpu.vector_load %arg5[%get3A_14, %get3A_15] {strides = array<i32>} : memref<64x512xf32, #tpu.memory_space<vmem>>, vector<1x16xf32>,
      %get3A_17 = vector.shape_cast %get3A_16 : vector<1x16xf32> to vector<16xf32>
      %broadcast_in_dim3A_18 = arith.constant 0 : i32
      %broadcast_in_dim3A_19 = vector.broadcast %broadcast_in_dim3A_18 : i32 to vector<16xi32>
      %gt3A = arith.cmpf ogt, %get3A_17, %broadcast_in_dim3A_11 : vector<16xf32>
      %max3A = arith.maximumf %broadcast_in_dim3A_11, %get3A_17 : vector<16xf32>
      %min3A = arith.minimumf %broadcast_in_dim3A_11, %get3A_17 : vector<16xf32>
      %select_n3A = arith.select %gt3A, %broadcast_in_dim3A_13, %broadcast_in_dim3A_19 : vector<16xi1>, vector<16xi32>
      %select_n3A_20 = arith.select %gt3A, %broadcast_in_dim3A_19, %broadcast_in_dim3A_13 : vector<16xi1>, vector<16xi32>
      %gt3A_21 = arith.cmpf ogt, %min3A, %broadcast_in_dim3A_11 : vector<16xf32>
      %max3A_22 = arith.maximumf %broadcast_in_dim3A_11, %min3A : vector<16xf32>
      %min3A_23 = arith.minimumf %broadcast_in_dim3A_11, %min3A : vector<16xf32>
      %select_n3A_24 = arith.select %gt3A_21, %broadcast_in_dim3A_13, %select_n3A : vector<16xi1>, vector<16xi32>
      %select_n3A_25 = arith.select %gt3A_21, %select_n3A, %broadcast_in_dim3A_13 : vector<16xi1>, vector<16xi32>
      %gt3A_26 = arith.cmpf ogt, %min3A_23, %broadcast_in_dim3A_11 : vector<16xf32>
      %max3A_27 = arith.maximumf %broadcast_in_dim3A_11, %min3A_23 : vector<16xf32>
      %min3A_28 = arith.minimumf %broadcast_in_dim3A_11, %min3A_23 : vector<16xf32>
      %select_n3A_29 = arith.select %gt3A_26, %broadcast_in_dim3A_13, %select_n3A_24 : vector<16xi1>, vector<16xi32>
      %select_n3A_30 = arith.select %gt3A_26, %select_n3A_24, %broadcast_in_dim3A_13 : vector<16xi1>, vector<16xi32>
      %gt3A_31 = arith.cmpf ogt, %min3A_28, %broadcast_in_dim3A_11 : vector<16xf32>
      %max3A_32 = arith.maximumf %broadcast_in_dim3A_11, %min3A_28 : vector<16xf32>
      %min3A_33 = arith.minimumf %broadcast_in_dim3A_11, %min3A_28 : vector<16xf32>
      %select_n3A_34 = arith.select %gt3A_31, %broadcast_in_dim3A_13, %select_n3A_29 : vector<16xi1>, vector<16xi32>
      %select_n3A_35 = arith.select %gt3A_31, %select_n3A_29, %broadcast_in_dim3A_13 : vector<16xi1>, vector<16xi32>
      %gt3A_36 = arith.cmpf ogt, %min3A_33, %broadcast_in_dim3A_11 : vector<16xf32>
      %max3A_37 = arith.maximumf %broadcast_in_dim3A_11, %min3A_33 : vector<16xf32>
      %min3A_38 = arith.minimumf %broadcast_in_dim3A_11, %min3A_33 : vector<16xf32>
      %select_n3A_39 = arith.select %gt3A_36, %broadcast_in_dim3A_13, %select_n3A_34 : vector<16xi1>, vector<16xi32>
      %select_n3A_40 = arith.select %gt3A_36, %select_n3A_34, %broadcast_in_dim3A_13 : vector<16xi1>, vector<16xi32>
      %gt3A_41 = arith.cmpf ogt, %min3A_38, %broadcast_in_dim3A_11 : vector<16xf32>
      %max3A_42 = arith.maximumf %broadcast_in_dim3A_11, %min3A_38 : vector<16xf32>
      %min3A_43 = arith.minimumf %broadcast_in_dim3A_11, %min3A_38 : vector<16xf32>
      %select_n3A_44 = arith.select %gt3A_41, %broadcast_in_dim3A_13, %select_n3A_39 : vector<16xi1>, vector<16xi32>
      %select_n3A_45 = arith.select %gt3A_41, %select_n3A_39, %broadcast_in_dim3A_13 : vector<16xi1>, vector<16xi32>
      %gt3A_46 = arith.cmpf ogt, %min3A_43, %broadcast_in_dim3A_11 : vector<16xf32>
      %max3A_47 = arith.maximumf %broadcast_in_dim3A_11, %min3A_43 : vector<16xf32>
      %min3A_48 = arith.minimumf %broadcast_in_dim3A_11, %min3A_43 : vector<16xf32>
      %select_n3A_49 = arith.select %gt3A_46, %broadcast_in_dim3A_13, %select_n3A_44 : vector<16xi1>, vector<16xi32>
      %select_n3A_50 = arith.select %gt3A_46, %select_n3A_44, %broadcast_in_dim3A_13 : vector<16xi1>, vector<16xi32>
      %gt3A_51 = arith.cmpf ogt, %min3A_48, %broadcast_in_dim3A_11 : vector<16xf32>
      %max3A_52 = arith.maximumf %broadcast_in_dim3A_11, %min3A_48 : vector<16xf32>
      %min3A_53 = arith.minimumf %broadcast_in_dim3A_11, %min3A_48 : vector<16xf32>
      %select_n3A_54 = arith.select %gt3A_51, %broadcast_in_dim3A_13, %select_n3A_49 : vector<16xi1>, vector<16xi32>
      %select_n3A_55 = arith.select %gt3A_51, %select_n3A_49, %broadcast_in_dim3A_13 : vector<16xi1>, vector<16xi32>
      %get3A_56 = arith.constant 1 : i32
      %get3A_57 = arith.index_cast %get3A_56 : i32 to index
      %get3A_58 = arith.index_cast %mul3A_10 : i32 to index
      %get3A_59 = tpu.vector_load %arg5[%get3A_57, %get3A_58] {strides = array<i32>} : memref<64x512xf32, #tpu.memory_space<vmem>>, vector<1x16xf32>,
      %get3A_60 = vector.shape_cast %get3A_59 : vector<1x16xf32> to vector<16xf32>
      %broadcast_in_dim3A_61 = arith.constant 1 : i32
      %broadcast_in_dim3A_62 = vector.broadcast %broadcast_in_dim3A_61 : i32 to vector<16xi32>
      %gt3A_63 = arith.cmpf ogt, %get3A_60, %max3A : vector<16xf32>
      %max3A_64 = arith.maximumf %max3A, %get3A_60 : vector<16xf32>
      %min3A_65 = arith.minimumf %max3A, %get3A_60 : vector<16xf32>
      %select_n3A_66 = arith.select %gt3A_63, %select_n3A_20, %broadcast_in_dim3A_62 : vector<16xi1>, vector<16xi32>
      %select_n3A_67 = arith.select %gt3A_63, %broadcast_in_dim3A_62, %select_n3A_20 : vector<16xi1>, vector<16xi32>
      %gt3A_68 = arith.cmpf ogt, %min3A_65, %max3A_22 : vector<16xf32>
      %max3A_69 = arith.maximumf %max3A_22, %min3A_65 : vector<16xf32>
      %min3A_70 = arith.minimumf %max3A_22, %min3A_65 : vector<16xf32>
      %select_n3A_71 = arith.select %gt3A_68, %select_n3A_25, %select_n3A_66 : vector<16xi1>, vector<16xi32>
      %select_n3A_72 = arith.select %gt3A_68, %select_n3A_66, %select_n3A_25 : vector<16xi1>, vector<16xi32>
      %gt3A_73 = arith.cmpf ogt, %min3A_70, %max3A_27 : vector<16xf32>
      %max3A_74 = arith.maximumf %max3A_27, %min3A_70 : vector<16xf32>
      %min3A_75 = arith.minimumf %max3A_27, %min3A_70 : vector<16xf32>
      %select_n3A_76 = arith.select %gt3A_73, %select_n3A_30, %select_n3A_71 : vector<16xi1>, vector<16xi32>
      %select_n3A_77 = arith.select %gt3A_73, %select_n3A_71, %select_n3A_30 : vector<16xi1>, vector<16xi32>
      %gt3A_78 = arith.cmpf ogt, %min3A_75, %max3A_32 : vector<16xf32>
      %max3A_79 = arith.maximumf %max3A_32, %min3A_75 : vector<16xf32>
      %min3A_80 = arith.minimumf %max3A_32, %min3A_75 : vector<16xf32>
      %select_n3A_81 = arith.select %gt3A_78, %select_n3A_35, %select_n3A_76 : vector<16xi1>, vector<16xi32>
      %select_n3A_82 = arith.select %gt3A_78, %select_n3A_76, %select_n3A_35 : vector<16xi1>, vector<16xi32>
      %gt3A_83 = arith.cmpf ogt, %min3A_80, %max3A_37 : vector<16xf32>
      %max3A_84 = arith.maximumf %max3A_37, %min3A_80 : vector<16xf32>
      %min3A_85 = arith.minimumf %max3A_37, %min3A_80 : vector<16xf32>
      %select_n3A_86 = arith.select %gt3A_83, %select_n3A_40, %select_n3A_81 : vector<16xi1>, vector<16xi32>
      %select_n3A_87 = arith.select %gt3A_83, %select_n3A_81, %select_n3A_40 : vector<16xi1>, vector<16xi32>
      %gt3A_88 = arith.cmpf ogt, %min3A_85, %max3A_42 : vector<16xf32>
      %max3A_89 = arith.maximumf %max3A_42, %min3A_85 : vector<16xf32>
      %min3A_90 = arith.minimumf %max3A_42, %min3A_85 : vector<16xf32>
      %select_n3A_91 = arith.select %gt3A_88, %select_n3A_45, %select_n3A_86 : vector<16xi1>, vector<16xi32>
      %select_n3A_92 = arith.select %gt3A_88, %select_n3A_86, %select_n3A_45 : vector<16xi1>, vector<16xi32>
      %gt3A_93 = arith.cmpf ogt, %min3A_90, %max3A_47 : vector<16xf32>
      %max3A_94 = arith.maximumf %max3A_47, %min3A_90 : vector<16xf32>
      %min3A_95 = arith.minimumf %max3A_47, %min3A_90 : vector<16xf32>
      %select_n3A_96 = arith.select %gt3A_93, %select_n3A_50, %select_n3A_91 : vector<16xi1>, vector<16xi32>
      %select_n3A_97 = arith.select %gt3A_93, %select_n3A_91, %select_n3A_50 : vector<16xi1>, vector<16xi32>
      %gt3A_98 = arith.cmpf ogt, %min3A_95, %max3A_52 : vector<16xf32>
      %max3A_99 = arith.maximumf %max3A_52, %min3A_95 : vector<16xf32>
      %min3A_100 = arith.minimumf %max3A_52, %min3A_95 : vector<16xf32>
      %select_n3A_101 = arith.select %gt3A_98, %select_n3A_55, %select_n3A_96 : vector<16xi1>, vector<16xi32>
      %select_n3A_102 = arith.select %gt3A_98, %select_n3A_96, %select_n3A_55 : vector<16xi1>, vector<16xi32>
      %get3A_103 = arith.constant 2 : i32
      %get3A_104 = arith.index_cast %get3A_103 : i32 to index
      %get3A_105 = arith.index_cast %mul3A_10 : i32 to index
      %get3A_106 = tpu.vector_load %arg5[%get3A_104, %get3A_105] {strides = array<i32>} : memref<64x512xf32, #tpu.memory_space<vmem>>, vector<1x16xf32>,
      %get3A_107 = vector.shape_cast %get3A_106 : vector<1x16xf32> to vector<16xf32>
      %broadcast_in_dim3A_108 = arith.constant 2 : i32
      %broadcast_in_dim3A_109 = vector.broadcast %broadcast_in_dim3A_108 : i32 to vector<16xi32>
      %gt3A_110 = arith.cmpf ogt, %get3A_107, %max3A_64 : vector<16xf32>
      %max3A_111 = arith.maximumf %max3A_64, %get3A_107 : vector<16xf32>
      %min3A_112 = arith.minimumf %max3A_64, %get3A_107 : vector<16xf32>
      %select_n3A_113 = arith.select %gt3A_110, %select_n3A_67, %broadcast_in_dim3A_109 : vector<16xi1>, vector<16xi32>
      %select_n3A_114 = arith.select %gt3A_110, %broadcast_in_dim3A_109, %select_n3A_67 : vector<16xi1>, vector<16xi32>
      %gt3A_115 = arith.cmpf ogt, %min3A_112, %max3A_69 : vector<16xf32>
      %max3A_116 = arith.maximumf %max3A_69, %min3A_112 : vector<16xf32>
      %min3A_117 = arith.minimumf %max3A_69, %min3A_112 : vector<16xf32>
      %select_n3A_118 = arith.select %gt3A_115, %select_n3A_72, %select_n3A_113 : vector<16xi1>, vector<16xi32>
      %select_n3A_119 = arith.select %gt3A_115, %select_n3A_113, %select_n3A_72 : vector<16xi1>, vector<16xi32>
      %gt3A_120 = arith.cmpf ogt, %min3A_117, %max3A_74 : vector<16xf32>
      %max3A_121 = arith.maximumf %max3A_74, %min3A_117 : vector<16xf32>
      %min3A_122 = arith.minimumf %max3A_74, %min3A_117 : vector<16xf32>
      %select_n3A_123 = arith.select %gt3A_120, %select_n3A_77, %select_n3A_118 : vector<16xi1>, vector<16xi32>
      %select_n3A_124 = arith.select %gt3A_120, %select_n3A_118, %select_n3A_77 : vector<16xi1>, vector<16xi32>
      %gt3A_125 = arith.cmpf ogt, %min3A_122, %max3A_79 : vector<16xf32>
      %max3A_126 = arith.maximumf %max3A_79, %min3A_122 : vector<16xf32>
      %min3A_127 = arith.minimumf %max3A_79, %min3A_122 : vector<16xf32>
      %select_n3A_128 = arith.select %gt3A_125, %select_n3A_82, %select_n3A_123 : vector<16xi1>, vector<16xi32>
      %select_n3A_129 = arith.select %gt3A_125, %select_n3A_123, %select_n3A_82 : vector<16xi1>, vector<16xi32>
      %gt3A_130 = arith.cmpf ogt, %min3A_127, %max3A_84 : vector<16xf32>
      %max3A_131 = arith.maximumf %max3A_84, %min3A_127 : vector<16xf32>
      %min3A_132 = arith.minimumf %max3A_84, %min3A_127 : vector<16xf32>
      %select_n3A_133 = arith.select %gt3A_130, %select_n3A_87, %select_n3A_128 : vector<16xi1>, vector<16xi32>
      %select_n3A_134 = arith.select %gt3A_130, %select_n3A_128, %select_n3A_87 : vector<16xi1>, vector<16xi32>
      %gt3A_135 = arith.cmpf ogt, %min3A_132, %max3A_89 : vector<16xf32>
      %max3A_136 = arith.maximumf %max3A_89, %min3A_132 : vector<16xf32>
      %min3A_137 = arith.minimumf %max3A_89, %min3A_132 : vector<16xf32>
      %select_n3A_138 = arith.select %gt3A_135, %select_n3A_92, %select_n3A_133 : vector<16xi1>, vector<16xi32>
      %select_n3A_139 = arith.select %gt3A_135, %select_n3A_133, %select_n3A_92 : vector<16xi1>, vector<16xi32>
      %gt3A_140 = arith.cmpf ogt, %min3A_137, %max3A_94 : vector<16xf32>
      %max3A_141 = arith.maximumf %max3A_94, %min3A_137 : vector<16xf32>
      %min3A_142 = arith.minimumf %max3A_94, %min3A_137 : vector<16xf32>
      %select_n3A_143 = arith.select %gt3A_140, %select_n3A_97, %select_n3A_138 : vector<16xi1>, vector<16xi32>
      %select_n3A_144 = arith.select %gt3A_140, %select_n3A_138, %select_n3A_97 : vector<16xi1>, vector<16xi32>
      %gt3A_145 = arith.cmpf ogt, %min3A_142, %max3A_99 : vector<16xf32>
      %max3A_146 = arith.maximumf %max3A_99, %min3A_142 : vector<16xf32>
      %min3A_147 = arith.minimumf %max3A_99, %min3A_142 : vector<16xf32>
      %select_n3A_148 = arith.select %gt3A_145, %select_n3A_102, %select_n3A_143 : vector<16xi1>, vector<16xi32>
      %select_n3A_149 = arith.select %gt3A_145, %select_n3A_143, %select_n3A_102 : vector<16xi1>, vector<16xi32>
      %get3A_150 = arith.constant 3 : i32
      %get3A_151 = arith.index_cast %get3A_150 : i32 to index
      %get3A_152 = arith.index_cast %mul3A_10 : i32 to index
      %get3A_153 = tpu.vector_load %arg5[%get3A_151, %get3A_152] {strides = array<i32>} : memref<64x512xf32, #tpu.memory_space<vmem>>, vector<1x16xf32>,
      %get3A_154 = vector.shape_cast %get3A_153 : vector<1x16xf32> to vector<16xf32>
      %broadcast_in_dim3A_155 = arith.constant 3 : i32
      %broadcast_in_dim3A_156 = vector.broadcast %broadcast_in_dim3A_155 : i32 to vector<16xi32>
      %gt3A_157 = arith.cmpf ogt, %get3A_154, %max3A_111 : vector<16xf32>
      %max3A_158 = arith.maximumf %max3A_111, %get3A_154 : vector<16xf32>
      %min3A_159 = arith.minimumf %max3A_111, %get3A_154 : vector<16xf32>
      %select_n3A_160 = arith.select %gt3A_157, %select_n3A_114, %broadcast_in_dim3A_156 : vector<16xi1>, vector<16xi32>
      %select_n3A_161 = arith.select %gt3A_157, %broadcast_in_dim3A_156, %select_n3A_114 : vector<16xi1>, vector<16xi32>
      %gt3A_162 = arith.cmpf ogt, %min3A_159, %max3A_116 : vector<16xf32>
      %max3A_163 = arith.maximumf %max3A_116, %min3A_159 : vector<16xf32>
      %min3A_164 = arith.minimumf %max3A_116, %min3A_159 : vector<16xf32>
      %select_n3A_165 = arith.select %gt3A_162, %select_n3A_119, %select_n3A_160 : vector<16xi1>, vector<16xi32>
      %select_n3A_166 = arith.select %gt3A_162, %select_n3A_160, %select_n3A_119 : vector<16xi1>, vector<16xi32>
      %gt3A_167 = arith.cmpf ogt, %min3A_164, %max3A_121 : vector<16xf32>
      %max3A_168 = arith.maximumf %max3A_121, %min3A_164 : vector<16xf32>
      %min3A_169 = arith.minimumf %max3A_121, %min3A_164 : vector<16xf32>
      %select_n3A_170 = arith.select %gt3A_167, %select_n3A_124, %select_n3A_165 : vector<16xi1>, vector<16xi32>
      %select_n3A_171 = arith.select %gt3A_167, %select_n3A_165, %select_n3A_124 : vector<16xi1>, vector<16xi32>
      %gt3A_172 = arith.cmpf ogt, %min3A_169, %max3A_126 : vector<16xf32>
      %max3A_173 = arith.maximumf %max3A_126, %min3A_169 : vector<16xf32>
      %min3A_174 = arith.minimumf %max3A_126, %min3A_169 : vector<16xf32>
      %select_n3A_175 = arith.select %gt3A_172, %select_n3A_129, %select_n3A_170 : vector<16xi1>, vector<16xi32>
      %select_n3A_176 = arith.select %gt3A_172, %select_n3A_170, %select_n3A_129 : vector<16xi1>, vector<16xi32>
      %gt3A_177 = arith.cmpf ogt, %min3A_174, %max3A_131 : vector<16xf32>
      %max3A_178 = arith.maximumf %max3A_131, %min3A_174 : vector<16xf32>
      %min3A_179 = arith.minimumf %max3A_131, %min3A_174 : vector<16xf32>
      %select_n3A_180 = arith.select %gt3A_177, %select_n3A_134, %select_n3A_175 : vector<16xi1>, vector<16xi32>
      %select_n3A_181 = arith.select %gt3A_177, %select_n3A_175, %select_n3A_134 : vector<16xi1>, vector<16xi32>
      %gt3A_182 = arith.cmpf ogt, %min3A_179, %max3A_136 : vector<16xf32>
      %max3A_183 = arith.maximumf %max3A_136, %min3A_179 : vector<16xf32>
      %min3A_184 = arith.minimumf %max3A_136, %min3A_179 : vector<16xf32>
      %select_n3A_185 = arith.select %gt3A_182, %select_n3A_139, %select_n3A_180 : vector<16xi1>, vector<16xi32>
      %select_n3A_186 = arith.select %gt3A_182, %select_n3A_180, %select_n3A_139 : vector<16xi1>, vector<16xi32>
      %gt3A_187 = arith.cmpf ogt, %min3A_184, %max3A_141 : vector<16xf32>
      %max3A_188 = arith.maximumf %max3A_141, %min3A_184 : vector<16xf32>
      %min3A_189 = arith.minimumf %max3A_141, %min3A_184 : vector<16xf32>
      %select_n3A_190 = arith.select %gt3A_187, %select_n3A_144, %select_n3A_185 : vector<16xi1>, vector<16xi32>
      %select_n3A_191 = arith.select %gt3A_187, %select_n3A_185, %select_n3A_144 : vector<16xi1>, vector<16xi32>
      %gt3A_192 = arith.cmpf ogt, %min3A_189, %max3A_146 : vector<16xf32>
      %max3A_193 = arith.maximumf %max3A_146, %min3A_189 : vector<16xf32>
      %min3A_194 = arith.minimumf %max3A_146, %min3A_189 : vector<16xf32>
      %select_n3A_195 = arith.select %gt3A_192, %select_n3A_149, %select_n3A_190 : vector<16xi1>, vector<16xi32>
      %select_n3A_196 = arith.select %gt3A_192, %select_n3A_190, %select_n3A_149 : vector<16xi1>, vector<16xi32>
      %get3A_197 = arith.constant 4 : i32
      %get3A_198 = arith.index_cast %get3A_197 : i32 to index
      %get3A_199 = arith.index_cast %mul3A_10 : i32 to index
      %get3A_200 = tpu.vector_load %arg5[%get3A_198, %get3A_199] {strides = array<i32>} : memref<64x512xf32, #tpu.memory_space<vmem>>, vector<1x16xf32>,
      %get3A_201 = vector.shape_cast %get3A_200 : vector<1x16xf32> to vector<16xf32>
      %broadcast_in_dim3A_202 = arith.constant 4 : i32
      %broadcast_in_dim3A_203 = vector.broadcast %broadcast_in_dim3A_202 : i32 to vector<16xi32>
      %gt3A_204 = arith.cmpf ogt, %get3A_201, %max3A_158 : vector<16xf32>
      %max3A_205 = arith.maximumf %max3A_158, %get3A_201 : vector<16xf32>
      %min3A_206 = arith.minimumf %max3A_158, %get3A_201 : vector<16xf32>
      %select_n3A_207 = arith.select %gt3A_204, %select_n3A_161, %broadcast_in_dim3A_203 : vector<16xi1>, vector<16xi32>
      %select_n3A_208 = arith.select %gt3A_204, %broadcast_in_dim3A_203, %select_n3A_161 : vector<16xi1>, vector<16xi32>
      %gt3A_209 = arith.cmpf ogt, %min3A_206, %max3A_163 : vector<16xf32>
      %max3A_210 = arith.maximumf %max3A_163, %min3A_206 : vector<16xf32>
      %min3A_211 = arith.minimumf %max3A_163, %min3A_206 : vector<16xf32>
      %select_n3A_212 = arith.select %gt3A_209, %select_n3A_166, %select_n3A_207 : vector<16xi1>, vector<16xi32>
      %select_n3A_213 = arith.select %gt3A_209, %select_n3A_207, %select_n3A_166 : vector<16xi1>, vector<16xi32>
      %gt3A_214 = arith.cmpf ogt, %min3A_211, %max3A_168 : vector<16xf32>
      %max3A_215 = arith.maximumf %max3A_168, %min3A_211 : vector<16xf32>
      %min3A_216 = arith.minimumf %max3A_168, %min3A_211 : vector<16xf32>
      %select_n3A_217 = arith.select %gt3A_214, %select_n3A_171, %select_n3A_212 : vector<16xi1>, vector<16xi32>
      %select_n3A_218 = arith.select %gt3A_214, %select_n3A_212, %select_n3A_171 : vector<16xi1>, vector<16xi32>
      %gt3A_219 = arith.cmpf ogt, %min3A_216, %max3A_173 : vector<16xf32>
      %max3A_220 = arith.maximumf %max3A_173, %min3A_216 : vector<16xf32>
      %min3A_221 = arith.minimumf %max3A_173, %min3A_216 : vector<16xf32>
      %select_n3A_222 = arith.select %gt3A_219, %select_n3A_176, %select_n3A_217 : vector<16xi1>, vector<16xi32>
      %select_n3A_223 = arith.select %gt3A_219, %select_n3A_217, %select_n3A_176 : vector<16xi1>, vector<16xi32>
      %gt3A_224 = arith.cmpf ogt, %min3A_221, %max3A_178 : vector<16xf32>
      %max3A_225 = arith.maximumf %max3A_178, %min3A_221 : vector<16xf32>
      %min3A_226 = arith.minimumf %max3A_178, %min3A_221 : vector<16xf32>
      %select_n3A_227 = arith.select %gt3A_224, %select_n3A_181, %select_n3A_222 : vector<16xi1>, vector<16xi32>
      %select_n3A_228 = arith.select %gt3A_224, %select_n3A_222, %select_n3A_181 : vector<16xi1>, vector<16xi32>
      %gt3A_229 = arith.cmpf ogt, %min3A_226, %max3A_183 : vector<16xf32>
      %max3A_230 = arith.maximumf %max3A_183, %min3A_226 : vector<16xf32>
      %min3A_231 = arith.minimumf %max3A_183, %min3A_226 : vector<16xf32>
      %select_n3A_232 = arith.select %gt3A_229, %select_n3A_186, %select_n3A_227 : vector<16xi1>, vector<16xi32>
      %select_n3A_233 = arith.select %gt3A_229, %select_n3A_227, %select_n3A_186 : vector<16xi1>, vector<16xi32>
      %gt3A_234 = arith.cmpf ogt, %min3A_231, %max3A_188 : vector<16xf32>
      %max3A_235 = arith.maximumf %max3A_188, %min3A_231 : vector<16xf32>
      %min3A_236 = arith.minimumf %max3A_188, %min3A_231 : vector<16xf32>
      %select_n3A_237 = arith.select %gt3A_234, %select_n3A_191, %select_n3A_232 : vector<16xi1>, vector<16xi32>
      %select_n3A_238 = arith.select %gt3A_234, %select_n3A_232, %select_n3A_191 : vector<16xi1>, vector<16xi32>
      %gt3A_239 = arith.cmpf ogt, %min3A_236, %max3A_193 : vector<16xf32>
      %max3A_240 = arith.maximumf %max3A_193, %min3A_236 : vector<16xf32>
      %min3A_241 = arith.minimumf %max3A_193, %min3A_236 : vector<16xf32>
      %select_n3A_242 = arith.select %gt3A_239, %select_n3A_196, %select_n3A_237 : vector<16xi1>, vector<16xi32>
      %select_n3A_243 = arith.select %gt3A_239, %select_n3A_237, %select_n3A_196 : vector<16xi1>, vector<16xi32>
      %get3A_244 = arith.constant 5 : i32
      %get3A_245 = arith.index_cast %get3A_244 : i32 to index
      %get3A_246 = arith.index_cast %mul3A_10 : i32 to index
      %get3A_247 = tpu.vector_load %arg5[%get3A_245, %get3A_246] {strides = array<i32>} : memref<64x512xf32, #tpu.memory_space<vmem>>, vector<1x16xf32>,
      %get3A_248 = vector.shape_cast %get3A_247 : vector<1x16xf32> to vector<16xf32>
      %broadcast_in_dim3A_249 = arith.constant 5 : i32
      %broadcast_in_dim3A_250 = vector.broadcast %broadcast_in_dim3A_249 : i32 to vector<16xi32>
      %gt3A_251 = arith.cmpf ogt, %get3A_248, %max3A_205 : vector<16xf32>
      %max3A_252 = arith.maximumf %max3A_205, %get3A_248 : vector<16xf32>
      %min3A_253 = arith.minimumf %max3A_205, %get3A_248 : vector<16xf32>
      %select_n3A_254 = arith.select %gt3A_251, %select_n3A_208, %broadcast_in_dim3A_250 : vector<16xi1>, vector<16xi32>
      %select_n3A_255 = arith.select %gt3A_251, %broadcast_in_dim3A_250, %select_n3A_208 : vector<16xi1>, vector<16xi32>
      %gt3A_256 = arith.cmpf ogt, %min3A_253, %max3A_210 : vector<16xf32>
      %max3A_257 = arith.maximumf %max3A_210, %min3A_253 : vector<16xf32>
      %min3A_258 = arith.minimumf %max3A_210, %min3A_253 : vector<16xf32>
      %select_n3A_259 = arith.select %gt3A_256, %select_n3A_213, %select_n3A_254 : vector<16xi1>, vector<16xi32>
      %select_n3A_260 = arith.select %gt3A_256, %select_n3A_254, %select_n3A_213 : vector<16xi1>, vector<16xi32>
      %gt3A_261 = arith.cmpf ogt, %min3A_258, %max3A_215 : vector<16xf32>
      %max3A_262 = arith.maximumf %max3A_215, %min3A_258 : vector<16xf32>
      %min3A_263 = arith.minimumf %max3A_215, %min3A_258 : vector<16xf32>
      %select_n3A_264 = arith.select %gt3A_261, %select_n3A_218, %select_n3A_259 : vector<16xi1>, vector<16xi32>
      %select_n3A_265 = arith.select %gt3A_261, %select_n3A_259, %select_n3A_218 : vector<16xi1>, vector<16xi32>
      %gt3A_266 = arith.cmpf ogt, %min3A_263, %max3A_220 : vector<16xf32>
      %max3A_267 = arith.maximumf %max3A_220, %min3A_263 : vector<16xf32>
      %min3A_268 = arith.minimumf %max3A_220, %min3A_263 : vector<16xf32>
      %select_n3A_269 = arith.select %gt3A_266, %select_n3A_223, %select_n3A_264 : vector<16xi1>, vector<16xi32>
      %select_n3A_270 = arith.select %gt3A_266, %select_n3A_264, %select_n3A_223 : vector<16xi1>, vector<16xi32>
      %gt3A_271 = arith.cmpf ogt, %min3A_268, %max3A_225 : vector<16xf32>
      %max3A_272 = arith.maximumf %max3A_225, %min3A_268 : vector<16xf32>
      %min3A_273 = arith.minimumf %max3A_225, %min3A_268 : vector<16xf32>
      %select_n3A_274 = arith.select %gt3A_271, %select_n3A_228, %select_n3A_269 : vector<16xi1>, vector<16xi32>
      %select_n3A_275 = arith.select %gt3A_271, %select_n3A_269, %select_n3A_228 : vector<16xi1>, vector<16xi32>
      %gt3A_276 = arith.cmpf ogt, %min3A_273, %max3A_230 : vector<16xf32>
      %max3A_277 = arith.maximumf %max3A_230, %min3A_273 : vector<16xf32>
      %min3A_278 = arith.minimumf %max3A_230, %min3A_273 : vector<16xf32>
      %select_n3A_279 = arith.select %gt3A_276, %select_n3A_233, %select_n3A_274 : vector<16xi1>, vector<16xi32>
      %select_n3A_280 = arith.select %gt3A_276, %select_n3A_274, %select_n3A_233 : vector<16xi1>, vector<16xi32>
      %gt3A_281 = arith.cmpf ogt, %min3A_278, %max3A_235 : vector<16xf32>
      %max3A_282 = arith.maximumf %max3A_235, %min3A_278 : vector<16xf32>
      %min3A_283 = arith.minimumf %max3A_235, %min3A_278 : vector<16xf32>
      %select_n3A_284 = arith.select %gt3A_281, %select_n3A_238, %select_n3A_279 : vector<16xi1>, vector<16xi32>
      %select_n3A_285 = arith.select %gt3A_281, %select_n3A_279, %select_n3A_238 : vector<16xi1>, vector<16xi32>
      %gt3A_286 = arith.cmpf ogt, %min3A_283, %max3A_240 : vector<16xf32>
      %max3A_287 = arith.maximumf %max3A_240, %min3A_283 : vector<16xf32>
      %min3A_288 = arith.minimumf %max3A_240, %min3A_283 : vector<16xf32>
      %select_n3A_289 = arith.select %gt3A_286, %select_n3A_243, %select_n3A_284 : vector<16xi1>, vector<16xi32>
      %select_n3A_290 = arith.select %gt3A_286, %select_n3A_284, %select_n3A_243 : vector<16xi1>, vector<16xi32>
      %get3A_291 = arith.constant 6 : i32
      %get3A_292 = arith.index_cast %get3A_291 : i32 to index
      %get3A_293 = arith.index_cast %mul3A_10 : i32 to index
      %get3A_294 = tpu.vector_load %arg5[%get3A_292, %get3A_293] {strides = array<i32>} : memref<64x512xf32, #tpu.memory_space<vmem>>, vector<1x16xf32>,
      %get3A_295 = vector.shape_cast %get3A_294 : vector<1x16xf32> to vector<16xf32>
      %broadcast_in_dim3A_296 = arith.constant 6 : i32
      %broadcast_in_dim3A_297 = vector.broadcast %broadcast_in_dim3A_296 : i32 to vector<16xi32>
      %gt3A_298 = arith.cmpf ogt, %get3A_295, %max3A_252 : vector<16xf32>
      %max3A_299 = arith.maximumf %max3A_252, %get3A_295 : vector<16xf32>
      %min3A_300 = arith.minimumf %max3A_252, %get3A_295 : vector<16xf32>
      %select_n3A_301 = arith.select %gt3A_298, %select_n3A_255, %broadcast_in_dim3A_297 : vector<16xi1>, vector<16xi32>
      %select_n3A_302 = arith.select %gt3A_298, %broadcast_in_dim3A_297, %select_n3A_255 : vector<16xi1>, vector<16xi32>
      %gt3A_303 = arith.cmpf ogt, %min3A_300, %max3A_257 : vector<16xf32>
      %max3A_304 = arith.maximumf %max3A_257, %min3A_300 : vector<16xf32>
      %min3A_305 = arith.minimumf %max3A_257, %min3A_300 : vector<16xf32>
      %select_n3A_306 = arith.select %gt3A_303, %select_n3A_260, %select_n3A_301 : vector<16xi1>, vector<16xi32>
      %select_n3A_307 = arith.select %gt3A_303, %select_n3A_301, %select_n3A_260 : vector<16xi1>, vector<16xi32>
      %gt3A_308 = arith.cmpf ogt, %min3A_305, %max3A_262 : vector<16xf32>
      %max3A_309 = arith.maximumf %max3A_262, %min3A_305 : vector<16xf32>
      %min3A_310 = arith.minimumf %max3A_262, %min3A_305 : vector<16xf32>
      %select_n3A_311 = arith.select %gt3A_308, %select_n3A_265, %select_n3A_306 : vector<16xi1>, vector<16xi32>
      %select_n3A_312 = arith.select %gt3A_308, %select_n3A_306, %select_n3A_265 : vector<16xi1>, vector<16xi32>
      %gt3A_313 = arith.cmpf ogt, %min3A_310, %max3A_267 : vector<16xf32>
      %max3A_314 = arith.maximumf %max3A_267, %min3A_310 : vector<16xf32>
      %min3A_315 = arith.minimumf %max3A_267, %min3A_310 : vector<16xf32>
      %select_n3A_316 = arith.select %gt3A_313, %select_n3A_270, %select_n3A_311 : vector<16xi1>, vector<16xi32>
      %select_n3A_317 = arith.select %gt3A_313, %select_n3A_311, %select_n3A_270 : vector<16xi1>, vector<16xi32>
      %gt3A_318 = arith.cmpf ogt, %min3A_315, %max3A_272 : vector<16xf32>
      %max3A_319 = arith.maximumf %max3A_272, %min3A_315 : vector<16xf32>
      %min3A_320 = arith.minimumf %max3A_272, %min3A_315 : vector<16xf32>
      %select_n3A_321 = arith.select %gt3A_318, %select_n3A_275, %select_n3A_316 : vector<16xi1>, vector<16xi32>
      %select_n3A_322 = arith.select %gt3A_318, %select_n3A_316, %select_n3A_275 : vector<16xi1>, vector<16xi32>
      %gt3A_323 = arith.cmpf ogt, %min3A_320, %max3A_277 : vector<16xf32>
      %max3A_324 = arith.maximumf %max3A_277, %min3A_320 : vector<16xf32>
      %min3A_325 = arith.minimumf %max3A_277, %min3A_320 : vector<16xf32>
      %select_n3A_326 = arith.select %gt3A_323, %select_n3A_280, %select_n3A_321 : vector<16xi1>, vector<16xi32>
      %select_n3A_327 = arith.select %gt3A_323, %select_n3A_321, %select_n3A_280 : vector<16xi1>, vector<16xi32>
      %gt3A_328 = arith.cmpf ogt, %min3A_325, %max3A_282 : vector<16xf32>
      %max3A_329 = arith.maximumf %max3A_282, %min3A_325 : vector<16xf32>
      %min3A_330 = arith.minimumf %max3A_282, %min3A_325 : vector<16xf32>
      %select_n3A_331 = arith.select %gt3A_328, %select_n3A_285, %select_n3A_326 : vector<16xi1>, vector<16xi32>
      %select_n3A_332 = arith.select %gt3A_328, %select_n3A_326, %select_n3A_285 : vector<16xi1>, vector<16xi32>
      %gt3A_333 = arith.cmpf ogt, %min3A_330, %max3A_287 : vector<16xf32>
      %max3A_334 = arith.maximumf %max3A_287, %min3A_330 : vector<16xf32>
      %min3A_335 = arith.minimumf %max3A_287, %min3A_330 : vector<16xf32>
      %select_n3A_336 = arith.select %gt3A_333, %select_n3A_290, %select_n3A_331 : vector<16xi1>, vector<16xi32>
      %select_n3A_337 = arith.select %gt3A_333, %select_n3A_331, %select_n3A_290 : vector<16xi1>, vector<16xi32>
      %get3A_338 = arith.constant 7 : i32
      %get3A_339 = arith.index_cast %get3A_338 : i32 to index
      %get3A_340 = arith.index_cast %mul3A_10 : i32 to index
      %get3A_341 = tpu.vector_load %arg5[%get3A_339, %get3A_340] {strides = array<i32>} : memref<64x512xf32, #tpu.memory_space<vmem>>, vector<1x16xf32>,
      %get3A_342 = vector.shape_cast %get3A_341 : vector<1x16xf32> to vector<16xf32>
      %broadcast_in_dim3A_343 = arith.constant 7 : i32
      %broadcast_in_dim3A_344 = vector.broadcast %broadcast_in_dim3A_343 : i32 to vector<16xi32>
      %gt3A_345 = arith.cmpf ogt, %get3A_342, %max3A_299 : vector<16xf32>
      %max3A_346 = arith.maximumf %max3A_299, %get3A_342 : vector<16xf32>
      %min3A_347 = arith.minimumf %max3A_299, %get3A_342 : vector<16xf32>
      %select_n3A_348 = arith.select %gt3A_345, %select_n3A_302, %broadcast_in_dim3A_344 : vector<16xi1>, vector<16xi32>
      %select_n3A_349 = arith.select %gt3A_345, %broadcast_in_dim3A_344, %select_n3A_302 : vector<16xi1>, vector<16xi32>
      %gt3A_350 = arith.cmpf ogt, %min3A_347, %max3A_304 : vector<16xf32>
      %max3A_351 = arith.maximumf %max3A_304, %min3A_347 : vector<16xf32>
      %min3A_352 = arith.minimumf %max3A_304, %min3A_347 : vector<16xf32>
      %select_n3A_353 = arith.select %gt3A_350, %select_n3A_307, %select_n3A_348 : vector<16xi1>, vector<16xi32>
      %select_n3A_354 = arith.select %gt3A_350, %select_n3A_348, %select_n3A_307 : vector<16xi1>, vector<16xi32>
      %gt3A_355 = arith.cmpf ogt, %min3A_352, %max3A_309 : vector<16xf32>
      %max3A_356 = arith.maximumf %max3A_309, %min3A_352 : vector<16xf32>
      %min3A_357 = arith.minimumf %max3A_309, %min3A_352 : vector<16xf32>
      %select_n3A_358 = arith.select %gt3A_355, %select_n3A_312, %select_n3A_353 : vector<16xi1>, vector<16xi32>
      %select_n3A_359 = arith.select %gt3A_355, %select_n3A_353, %select_n3A_312 : vector<16xi1>, vector<16xi32>
      %gt3A_360 = arith.cmpf ogt, %min3A_357, %max3A_314 : vector<16xf32>
      %max3A_361 = arith.maximumf %max3A_314, %min3A_357 : vector<16xf32>
      %min3A_362 = arith.minimumf %max3A_314, %min3A_357 : vector<16xf32>
      %select_n3A_363 = arith.select %gt3A_360, %select_n3A_317, %select_n3A_358 : vector<16xi1>, vector<16xi32>
      %select_n3A_364 = arith.select %gt3A_360, %select_n3A_358, %select_n3A_317 : vector<16xi1>, vector<16xi32>
      %gt3A_365 = arith.cmpf ogt, %min3A_362, %max3A_319 : vector<16xf32>
      %max3A_366 = arith.maximumf %max3A_319, %min3A_362 : vector<16xf32>
      %min3A_367 = arith.minimumf %max3A_319, %min3A_362 : vector<16xf32>
      %select_n3A_368 = arith.select %gt3A_365, %select_n3A_322, %select_n3A_363 : vector<16xi1>, vector<16xi32>
      %select_n3A_369 = arith.select %gt3A_365, %select_n3A_363, %select_n3A_322 : vector<16xi1>, vector<16xi32>
      %gt3A_370 = arith.cmpf ogt, %min3A_367, %max3A_324 : vector<16xf32>
      %max3A_371 = arith.maximumf %max3A_324, %min3A_367 : vector<16xf32>
      %min3A_372 = arith.minimumf %max3A_324, %min3A_367 : vector<16xf32>
      %select_n3A_373 = arith.select %gt3A_370, %select_n3A_327, %select_n3A_368 : vector<16xi1>, vector<16xi32>
      %select_n3A_374 = arith.select %gt3A_370, %select_n3A_368, %select_n3A_327 : vector<16xi1>, vector<16xi32>
      %gt3A_375 = arith.cmpf ogt, %min3A_372, %max3A_329 : vector<16xf32>
      %max3A_376 = arith.maximumf %max3A_329, %min3A_372 : vector<16xf32>
      %min3A_377 = arith.minimumf %max3A_329, %min3A_372 : vector<16xf32>
      %select_n3A_378 = arith.select %gt3A_375, %select_n3A_332, %select_n3A_373 : vector<16xi1>, vector<16xi32>
      %select_n3A_379 = arith.select %gt3A_375, %select_n3A_373, %select_n3A_332 : vector<16xi1>, vector<16xi32>
      %gt3A_380 = arith.cmpf ogt, %min3A_377, %max3A_334 : vector<16xf32>
      %max3A_381 = arith.maximumf %max3A_334, %min3A_377 : vector<16xf32>
      %min3A_382 = arith.minimumf %max3A_334, %min3A_377 : vector<16xf32>
      %select_n3A_383 = arith.select %gt3A_380, %select_n3A_337, %select_n3A_378 : vector<16xi1>, vector<16xi32>
      %select_n3A_384 = arith.select %gt3A_380, %select_n3A_378, %select_n3A_337 : vector<16xi1>, vector<16xi32>
      %get3A_385 = arith.constant 8 : i32
      %get3A_386 = arith.index_cast %get3A_385 : i32 to index
      %get3A_387 = arith.index_cast %mul3A_10 : i32 to index
      %get3A_388 = tpu.vector_load %arg5[%get3A_386, %get3A_387] {strides = array<i32>} : memref<64x512xf32, #tpu.memory_space<vmem>>, vector<1x16xf32>,
      %get3A_389 = vector.shape_cast %get3A_388 : vector<1x16xf32> to vector<16xf32>
      %broadcast_in_dim3A_390 = arith.constant 8 : i32
      %broadcast_in_dim3A_391 = vector.broadcast %broadcast_in_dim3A_390 : i32 to vector<16xi32>
      %gt3A_392 = arith.cmpf ogt, %get3A_389, %max3A_346 : vector<16xf32>
      %max3A_393 = arith.maximumf %max3A_346, %get3A_389 : vector<16xf32>
      %min3A_394 = arith.minimumf %max3A_346, %get3A_389 : vector<16xf32>
      %select_n3A_395 = arith.select %gt3A_392, %select_n3A_349, %broadcast_in_dim3A_391 : vector<16xi1>, vector<16xi32>
      %select_n3A_396 = arith.select %gt3A_392, %broadcast_in_dim3A_391, %select_n3A_349 : vector<16xi1>, vector<16xi32>
      %gt3A_397 = arith.cmpf ogt, %min3A_394, %max3A_351 : vector<16xf32>
      %max3A_398 = arith.maximumf %max3A_351, %min3A_394 : vector<16xf32>
      %min3A_399 = arith.minimumf %max3A_351, %min3A_394 : vector<16xf32>
      %select_n3A_400 = arith.select %gt3A_397, %select_n3A_354, %select_n3A_395 : vector<16xi1>, vector<16xi32>
      %select_n3A_401 = arith.select %gt3A_397, %select_n3A_395, %select_n3A_354 : vector<16xi1>, vector<16xi32>
      %gt3A_402 = arith.cmpf ogt, %min3A_399, %max3A_356 : vector<16xf32>
      %max3A_403 = arith.maximumf %max3A_356, %min3A_399 : vector<16xf32>
      %min3A_404 = arith.minimumf %max3A_356, %min3A_399 : vector<16xf32>
      %select_n3A_405 = arith.select %gt3A_402, %select_n3A_359, %select_n3A_400 : vector<16xi1>, vector<16xi32>
      %select_n3A_406 = arith.select %gt3A_402, %select_n3A_400, %select_n3A_359 : vector<16xi1>, vector<16xi32>
      %gt3A_407 = arith.cmpf ogt, %min3A_404, %max3A_361 : vector<16xf32>
      %max3A_408 = arith.maximumf %max3A_361, %min3A_404 : vector<16xf32>
      %min3A_409 = arith.minimumf %max3A_361, %min3A_404 : vector<16xf32>
      %select_n3A_410 = arith.select %gt3A_407, %select_n3A_364, %select_n3A_405 : vector<16xi1>, vector<16xi32>
      %select_n3A_411 = arith.select %gt3A_407, %select_n3A_405, %select_n3A_364 : vector<16xi1>, vector<16xi32>
      %gt3A_412 = arith.cmpf ogt, %min3A_409, %max3A_366 : vector<16xf32>
      %max3A_413 = arith.maximumf %max3A_366, %min3A_409 : vector<16xf32>
      %min3A_414 = arith.minimumf %max3A_366, %min3A_409 : vector<16xf32>
      %select_n3A_415 = arith.select %gt3A_412, %select_n3A_369, %select_n3A_410 : vector<16xi1>, vector<16xi32>
      %select_n3A_416 = arith.select %gt3A_412, %select_n3A_410, %select_n3A_369 : vector<16xi1>, vector<16xi32>
      %gt3A_417 = arith.cmpf ogt, %min3A_414, %max3A_371 : vector<16xf32>
      %max3A_418 = arith.maximumf %max3A_371, %min3A_414 : vector<16xf32>
      %min3A_419 = arith.minimumf %max3A_371, %min3A_414 : vector<16xf32>
      %select_n3A_420 = arith.select %gt3A_417, %select_n3A_374, %select_n3A_415 : vector<16xi1>, vector<16xi32>
      %select_n3A_421 = arith.select %gt3A_417, %select_n3A_415, %select_n3A_374 : vector<16xi1>, vector<16xi32>
      %gt3A_422 = arith.cmpf ogt, %min3A_419, %max3A_376 : vector<16xf32>
      %max3A_423 = arith.maximumf %max3A_376, %min3A_419 : vector<16xf32>
      %min3A_424 = arith.minimumf %max3A_376, %min3A_419 : vector<16xf32>
      %select_n3A_425 = arith.select %gt3A_422, %select_n3A_379, %select_n3A_420 : vector<16xi1>, vector<16xi32>
      %select_n3A_426 = arith.select %gt3A_422, %select_n3A_420, %select_n3A_379 : vector<16xi1>, vector<16xi32>
      %gt3A_427 = arith.cmpf ogt, %min3A_424, %max3A_381 : vector<16xf32>
      %max3A_428 = arith.maximumf %max3A_381, %min3A_424 : vector<16xf32>
      %min3A_429 = arith.minimumf %max3A_381, %min3A_424 : vector<16xf32>
      %select_n3A_430 = arith.select %gt3A_427, %select_n3A_384, %select_n3A_425 : vector<16xi1>, vector<16xi32>
      %select_n3A_431 = arith.select %gt3A_427, %select_n3A_425, %select_n3A_384 : vector<16xi1>, vector<16xi32>
      %get3A_432 = arith.constant 9 : i32
      %get3A_433 = arith.index_cast %get3A_432 : i32 to index
      %get3A_434 = arith.index_cast %mul3A_10 : i32 to index
      %get3A_435 = tpu.vector_load %arg5[%get3A_433, %get3A_434] {strides = array<i32>} : memref<64x512xf32, #tpu.memory_space<vmem>>, vector<1x16xf32>,
      %get3A_436 = vector.shape_cast %get3A_435 : vector<1x16xf32> to vector<16xf32>
      %broadcast_in_dim3A_437 = arith.constant 9 : i32
      %broadcast_in_dim3A_438 = vector.broadcast %broadcast_in_dim3A_437 : i32 to vector<16xi32>
      %gt3A_439 = arith.cmpf ogt, %get3A_436, %max3A_393 : vector<16xf32>
      %max3A_440 = arith.maximumf %max3A_393, %get3A_436 : vector<16xf32>
      %min3A_441 = arith.minimumf %max3A_393, %get3A_436 : vector<16xf32>
      %select_n3A_442 = arith.select %gt3A_439, %select_n3A_396, %broadcast_in_dim3A_438 : vector<16xi1>, vector<16xi32>
      %select_n3A_443 = arith.select %gt3A_439, %broadcast_in_dim3A_438, %select_n3A_396 : vector<16xi1>, vector<16xi32>
      %gt3A_444 = arith.cmpf ogt, %min3A_441, %max3A_398 : vector<16xf32>
      %max3A_445 = arith.maximumf %max3A_398, %min3A_441 : vector<16xf32>
      %min3A_446 = arith.minimumf %max3A_398, %min3A_441 : vector<16xf32>
      %select_n3A_447 = arith.select %gt3A_444, %select_n3A_401, %select_n3A_442 : vector<16xi1>, vector<16xi32>
      %select_n3A_448 = arith.select %gt3A_444, %select_n3A_442, %select_n3A_401 : vector<16xi1>, vector<16xi32>
      %gt3A_449 = arith.cmpf ogt, %min3A_446, %max3A_403 : vector<16xf32>
      %max3A_450 = arith.maximumf %max3A_403, %min3A_446 : vector<16xf32>
      %min3A_451 = arith.minimumf %max3A_403, %min3A_446 : vector<16xf32>
      %select_n3A_452 = arith.select %gt3A_449, %select_n3A_406, %select_n3A_447 : vector<16xi1>, vector<16xi32>
      %select_n3A_453 = arith.select %gt3A_449, %select_n3A_447, %select_n3A_406 : vector<16xi1>, vector<16xi32>
      %gt3A_454 = arith.cmpf ogt, %min3A_451, %max3A_408 : vector<16xf32>
      %max3A_455 = arith.maximumf %max3A_408, %min3A_451 : vector<16xf32>
      %min3A_456 = arith.minimumf %max3A_408, %min3A_451 : vector<16xf32>
      %select_n3A_457 = arith.select %gt3A_454, %select_n3A_411, %select_n3A_452 : vector<16xi1>, vector<16xi32>
      %select_n3A_458 = arith.select %gt3A_454, %select_n3A_452, %select_n3A_411 : vector<16xi1>, vector<16xi32>
      %gt3A_459 = arith.cmpf ogt, %min3A_456, %max3A_413 : vector<16xf32>
      %max3A_460 = arith.maximumf %max3A_413, %min3A_456 : vector<16xf32>
      %min3A_461 = arith.minimumf %max3A_413, %min3A_456 : vector<16xf32>
      %select_n3A_462 = arith.select %gt3A_459, %select_n3A_416, %select_n3A_457 : vector<16xi1>, vector<16xi32>
      %select_n3A_463 = arith.select %gt3A_459, %select_n3A_457, %select_n3A_416 : vector<16xi1>, vector<16xi32>
      %gt3A_464 = arith.cmpf ogt, %min3A_461, %max3A_418 : vector<16xf32>
      %max3A_465 = arith.maximumf %max3A_418, %min3A_461 : vector<16xf32>
      %min3A_466 = arith.minimumf %max3A_418, %min3A_461 : vector<16xf32>
      %select_n3A_467 = arith.select %gt3A_464, %select_n3A_421, %select_n3A_462 : vector<16xi1>, vector<16xi32>
      %select_n3A_468 = arith.select %gt3A_464, %select_n3A_462, %select_n3A_421 : vector<16xi1>, vector<16xi32>
      %gt3A_469 = arith.cmpf ogt, %min3A_466, %max3A_423 : vector<16xf32>
      %max3A_470 = arith.maximumf %max3A_423, %min3A_466 : vector<16xf32>
      %min3A_471 = arith.minimumf %max3A_423, %min3A_466 : vector<16xf32>
      %select_n3A_472 = arith.select %gt3A_469, %select_n3A_426, %select_n3A_467 : vector<16xi1>, vector<16xi32>
      %select_n3A_473 = arith.select %gt3A_469, %select_n3A_467, %select_n3A_426 : vector<16xi1>, vector<16xi32>
      %gt3A_474 = arith.cmpf ogt, %min3A_471, %max3A_428 : vector<16xf32>
      %max3A_475 = arith.maximumf %max3A_428, %min3A_471 : vector<16xf32>
      %min3A_476 = arith.minimumf %max3A_428, %min3A_471 : vector<16xf32>
      %select_n3A_477 = arith.select %gt3A_474, %select_n3A_431, %select_n3A_472 : vector<16xi1>, vector<16xi32>
      %select_n3A_478 = arith.select %gt3A_474, %select_n3A_472, %select_n3A_431 : vector<16xi1>, vector<16xi32>
      %get3A_479 = arith.constant 10 : i32
      %get3A_480 = arith.index_cast %get3A_479 : i32 to index
      %get3A_481 = arith.index_cast %mul3A_10 : i32 to index
      %get3A_482 = tpu.vector_load %arg5[%get3A_480, %get3A_481] {strides = array<i32>} : memref<64x512xf32, #tpu.memory_space<vmem>>, vector<1x16xf32>,
      %get3A_483 = vector.shape_cast %get3A_482 : vector<1x16xf32> to vector<16xf32>
      %broadcast_in_dim3A_484 = arith.constant 10 : i32
      %broadcast_in_dim3A_485 = vector.broadcast %broadcast_in_dim3A_484 : i32 to vector<16xi32>
      %gt3A_486 = arith.cmpf ogt, %get3A_483, %max3A_440 : vector<16xf32>
      %max3A_487 = arith.maximumf %max3A_440, %get3A_483 : vector<16xf32>
      %min3A_488 = arith.minimumf %max3A_440, %get3A_483 : vector<16xf32>
      %select_n3A_489 = arith.select %gt3A_486, %select_n3A_443, %broadcast_in_dim3A_485 : vector<16xi1>, vector<16xi32>
      %select_n3A_490 = arith.select %gt3A_486, %broadcast_in_dim3A_485, %select_n3A_443 : vector<16xi1>, vector<16xi32>
      %gt3A_491 = arith.cmpf ogt, %min3A_488, %max3A_445 : vector<16xf32>
      %max3A_492 = arith.maximumf %max3A_445, %min3A_488 : vector<16xf32>
      %min3A_493 = arith.minimumf %max3A_445, %min3A_488 : vector<16xf32>
      %select_n3A_494 = arith.select %gt3A_491, %select_n3A_448, %select_n3A_489 : vector<16xi1>, vector<16xi32>
      %select_n3A_495 = arith.select %gt3A_491, %select_n3A_489, %select_n3A_448 : vector<16xi1>, vector<16xi32>
      %gt3A_496 = arith.cmpf ogt, %min3A_493, %max3A_450 : vector<16xf32>
      %max3A_497 = arith.maximumf %max3A_450, %min3A_493 : vector<16xf32>
      %min3A_498 = arith.minimumf %max3A_450, %min3A_493 : vector<16xf32>
      %select_n3A_499 = arith.select %gt3A_496, %select_n3A_453, %select_n3A_494 : vector<16xi1>, vector<16xi32>
      %select_n3A_500 = arith.select %gt3A_496, %select_n3A_494, %select_n3A_453 : vector<16xi1>, vector<16xi32>
      %gt3A_501 = arith.cmpf ogt, %min3A_498, %max3A_455 : vector<16xf32>
      %max3A_502 = arith.maximumf %max3A_455, %min3A_498 : vector<16xf32>
      %min3A_503 = arith.minimumf %max3A_455, %min3A_498 : vector<16xf32>
      %select_n3A_504 = arith.select %gt3A_501, %select_n3A_458, %select_n3A_499 : vector<16xi1>, vector<16xi32>
      %select_n3A_505 = arith.select %gt3A_501, %select_n3A_499, %select_n3A_458 : vector<16xi1>, vector<16xi32>
      %gt3A_506 = arith.cmpf ogt, %min3A_503, %max3A_460 : vector<16xf32>
      %max3A_507 = arith.maximumf %max3A_460, %min3A_503 : vector<16xf32>
      %min3A_508 = arith.minimumf %max3A_460, %min3A_503 : vector<16xf32>
      %select_n3A_509 = arith.select %gt3A_506, %select_n3A_463, %select_n3A_504 : vector<16xi1>, vector<16xi32>
      %select_n3A_510 = arith.select %gt3A_506, %select_n3A_504, %select_n3A_463 : vector<16xi1>, vector<16xi32>
      %gt3A_511 = arith.cmpf ogt, %min3A_508, %max3A_465 : vector<16xf32>
      %max3A_512 = arith.maximumf %max3A_465, %min3A_508 : vector<16xf32>
      %min3A_513 = arith.minimumf %max3A_465, %min3A_508 : vector<16xf32>
      %select_n3A_514 = arith.select %gt3A_511, %select_n3A_468, %select_n3A_509 : vector<16xi1>, vector<16xi32>
      %select_n3A_515 = arith.select %gt3A_511, %select_n3A_509, %select_n3A_468 : vector<16xi1>, vector<16xi32>
      %gt3A_516 = arith.cmpf ogt, %min3A_513, %max3A_470 : vector<16xf32>
      %max3A_517 = arith.maximumf %max3A_470, %min3A_513 : vector<16xf32>
      %min3A_518 = arith.minimumf %max3A_470, %min3A_513 : vector<16xf32>
      %select_n3A_519 = arith.select %gt3A_516, %select_n3A_473, %select_n3A_514 : vector<16xi1>, vector<16xi32>
      %select_n3A_520 = arith.select %gt3A_516, %select_n3A_514, %select_n3A_473 : vector<16xi1>, vector<16xi32>
      %gt3A_521 = arith.cmpf ogt, %min3A_518, %max3A_475 : vector<16xf32>
      %max3A_522 = arith.maximumf %max3A_475, %min3A_518 : vector<16xf32>
      %min3A_523 = arith.minimumf %max3A_475, %min3A_518 : vector<16xf32>
      %select_n3A_524 = arith.select %gt3A_521, %select_n3A_478, %select_n3A_519 : vector<16xi1>, vector<16xi32>
      %select_n3A_525 = arith.select %gt3A_521, %select_n3A_519, %select_n3A_478 : vector<16xi1>, vector<16xi32>
      %get3A_526 = arith.constant 11 : i32
      %get3A_527 = arith.index_cast %get3A_526 : i32 to index
      %get3A_528 = arith.index_cast %mul3A_10 : i32 to index
      %get3A_529 = tpu.vector_load %arg5[%get3A_527, %get3A_528] {strides = array<i32>} : memref<64x512xf32, #tpu.memory_space<vmem>>, vector<1x16xf32>,
      %get3A_530 = vector.shape_cast %get3A_529 : vector<1x16xf32> to vector<16xf32>
      %broadcast_in_dim3A_531 = arith.constant 11 : i32
      %broadcast_in_dim3A_532 = vector.broadcast %broadcast_in_dim3A_531 : i32 to vector<16xi32>
      %gt3A_533 = arith.cmpf ogt, %get3A_530, %max3A_487 : vector<16xf32>
      %max3A_534 = arith.maximumf %max3A_487, %get3A_530 : vector<16xf32>
      %min3A_535 = arith.minimumf %max3A_487, %get3A_530 : vector<16xf32>
      %select_n3A_536 = arith.select %gt3A_533, %select_n3A_490, %broadcast_in_dim3A_532 : vector<16xi1>, vector<16xi32>
      %select_n3A_537 = arith.select %gt3A_533, %broadcast_in_dim3A_532, %select_n3A_490 : vector<16xi1>, vector<16xi32>
      %gt3A_538 = arith.cmpf ogt, %min3A_535, %max3A_492 : vector<16xf32>
      %max3A_539 = arith.maximumf %max3A_492, %min3A_535 : vector<16xf32>
      %min3A_540 = arith.minimumf %max3A_492, %min3A_535 : vector<16xf32>
      %select_n3A_541 = arith.select %gt3A_538, %select_n3A_495, %select_n3A_536 : vector<16xi1>, vector<16xi32>
      %select_n3A_542 = arith.select %gt3A_538, %select_n3A_536, %select_n3A_495 : vector<16xi1>, vector<16xi32>
      %gt3A_543 = arith.cmpf ogt, %min3A_540, %max3A_497 : vector<16xf32>
      %max3A_544 = arith.maximumf %max3A_497, %min3A_540 : vector<16xf32>
      %min3A_545 = arith.minimumf %max3A_497, %min3A_540 : vector<16xf32>
      %select_n3A_546 = arith.select %gt3A_543, %select_n3A_500, %select_n3A_541 : vector<16xi1>, vector<16xi32>
      %select_n3A_547 = arith.select %gt3A_543, %select_n3A_541, %select_n3A_500 : vector<16xi1>, vector<16xi32>
      %gt3A_548 = arith.cmpf ogt, %min3A_545, %max3A_502 : vector<16xf32>
      %max3A_549 = arith.maximumf %max3A_502, %min3A_545 : vector<16xf32>
      %min3A_550 = arith.minimumf %max3A_502, %min3A_545 : vector<16xf32>
      %select_n3A_551 = arith.select %gt3A_548, %select_n3A_505, %select_n3A_546 : vector<16xi1>, vector<16xi32>
      %select_n3A_552 = arith.select %gt3A_548, %select_n3A_546, %select_n3A_505 : vector<16xi1>, vector<16xi32>
      %gt3A_553 = arith.cmpf ogt, %min3A_550, %max3A_507 : vector<16xf32>
      %max3A_554 = arith.maximumf %max3A_507, %min3A_550 : vector<16xf32>
      %min3A_555 = arith.minimumf %max3A_507, %min3A_550 : vector<16xf32>
      %select_n3A_556 = arith.select %gt3A_553, %select_n3A_510, %select_n3A_551 : vector<16xi1>, vector<16xi32>
      %select_n3A_557 = arith.select %gt3A_553, %select_n3A_551, %select_n3A_510 : vector<16xi1>, vector<16xi32>
      %gt3A_558 = arith.cmpf ogt, %min3A_555, %max3A_512 : vector<16xf32>
      %max3A_559 = arith.maximumf %max3A_512, %min3A_555 : vector<16xf32>
      %min3A_560 = arith.minimumf %max3A_512, %min3A_555 : vector<16xf32>
      %select_n3A_561 = arith.select %gt3A_558, %select_n3A_515, %select_n3A_556 : vector<16xi1>, vector<16xi32>
      %select_n3A_562 = arith.select %gt3A_558, %select_n3A_556, %select_n3A_515 : vector<16xi1>, vector<16xi32>
      %gt3A_563 = arith.cmpf ogt, %min3A_560, %max3A_517 : vector<16xf32>
      %max3A_564 = arith.maximumf %max3A_517, %min3A_560 : vector<16xf32>
      %min3A_565 = arith.minimumf %max3A_517, %min3A_560 : vector<16xf32>
      %select_n3A_566 = arith.select %gt3A_563, %select_n3A_520, %select_n3A_561 : vector<16xi1>, vector<16xi32>
      %select_n3A_567 = arith.select %gt3A_563, %select_n3A_561, %select_n3A_520 : vector<16xi1>, vector<16xi32>
      %gt3A_568 = arith.cmpf ogt, %min3A_565, %max3A_522 : vector<16xf32>
      %max3A_569 = arith.maximumf %max3A_522, %min3A_565 : vector<16xf32>
      %min3A_570 = arith.minimumf %max3A_522, %min3A_565 : vector<16xf32>
      %select_n3A_571 = arith.select %gt3A_568, %select_n3A_525, %select_n3A_566 : vector<16xi1>, vector<16xi32>
      %select_n3A_572 = arith.select %gt3A_568, %select_n3A_566, %select_n3A_525 : vector<16xi1>, vector<16xi32>
      %get3A_573 = arith.constant 12 : i32
      %get3A_574 = arith.index_cast %get3A_573 : i32 to index
      %get3A_575 = arith.index_cast %mul3A_10 : i32 to index
      %get3A_576 = tpu.vector_load %arg5[%get3A_574, %get3A_575] {strides = array<i32>} : memref<64x512xf32, #tpu.memory_space<vmem>>, vector<1x16xf32>,
      %get3A_577 = vector.shape_cast %get3A_576 : vector<1x16xf32> to vector<16xf32>
      %broadcast_in_dim3A_578 = arith.constant 12 : i32
      %broadcast_in_dim3A_579 = vector.broadcast %broadcast_in_dim3A_578 : i32 to vector<16xi32>
      %gt3A_580 = arith.cmpf ogt, %get3A_577, %max3A_534 : vector<16xf32>
      %max3A_581 = arith.maximumf %max3A_534, %get3A_577 : vector<16xf32>
      %min3A_582 = arith.minimumf %max3A_534, %get3A_577 : vector<16xf32>
      %select_n3A_583 = arith.select %gt3A_580, %select_n3A_537, %broadcast_in_dim3A_579 : vector<16xi1>, vector<16xi32>
      %select_n3A_584 = arith.select %gt3A_580, %broadcast_in_dim3A_579, %select_n3A_537 : vector<16xi1>, vector<16xi32>
      %gt3A_585 = arith.cmpf ogt, %min3A_582, %max3A_539 : vector<16xf32>
      %max3A_586 = arith.maximumf %max3A_539, %min3A_582 : vector<16xf32>
      %min3A_587 = arith.minimumf %max3A_539, %min3A_582 : vector<16xf32>
      %select_n3A_588 = arith.select %gt3A_585, %select_n3A_542, %select_n3A_583 : vector<16xi1>, vector<16xi32>
      %select_n3A_589 = arith.select %gt3A_585, %select_n3A_583, %select_n3A_542 : vector<16xi1>, vector<16xi32>
      %gt3A_590 = arith.cmpf ogt, %min3A_587, %max3A_544 : vector<16xf32>
      %max3A_591 = arith.maximumf %max3A_544, %min3A_587 : vector<16xf32>
      %min3A_592 = arith.minimumf %max3A_544, %min3A_587 : vector<16xf32>
      %select_n3A_593 = arith.select %gt3A_590, %select_n3A_547, %select_n3A_588 : vector<16xi1>, vector<16xi32>
      %select_n3A_594 = arith.select %gt3A_590, %select_n3A_588, %select_n3A_547 : vector<16xi1>, vector<16xi32>
      %gt3A_595 = arith.cmpf ogt, %min3A_592, %max3A_549 : vector<16xf32>
      %max3A_596 = arith.maximumf %max3A_549, %min3A_592 : vector<16xf32>
      %min3A_597 = arith.minimumf %max3A_549, %min3A_592 : vector<16xf32>
      %select_n3A_598 = arith.select %gt3A_595, %select_n3A_552, %select_n3A_593 : vector<16xi1>, vector<16xi32>
      %select_n3A_599 = arith.select %gt3A_595, %select_n3A_593, %select_n3A_552 : vector<16xi1>, vector<16xi32>
      %gt3A_600 = arith.cmpf ogt, %min3A_597, %max3A_554 : vector<16xf32>
      %max3A_601 = arith.maximumf %max3A_554, %min3A_597 : vector<16xf32>
      %min3A_602 = arith.minimumf %max3A_554, %min3A_597 : vector<16xf32>
      %select_n3A_603 = arith.select %gt3A_600, %select_n3A_557, %select_n3A_598 : vector<16xi1>, vector<16xi32>
      %select_n3A_604 = arith.select %gt3A_600, %select_n3A_598, %select_n3A_557 : vector<16xi1>, vector<16xi32>
      %gt3A_605 = arith.cmpf ogt, %min3A_602, %max3A_559 : vector<16xf32>
      %max3A_606 = arith.maximumf %max3A_559, %min3A_602 : vector<16xf32>
      %min3A_607 = arith.minimumf %max3A_559, %min3A_602 : vector<16xf32>
      %select_n3A_608 = arith.select %gt3A_605, %select_n3A_562, %select_n3A_603 : vector<16xi1>, vector<16xi32>
      %select_n3A_609 = arith.select %gt3A_605, %select_n3A_603, %select_n3A_562 : vector<16xi1>, vector<16xi32>
      %gt3A_610 = arith.cmpf ogt, %min3A_607, %max3A_564 : vector<16xf32>
      %max3A_611 = arith.maximumf %max3A_564, %min3A_607 : vector<16xf32>
      %min3A_612 = arith.minimumf %max3A_564, %min3A_607 : vector<16xf32>
      %select_n3A_613 = arith.select %gt3A_610, %select_n3A_567, %select_n3A_608 : vector<16xi1>, vector<16xi32>
      %select_n3A_614 = arith.select %gt3A_610, %select_n3A_608, %select_n3A_567 : vector<16xi1>, vector<16xi32>
      %gt3A_615 = arith.cmpf ogt, %min3A_612, %max3A_569 : vector<16xf32>
      %max3A_616 = arith.maximumf %max3A_569, %min3A_612 : vector<16xf32>
      %min3A_617 = arith.minimumf %max3A_569, %min3A_612 : vector<16xf32>
      %select_n3A_618 = arith.select %gt3A_615, %select_n3A_572, %select_n3A_613 : vector<16xi1>, vector<16xi32>
      %select_n3A_619 = arith.select %gt3A_615, %select_n3A_613, %select_n3A_572 : vector<16xi1>, vector<16xi32>
      %get3A_620 = arith.constant 13 : i32
      %get3A_621 = arith.index_cast %get3A_620 : i32 to index
      %get3A_622 = arith.index_cast %mul3A_10 : i32 to index
      %get3A_623 = tpu.vector_load %arg5[%get3A_621, %get3A_622] {strides = array<i32>} : memref<64x512xf32, #tpu.memory_space<vmem>>, vector<1x16xf32>,
      %get3A_624 = vector.shape_cast %get3A_623 : vector<1x16xf32> to vector<16xf32>
      %broadcast_in_dim3A_625 = arith.constant 13 : i32
      %broadcast_in_dim3A_626 = vector.broadcast %broadcast_in_dim3A_625 : i32 to vector<16xi32>
      %gt3A_627 = arith.cmpf ogt, %get3A_624, %max3A_581 : vector<16xf32>
      %max3A_628 = arith.maximumf %max3A_581, %get3A_624 : vector<16xf32>
      %min3A_629 = arith.minimumf %max3A_581, %get3A_624 : vector<16xf32>
      %select_n3A_630 = arith.select %gt3A_627, %select_n3A_584, %broadcast_in_dim3A_626 : vector<16xi1>, vector<16xi32>
      %select_n3A_631 = arith.select %gt3A_627, %broadcast_in_dim3A_626, %select_n3A_584 : vector<16xi1>, vector<16xi32>
      %gt3A_632 = arith.cmpf ogt, %min3A_629, %max3A_586 : vector<16xf32>
      %max3A_633 = arith.maximumf %max3A_586, %min3A_629 : vector<16xf32>
      %min3A_634 = arith.minimumf %max3A_586, %min3A_629 : vector<16xf32>
      %select_n3A_635 = arith.select %gt3A_632, %select_n3A_589, %select_n3A_630 : vector<16xi1>, vector<16xi32>
      %select_n3A_636 = arith.select %gt3A_632, %select_n3A_630, %select_n3A_589 : vector<16xi1>, vector<16xi32>
      %gt3A_637 = arith.cmpf ogt, %min3A_634, %max3A_591 : vector<16xf32>
      %max3A_638 = arith.maximumf %max3A_591, %min3A_634 : vector<16xf32>
      %min3A_639 = arith.minimumf %max3A_591, %min3A_634 : vector<16xf32>
      %select_n3A_640 = arith.select %gt3A_637, %select_n3A_594, %select_n3A_635 : vector<16xi1>, vector<16xi32>
      %select_n3A_641 = arith.select %gt3A_637, %select_n3A_635, %select_n3A_594 : vector<16xi1>, vector<16xi32>
      %gt3A_642 = arith.cmpf ogt, %min3A_639, %max3A_596 : vector<16xf32>
      %max3A_643 = arith.maximumf %max3A_596, %min3A_639 : vector<16xf32>
      %min3A_644 = arith.minimumf %max3A_596, %min3A_639 : vector<16xf32>
      %select_n3A_645 = arith.select %gt3A_642, %select_n3A_599, %select_n3A_640 : vector<16xi1>, vector<16xi32>
      %select_n3A_646 = arith.select %gt3A_642, %select_n3A_640, %select_n3A_599 : vector<16xi1>, vector<16xi32>
      %gt3A_647 = arith.cmpf ogt, %min3A_644, %max3A_601 : vector<16xf32>
      %max3A_648 = arith.maximumf %max3A_601, %min3A_644 : vector<16xf32>
      %min3A_649 = arith.minimumf %max3A_601, %min3A_644 : vector<16xf32>
      %select_n3A_650 = arith.select %gt3A_647, %select_n3A_604, %select_n3A_645 : vector<16xi1>, vector<16xi32>
      %select_n3A_651 = arith.select %gt3A_647, %select_n3A_645, %select_n3A_604 : vector<16xi1>, vector<16xi32>
      %gt3A_652 = arith.cmpf ogt, %min3A_649, %max3A_606 : vector<16xf32>
      %max3A_653 = arith.maximumf %max3A_606, %min3A_649 : vector<16xf32>
      %min3A_654 = arith.minimumf %max3A_606, %min3A_649 : vector<16xf32>
      %select_n3A_655 = arith.select %gt3A_652, %select_n3A_609, %select_n3A_650 : vector<16xi1>, vector<16xi32>
      %select_n3A_656 = arith.select %gt3A_652, %select_n3A_650, %select_n3A_609 : vector<16xi1>, vector<16xi32>
      %gt3A_657 = arith.cmpf ogt, %min3A_654, %max3A_611 : vector<16xf32>
      %max3A_658 = arith.maximumf %max3A_611, %min3A_654 : vector<16xf32>
      %min3A_659 = arith.minimumf %max3A_611, %min3A_654 : vector<16xf32>
      %select_n3A_660 = arith.select %gt3A_657, %select_n3A_614, %select_n3A_655 : vector<16xi1>, vector<16xi32>
      %select_n3A_661 = arith.select %gt3A_657, %select_n3A_655, %select_n3A_614 : vector<16xi1>, vector<16xi32>
      %gt3A_662 = arith.cmpf ogt, %min3A_659, %max3A_616 : vector<16xf32>
      %max3A_663 = arith.maximumf %max3A_616, %min3A_659 : vector<16xf32>
      %min3A_664 = arith.minimumf %max3A_616, %min3A_659 : vector<16xf32>
      %select_n3A_665 = arith.select %gt3A_662, %select_n3A_619, %select_n3A_660 : vector<16xi1>, vector<16xi32>
      %select_n3A_666 = arith.select %gt3A_662, %select_n3A_660, %select_n3A_619 : vector<16xi1>, vector<16xi32>
      %get3A_667 = arith.constant 14 : i32
      %get3A_668 = arith.index_cast %get3A_667 : i32 to index
      %get3A_669 = arith.index_cast %mul3A_10 : i32 to index
      %get3A_670 = tpu.vector_load %arg5[%get3A_668, %get3A_669] {strides = array<i32>} : memref<64x512xf32, #tpu.memory_space<vmem>>, vector<1x16xf32>,
      %get3A_671 = vector.shape_cast %get3A_670 : vector<1x16xf32> to vector<16xf32>
      %broadcast_in_dim3A_672 = arith.constant 14 : i32
      %broadcast_in_dim3A_673 = vector.broadcast %broadcast_in_dim3A_672 : i32 to vector<16xi32>
      %gt3A_674 = arith.cmpf ogt, %get3A_671, %max3A_628 : vector<16xf32>
      %max3A_675 = arith.maximumf %max3A_628, %get3A_671 : vector<16xf32>
      %min3A_676 = arith.minimumf %max3A_628, %get3A_671 : vector<16xf32>
      %select_n3A_677 = arith.select %gt3A_674, %select_n3A_631, %broadcast_in_dim3A_673 : vector<16xi1>, vector<16xi32>
      %select_n3A_678 = arith.select %gt3A_674, %broadcast_in_dim3A_673, %select_n3A_631 : vector<16xi1>, vector<16xi32>
      %gt3A_679 = arith.cmpf ogt, %min3A_676, %max3A_633 : vector<16xf32>
      %max3A_680 = arith.maximumf %max3A_633, %min3A_676 : vector<16xf32>
      %min3A_681 = arith.minimumf %max3A_633, %min3A_676 : vector<16xf32>
      %select_n3A_682 = arith.select %gt3A_679, %select_n3A_636, %select_n3A_677 : vector<16xi1>, vector<16xi32>
      %select_n3A_683 = arith.select %gt3A_679, %select_n3A_677, %select_n3A_636 : vector<16xi1>, vector<16xi32>
      %gt3A_684 = arith.cmpf ogt, %min3A_681, %max3A_638 : vector<16xf32>
      %max3A_685 = arith.maximumf %max3A_638, %min3A_681 : vector<16xf32>
      %min3A_686 = arith.minimumf %max3A_638, %min3A_681 : vector<16xf32>
      %select_n3A_687 = arith.select %gt3A_684, %select_n3A_641, %select_n3A_682 : vector<16xi1>, vector<16xi32>
      %select_n3A_688 = arith.select %gt3A_684, %select_n3A_682, %select_n3A_641 : vector<16xi1>, vector<16xi32>
      %gt3A_689 = arith.cmpf ogt, %min3A_686, %max3A_643 : vector<16xf32>
      %max3A_690 = arith.maximumf %max3A_643, %min3A_686 : vector<16xf32>
      %min3A_691 = arith.minimumf %max3A_643, %min3A_686 : vector<16xf32>
      %select_n3A_692 = arith.select %gt3A_689, %select_n3A_646, %select_n3A_687 : vector<16xi1>, vector<16xi32>
      %select_n3A_693 = arith.select %gt3A_689, %select_n3A_687, %select_n3A_646 : vector<16xi1>, vector<16xi32>
      %gt3A_694 = arith.cmpf ogt, %min3A_691, %max3A_648 : vector<16xf32>
      %max3A_695 = arith.maximumf %max3A_648, %min3A_691 : vector<16xf32>
      %min3A_696 = arith.minimumf %max3A_648, %min3A_691 : vector<16xf32>
      %select_n3A_697 = arith.select %gt3A_694, %select_n3A_651, %select_n3A_692 : vector<16xi1>, vector<16xi32>
      %select_n3A_698 = arith.select %gt3A_694, %select_n3A_692, %select_n3A_651 : vector<16xi1>, vector<16xi32>
      %gt3A_699 = arith.cmpf ogt, %min3A_696, %max3A_653 : vector<16xf32>
      %max3A_700 = arith.maximumf %max3A_653, %min3A_696 : vector<16xf32>
      %min3A_701 = arith.minimumf %max3A_653, %min3A_696 : vector<16xf32>
      %select_n3A_702 = arith.select %gt3A_699, %select_n3A_656, %select_n3A_697 : vector<16xi1>, vector<16xi32>
      %select_n3A_703 = arith.select %gt3A_699, %select_n3A_697, %select_n3A_656 : vector<16xi1>, vector<16xi32>
      %gt3A_704 = arith.cmpf ogt, %min3A_701, %max3A_658 : vector<16xf32>
      %max3A_705 = arith.maximumf %max3A_658, %min3A_701 : vector<16xf32>
      %min3A_706 = arith.minimumf %max3A_658, %min3A_701 : vector<16xf32>
      %select_n3A_707 = arith.select %gt3A_704, %select_n3A_661, %select_n3A_702 : vector<16xi1>, vector<16xi32>
      %select_n3A_708 = arith.select %gt3A_704, %select_n3A_702, %select_n3A_661 : vector<16xi1>, vector<16xi32>
      %gt3A_709 = arith.cmpf ogt, %min3A_706, %max3A_663 : vector<16xf32>
      %max3A_710 = arith.maximumf %max3A_663, %min3A_706 : vector<16xf32>
      %min3A_711 = arith.minimumf %max3A_663, %min3A_706 : vector<16xf32>
      %select_n3A_712 = arith.select %gt3A_709, %select_n3A_666, %select_n3A_707 : vector<16xi1>, vector<16xi32>
      %select_n3A_713 = arith.select %gt3A_709, %select_n3A_707, %select_n3A_666 : vector<16xi1>, vector<16xi32>
      %get3A_714 = arith.constant 15 : i32
      %get3A_715 = arith.index_cast %get3A_714 : i32 to index
      %get3A_716 = arith.index_cast %mul3A_10 : i32 to index
      %get3A_717 = tpu.vector_load %arg5[%get3A_715, %get3A_716] {strides = array<i32>} : memref<64x512xf32, #tpu.memory_space<vmem>>, vector<1x16xf32>,
      %get3A_718 = vector.shape_cast %get3A_717 : vector<1x16xf32> to vector<16xf32>
      %broadcast_in_dim3A_719 = arith.constant 15 : i32
      %broadcast_in_dim3A_720 = vector.broadcast %broadcast_in_dim3A_719 : i32 to vector<16xi32>
      %gt3A_721 = arith.cmpf ogt, %get3A_718, %max3A_675 : vector<16xf32>
      %max3A_722 = arith.maximumf %max3A_675, %get3A_718 : vector<16xf32>
      %min3A_723 = arith.minimumf %max3A_675, %get3A_718 : vector<16xf32>
      %select_n3A_724 = arith.select %gt3A_721, %select_n3A_678, %broadcast_in_dim3A_720 : vector<16xi1>, vector<16xi32>
      %select_n3A_725 = arith.select %gt3A_721, %broadcast_in_dim3A_720, %select_n3A_678 : vector<16xi1>, vector<16xi32>
      %gt3A_726 = arith.cmpf ogt, %min3A_723, %max3A_680 : vector<16xf32>
      %max3A_727 = arith.maximumf %max3A_680, %min3A_723 : vector<16xf32>
      %min3A_728 = arith.minimumf %max3A_680, %min3A_723 : vector<16xf32>
      %select_n3A_729 = arith.select %gt3A_726, %select_n3A_683, %select_n3A_724 : vector<16xi1>, vector<16xi32>
      %select_n3A_730 = arith.select %gt3A_726, %select_n3A_724, %select_n3A_683 : vector<16xi1>, vector<16xi32>
      %gt3A_731 = arith.cmpf ogt, %min3A_728, %max3A_685 : vector<16xf32>
      %max3A_732 = arith.maximumf %max3A_685, %min3A_728 : vector<16xf32>
      %min3A_733 = arith.minimumf %max3A_685, %min3A_728 : vector<16xf32>
      %select_n3A_734 = arith.select %gt3A_731, %select_n3A_688, %select_n3A_729 : vector<16xi1>, vector<16xi32>
      %select_n3A_735 = arith.select %gt3A_731, %select_n3A_729, %select_n3A_688 : vector<16xi1>, vector<16xi32>
      %gt3A_736 = arith.cmpf ogt, %min3A_733, %max3A_690 : vector<16xf32>
      %max3A_737 = arith.maximumf %max3A_690, %min3A_733 : vector<16xf32>
      %min3A_738 = arith.minimumf %max3A_690, %min3A_733 : vector<16xf32>
      %select_n3A_739 = arith.select %gt3A_736, %select_n3A_693, %select_n3A_734 : vector<16xi1>, vector<16xi32>
      %select_n3A_740 = arith.select %gt3A_736, %select_n3A_734, %select_n3A_693 : vector<16xi1>, vector<16xi32>
      %gt3A_741 = arith.cmpf ogt, %min3A_738, %max3A_695 : vector<16xf32>
      %max3A_742 = arith.maximumf %max3A_695, %min3A_738 : vector<16xf32>
      %min3A_743 = arith.minimumf %max3A_695, %min3A_738 : vector<16xf32>
      %select_n3A_744 = arith.select %gt3A_741, %select_n3A_698, %select_n3A_739 : vector<16xi1>, vector<16xi32>
      %select_n3A_745 = arith.select %gt3A_741, %select_n3A_739, %select_n3A_698 : vector<16xi1>, vector<16xi32>
      %gt3A_746 = arith.cmpf ogt, %min3A_743, %max3A_700 : vector<16xf32>
      %max3A_747 = arith.maximumf %max3A_700, %min3A_743 : vector<16xf32>
      %min3A_748 = arith.minimumf %max3A_700, %min3A_743 : vector<16xf32>
      %select_n3A_749 = arith.select %gt3A_746, %select_n3A_703, %select_n3A_744 : vector<16xi1>, vector<16xi32>
      %select_n3A_750 = arith.select %gt3A_746, %select_n3A_744, %select_n3A_703 : vector<16xi1>, vector<16xi32>
      %gt3A_751 = arith.cmpf ogt, %min3A_748, %max3A_705 : vector<16xf32>
      %max3A_752 = arith.maximumf %max3A_705, %min3A_748 : vector<16xf32>
      %min3A_753 = arith.minimumf %max3A_705, %min3A_748 : vector<16xf32>
      %select_n3A_754 = arith.select %gt3A_751, %select_n3A_708, %select_n3A_749 : vector<16xi1>, vector<16xi32>
      %select_n3A_755 = arith.select %gt3A_751, %select_n3A_749, %select_n3A_708 : vector<16xi1>, vector<16xi32>
      %gt3A_756 = arith.cmpf ogt, %min3A_753, %max3A_710 : vector<16xf32>
      %max3A_757 = arith.maximumf %max3A_710, %min3A_753 : vector<16xf32>
      %min3A_758 = arith.minimumf %max3A_710, %min3A_753 : vector<16xf32>
      %select_n3A_759 = arith.select %gt3A_756, %select_n3A_713, %select_n3A_754 : vector<16xi1>, vector<16xi32>
      %select_n3A_760 = arith.select %gt3A_756, %select_n3A_754, %select_n3A_713 : vector<16xi1>, vector<16xi32>
      %get3A_761 = arith.constant 16 : i32
      %get3A_762 = arith.index_cast %get3A_761 : i32 to index
      %get3A_763 = arith.index_cast %mul3A_10 : i32 to index
      %get3A_764 = tpu.vector_load %arg5[%get3A_762, %get3A_763] {strides = array<i32>} : memref<64x512xf32, #tpu.memory_space<vmem>>, vector<1x16xf32>,
      %get3A_765 = vector.shape_cast %get3A_764 : vector<1x16xf32> to vector<16xf32>
      %broadcast_in_dim3A_766 = arith.constant 16 : i32
      %broadcast_in_dim3A_767 = vector.broadcast %broadcast_in_dim3A_766 : i32 to vector<16xi32>
      %gt3A_768 = arith.cmpf ogt, %get3A_765, %max3A_722 : vector<16xf32>
      %max3A_769 = arith.maximumf %max3A_722, %get3A_765 : vector<16xf32>
      %min3A_770 = arith.minimumf %max3A_722, %get3A_765 : vector<16xf32>
      %select_n3A_771 = arith.select %gt3A_768, %select_n3A_725, %broadcast_in_dim3A_767 : vector<16xi1>, vector<16xi32>
      %select_n3A_772 = arith.select %gt3A_768, %broadcast_in_dim3A_767, %select_n3A_725 : vector<16xi1>, vector<16xi32>
      %gt3A_773 = arith.cmpf ogt, %min3A_770, %max3A_727 : vector<16xf32>
      %max3A_774 = arith.maximumf %max3A_727, %min3A_770 : vector<16xf32>
      %min3A_775 = arith.minimumf %max3A_727, %min3A_770 : vector<16xf32>
      %select_n3A_776 = arith.select %gt3A_773, %select_n3A_730, %select_n3A_771 : vector<16xi1>, vector<16xi32>
      %select_n3A_777 = arith.select %gt3A_773, %select_n3A_771, %select_n3A_730 : vector<16xi1>, vector<16xi32>
      %gt3A_778 = arith.cmpf ogt, %min3A_775, %max3A_732 : vector<16xf32>
      %max3A_779 = arith.maximumf %max3A_732, %min3A_775 : vector<16xf32>
      %min3A_780 = arith.minimumf %max3A_732, %min3A_775 : vector<16xf32>
      %select_n3A_781 = arith.select %gt3A_778, %select_n3A_735, %select_n3A_776 : vector<16xi1>, vector<16xi32>
      %select_n3A_782 = arith.select %gt3A_778, %select_n3A_776, %select_n3A_735 : vector<16xi1>, vector<16xi32>
      %gt3A_783 = arith.cmpf ogt, %min3A_780, %max3A_737 : vector<16xf32>
      %max3A_784 = arith.maximumf %max3A_737, %min3A_780 : vector<16xf32>
      %min3A_785 = arith.minimumf %max3A_737, %min3A_780 : vector<16xf32>
      %select_n3A_786 = arith.select %gt3A_783, %select_n3A_740, %select_n3A_781 : vector<16xi1>, vector<16xi32>
      %select_n3A_787 = arith.select %gt3A_783, %select_n3A_781, %select_n3A_740 : vector<16xi1>, vector<16xi32>
      %gt3A_788 = arith.cmpf ogt, %min3A_785, %max3A_742 : vector<16xf32>
      %max3A_789 = arith.maximumf %max3A_742, %min3A_785 : vector<16xf32>
      %min3A_790 = arith.minimumf %max3A_742, %min3A_785 : vector<16xf32>
      %select_n3A_791 = arith.select %gt3A_788, %select_n3A_745, %select_n3A_786 : vector<16xi1>, vector<16xi32>
      %select_n3A_792 = arith.select %gt3A_788, %select_n3A_786, %select_n3A_745 : vector<16xi1>, vector<16xi32>
      %gt3A_793 = arith.cmpf ogt, %min3A_790, %max3A_747 : vector<16xf32>
      %max3A_794 = arith.maximumf %max3A_747, %min3A_790 : vector<16xf32>
      %min3A_795 = arith.minimumf %max3A_747, %min3A_790 : vector<16xf32>
      %select_n3A_796 = arith.select %gt3A_793, %select_n3A_750, %select_n3A_791 : vector<16xi1>, vector<16xi32>
      %select_n3A_797 = arith.select %gt3A_793, %select_n3A_791, %select_n3A_750 : vector<16xi1>, vector<16xi32>
      %gt3A_798 = arith.cmpf ogt, %min3A_795, %max3A_752 : vector<16xf32>
      %max3A_799 = arith.maximumf %max3A_752, %min3A_795 : vector<16xf32>
      %min3A_800 = arith.minimumf %max3A_752, %min3A_795 : vector<16xf32>
      %select_n3A_801 = arith.select %gt3A_798, %select_n3A_755, %select_n3A_796 : vector<16xi1>, vector<16xi32>
      %select_n3A_802 = arith.select %gt3A_798, %select_n3A_796, %select_n3A_755 : vector<16xi1>, vector<16xi32>
      %gt3A_803 = arith.cmpf ogt, %min3A_800, %max3A_757 : vector<16xf32>
      %max3A_804 = arith.maximumf %max3A_757, %min3A_800 : vector<16xf32>
      %min3A_805 = arith.minimumf %max3A_757, %min3A_800 : vector<16xf32>
      %select_n3A_806 = arith.select %gt3A_803, %select_n3A_760, %select_n3A_801 : vector<16xi1>, vector<16xi32>
      %select_n3A_807 = arith.select %gt3A_803, %select_n3A_801, %select_n3A_760 : vector<16xi1>, vector<16xi32>
      %get3A_808 = arith.constant 17 : i32
      %get3A_809 = arith.index_cast %get3A_808 : i32 to index
      %get3A_810 = arith.index_cast %mul3A_10 : i32 to index
      %get3A_811 = tpu.vector_load %arg5[%get3A_809, %get3A_810] {strides = array<i32>} : memref<64x512xf32, #tpu.memory_space<vmem>>, vector<1x16xf32>,
      %get3A_812 = vector.shape_cast %get3A_811 : vector<1x16xf32> to vector<16xf32>
      %broadcast_in_dim3A_813 = arith.constant 17 : i32
      %broadcast_in_dim3A_814 = vector.broadcast %broadcast_in_dim3A_813 : i32 to vector<16xi32>
      %gt3A_815 = arith.cmpf ogt, %get3A_812, %max3A_769 : vector<16xf32>
      %max3A_816 = arith.maximumf %max3A_769, %get3A_812 : vector<16xf32>
      %min3A_817 = arith.minimumf %max3A_769, %get3A_812 : vector<16xf32>
      %select_n3A_818 = arith.select %gt3A_815, %select_n3A_772, %broadcast_in_dim3A_814 : vector<16xi1>, vector<16xi32>
      %select_n3A_819 = arith.select %gt3A_815, %broadcast_in_dim3A_814, %select_n3A_772 : vector<16xi1>, vector<16xi32>
      %gt3A_820 = arith.cmpf ogt, %min3A_817, %max3A_774 : vector<16xf32>
      %max3A_821 = arith.maximumf %max3A_774, %min3A_817 : vector<16xf32>
      %min3A_822 = arith.minimumf %max3A_774, %min3A_817 : vector<16xf32>
      %select_n3A_823 = arith.select %gt3A_820, %select_n3A_777, %select_n3A_818 : vector<16xi1>, vector<16xi32>
      %select_n3A_824 = arith.select %gt3A_820, %select_n3A_818, %select_n3A_777 : vector<16xi1>, vector<16xi32>
      %gt3A_825 = arith.cmpf ogt, %min3A_822, %max3A_779 : vector<16xf32>
      %max3A_826 = arith.maximumf %max3A_779, %min3A_822 : vector<16xf32>
      %min3A_827 = arith.minimumf %max3A_779, %min3A_822 : vector<16xf32>
      %select_n3A_828 = arith.select %gt3A_825, %select_n3A_782, %select_n3A_823 : vector<16xi1>, vector<16xi32>
      %select_n3A_829 = arith.select %gt3A_825, %select_n3A_823, %select_n3A_782 : vector<16xi1>, vector<16xi32>
      %gt3A_830 = arith.cmpf ogt, %min3A_827, %max3A_784 : vector<16xf32>
      %max3A_831 = arith.maximumf %max3A_784, %min3A_827 : vector<16xf32>
      %min3A_832 = arith.minimumf %max3A_784, %min3A_827 : vector<16xf32>
      %select_n3A_833 = arith.select %gt3A_830, %select_n3A_787, %select_n3A_828 : vector<16xi1>, vector<16xi32>
      %select_n3A_834 = arith.select %gt3A_830, %select_n3A_828, %select_n3A_787 : vector<16xi1>, vector<16xi32>
      %gt3A_835 = arith.cmpf ogt, %min3A_832, %max3A_789 : vector<16xf32>
      %max3A_836 = arith.maximumf %max3A_789, %min3A_832 : vector<16xf32>
      %min3A_837 = arith.minimumf %max3A_789, %min3A_832 : vector<16xf32>
      %select_n3A_838 = arith.select %gt3A_835, %select_n3A_792, %select_n3A_833 : vector<16xi1>, vector<16xi32>
      %select_n3A_839 = arith.select %gt3A_835, %select_n3A_833, %select_n3A_792 : vector<16xi1>, vector<16xi32>
      %gt3A_840 = arith.cmpf ogt, %min3A_837, %max3A_794 : vector<16xf32>
      %max3A_841 = arith.maximumf %max3A_794, %min3A_837 : vector<16xf32>
      %min3A_842 = arith.minimumf %max3A_794, %min3A_837 : vector<16xf32>
      %select_n3A_843 = arith.select %gt3A_840, %select_n3A_797, %select_n3A_838 : vector<16xi1>, vector<16xi32>
      %select_n3A_844 = arith.select %gt3A_840, %select_n3A_838, %select_n3A_797 : vector<16xi1>, vector<16xi32>
      %gt3A_845 = arith.cmpf ogt, %min3A_842, %max3A_799 : vector<16xf32>
      %max3A_846 = arith.maximumf %max3A_799, %min3A_842 : vector<16xf32>
      %min3A_847 = arith.minimumf %max3A_799, %min3A_842 : vector<16xf32>
      %select_n3A_848 = arith.select %gt3A_845, %select_n3A_802, %select_n3A_843 : vector<16xi1>, vector<16xi32>
      %select_n3A_849 = arith.select %gt3A_845, %select_n3A_843, %select_n3A_802 : vector<16xi1>, vector<16xi32>
      %gt3A_850 = arith.cmpf ogt, %min3A_847, %max3A_804 : vector<16xf32>
      %max3A_851 = arith.maximumf %max3A_804, %min3A_847 : vector<16xf32>
      %min3A_852 = arith.minimumf %max3A_804, %min3A_847 : vector<16xf32>
      %select_n3A_853 = arith.select %gt3A_850, %select_n3A_807, %select_n3A_848 : vector<16xi1>, vector<16xi32>
      %select_n3A_854 = arith.select %gt3A_850, %select_n3A_848, %select_n3A_807 : vector<16xi1>, vector<16xi32>
      %get3A_855 = arith.constant 18 : i32
      %get3A_856 = arith.index_cast %get3A_855 : i32 to index
      %get3A_857 = arith.index_cast %mul3A_10 : i32 to index
      %get3A_858 = tpu.vector_load %arg5[%get3A_856, %get3A_857] {strides = array<i32>} : memref<64x512xf32, #tpu.memory_space<vmem>>, vector<1x16xf32>,
      %get3A_859 = vector.shape_cast %get3A_858 : vector<1x16xf32> to vector<16xf32>
      %broadcast_in_dim3A_860 = arith.constant 18 : i32
      %broadcast_in_dim3A_861 = vector.broadcast %broadcast_in_dim3A_860 : i32 to vector<16xi32>
      %gt3A_862 = arith.cmpf ogt, %get3A_859, %max3A_816 : vector<16xf32>
      %max3A_863 = arith.maximumf %max3A_816, %get3A_859 : vector<16xf32>
      %min3A_864 = arith.minimumf %max3A_816, %get3A_859 : vector<16xf32>
      %select_n3A_865 = arith.select %gt3A_862, %select_n3A_819, %broadcast_in_dim3A_861 : vector<16xi1>, vector<16xi32>
      %select_n3A_866 = arith.select %gt3A_862, %broadcast_in_dim3A_861, %select_n3A_819 : vector<16xi1>, vector<16xi32>
      %gt3A_867 = arith.cmpf ogt, %min3A_864, %max3A_821 : vector<16xf32>
      %max3A_868 = arith.maximumf %max3A_821, %min3A_864 : vector<16xf32>
      %min3A_869 = arith.minimumf %max3A_821, %min3A_864 : vector<16xf32>
      %select_n3A_870 = arith.select %gt3A_867, %select_n3A_824, %select_n3A_865 : vector<16xi1>, vector<16xi32>
      %select_n3A_871 = arith.select %gt3A_867, %select_n3A_865, %select_n3A_824 : vector<16xi1>, vector<16xi32>
      %gt3A_872 = arith.cmpf ogt, %min3A_869, %max3A_826 : vector<16xf32>
      %max3A_873 = arith.maximumf %max3A_826, %min3A_869 : vector<16xf32>
      %min3A_874 = arith.minimumf %max3A_826, %min3A_869 : vector<16xf32>
      %select_n3A_875 = arith.select %gt3A_872, %select_n3A_829, %select_n3A_870 : vector<16xi1>, vector<16xi32>
      %select_n3A_876 = arith.select %gt3A_872, %select_n3A_870, %select_n3A_829 : vector<16xi1>, vector<16xi32>
      %gt3A_877 = arith.cmpf ogt, %min3A_874, %max3A_831 : vector<16xf32>
      %max3A_878 = arith.maximumf %max3A_831, %min3A_874 : vector<16xf32>
      %min3A_879 = arith.minimumf %max3A_831, %min3A_874 : vector<16xf32>
      %select_n3A_880 = arith.select %gt3A_877, %select_n3A_834, %select_n3A_875 : vector<16xi1>, vector<16xi32>
      %select_n3A_881 = arith.select %gt3A_877, %select_n3A_875, %select_n3A_834 : vector<16xi1>, vector<16xi32>
      %gt3A_882 = arith.cmpf ogt, %min3A_879, %max3A_836 : vector<16xf32>
      %max3A_883 = arith.maximumf %max3A_836, %min3A_879 : vector<16xf32>
      %min3A_884 = arith.minimumf %max3A_836, %min3A_879 : vector<16xf32>
      %select_n3A_885 = arith.select %gt3A_882, %select_n3A_839, %select_n3A_880 : vector<16xi1>, vector<16xi32>
      %select_n3A_886 = arith.select %gt3A_882, %select_n3A_880, %select_n3A_839 : vector<16xi1>, vector<16xi32>
      %gt3A_887 = arith.cmpf ogt, %min3A_884, %max3A_841 : vector<16xf32>
      %max3A_888 = arith.maximumf %max3A_841, %min3A_884 : vector<16xf32>
      %min3A_889 = arith.minimumf %max3A_841, %min3A_884 : vector<16xf32>
      %select_n3A_890 = arith.select %gt3A_887, %select_n3A_844, %select_n3A_885 : vector<16xi1>, vector<16xi32>
      %select_n3A_891 = arith.select %gt3A_887, %select_n3A_885, %select_n3A_844 : vector<16xi1>, vector<16xi32>
      %gt3A_892 = arith.cmpf ogt, %min3A_889, %max3A_846 : vector<16xf32>
      %max3A_893 = arith.maximumf %max3A_846, %min3A_889 : vector<16xf32>
      %min3A_894 = arith.minimumf %max3A_846, %min3A_889 : vector<16xf32>
      %select_n3A_895 = arith.select %gt3A_892, %select_n3A_849, %select_n3A_890 : vector<16xi1>, vector<16xi32>
      %select_n3A_896 = arith.select %gt3A_892, %select_n3A_890, %select_n3A_849 : vector<16xi1>, vector<16xi32>
      %gt3A_897 = arith.cmpf ogt, %min3A_894, %max3A_851 : vector<16xf32>
      %max3A_898 = arith.maximumf %max3A_851, %min3A_894 : vector<16xf32>
      %min3A_899 = arith.minimumf %max3A_851, %min3A_894 : vector<16xf32>
      %select_n3A_900 = arith.select %gt3A_897, %select_n3A_854, %select_n3A_895 : vector<16xi1>, vector<16xi32>
      %select_n3A_901 = arith.select %gt3A_897, %select_n3A_895, %select_n3A_854 : vector<16xi1>, vector<16xi32>
      %get3A_902 = arith.constant 19 : i32
      %get3A_903 = arith.index_cast %get3A_902 : i32 to index
      %get3A_904 = arith.index_cast %mul3A_10 : i32 to index
      %get3A_905 = tpu.vector_load %arg5[%get3A_903, %get3A_904] {strides = array<i32>} : memref<64x512xf32, #tpu.memory_space<vmem>>, vector<1x16xf32>,
      %get3A_906 = vector.shape_cast %get3A_905 : vector<1x16xf32> to vector<16xf32>
      %broadcast_in_dim3A_907 = arith.constant 19 : i32
      %broadcast_in_dim3A_908 = vector.broadcast %broadcast_in_dim3A_907 : i32 to vector<16xi32>
      %gt3A_909 = arith.cmpf ogt, %get3A_906, %max3A_863 : vector<16xf32>
      %max3A_910 = arith.maximumf %max3A_863, %get3A_906 : vector<16xf32>
      %min3A_911 = arith.minimumf %max3A_863, %get3A_906 : vector<16xf32>
      %select_n3A_912 = arith.select %gt3A_909, %select_n3A_866, %broadcast_in_dim3A_908 : vector<16xi1>, vector<16xi32>
      %select_n3A_913 = arith.select %gt3A_909, %broadcast_in_dim3A_908, %select_n3A_866 : vector<16xi1>, vector<16xi32>
      %gt3A_914 = arith.cmpf ogt, %min3A_911, %max3A_868 : vector<16xf32>
      %max3A_915 = arith.maximumf %max3A_868, %min3A_911 : vector<16xf32>
      %min3A_916 = arith.minimumf %max3A_868, %min3A_911 : vector<16xf32>
      %select_n3A_917 = arith.select %gt3A_914, %select_n3A_871, %select_n3A_912 : vector<16xi1>, vector<16xi32>
      %select_n3A_918 = arith.select %gt3A_914, %select_n3A_912, %select_n3A_871 : vector<16xi1>, vector<16xi32>
      %gt3A_919 = arith.cmpf ogt, %min3A_916, %max3A_873 : vector<16xf32>
      %max3A_920 = arith.maximumf %max3A_873, %min3A_916 : vector<16xf32>
      %min3A_921 = arith.minimumf %max3A_873, %min3A_916 : vector<16xf32>
      %select_n3A_922 = arith.select %gt3A_919, %select_n3A_876, %select_n3A_917 : vector<16xi1>, vector<16xi32>
      %select_n3A_923 = arith.select %gt3A_919, %select_n3A_917, %select_n3A_876 : vector<16xi1>, vector<16xi32>
      %gt3A_924 = arith.cmpf ogt, %min3A_921, %max3A_878 : vector<16xf32>
      %max3A_925 = arith.maximumf %max3A_878, %min3A_921 : vector<16xf32>
      %min3A_926 = arith.minimumf %max3A_878, %min3A_921 : vector<16xf32>
      %select_n3A_927 = arith.select %gt3A_924, %select_n3A_881, %select_n3A_922 : vector<16xi1>, vector<16xi32>
      %select_n3A_928 = arith.select %gt3A_924, %select_n3A_922, %select_n3A_881 : vector<16xi1>, vector<16xi32>
      %gt3A_929 = arith.cmpf ogt, %min3A_926, %max3A_883 : vector<16xf32>
      %max3A_930 = arith.maximumf %max3A_883, %min3A_926 : vector<16xf32>
      %min3A_931 = arith.minimumf %max3A_883, %min3A_926 : vector<16xf32>
      %select_n3A_932 = arith.select %gt3A_929, %select_n3A_886, %select_n3A_927 : vector<16xi1>, vector<16xi32>
      %select_n3A_933 = arith.select %gt3A_929, %select_n3A_927, %select_n3A_886 : vector<16xi1>, vector<16xi32>
      %gt3A_934 = arith.cmpf ogt, %min3A_931, %max3A_888 : vector<16xf32>
      %max3A_935 = arith.maximumf %max3A_888, %min3A_931 : vector<16xf32>
      %min3A_936 = arith.minimumf %max3A_888, %min3A_931 : vector<16xf32>
      %select_n3A_937 = arith.select %gt3A_934, %select_n3A_891, %select_n3A_932 : vector<16xi1>, vector<16xi32>
      %select_n3A_938 = arith.select %gt3A_934, %select_n3A_932, %select_n3A_891 : vector<16xi1>, vector<16xi32>
      %gt3A_939 = arith.cmpf ogt, %min3A_936, %max3A_893 : vector<16xf32>
      %max3A_940 = arith.maximumf %max3A_893, %min3A_936 : vector<16xf32>
      %min3A_941 = arith.minimumf %max3A_893, %min3A_936 : vector<16xf32>
      %select_n3A_942 = arith.select %gt3A_939, %select_n3A_896, %select_n3A_937 : vector<16xi1>, vector<16xi32>
      %select_n3A_943 = arith.select %gt3A_939, %select_n3A_937, %select_n3A_896 : vector<16xi1>, vector<16xi32>
      %gt3A_944 = arith.cmpf ogt, %min3A_941, %max3A_898 : vector<16xf32>
      %max3A_945 = arith.maximumf %max3A_898, %min3A_941 : vector<16xf32>
      %min3A_946 = arith.minimumf %max3A_898, %min3A_941 : vector<16xf32>
      %select_n3A_947 = arith.select %gt3A_944, %select_n3A_901, %select_n3A_942 : vector<16xi1>, vector<16xi32>
      %select_n3A_948 = arith.select %gt3A_944, %select_n3A_942, %select_n3A_901 : vector<16xi1>, vector<16xi32>
      %get3A_949 = arith.constant 20 : i32
      %get3A_950 = arith.index_cast %get3A_949 : i32 to index
      %get3A_951 = arith.index_cast %mul3A_10 : i32 to index
      %get3A_952 = tpu.vector_load %arg5[%get3A_950, %get3A_951] {strides = array<i32>} : memref<64x512xf32, #tpu.memory_space<vmem>>, vector<1x16xf32>,
      %get3A_953 = vector.shape_cast %get3A_952 : vector<1x16xf32> to vector<16xf32>
      %broadcast_in_dim3A_954 = arith.constant 20 : i32
      %broadcast_in_dim3A_955 = vector.broadcast %broadcast_in_dim3A_954 : i32 to vector<16xi32>
      %gt3A_956 = arith.cmpf ogt, %get3A_953, %max3A_910 : vector<16xf32>
      %max3A_957 = arith.maximumf %max3A_910, %get3A_953 : vector<16xf32>
      %min3A_958 = arith.minimumf %max3A_910, %get3A_953 : vector<16xf32>
      %select_n3A_959 = arith.select %gt3A_956, %select_n3A_913, %broadcast_in_dim3A_955 : vector<16xi1>, vector<16xi32>
      %select_n3A_960 = arith.select %gt3A_956, %broadcast_in_dim3A_955, %select_n3A_913 : vector<16xi1>, vector<16xi32>
      %gt3A_961 = arith.cmpf ogt, %min3A_958, %max3A_915 : vector<16xf32>
      %max3A_962 = arith.maximumf %max3A_915, %min3A_958 : vector<16xf32>
      %min3A_963 = arith.minimumf %max3A_915, %min3A_958 : vector<16xf32>
      %select_n3A_964 = arith.select %gt3A_961, %select_n3A_918, %select_n3A_959 : vector<16xi1>, vector<16xi32>
      %select_n3A_965 = arith.select %gt3A_961, %select_n3A_959, %select_n3A_918 : vector<16xi1>, vector<16xi32>
      %gt3A_966 = arith.cmpf ogt, %min3A_963, %max3A_920 : vector<16xf32>
      %max3A_967 = arith.maximumf %max3A_920, %min3A_963 : vector<16xf32>
      %min3A_968 = arith.minimumf %max3A_920, %min3A_963 : vector<16xf32>
      %select_n3A_969 = arith.select %gt3A_966, %select_n3A_923, %select_n3A_964 : vector<16xi1>, vector<16xi32>
      %select_n3A_970 = arith.select %gt3A_966, %select_n3A_964, %select_n3A_923 : vector<16xi1>, vector<16xi32>
      %gt3A_971 = arith.cmpf ogt, %min3A_968, %max3A_925 : vector<16xf32>
      %max3A_972 = arith.maximumf %max3A_925, %min3A_968 : vector<16xf32>
      %min3A_973 = arith.minimumf %max3A_925, %min3A_968 : vector<16xf32>
      %select_n3A_974 = arith.select %gt3A_971, %select_n3A_928, %select_n3A_969 : vector<16xi1>, vector<16xi32>
      %select_n3A_975 = arith.select %gt3A_971, %select_n3A_969, %select_n3A_928 : vector<16xi1>, vector<16xi32>
      %gt3A_976 = arith.cmpf ogt, %min3A_973, %max3A_930 : vector<16xf32>
      %max3A_977 = arith.maximumf %max3A_930, %min3A_973 : vector<16xf32>
      %min3A_978 = arith.minimumf %max3A_930, %min3A_973 : vector<16xf32>
      %select_n3A_979 = arith.select %gt3A_976, %select_n3A_933, %select_n3A_974 : vector<16xi1>, vector<16xi32>
      %select_n3A_980 = arith.select %gt3A_976, %select_n3A_974, %select_n3A_933 : vector<16xi1>, vector<16xi32>
      %gt3A_981 = arith.cmpf ogt, %min3A_978, %max3A_935 : vector<16xf32>
      %max3A_982 = arith.maximumf %max3A_935, %min3A_978 : vector<16xf32>
      %min3A_983 = arith.minimumf %max3A_935, %min3A_978 : vector<16xf32>
      %select_n3A_984 = arith.select %gt3A_981, %select_n3A_938, %select_n3A_979 : vector<16xi1>, vector<16xi32>
      %select_n3A_985 = arith.select %gt3A_981, %select_n3A_979, %select_n3A_938 : vector<16xi1>, vector<16xi32>
      %gt3A_986 = arith.cmpf ogt, %min3A_983, %max3A_940 : vector<16xf32>
      %max3A_987 = arith.maximumf %max3A_940, %min3A_983 : vector<16xf32>
      %min3A_988 = arith.minimumf %max3A_940, %min3A_983 : vector<16xf32>
      %select_n3A_989 = arith.select %gt3A_986, %select_n3A_943, %select_n3A_984 : vector<16xi1>, vector<16xi32>
      %select_n3A_990 = arith.select %gt3A_986, %select_n3A_984, %select_n3A_943 : vector<16xi1>, vector<16xi32>
      %gt3A_991 = arith.cmpf ogt, %min3A_988, %max3A_945 : vector<16xf32>
      %max3A_992 = arith.maximumf %max3A_945, %min3A_988 : vector<16xf32>
      %min3A_993 = arith.minimumf %max3A_945, %min3A_988 : vector<16xf32>
      %select_n3A_994 = arith.select %gt3A_991, %select_n3A_948, %select_n3A_989 : vector<16xi1>, vector<16xi32>
      %select_n3A_995 = arith.select %gt3A_991, %select_n3A_989, %select_n3A_948 : vector<16xi1>, vector<16xi32>
      %get3A_996 = arith.constant 21 : i32
      %get3A_997 = arith.index_cast %get3A_996 : i32 to index
      %get3A_998 = arith.index_cast %mul3A_10 : i32 to index
      %get3A_999 = tpu.vector_load %arg5[%get3A_997, %get3A_998] {strides = array<i32>} : memref<64x512xf32, #tpu.memory_space<vmem>>, vector<1x16xf32>,
      %get3A_1000 = vector.shape_cast %get3A_999 : vector<1x16xf32> to vector<16xf32>
      %broadcast_in_dim3A_1001 = arith.constant 21 : i32
      %broadcast_in_dim3A_1002 = vector.broadcast %broadcast_in_dim3A_1001 : i32 to vector<16xi32>
      %gt3A_1003 = arith.cmpf ogt, %get3A_1000, %max3A_957 : vector<16xf32>
      %max3A_1004 = arith.maximumf %max3A_957, %get3A_1000 : vector<16xf32>
      %min3A_1005 = arith.minimumf %max3A_957, %get3A_1000 : vector<16xf32>
      %select_n3A_1006 = arith.select %gt3A_1003, %select_n3A_960, %broadcast_in_dim3A_1002 : vector<16xi1>, vector<16xi32>
      %select_n3A_1007 = arith.select %gt3A_1003, %broadcast_in_dim3A_1002, %select_n3A_960 : vector<16xi1>, vector<16xi32>
      %gt3A_1008 = arith.cmpf ogt, %min3A_1005, %max3A_962 : vector<16xf32>
      %max3A_1009 = arith.maximumf %max3A_962, %min3A_1005 : vector<16xf32>
      %min3A_1010 = arith.minimumf %max3A_962, %min3A_1005 : vector<16xf32>
      %select_n3A_1011 = arith.select %gt3A_1008, %select_n3A_965, %select_n3A_1006 : vector<16xi1>, vector<16xi32>
      %select_n3A_1012 = arith.select %gt3A_1008, %select_n3A_1006, %select_n3A_965 : vector<16xi1>, vector<16xi32>
      %gt3A_1013 = arith.cmpf ogt, %min3A_1010, %max3A_967 : vector<16xf32>
      %max3A_1014 = arith.maximumf %max3A_967, %min3A_1010 : vector<16xf32>
      %min3A_1015 = arith.minimumf %max3A_967, %min3A_1010 : vector<16xf32>
      %select_n3A_1016 = arith.select %gt3A_1013, %select_n3A_970, %select_n3A_1011 : vector<16xi1>, vector<16xi32>
      %select_n3A_1017 = arith.select %gt3A_1013, %select_n3A_1011, %select_n3A_970 : vector<16xi1>, vector<16xi32>
      %gt3A_1018 = arith.cmpf ogt, %min3A_1015, %max3A_972 : vector<16xf32>
      %max3A_1019 = arith.maximumf %max3A_972, %min3A_1015 : vector<16xf32>
      %min3A_1020 = arith.minimumf %max3A_972, %min3A_1015 : vector<16xf32>
      %select_n3A_1021 = arith.select %gt3A_1018, %select_n3A_975, %select_n3A_1016 : vector<16xi1>, vector<16xi32>
      %select_n3A_1022 = arith.select %gt3A_1018, %select_n3A_1016, %select_n3A_975 : vector<16xi1>, vector<16xi32>
      %gt3A_1023 = arith.cmpf ogt, %min3A_1020, %max3A_977 : vector<16xf32>
      %max3A_1024 = arith.maximumf %max3A_977, %min3A_1020 : vector<16xf32>
      %min3A_1025 = arith.minimumf %max3A_977, %min3A_1020 : vector<16xf32>
      %select_n3A_1026 = arith.select %gt3A_1023, %select_n3A_980, %select_n3A_1021 : vector<16xi1>, vector<16xi32>
      %select_n3A_1027 = arith.select %gt3A_1023, %select_n3A_1021, %select_n3A_980 : vector<16xi1>, vector<16xi32>
      %gt3A_1028 = arith.cmpf ogt, %min3A_1025, %max3A_982 : vector<16xf32>
      %max3A_1029 = arith.maximumf %max3A_982, %min3A_1025 : vector<16xf32>
      %min3A_1030 = arith.minimumf %max3A_982, %min3A_1025 : vector<16xf32>
      %select_n3A_1031 = arith.select %gt3A_1028, %select_n3A_985, %select_n3A_1026 : vector<16xi1>, vector<16xi32>
      %select_n3A_1032 = arith.select %gt3A_1028, %select_n3A_1026, %select_n3A_985 : vector<16xi1>, vector<16xi32>
      %gt3A_1033 = arith.cmpf ogt, %min3A_1030, %max3A_987 : vector<16xf32>
      %max3A_1034 = arith.maximumf %max3A_987, %min3A_1030 : vector<16xf32>
      %min3A_1035 = arith.minimumf %max3A_987, %min3A_1030 : vector<16xf32>
      %select_n3A_1036 = arith.select %gt3A_1033, %select_n3A_990, %select_n3A_1031 : vector<16xi1>, vector<16xi32>
      %select_n3A_1037 = arith.select %gt3A_1033, %select_n3A_1031, %select_n3A_990 : vector<16xi1>, vector<16xi32>
      %gt3A_1038 = arith.cmpf ogt, %min3A_1035, %max3A_992 : vector<16xf32>
      %max3A_1039 = arith.maximumf %max3A_992, %min3A_1035 : vector<16xf32>
      %min3A_1040 = arith.minimumf %max3A_992, %min3A_1035 : vector<16xf32>
      %select_n3A_1041 = arith.select %gt3A_1038, %select_n3A_995, %select_n3A_1036 : vector<16xi1>, vector<16xi32>
      %select_n3A_1042 = arith.select %gt3A_1038, %select_n3A_1036, %select_n3A_995 : vector<16xi1>, vector<16xi32>
      %get3A_1043 = arith.constant 22 : i32
      %get3A_1044 = arith.index_cast %get3A_1043 : i32 to index
      %get3A_1045 = arith.index_cast %mul3A_10 : i32 to index
      %get3A_1046 = tpu.vector_load %arg5[%get3A_1044, %get3A_1045] {strides = array<i32>} : memref<64x512xf32, #tpu.memory_space<vmem>>, vector<1x16xf32>,
      %get3A_1047 = vector.shape_cast %get3A_1046 : vector<1x16xf32> to vector<16xf32>
      %broadcast_in_dim3A_1048 = arith.constant 22 : i32
      %broadcast_in_dim3A_1049 = vector.broadcast %broadcast_in_dim3A_1048 : i32 to vector<16xi32>
      %gt3A_1050 = arith.cmpf ogt, %get3A_1047, %max3A_1004 : vector<16xf32>
      %max3A_1051 = arith.maximumf %max3A_1004, %get3A_1047 : vector<16xf32>
      %min3A_1052 = arith.minimumf %max3A_1004, %get3A_1047 : vector<16xf32>
      %select_n3A_1053 = arith.select %gt3A_1050, %select_n3A_1007, %broadcast_in_dim3A_1049 : vector<16xi1>, vector<16xi32>
      %select_n3A_1054 = arith.select %gt3A_1050, %broadcast_in_dim3A_1049, %select_n3A_1007 : vector<16xi1>, vector<16xi32>
      %gt3A_1055 = arith.cmpf ogt, %min3A_1052, %max3A_1009 : vector<16xf32>
      %max3A_1056 = arith.maximumf %max3A_1009, %min3A_1052 : vector<16xf32>
      %min3A_1057 = arith.minimumf %max3A_1009, %min3A_1052 : vector<16xf32>
      %select_n3A_1058 = arith.select %gt3A_1055, %select_n3A_1012, %select_n3A_1053 : vector<16xi1>, vector<16xi32>
      %select_n3A_1059 = arith.select %gt3A_1055, %select_n3A_1053, %select_n3A_1012 : vector<16xi1>, vector<16xi32>
      %gt3A_1060 = arith.cmpf ogt, %min3A_1057, %max3A_1014 : vector<16xf32>
      %max3A_1061 = arith.maximumf %max3A_1014, %min3A_1057 : vector<16xf32>
      %min3A_1062 = arith.minimumf %max3A_1014, %min3A_1057 : vector<16xf32>
      %select_n3A_1063 = arith.select %gt3A_1060, %select_n3A_1017, %select_n3A_1058 : vector<16xi1>, vector<16xi32>
      %select_n3A_1064 = arith.select %gt3A_1060, %select_n3A_1058, %select_n3A_1017 : vector<16xi1>, vector<16xi32>
      %gt3A_1065 = arith.cmpf ogt, %min3A_1062, %max3A_1019 : vector<16xf32>
      %max3A_1066 = arith.maximumf %max3A_1019, %min3A_1062 : vector<16xf32>
      %min3A_1067 = arith.minimumf %max3A_1019, %min3A_1062 : vector<16xf32>
      %select_n3A_1068 = arith.select %gt3A_1065, %select_n3A_1022, %select_n3A_1063 : vector<16xi1>, vector<16xi32>
      %select_n3A_1069 = arith.select %gt3A_1065, %select_n3A_1063, %select_n3A_1022 : vector<16xi1>, vector<16xi32>
      %gt3A_1070 = arith.cmpf ogt, %min3A_1067, %max3A_1024 : vector<16xf32>
      %max3A_1071 = arith.maximumf %max3A_1024, %min3A_1067 : vector<16xf32>
      %min3A_1072 = arith.minimumf %max3A_1024, %min3A_1067 : vector<16xf32>
      %select_n3A_1073 = arith.select %gt3A_1070, %select_n3A_1027, %select_n3A_1068 : vector<16xi1>, vector<16xi32>
      %select_n3A_1074 = arith.select %gt3A_1070, %select_n3A_1068, %select_n3A_1027 : vector<16xi1>, vector<16xi32>
      %gt3A_1075 = arith.cmpf ogt, %min3A_1072, %max3A_1029 : vector<16xf32>
      %max3A_1076 = arith.maximumf %max3A_1029, %min3A_1072 : vector<16xf32>
      %min3A_1077 = arith.minimumf %max3A_1029, %min3A_1072 : vector<16xf32>
      %select_n3A_1078 = arith.select %gt3A_1075, %select_n3A_1032, %select_n3A_1073 : vector<16xi1>, vector<16xi32>
      %select_n3A_1079 = arith.select %gt3A_1075, %select_n3A_1073, %select_n3A_1032 : vector<16xi1>, vector<16xi32>
      %gt3A_1080 = arith.cmpf ogt, %min3A_1077, %max3A_1034 : vector<16xf32>
      %max3A_1081 = arith.maximumf %max3A_1034, %min3A_1077 : vector<16xf32>
      %min3A_1082 = arith.minimumf %max3A_1034, %min3A_1077 : vector<16xf32>
      %select_n3A_1083 = arith.select %gt3A_1080, %select_n3A_1037, %select_n3A_1078 : vector<16xi1>, vector<16xi32>
      %select_n3A_1084 = arith.select %gt3A_1080, %select_n3A_1078, %select_n3A_1037 : vector<16xi1>, vector<16xi32>
      %gt3A_1085 = arith.cmpf ogt, %min3A_1082, %max3A_1039 : vector<16xf32>
      %max3A_1086 = arith.maximumf %max3A_1039, %min3A_1082 : vector<16xf32>
      %min3A_1087 = arith.minimumf %max3A_1039, %min3A_1082 : vector<16xf32>
      %select_n3A_1088 = arith.select %gt3A_1085, %select_n3A_1042, %select_n3A_1083 : vector<16xi1>, vector<16xi32>
      %select_n3A_1089 = arith.select %gt3A_1085, %select_n3A_1083, %select_n3A_1042 : vector<16xi1>, vector<16xi32>
      %get3A_1090 = arith.constant 23 : i32
      %get3A_1091 = arith.index_cast %get3A_1090 : i32 to index
      %get3A_1092 = arith.index_cast %mul3A_10 : i32 to index
      %get3A_1093 = tpu.vector_load %arg5[%get3A_1091, %get3A_1092] {strides = array<i32>} : memref<64x512xf32, #tpu.memory_space<vmem>>, vector<1x16xf32>,
      %get3A_1094 = vector.shape_cast %get3A_1093 : vector<1x16xf32> to vector<16xf32>
      %broadcast_in_dim3A_1095 = arith.constant 23 : i32
      %broadcast_in_dim3A_1096 = vector.broadcast %broadcast_in_dim3A_1095 : i32 to vector<16xi32>
      %gt3A_1097 = arith.cmpf ogt, %get3A_1094, %max3A_1051 : vector<16xf32>
      %max3A_1098 = arith.maximumf %max3A_1051, %get3A_1094 : vector<16xf32>
      %min3A_1099 = arith.minimumf %max3A_1051, %get3A_1094 : vector<16xf32>
      %select_n3A_1100 = arith.select %gt3A_1097, %select_n3A_1054, %broadcast_in_dim3A_1096 : vector<16xi1>, vector<16xi32>
      %select_n3A_1101 = arith.select %gt3A_1097, %broadcast_in_dim3A_1096, %select_n3A_1054 : vector<16xi1>, vector<16xi32>
      %gt3A_1102 = arith.cmpf ogt, %min3A_1099, %max3A_1056 : vector<16xf32>
      %max3A_1103 = arith.maximumf %max3A_1056, %min3A_1099 : vector<16xf32>
      %min3A_1104 = arith.minimumf %max3A_1056, %min3A_1099 : vector<16xf32>
      %select_n3A_1105 = arith.select %gt3A_1102, %select_n3A_1059, %select_n3A_1100 : vector<16xi1>, vector<16xi32>
      %select_n3A_1106 = arith.select %gt3A_1102, %select_n3A_1100, %select_n3A_1059 : vector<16xi1>, vector<16xi32>
      %gt3A_1107 = arith.cmpf ogt, %min3A_1104, %max3A_1061 : vector<16xf32>
      %max3A_1108 = arith.maximumf %max3A_1061, %min3A_1104 : vector<16xf32>
      %min3A_1109 = arith.minimumf %max3A_1061, %min3A_1104 : vector<16xf32>
      %select_n3A_1110 = arith.select %gt3A_1107, %select_n3A_1064, %select_n3A_1105 : vector<16xi1>, vector<16xi32>
      %select_n3A_1111 = arith.select %gt3A_1107, %select_n3A_1105, %select_n3A_1064 : vector<16xi1>, vector<16xi32>
      %gt3A_1112 = arith.cmpf ogt, %min3A_1109, %max3A_1066 : vector<16xf32>
      %max3A_1113 = arith.maximumf %max3A_1066, %min3A_1109 : vector<16xf32>
      %min3A_1114 = arith.minimumf %max3A_1066, %min3A_1109 : vector<16xf32>
      %select_n3A_1115 = arith.select %gt3A_1112, %select_n3A_1069, %select_n3A_1110 : vector<16xi1>, vector<16xi32>
      %select_n3A_1116 = arith.select %gt3A_1112, %select_n3A_1110, %select_n3A_1069 : vector<16xi1>, vector<16xi32>
      %gt3A_1117 = arith.cmpf ogt, %min3A_1114, %max3A_1071 : vector<16xf32>
      %max3A_1118 = arith.maximumf %max3A_1071, %min3A_1114 : vector<16xf32>
      %min3A_1119 = arith.minimumf %max3A_1071, %min3A_1114 : vector<16xf32>
      %select_n3A_1120 = arith.select %gt3A_1117, %select_n3A_1074, %select_n3A_1115 : vector<16xi1>, vector<16xi32>
      %select_n3A_1121 = arith.select %gt3A_1117, %select_n3A_1115, %select_n3A_1074 : vector<16xi1>, vector<16xi32>
      %gt3A_1122 = arith.cmpf ogt, %min3A_1119, %max3A_1076 : vector<16xf32>
      %max3A_1123 = arith.maximumf %max3A_1076, %min3A_1119 : vector<16xf32>
      %min3A_1124 = arith.minimumf %max3A_1076, %min3A_1119 : vector<16xf32>
      %select_n3A_1125 = arith.select %gt3A_1122, %select_n3A_1079, %select_n3A_1120 : vector<16xi1>, vector<16xi32>
      %select_n3A_1126 = arith.select %gt3A_1122, %select_n3A_1120, %select_n3A_1079 : vector<16xi1>, vector<16xi32>
      %gt3A_1127 = arith.cmpf ogt, %min3A_1124, %max3A_1081 : vector<16xf32>
      %max3A_1128 = arith.maximumf %max3A_1081, %min3A_1124 : vector<16xf32>
      %min3A_1129 = arith.minimumf %max3A_1081, %min3A_1124 : vector<16xf32>
      %select_n3A_1130 = arith.select %gt3A_1127, %select_n3A_1084, %select_n3A_1125 : vector<16xi1>, vector<16xi32>
      %select_n3A_1131 = arith.select %gt3A_1127, %select_n3A_1125, %select_n3A_1084 : vector<16xi1>, vector<16xi32>
      %gt3A_1132 = arith.cmpf ogt, %min3A_1129, %max3A_1086 : vector<16xf32>
      %max3A_1133 = arith.maximumf %max3A_1086, %min3A_1129 : vector<16xf32>
      %min3A_1134 = arith.minimumf %max3A_1086, %min3A_1129 : vector<16xf32>
      %select_n3A_1135 = arith.select %gt3A_1132, %select_n3A_1089, %select_n3A_1130 : vector<16xi1>, vector<16xi32>
      %select_n3A_1136 = arith.select %gt3A_1132, %select_n3A_1130, %select_n3A_1089 : vector<16xi1>, vector<16xi32>
      %get3A_1137 = arith.constant 24 : i32
      %get3A_1138 = arith.index_cast %get3A_1137 : i32 to index
      %get3A_1139 = arith.index_cast %mul3A_10 : i32 to index
      %get3A_1140 = tpu.vector_load %arg5[%get3A_1138, %get3A_1139] {strides = array<i32>} : memref<64x512xf32, #tpu.memory_space<vmem>>, vector<1x16xf32>,
      %get3A_1141 = vector.shape_cast %get3A_1140 : vector<1x16xf32> to vector<16xf32>
      %broadcast_in_dim3A_1142 = arith.constant 24 : i32
      %broadcast_in_dim3A_1143 = vector.broadcast %broadcast_in_dim3A_1142 : i32 to vector<16xi32>
      %gt3A_1144 = arith.cmpf ogt, %get3A_1141, %max3A_1098 : vector<16xf32>
      %max3A_1145 = arith.maximumf %max3A_1098, %get3A_1141 : vector<16xf32>
      %min3A_1146 = arith.minimumf %max3A_1098, %get3A_1141 : vector<16xf32>
      %select_n3A_1147 = arith.select %gt3A_1144, %select_n3A_1101, %broadcast_in_dim3A_1143 : vector<16xi1>, vector<16xi32>
      %select_n3A_1148 = arith.select %gt3A_1144, %broadcast_in_dim3A_1143, %select_n3A_1101 : vector<16xi1>, vector<16xi32>
      %gt3A_1149 = arith.cmpf ogt, %min3A_1146, %max3A_1103 : vector<16xf32>
      %max3A_1150 = arith.maximumf %max3A_1103, %min3A_1146 : vector<16xf32>
      %min3A_1151 = arith.minimumf %max3A_1103, %min3A_1146 : vector<16xf32>
      %select_n3A_1152 = arith.select %gt3A_1149, %select_n3A_1106, %select_n3A_1147 : vector<16xi1>, vector<16xi32>
      %select_n3A_1153 = arith.select %gt3A_1149, %select_n3A_1147, %select_n3A_1106 : vector<16xi1>, vector<16xi32>
      %gt3A_1154 = arith.cmpf ogt, %min3A_1151, %max3A_1108 : vector<16xf32>
      %max3A_1155 = arith.maximumf %max3A_1108, %min3A_1151 : vector<16xf32>
      %min3A_1156 = arith.minimumf %max3A_1108, %min3A_1151 : vector<16xf32>
      %select_n3A_1157 = arith.select %gt3A_1154, %select_n3A_1111, %select_n3A_1152 : vector<16xi1>, vector<16xi32>
      %select_n3A_1158 = arith.select %gt3A_1154, %select_n3A_1152, %select_n3A_1111 : vector<16xi1>, vector<16xi32>
      %gt3A_1159 = arith.cmpf ogt, %min3A_1156, %max3A_1113 : vector<16xf32>
      %max3A_1160 = arith.maximumf %max3A_1113, %min3A_1156 : vector<16xf32>
      %min3A_1161 = arith.minimumf %max3A_1113, %min3A_1156 : vector<16xf32>
      %select_n3A_1162 = arith.select %gt3A_1159, %select_n3A_1116, %select_n3A_1157 : vector<16xi1>, vector<16xi32>
      %select_n3A_1163 = arith.select %gt3A_1159, %select_n3A_1157, %select_n3A_1116 : vector<16xi1>, vector<16xi32>
      %gt3A_1164 = arith.cmpf ogt, %min3A_1161, %max3A_1118 : vector<16xf32>
      %max3A_1165 = arith.maximumf %max3A_1118, %min3A_1161 : vector<16xf32>
      %min3A_1166 = arith.minimumf %max3A_1118, %min3A_1161 : vector<16xf32>
      %select_n3A_1167 = arith.select %gt3A_1164, %select_n3A_1121, %select_n3A_1162 : vector<16xi1>, vector<16xi32>
      %select_n3A_1168 = arith.select %gt3A_1164, %select_n3A_1162, %select_n3A_1121 : vector<16xi1>, vector<16xi32>
      %gt3A_1169 = arith.cmpf ogt, %min3A_1166, %max3A_1123 : vector<16xf32>
      %max3A_1170 = arith.maximumf %max3A_1123, %min3A_1166 : vector<16xf32>
      %min3A_1171 = arith.minimumf %max3A_1123, %min3A_1166 : vector<16xf32>
      %select_n3A_1172 = arith.select %gt3A_1169, %select_n3A_1126, %select_n3A_1167 : vector<16xi1>, vector<16xi32>
      %select_n3A_1173 = arith.select %gt3A_1169, %select_n3A_1167, %select_n3A_1126 : vector<16xi1>, vector<16xi32>
      %gt3A_1174 = arith.cmpf ogt, %min3A_1171, %max3A_1128 : vector<16xf32>
      %max3A_1175 = arith.maximumf %max3A_1128, %min3A_1171 : vector<16xf32>
      %min3A_1176 = arith.minimumf %max3A_1128, %min3A_1171 : vector<16xf32>
      %select_n3A_1177 = arith.select %gt3A_1174, %select_n3A_1131, %select_n3A_1172 : vector<16xi1>, vector<16xi32>
      %select_n3A_1178 = arith.select %gt3A_1174, %select_n3A_1172, %select_n3A_1131 : vector<16xi1>, vector<16xi32>
      %gt3A_1179 = arith.cmpf ogt, %min3A_1176, %max3A_1133 : vector<16xf32>
      %max3A_1180 = arith.maximumf %max3A_1133, %min3A_1176 : vector<16xf32>
      %min3A_1181 = arith.minimumf %max3A_1133, %min3A_1176 : vector<16xf32>
      %select_n3A_1182 = arith.select %gt3A_1179, %select_n3A_1136, %select_n3A_1177 : vector<16xi1>, vector<16xi32>
      %select_n3A_1183 = arith.select %gt3A_1179, %select_n3A_1177, %select_n3A_1136 : vector<16xi1>, vector<16xi32>
      %get3A_1184 = arith.constant 25 : i32
      %get3A_1185 = arith.index_cast %get3A_1184 : i32 to index
      %get3A_1186 = arith.index_cast %mul3A_10 : i32 to index
      %get3A_1187 = tpu.vector_load %arg5[%get3A_1185, %get3A_1186] {strides = array<i32>} : memref<64x512xf32, #tpu.memory_space<vmem>>, vector<1x16xf32>,
      %get3A_1188 = vector.shape_cast %get3A_1187 : vector<1x16xf32> to vector<16xf32>
      %broadcast_in_dim3A_1189 = arith.constant 25 : i32
      %broadcast_in_dim3A_1190 = vector.broadcast %broadcast_in_dim3A_1189 : i32 to vector<16xi32>
      %gt3A_1191 = arith.cmpf ogt, %get3A_1188, %max3A_1145 : vector<16xf32>
      %max3A_1192 = arith.maximumf %max3A_1145, %get3A_1188 : vector<16xf32>
      %min3A_1193 = arith.minimumf %max3A_1145, %get3A_1188 : vector<16xf32>
      %select_n3A_1194 = arith.select %gt3A_1191, %select_n3A_1148, %broadcast_in_dim3A_1190 : vector<16xi1>, vector<16xi32>
      %select_n3A_1195 = arith.select %gt3A_1191, %broadcast_in_dim3A_1190, %select_n3A_1148 : vector<16xi1>, vector<16xi32>
      %gt3A_1196 = arith.cmpf ogt, %min3A_1193, %max3A_1150 : vector<16xf32>
      %max3A_1197 = arith.maximumf %max3A_1150, %min3A_1193 : vector<16xf32>
      %min3A_1198 = arith.minimumf %max3A_1150, %min3A_1193 : vector<16xf32>
      %select_n3A_1199 = arith.select %gt3A_1196, %select_n3A_1153, %select_n3A_1194 : vector<16xi1>, vector<16xi32>
      %select_n3A_1200 = arith.select %gt3A_1196, %select_n3A_1194, %select_n3A_1153 : vector<16xi1>, vector<16xi32>
      %gt3A_1201 = arith.cmpf ogt, %min3A_1198, %max3A_1155 : vector<16xf32>
      %max3A_1202 = arith.maximumf %max3A_1155, %min3A_1198 : vector<16xf32>
      %min3A_1203 = arith.minimumf %max3A_1155, %min3A_1198 : vector<16xf32>
      %select_n3A_1204 = arith.select %gt3A_1201, %select_n3A_1158, %select_n3A_1199 : vector<16xi1>, vector<16xi32>
      %select_n3A_1205 = arith.select %gt3A_1201, %select_n3A_1199, %select_n3A_1158 : vector<16xi1>, vector<16xi32>
      %gt3A_1206 = arith.cmpf ogt, %min3A_1203, %max3A_1160 : vector<16xf32>
      %max3A_1207 = arith.maximumf %max3A_1160, %min3A_1203 : vector<16xf32>
      %min3A_1208 = arith.minimumf %max3A_1160, %min3A_1203 : vector<16xf32>
      %select_n3A_1209 = arith.select %gt3A_1206, %select_n3A_1163, %select_n3A_1204 : vector<16xi1>, vector<16xi32>
      %select_n3A_1210 = arith.select %gt3A_1206, %select_n3A_1204, %select_n3A_1163 : vector<16xi1>, vector<16xi32>
      %gt3A_1211 = arith.cmpf ogt, %min3A_1208, %max3A_1165 : vector<16xf32>
      %max3A_1212 = arith.maximumf %max3A_1165, %min3A_1208 : vector<16xf32>
      %min3A_1213 = arith.minimumf %max3A_1165, %min3A_1208 : vector<16xf32>
      %select_n3A_1214 = arith.select %gt3A_1211, %select_n3A_1168, %select_n3A_1209 : vector<16xi1>, vector<16xi32>
      %select_n3A_1215 = arith.select %gt3A_1211, %select_n3A_1209, %select_n3A_1168 : vector<16xi1>, vector<16xi32>
      %gt3A_1216 = arith.cmpf ogt, %min3A_1213, %max3A_1170 : vector<16xf32>
      %max3A_1217 = arith.maximumf %max3A_1170, %min3A_1213 : vector<16xf32>
      %min3A_1218 = arith.minimumf %max3A_1170, %min3A_1213 : vector<16xf32>
      %select_n3A_1219 = arith.select %gt3A_1216, %select_n3A_1173, %select_n3A_1214 : vector<16xi1>, vector<16xi32>
      %select_n3A_1220 = arith.select %gt3A_1216, %select_n3A_1214, %select_n3A_1173 : vector<16xi1>, vector<16xi32>
      %gt3A_1221 = arith.cmpf ogt, %min3A_1218, %max3A_1175 : vector<16xf32>
      %max3A_1222 = arith.maximumf %max3A_1175, %min3A_1218 : vector<16xf32>
      %min3A_1223 = arith.minimumf %max3A_1175, %min3A_1218 : vector<16xf32>
      %select_n3A_1224 = arith.select %gt3A_1221, %select_n3A_1178, %select_n3A_1219 : vector<16xi1>, vector<16xi32>
      %select_n3A_1225 = arith.select %gt3A_1221, %select_n3A_1219, %select_n3A_1178 : vector<16xi1>, vector<16xi32>
      %gt3A_1226 = arith.cmpf ogt, %min3A_1223, %max3A_1180 : vector<16xf32>
      %max3A_1227 = arith.maximumf %max3A_1180, %min3A_1223 : vector<16xf32>
      %min3A_1228 = arith.minimumf %max3A_1180, %min3A_1223 : vector<16xf32>
      %select_n3A_1229 = arith.select %gt3A_1226, %select_n3A_1183, %select_n3A_1224 : vector<16xi1>, vector<16xi32>
      %select_n3A_1230 = arith.select %gt3A_1226, %select_n3A_1224, %select_n3A_1183 : vector<16xi1>, vector<16xi32>
      %get3A_1231 = arith.constant 26 : i32
      %get3A_1232 = arith.index_cast %get3A_1231 : i32 to index
      %get3A_1233 = arith.index_cast %mul3A_10 : i32 to index
      %get3A_1234 = tpu.vector_load %arg5[%get3A_1232, %get3A_1233] {strides = array<i32>} : memref<64x512xf32, #tpu.memory_space<vmem>>, vector<1x16xf32>,
      %get3A_1235 = vector.shape_cast %get3A_1234 : vector<1x16xf32> to vector<16xf32>
      %broadcast_in_dim3A_1236 = arith.constant 26 : i32
      %broadcast_in_dim3A_1237 = vector.broadcast %broadcast_in_dim3A_1236 : i32 to vector<16xi32>
      %gt3A_1238 = arith.cmpf ogt, %get3A_1235, %max3A_1192 : vector<16xf32>
      %max3A_1239 = arith.maximumf %max3A_1192, %get3A_1235 : vector<16xf32>
      %min3A_1240 = arith.minimumf %max3A_1192, %get3A_1235 : vector<16xf32>
      %select_n3A_1241 = arith.select %gt3A_1238, %select_n3A_1195, %broadcast_in_dim3A_1237 : vector<16xi1>, vector<16xi32>
      %select_n3A_1242 = arith.select %gt3A_1238, %broadcast_in_dim3A_1237, %select_n3A_1195 : vector<16xi1>, vector<16xi32>
      %gt3A_1243 = arith.cmpf ogt, %min3A_1240, %max3A_1197 : vector<16xf32>
      %max3A_1244 = arith.maximumf %max3A_1197, %min3A_1240 : vector<16xf32>
      %min3A_1245 = arith.minimumf %max3A_1197, %min3A_1240 : vector<16xf32>
      %select_n3A_1246 = arith.select %gt3A_1243, %select_n3A_1200, %select_n3A_1241 : vector<16xi1>, vector<16xi32>
      %select_n3A_1247 = arith.select %gt3A_1243, %select_n3A_1241, %select_n3A_1200 : vector<16xi1>, vector<16xi32>
      %gt3A_1248 = arith.cmpf ogt, %min3A_1245, %max3A_1202 : vector<16xf32>
      %max3A_1249 = arith.maximumf %max3A_1202, %min3A_1245 : vector<16xf32>
      %min3A_1250 = arith.minimumf %max3A_1202, %min3A_1245 : vector<16xf32>
      %select_n3A_1251 = arith.select %gt3A_1248, %select_n3A_1205, %select_n3A_1246 : vector<16xi1>, vector<16xi32>
      %select_n3A_1252 = arith.select %gt3A_1248, %select_n3A_1246, %select_n3A_1205 : vector<16xi1>, vector<16xi32>
      %gt3A_1253 = arith.cmpf ogt, %min3A_1250, %max3A_1207 : vector<16xf32>
      %max3A_1254 = arith.maximumf %max3A_1207, %min3A_1250 : vector<16xf32>
      %min3A_1255 = arith.minimumf %max3A_1207, %min3A_1250 : vector<16xf32>
      %select_n3A_1256 = arith.select %gt3A_1253, %select_n3A_1210, %select_n3A_1251 : vector<16xi1>, vector<16xi32>
      %select_n3A_1257 = arith.select %gt3A_1253, %select_n3A_1251, %select_n3A_1210 : vector<16xi1>, vector<16xi32>
      %gt3A_1258 = arith.cmpf ogt, %min3A_1255, %max3A_1212 : vector<16xf32>
      %max3A_1259 = arith.maximumf %max3A_1212, %min3A_1255 : vector<16xf32>
      %min3A_1260 = arith.minimumf %max3A_1212, %min3A_1255 : vector<16xf32>
      %select_n3A_1261 = arith.select %gt3A_1258, %select_n3A_1215, %select_n3A_1256 : vector<16xi1>, vector<16xi32>
      %select_n3A_1262 = arith.select %gt3A_1258, %select_n3A_1256, %select_n3A_1215 : vector<16xi1>, vector<16xi32>
      %gt3A_1263 = arith.cmpf ogt, %min3A_1260, %max3A_1217 : vector<16xf32>
      %max3A_1264 = arith.maximumf %max3A_1217, %min3A_1260 : vector<16xf32>
      %min3A_1265 = arith.minimumf %max3A_1217, %min3A_1260 : vector<16xf32>
      %select_n3A_1266 = arith.select %gt3A_1263, %select_n3A_1220, %select_n3A_1261 : vector<16xi1>, vector<16xi32>
      %select_n3A_1267 = arith.select %gt3A_1263, %select_n3A_1261, %select_n3A_1220 : vector<16xi1>, vector<16xi32>
      %gt3A_1268 = arith.cmpf ogt, %min3A_1265, %max3A_1222 : vector<16xf32>
      %max3A_1269 = arith.maximumf %max3A_1222, %min3A_1265 : vector<16xf32>
      %min3A_1270 = arith.minimumf %max3A_1222, %min3A_1265 : vector<16xf32>
      %select_n3A_1271 = arith.select %gt3A_1268, %select_n3A_1225, %select_n3A_1266 : vector<16xi1>, vector<16xi32>
      %select_n3A_1272 = arith.select %gt3A_1268, %select_n3A_1266, %select_n3A_1225 : vector<16xi1>, vector<16xi32>
      %gt3A_1273 = arith.cmpf ogt, %min3A_1270, %max3A_1227 : vector<16xf32>
      %max3A_1274 = arith.maximumf %max3A_1227, %min3A_1270 : vector<16xf32>
      %min3A_1275 = arith.minimumf %max3A_1227, %min3A_1270 : vector<16xf32>
      %select_n3A_1276 = arith.select %gt3A_1273, %select_n3A_1230, %select_n3A_1271 : vector<16xi1>, vector<16xi32>
      %select_n3A_1277 = arith.select %gt3A_1273, %select_n3A_1271, %select_n3A_1230 : vector<16xi1>, vector<16xi32>
      %get3A_1278 = arith.constant 27 : i32
      %get3A_1279 = arith.index_cast %get3A_1278 : i32 to index
      %get3A_1280 = arith.index_cast %mul3A_10 : i32 to index
      %get3A_1281 = tpu.vector_load %arg5[%get3A_1279, %get3A_1280] {strides = array<i32>} : memref<64x512xf32, #tpu.memory_space<vmem>>, vector<1x16xf32>,
      %get3A_1282 = vector.shape_cast %get3A_1281 : vector<1x16xf32> to vector<16xf32>
      %broadcast_in_dim3A_1283 = arith.constant 27 : i32
      %broadcast_in_dim3A_1284 = vector.broadcast %broadcast_in_dim3A_1283 : i32 to vector<16xi32>
      %gt3A_1285 = arith.cmpf ogt, %get3A_1282, %max3A_1239 : vector<16xf32>
      %max3A_1286 = arith.maximumf %max3A_1239, %get3A_1282 : vector<16xf32>
      %min3A_1287 = arith.minimumf %max3A_1239, %get3A_1282 : vector<16xf32>
      %select_n3A_1288 = arith.select %gt3A_1285, %select_n3A_1242, %broadcast_in_dim3A_1284 : vector<16xi1>, vector<16xi32>
      %select_n3A_1289 = arith.select %gt3A_1285, %broadcast_in_dim3A_1284, %select_n3A_1242 : vector<16xi1>, vector<16xi32>
      %gt3A_1290 = arith.cmpf ogt, %min3A_1287, %max3A_1244 : vector<16xf32>
      %max3A_1291 = arith.maximumf %max3A_1244, %min3A_1287 : vector<16xf32>
      %min3A_1292 = arith.minimumf %max3A_1244, %min3A_1287 : vector<16xf32>
      %select_n3A_1293 = arith.select %gt3A_1290, %select_n3A_1247, %select_n3A_1288 : vector<16xi1>, vector<16xi32>
      %select_n3A_1294 = arith.select %gt3A_1290, %select_n3A_1288, %select_n3A_1247 : vector<16xi1>, vector<16xi32>
      %gt3A_1295 = arith.cmpf ogt, %min3A_1292, %max3A_1249 : vector<16xf32>
      %max3A_1296 = arith.maximumf %max3A_1249, %min3A_1292 : vector<16xf32>
      %min3A_1297 = arith.minimumf %max3A_1249, %min3A_1292 : vector<16xf32>
      %select_n3A_1298 = arith.select %gt3A_1295, %select_n3A_1252, %select_n3A_1293 : vector<16xi1>, vector<16xi32>
      %select_n3A_1299 = arith.select %gt3A_1295, %select_n3A_1293, %select_n3A_1252 : vector<16xi1>, vector<16xi32>
      %gt3A_1300 = arith.cmpf ogt, %min3A_1297, %max3A_1254 : vector<16xf32>
      %max3A_1301 = arith.maximumf %max3A_1254, %min3A_1297 : vector<16xf32>
      %min3A_1302 = arith.minimumf %max3A_1254, %min3A_1297 : vector<16xf32>
      %select_n3A_1303 = arith.select %gt3A_1300, %select_n3A_1257, %select_n3A_1298 : vector<16xi1>, vector<16xi32>
      %select_n3A_1304 = arith.select %gt3A_1300, %select_n3A_1298, %select_n3A_1257 : vector<16xi1>, vector<16xi32>
      %gt3A_1305 = arith.cmpf ogt, %min3A_1302, %max3A_1259 : vector<16xf32>
      %max3A_1306 = arith.maximumf %max3A_1259, %min3A_1302 : vector<16xf32>
      %min3A_1307 = arith.minimumf %max3A_1259, %min3A_1302 : vector<16xf32>
      %select_n3A_1308 = arith.select %gt3A_1305, %select_n3A_1262, %select_n3A_1303 : vector<16xi1>, vector<16xi32>
      %select_n3A_1309 = arith.select %gt3A_1305, %select_n3A_1303, %select_n3A_1262 : vector<16xi1>, vector<16xi32>
      %gt3A_1310 = arith.cmpf ogt, %min3A_1307, %max3A_1264 : vector<16xf32>
      %max3A_1311 = arith.maximumf %max3A_1264, %min3A_1307 : vector<16xf32>
      %min3A_1312 = arith.minimumf %max3A_1264, %min3A_1307 : vector<16xf32>
      %select_n3A_1313 = arith.select %gt3A_1310, %select_n3A_1267, %select_n3A_1308 : vector<16xi1>, vector<16xi32>
      %select_n3A_1314 = arith.select %gt3A_1310, %select_n3A_1308, %select_n3A_1267 : vector<16xi1>, vector<16xi32>
      %gt3A_1315 = arith.cmpf ogt, %min3A_1312, %max3A_1269 : vector<16xf32>
      %max3A_1316 = arith.maximumf %max3A_1269, %min3A_1312 : vector<16xf32>
      %min3A_1317 = arith.minimumf %max3A_1269, %min3A_1312 : vector<16xf32>
      %select_n3A_1318 = arith.select %gt3A_1315, %select_n3A_1272, %select_n3A_1313 : vector<16xi1>, vector<16xi32>
      %select_n3A_1319 = arith.select %gt3A_1315, %select_n3A_1313, %select_n3A_1272 : vector<16xi1>, vector<16xi32>
      %gt3A_1320 = arith.cmpf ogt, %min3A_1317, %max3A_1274 : vector<16xf32>
      %max3A_1321 = arith.maximumf %max3A_1274, %min3A_1317 : vector<16xf32>
      %min3A_1322 = arith.minimumf %max3A_1274, %min3A_1317 : vector<16xf32>
      %select_n3A_1323 = arith.select %gt3A_1320, %select_n3A_1277, %select_n3A_1318 : vector<16xi1>, vector<16xi32>
      %select_n3A_1324 = arith.select %gt3A_1320, %select_n3A_1318, %select_n3A_1277 : vector<16xi1>, vector<16xi32>
      %get3A_1325 = arith.constant 28 : i32
      %get3A_1326 = arith.index_cast %get3A_1325 : i32 to index
      %get3A_1327 = arith.index_cast %mul3A_10 : i32 to index
      %get3A_1328 = tpu.vector_load %arg5[%get3A_1326, %get3A_1327] {strides = array<i32>} : memref<64x512xf32, #tpu.memory_space<vmem>>, vector<1x16xf32>,
      %get3A_1329 = vector.shape_cast %get3A_1328 : vector<1x16xf32> to vector<16xf32>
      %broadcast_in_dim3A_1330 = arith.constant 28 : i32
      %broadcast_in_dim3A_1331 = vector.broadcast %broadcast_in_dim3A_1330 : i32 to vector<16xi32>
      %gt3A_1332 = arith.cmpf ogt, %get3A_1329, %max3A_1286 : vector<16xf32>
      %max3A_1333 = arith.maximumf %max3A_1286, %get3A_1329 : vector<16xf32>
      %min3A_1334 = arith.minimumf %max3A_1286, %get3A_1329 : vector<16xf32>
      %select_n3A_1335 = arith.select %gt3A_1332, %select_n3A_1289, %broadcast_in_dim3A_1331 : vector<16xi1>, vector<16xi32>
      %select_n3A_1336 = arith.select %gt3A_1332, %broadcast_in_dim3A_1331, %select_n3A_1289 : vector<16xi1>, vector<16xi32>
      %gt3A_1337 = arith.cmpf ogt, %min3A_1334, %max3A_1291 : vector<16xf32>
      %max3A_1338 = arith.maximumf %max3A_1291, %min3A_1334 : vector<16xf32>
      %min3A_1339 = arith.minimumf %max3A_1291, %min3A_1334 : vector<16xf32>
      %select_n3A_1340 = arith.select %gt3A_1337, %select_n3A_1294, %select_n3A_1335 : vector<16xi1>, vector<16xi32>
      %select_n3A_1341 = arith.select %gt3A_1337, %select_n3A_1335, %select_n3A_1294 : vector<16xi1>, vector<16xi32>
      %gt3A_1342 = arith.cmpf ogt, %min3A_1339, %max3A_1296 : vector<16xf32>
      %max3A_1343 = arith.maximumf %max3A_1296, %min3A_1339 : vector<16xf32>
      %min3A_1344 = arith.minimumf %max3A_1296, %min3A_1339 : vector<16xf32>
      %select_n3A_1345 = arith.select %gt3A_1342, %select_n3A_1299, %select_n3A_1340 : vector<16xi1>, vector<16xi32>
      %select_n3A_1346 = arith.select %gt3A_1342, %select_n3A_1340, %select_n3A_1299 : vector<16xi1>, vector<16xi32>
      %gt3A_1347 = arith.cmpf ogt, %min3A_1344, %max3A_1301 : vector<16xf32>
      %max3A_1348 = arith.maximumf %max3A_1301, %min3A_1344 : vector<16xf32>
      %min3A_1349 = arith.minimumf %max3A_1301, %min3A_1344 : vector<16xf32>
      %select_n3A_1350 = arith.select %gt3A_1347, %select_n3A_1304, %select_n3A_1345 : vector<16xi1>, vector<16xi32>
      %select_n3A_1351 = arith.select %gt3A_1347, %select_n3A_1345, %select_n3A_1304 : vector<16xi1>, vector<16xi32>
      %gt3A_1352 = arith.cmpf ogt, %min3A_1349, %max3A_1306 : vector<16xf32>
      %max3A_1353 = arith.maximumf %max3A_1306, %min3A_1349 : vector<16xf32>
      %min3A_1354 = arith.minimumf %max3A_1306, %min3A_1349 : vector<16xf32>
      %select_n3A_1355 = arith.select %gt3A_1352, %select_n3A_1309, %select_n3A_1350 : vector<16xi1>, vector<16xi32>
      %select_n3A_1356 = arith.select %gt3A_1352, %select_n3A_1350, %select_n3A_1309 : vector<16xi1>, vector<16xi32>
      %gt3A_1357 = arith.cmpf ogt, %min3A_1354, %max3A_1311 : vector<16xf32>
      %max3A_1358 = arith.maximumf %max3A_1311, %min3A_1354 : vector<16xf32>
      %min3A_1359 = arith.minimumf %max3A_1311, %min3A_1354 : vector<16xf32>
      %select_n3A_1360 = arith.select %gt3A_1357, %select_n3A_1314, %select_n3A_1355 : vector<16xi1>, vector<16xi32>
      %select_n3A_1361 = arith.select %gt3A_1357, %select_n3A_1355, %select_n3A_1314 : vector<16xi1>, vector<16xi32>
      %gt3A_1362 = arith.cmpf ogt, %min3A_1359, %max3A_1316 : vector<16xf32>
      %max3A_1363 = arith.maximumf %max3A_1316, %min3A_1359 : vector<16xf32>
      %min3A_1364 = arith.minimumf %max3A_1316, %min3A_1359 : vector<16xf32>
      %select_n3A_1365 = arith.select %gt3A_1362, %select_n3A_1319, %select_n3A_1360 : vector<16xi1>, vector<16xi32>
      %select_n3A_1366 = arith.select %gt3A_1362, %select_n3A_1360, %select_n3A_1319 : vector<16xi1>, vector<16xi32>
      %gt3A_1367 = arith.cmpf ogt, %min3A_1364, %max3A_1321 : vector<16xf32>
      %max3A_1368 = arith.maximumf %max3A_1321, %min3A_1364 : vector<16xf32>
      %min3A_1369 = arith.minimumf %max3A_1321, %min3A_1364 : vector<16xf32>
      %select_n3A_1370 = arith.select %gt3A_1367, %select_n3A_1324, %select_n3A_1365 : vector<16xi1>, vector<16xi32>
      %select_n3A_1371 = arith.select %gt3A_1367, %select_n3A_1365, %select_n3A_1324 : vector<16xi1>, vector<16xi32>
      %get3A_1372 = arith.constant 29 : i32
      %get3A_1373 = arith.index_cast %get3A_1372 : i32 to index
      %get3A_1374 = arith.index_cast %mul3A_10 : i32 to index
      %get3A_1375 = tpu.vector_load %arg5[%get3A_1373, %get3A_1374] {strides = array<i32>} : memref<64x512xf32, #tpu.memory_space<vmem>>, vector<1x16xf32>,
      %get3A_1376 = vector.shape_cast %get3A_1375 : vector<1x16xf32> to vector<16xf32>
      %broadcast_in_dim3A_1377 = arith.constant 29 : i32
      %broadcast_in_dim3A_1378 = vector.broadcast %broadcast_in_dim3A_1377 : i32 to vector<16xi32>
      %gt3A_1379 = arith.cmpf ogt, %get3A_1376, %max3A_1333 : vector<16xf32>
      %max3A_1380 = arith.maximumf %max3A_1333, %get3A_1376 : vector<16xf32>
      %min3A_1381 = arith.minimumf %max3A_1333, %get3A_1376 : vector<16xf32>
      %select_n3A_1382 = arith.select %gt3A_1379, %select_n3A_1336, %broadcast_in_dim3A_1378 : vector<16xi1>, vector<16xi32>
      %select_n3A_1383 = arith.select %gt3A_1379, %broadcast_in_dim3A_1378, %select_n3A_1336 : vector<16xi1>, vector<16xi32>
      %gt3A_1384 = arith.cmpf ogt, %min3A_1381, %max3A_1338 : vector<16xf32>
      %max3A_1385 = arith.maximumf %max3A_1338, %min3A_1381 : vector<16xf32>
      %min3A_1386 = arith.minimumf %max3A_1338, %min3A_1381 : vector<16xf32>
      %select_n3A_1387 = arith.select %gt3A_1384, %select_n3A_1341, %select_n3A_1382 : vector<16xi1>, vector<16xi32>
      %select_n3A_1388 = arith.select %gt3A_1384, %select_n3A_1382, %select_n3A_1341 : vector<16xi1>, vector<16xi32>
      %gt3A_1389 = arith.cmpf ogt, %min3A_1386, %max3A_1343 : vector<16xf32>
      %max3A_1390 = arith.maximumf %max3A_1343, %min3A_1386 : vector<16xf32>
      %min3A_1391 = arith.minimumf %max3A_1343, %min3A_1386 : vector<16xf32>
      %select_n3A_1392 = arith.select %gt3A_1389, %select_n3A_1346, %select_n3A_1387 : vector<16xi1>, vector<16xi32>
      %select_n3A_1393 = arith.select %gt3A_1389, %select_n3A_1387, %select_n3A_1346 : vector<16xi1>, vector<16xi32>
      %gt3A_1394 = arith.cmpf ogt, %min3A_1391, %max3A_1348 : vector<16xf32>
      %max3A_1395 = arith.maximumf %max3A_1348, %min3A_1391 : vector<16xf32>
      %min3A_1396 = arith.minimumf %max3A_1348, %min3A_1391 : vector<16xf32>
      %select_n3A_1397 = arith.select %gt3A_1394, %select_n3A_1351, %select_n3A_1392 : vector<16xi1>, vector<16xi32>
      %select_n3A_1398 = arith.select %gt3A_1394, %select_n3A_1392, %select_n3A_1351 : vector<16xi1>, vector<16xi32>
      %gt3A_1399 = arith.cmpf ogt, %min3A_1396, %max3A_1353 : vector<16xf32>
      %max3A_1400 = arith.maximumf %max3A_1353, %min3A_1396 : vector<16xf32>
      %min3A_1401 = arith.minimumf %max3A_1353, %min3A_1396 : vector<16xf32>
      %select_n3A_1402 = arith.select %gt3A_1399, %select_n3A_1356, %select_n3A_1397 : vector<16xi1>, vector<16xi32>
      %select_n3A_1403 = arith.select %gt3A_1399, %select_n3A_1397, %select_n3A_1356 : vector<16xi1>, vector<16xi32>
      %gt3A_1404 = arith.cmpf ogt, %min3A_1401, %max3A_1358 : vector<16xf32>
      %max3A_1405 = arith.maximumf %max3A_1358, %min3A_1401 : vector<16xf32>
      %min3A_1406 = arith.minimumf %max3A_1358, %min3A_1401 : vector<16xf32>
      %select_n3A_1407 = arith.select %gt3A_1404, %select_n3A_1361, %select_n3A_1402 : vector<16xi1>, vector<16xi32>
      %select_n3A_1408 = arith.select %gt3A_1404, %select_n3A_1402, %select_n3A_1361 : vector<16xi1>, vector<16xi32>
      %gt3A_1409 = arith.cmpf ogt, %min3A_1406, %max3A_1363 : vector<16xf32>
      %max3A_1410 = arith.maximumf %max3A_1363, %min3A_1406 : vector<16xf32>
      %min3A_1411 = arith.minimumf %max3A_1363, %min3A_1406 : vector<16xf32>
      %select_n3A_1412 = arith.select %gt3A_1409, %select_n3A_1366, %select_n3A_1407 : vector<16xi1>, vector<16xi32>
      %select_n3A_1413 = arith.select %gt3A_1409, %select_n3A_1407, %select_n3A_1366 : vector<16xi1>, vector<16xi32>
      %gt3A_1414 = arith.cmpf ogt, %min3A_1411, %max3A_1368 : vector<16xf32>
      %max3A_1415 = arith.maximumf %max3A_1368, %min3A_1411 : vector<16xf32>
      %min3A_1416 = arith.minimumf %max3A_1368, %min3A_1411 : vector<16xf32>
      %select_n3A_1417 = arith.select %gt3A_1414, %select_n3A_1371, %select_n3A_1412 : vector<16xi1>, vector<16xi32>
      %select_n3A_1418 = arith.select %gt3A_1414, %select_n3A_1412, %select_n3A_1371 : vector<16xi1>, vector<16xi32>
      %get3A_1419 = arith.constant 30 : i32
      %get3A_1420 = arith.index_cast %get3A_1419 : i32 to index
      %get3A_1421 = arith.index_cast %mul3A_10 : i32 to index
      %get3A_1422 = tpu.vector_load %arg5[%get3A_1420, %get3A_1421] {strides = array<i32>} : memref<64x512xf32, #tpu.memory_space<vmem>>, vector<1x16xf32>,
      %get3A_1423 = vector.shape_cast %get3A_1422 : vector<1x16xf32> to vector<16xf32>
      %broadcast_in_dim3A_1424 = arith.constant 30 : i32
      %broadcast_in_dim3A_1425 = vector.broadcast %broadcast_in_dim3A_1424 : i32 to vector<16xi32>
      %gt3A_1426 = arith.cmpf ogt, %get3A_1423, %max3A_1380 : vector<16xf32>
      %max3A_1427 = arith.maximumf %max3A_1380, %get3A_1423 : vector<16xf32>
      %min3A_1428 = arith.minimumf %max3A_1380, %get3A_1423 : vector<16xf32>
      %select_n3A_1429 = arith.select %gt3A_1426, %select_n3A_1383, %broadcast_in_dim3A_1425 : vector<16xi1>, vector<16xi32>
      %select_n3A_1430 = arith.select %gt3A_1426, %broadcast_in_dim3A_1425, %select_n3A_1383 : vector<16xi1>, vector<16xi32>
      %gt3A_1431 = arith.cmpf ogt, %min3A_1428, %max3A_1385 : vector<16xf32>
      %max3A_1432 = arith.maximumf %max3A_1385, %min3A_1428 : vector<16xf32>
      %min3A_1433 = arith.minimumf %max3A_1385, %min3A_1428 : vector<16xf32>
      %select_n3A_1434 = arith.select %gt3A_1431, %select_n3A_1388, %select_n3A_1429 : vector<16xi1>, vector<16xi32>
      %select_n3A_1435 = arith.select %gt3A_1431, %select_n3A_1429, %select_n3A_1388 : vector<16xi1>, vector<16xi32>
      %gt3A_1436 = arith.cmpf ogt, %min3A_1433, %max3A_1390 : vector<16xf32>
      %max3A_1437 = arith.maximumf %max3A_1390, %min3A_1433 : vector<16xf32>
      %min3A_1438 = arith.minimumf %max3A_1390, %min3A_1433 : vector<16xf32>
      %select_n3A_1439 = arith.select %gt3A_1436, %select_n3A_1393, %select_n3A_1434 : vector<16xi1>, vector<16xi32>
      %select_n3A_1440 = arith.select %gt3A_1436, %select_n3A_1434, %select_n3A_1393 : vector<16xi1>, vector<16xi32>
      %gt3A_1441 = arith.cmpf ogt, %min3A_1438, %max3A_1395 : vector<16xf32>
      %max3A_1442 = arith.maximumf %max3A_1395, %min3A_1438 : vector<16xf32>
      %min3A_1443 = arith.minimumf %max3A_1395, %min3A_1438 : vector<16xf32>
      %select_n3A_1444 = arith.select %gt3A_1441, %select_n3A_1398, %select_n3A_1439 : vector<16xi1>, vector<16xi32>
      %select_n3A_1445 = arith.select %gt3A_1441, %select_n3A_1439, %select_n3A_1398 : vector<16xi1>, vector<16xi32>
      %gt3A_1446 = arith.cmpf ogt, %min3A_1443, %max3A_1400 : vector<16xf32>
      %max3A_1447 = arith.maximumf %max3A_1400, %min3A_1443 : vector<16xf32>
      %min3A_1448 = arith.minimumf %max3A_1400, %min3A_1443 : vector<16xf32>
      %select_n3A_1449 = arith.select %gt3A_1446, %select_n3A_1403, %select_n3A_1444 : vector<16xi1>, vector<16xi32>
      %select_n3A_1450 = arith.select %gt3A_1446, %select_n3A_1444, %select_n3A_1403 : vector<16xi1>, vector<16xi32>
      %gt3A_1451 = arith.cmpf ogt, %min3A_1448, %max3A_1405 : vector<16xf32>
      %max3A_1452 = arith.maximumf %max3A_1405, %min3A_1448 : vector<16xf32>
      %min3A_1453 = arith.minimumf %max3A_1405, %min3A_1448 : vector<16xf32>
      %select_n3A_1454 = arith.select %gt3A_1451, %select_n3A_1408, %select_n3A_1449 : vector<16xi1>, vector<16xi32>
      %select_n3A_1455 = arith.select %gt3A_1451, %select_n3A_1449, %select_n3A_1408 : vector<16xi1>, vector<16xi32>
      %gt3A_1456 = arith.cmpf ogt, %min3A_1453, %max3A_1410 : vector<16xf32>
      %max3A_1457 = arith.maximumf %max3A_1410, %min3A_1453 : vector<16xf32>
      %min3A_1458 = arith.minimumf %max3A_1410, %min3A_1453 : vector<16xf32>
      %select_n3A_1459 = arith.select %gt3A_1456, %select_n3A_1413, %select_n3A_1454 : vector<16xi1>, vector<16xi32>
      %select_n3A_1460 = arith.select %gt3A_1456, %select_n3A_1454, %select_n3A_1413 : vector<16xi1>, vector<16xi32>
      %gt3A_1461 = arith.cmpf ogt, %min3A_1458, %max3A_1415 : vector<16xf32>
      %max3A_1462 = arith.maximumf %max3A_1415, %min3A_1458 : vector<16xf32>
      %min3A_1463 = arith.minimumf %max3A_1415, %min3A_1458 : vector<16xf32>
      %select_n3A_1464 = arith.select %gt3A_1461, %select_n3A_1418, %select_n3A_1459 : vector<16xi1>, vector<16xi32>
      %select_n3A_1465 = arith.select %gt3A_1461, %select_n3A_1459, %select_n3A_1418 : vector<16xi1>, vector<16xi32>
      %get3A_1466 = arith.constant 31 : i32
      %get3A_1467 = arith.index_cast %get3A_1466 : i32 to index
      %get3A_1468 = arith.index_cast %mul3A_10 : i32 to index
      %get3A_1469 = tpu.vector_load %arg5[%get3A_1467, %get3A_1468] {strides = array<i32>} : memref<64x512xf32, #tpu.memory_space<vmem>>, vector<1x16xf32>,
      %get3A_1470 = vector.shape_cast %get3A_1469 : vector<1x16xf32> to vector<16xf32>
      %broadcast_in_dim3A_1471 = arith.constant 31 : i32
      %broadcast_in_dim3A_1472 = vector.broadcast %broadcast_in_dim3A_1471 : i32 to vector<16xi32>
      %gt3A_1473 = arith.cmpf ogt, %get3A_1470, %max3A_1427 : vector<16xf32>
      %max3A_1474 = arith.maximumf %max3A_1427, %get3A_1470 : vector<16xf32>
      %min3A_1475 = arith.minimumf %max3A_1427, %get3A_1470 : vector<16xf32>
      %select_n3A_1476 = arith.select %gt3A_1473, %select_n3A_1430, %broadcast_in_dim3A_1472 : vector<16xi1>, vector<16xi32>
      %select_n3A_1477 = arith.select %gt3A_1473, %broadcast_in_dim3A_1472, %select_n3A_1430 : vector<16xi1>, vector<16xi32>
      %gt3A_1478 = arith.cmpf ogt, %min3A_1475, %max3A_1432 : vector<16xf32>
      %max3A_1479 = arith.maximumf %max3A_1432, %min3A_1475 : vector<16xf32>
      %min3A_1480 = arith.minimumf %max3A_1432, %min3A_1475 : vector<16xf32>
      %select_n3A_1481 = arith.select %gt3A_1478, %select_n3A_1435, %select_n3A_1476 : vector<16xi1>, vector<16xi32>
      %select_n3A_1482 = arith.select %gt3A_1478, %select_n3A_1476, %select_n3A_1435 : vector<16xi1>, vector<16xi32>
      %gt3A_1483 = arith.cmpf ogt, %min3A_1480, %max3A_1437 : vector<16xf32>
      %max3A_1484 = arith.maximumf %max3A_1437, %min3A_1480 : vector<16xf32>
      %min3A_1485 = arith.minimumf %max3A_1437, %min3A_1480 : vector<16xf32>
      %select_n3A_1486 = arith.select %gt3A_1483, %select_n3A_1440, %select_n3A_1481 : vector<16xi1>, vector<16xi32>
      %select_n3A_1487 = arith.select %gt3A_1483, %select_n3A_1481, %select_n3A_1440 : vector<16xi1>, vector<16xi32>
      %gt3A_1488 = arith.cmpf ogt, %min3A_1485, %max3A_1442 : vector<16xf32>
      %max3A_1489 = arith.maximumf %max3A_1442, %min3A_1485 : vector<16xf32>
      %min3A_1490 = arith.minimumf %max3A_1442, %min3A_1485 : vector<16xf32>
      %select_n3A_1491 = arith.select %gt3A_1488, %select_n3A_1445, %select_n3A_1486 : vector<16xi1>, vector<16xi32>
      %select_n3A_1492 = arith.select %gt3A_1488, %select_n3A_1486, %select_n3A_1445 : vector<16xi1>, vector<16xi32>
      %gt3A_1493 = arith.cmpf ogt, %min3A_1490, %max3A_1447 : vector<16xf32>
      %max3A_1494 = arith.maximumf %max3A_1447, %min3A_1490 : vector<16xf32>
      %min3A_1495 = arith.minimumf %max3A_1447, %min3A_1490 : vector<16xf32>
      %select_n3A_1496 = arith.select %gt3A_1493, %select_n3A_1450, %select_n3A_1491 : vector<16xi1>, vector<16xi32>
      %select_n3A_1497 = arith.select %gt3A_1493, %select_n3A_1491, %select_n3A_1450 : vector<16xi1>, vector<16xi32>
      %gt3A_1498 = arith.cmpf ogt, %min3A_1495, %max3A_1452 : vector<16xf32>
      %max3A_1499 = arith.maximumf %max3A_1452, %min3A_1495 : vector<16xf32>
      %min3A_1500 = arith.minimumf %max3A_1452, %min3A_1495 : vector<16xf32>
      %select_n3A_1501 = arith.select %gt3A_1498, %select_n3A_1455, %select_n3A_1496 : vector<16xi1>, vector<16xi32>
      %select_n3A_1502 = arith.select %gt3A_1498, %select_n3A_1496, %select_n3A_1455 : vector<16xi1>, vector<16xi32>
      %gt3A_1503 = arith.cmpf ogt, %min3A_1500, %max3A_1457 : vector<16xf32>
      %max3A_1504 = arith.maximumf %max3A_1457, %min3A_1500 : vector<16xf32>
      %min3A_1505 = arith.minimumf %max3A_1457, %min3A_1500 : vector<16xf32>
      %select_n3A_1506 = arith.select %gt3A_1503, %select_n3A_1460, %select_n3A_1501 : vector<16xi1>, vector<16xi32>
      %select_n3A_1507 = arith.select %gt3A_1503, %select_n3A_1501, %select_n3A_1460 : vector<16xi1>, vector<16xi32>
      %gt3A_1508 = arith.cmpf ogt, %min3A_1505, %max3A_1462 : vector<16xf32>
      %max3A_1509 = arith.maximumf %max3A_1462, %min3A_1505 : vector<16xf32>
      %min3A_1510 = arith.minimumf %max3A_1462, %min3A_1505 : vector<16xf32>
      %select_n3A_1511 = arith.select %gt3A_1508, %select_n3A_1465, %select_n3A_1506 : vector<16xi1>, vector<16xi32>
      %select_n3A_1512 = arith.select %gt3A_1508, %select_n3A_1506, %select_n3A_1465 : vector<16xi1>, vector<16xi32>
      %get3A_1513 = arith.constant 32 : i32
      %get3A_1514 = arith.index_cast %get3A_1513 : i32 to index
      %get3A_1515 = arith.index_cast %mul3A_10 : i32 to index
      %get3A_1516 = tpu.vector_load %arg5[%get3A_1514, %get3A_1515] {strides = array<i32>} : memref<64x512xf32, #tpu.memory_space<vmem>>, vector<1x16xf32>,
      %get3A_1517 = vector.shape_cast %get3A_1516 : vector<1x16xf32> to vector<16xf32>
      %broadcast_in_dim3A_1518 = arith.constant 32 : i32
      %broadcast_in_dim3A_1519 = vector.broadcast %broadcast_in_dim3A_1518 : i32 to vector<16xi32>
      %gt3A_1520 = arith.cmpf ogt, %get3A_1517, %max3A_1474 : vector<16xf32>
      %max3A_1521 = arith.maximumf %max3A_1474, %get3A_1517 : vector<16xf32>
      %min3A_1522 = arith.minimumf %max3A_1474, %get3A_1517 : vector<16xf32>
      %select_n3A_1523 = arith.select %gt3A_1520, %select_n3A_1477, %broadcast_in_dim3A_1519 : vector<16xi1>, vector<16xi32>
      %select_n3A_1524 = arith.select %gt3A_1520, %broadcast_in_dim3A_1519, %select_n3A_1477 : vector<16xi1>, vector<16xi32>
      %gt3A_1525 = arith.cmpf ogt, %min3A_1522, %max3A_1479 : vector<16xf32>
      %max3A_1526 = arith.maximumf %max3A_1479, %min3A_1522 : vector<16xf32>
      %min3A_1527 = arith.minimumf %max3A_1479, %min3A_1522 : vector<16xf32>
      %select_n3A_1528 = arith.select %gt3A_1525, %select_n3A_1482, %select_n3A_1523 : vector<16xi1>, vector<16xi32>
      %select_n3A_1529 = arith.select %gt3A_1525, %select_n3A_1523, %select_n3A_1482 : vector<16xi1>, vector<16xi32>
      %gt3A_1530 = arith.cmpf ogt, %min3A_1527, %max3A_1484 : vector<16xf32>
      %max3A_1531 = arith.maximumf %max3A_1484, %min3A_1527 : vector<16xf32>
      %min3A_1532 = arith.minimumf %max3A_1484, %min3A_1527 : vector<16xf32>
      %select_n3A_1533 = arith.select %gt3A_1530, %select_n3A_1487, %select_n3A_1528 : vector<16xi1>, vector<16xi32>
      %select_n3A_1534 = arith.select %gt3A_1530, %select_n3A_1528, %select_n3A_1487 : vector<16xi1>, vector<16xi32>
      %gt3A_1535 = arith.cmpf ogt, %min3A_1532, %max3A_1489 : vector<16xf32>
      %max3A_1536 = arith.maximumf %max3A_1489, %min3A_1532 : vector<16xf32>
      %min3A_1537 = arith.minimumf %max3A_1489, %min3A_1532 : vector<16xf32>
      %select_n3A_1538 = arith.select %gt3A_1535, %select_n3A_1492, %select_n3A_1533 : vector<16xi1>, vector<16xi32>
      %select_n3A_1539 = arith.select %gt3A_1535, %select_n3A_1533, %select_n3A_1492 : vector<16xi1>, vector<16xi32>
      %gt3A_1540 = arith.cmpf ogt, %min3A_1537, %max3A_1494 : vector<16xf32>
      %max3A_1541 = arith.maximumf %max3A_1494, %min3A_1537 : vector<16xf32>
      %min3A_1542 = arith.minimumf %max3A_1494, %min3A_1537 : vector<16xf32>
      %select_n3A_1543 = arith.select %gt3A_1540, %select_n3A_1497, %select_n3A_1538 : vector<16xi1>, vector<16xi32>
      %select_n3A_1544 = arith.select %gt3A_1540, %select_n3A_1538, %select_n3A_1497 : vector<16xi1>, vector<16xi32>
      %gt3A_1545 = arith.cmpf ogt, %min3A_1542, %max3A_1499 : vector<16xf32>
      %max3A_1546 = arith.maximumf %max3A_1499, %min3A_1542 : vector<16xf32>
      %min3A_1547 = arith.minimumf %max3A_1499, %min3A_1542 : vector<16xf32>
      %select_n3A_1548 = arith.select %gt3A_1545, %select_n3A_1502, %select_n3A_1543 : vector<16xi1>, vector<16xi32>
      %select_n3A_1549 = arith.select %gt3A_1545, %select_n3A_1543, %select_n3A_1502 : vector<16xi1>, vector<16xi32>
      %gt3A_1550 = arith.cmpf ogt, %min3A_1547, %max3A_1504 : vector<16xf32>
      %max3A_1551 = arith.maximumf %max3A_1504, %min3A_1547 : vector<16xf32>
      %min3A_1552 = arith.minimumf %max3A_1504, %min3A_1547 : vector<16xf32>
      %select_n3A_1553 = arith.select %gt3A_1550, %select_n3A_1507, %select_n3A_1548 : vector<16xi1>, vector<16xi32>
      %select_n3A_1554 = arith.select %gt3A_1550, %select_n3A_1548, %select_n3A_1507 : vector<16xi1>, vector<16xi32>
      %gt3A_1555 = arith.cmpf ogt, %min3A_1552, %max3A_1509 : vector<16xf32>
      %max3A_1556 = arith.maximumf %max3A_1509, %min3A_1552 : vector<16xf32>
      %min3A_1557 = arith.minimumf %max3A_1509, %min3A_1552 : vector<16xf32>
      %select_n3A_1558 = arith.select %gt3A_1555, %select_n3A_1512, %select_n3A_1553 : vector<16xi1>, vector<16xi32>
      %select_n3A_1559 = arith.select %gt3A_1555, %select_n3A_1553, %select_n3A_1512 : vector<16xi1>, vector<16xi32>
      %get3A_1560 = arith.constant 33 : i32
      %get3A_1561 = arith.index_cast %get3A_1560 : i32 to index
      %get3A_1562 = arith.index_cast %mul3A_10 : i32 to index
      %get3A_1563 = tpu.vector_load %arg5[%get3A_1561, %get3A_1562] {strides = array<i32>} : memref<64x512xf32, #tpu.memory_space<vmem>>, vector<1x16xf32>,
      %get3A_1564 = vector.shape_cast %get3A_1563 : vector<1x16xf32> to vector<16xf32>
      %broadcast_in_dim3A_1565 = arith.constant 33 : i32
      %broadcast_in_dim3A_1566 = vector.broadcast %broadcast_in_dim3A_1565 : i32 to vector<16xi32>
      %gt3A_1567 = arith.cmpf ogt, %get3A_1564, %max3A_1521 : vector<16xf32>
      %max3A_1568 = arith.maximumf %max3A_1521, %get3A_1564 : vector<16xf32>
      %min3A_1569 = arith.minimumf %max3A_1521, %get3A_1564 : vector<16xf32>
      %select_n3A_1570 = arith.select %gt3A_1567, %select_n3A_1524, %broadcast_in_dim3A_1566 : vector<16xi1>, vector<16xi32>
      %select_n3A_1571 = arith.select %gt3A_1567, %broadcast_in_dim3A_1566, %select_n3A_1524 : vector<16xi1>, vector<16xi32>
      %gt3A_1572 = arith.cmpf ogt, %min3A_1569, %max3A_1526 : vector<16xf32>
      %max3A_1573 = arith.maximumf %max3A_1526, %min3A_1569 : vector<16xf32>
      %min3A_1574 = arith.minimumf %max3A_1526, %min3A_1569 : vector<16xf32>
      %select_n3A_1575 = arith.select %gt3A_1572, %select_n3A_1529, %select_n3A_1570 : vector<16xi1>, vector<16xi32>
      %select_n3A_1576 = arith.select %gt3A_1572, %select_n3A_1570, %select_n3A_1529 : vector<16xi1>, vector<16xi32>
      %gt3A_1577 = arith.cmpf ogt, %min3A_1574, %max3A_1531 : vector<16xf32>
      %max3A_1578 = arith.maximumf %max3A_1531, %min3A_1574 : vector<16xf32>
      %min3A_1579 = arith.minimumf %max3A_1531, %min3A_1574 : vector<16xf32>
      %select_n3A_1580 = arith.select %gt3A_1577, %select_n3A_1534, %select_n3A_1575 : vector<16xi1>, vector<16xi32>
      %select_n3A_1581 = arith.select %gt3A_1577, %select_n3A_1575, %select_n3A_1534 : vector<16xi1>, vector<16xi32>
      %gt3A_1582 = arith.cmpf ogt, %min3A_1579, %max3A_1536 : vector<16xf32>
      %max3A_1583 = arith.maximumf %max3A_1536, %min3A_1579 : vector<16xf32>
      %min3A_1584 = arith.minimumf %max3A_1536, %min3A_1579 : vector<16xf32>
      %select_n3A_1585 = arith.select %gt3A_1582, %select_n3A_1539, %select_n3A_1580 : vector<16xi1>, vector<16xi32>
      %select_n3A_1586 = arith.select %gt3A_1582, %select_n3A_1580, %select_n3A_1539 : vector<16xi1>, vector<16xi32>
      %gt3A_1587 = arith.cmpf ogt, %min3A_1584, %max3A_1541 : vector<16xf32>
      %max3A_1588 = arith.maximumf %max3A_1541, %min3A_1584 : vector<16xf32>
      %min3A_1589 = arith.minimumf %max3A_1541, %min3A_1584 : vector<16xf32>
      %select_n3A_1590 = arith.select %gt3A_1587, %select_n3A_1544, %select_n3A_1585 : vector<16xi1>, vector<16xi32>
      %select_n3A_1591 = arith.select %gt3A_1587, %select_n3A_1585, %select_n3A_1544 : vector<16xi1>, vector<16xi32>
      %gt3A_1592 = arith.cmpf ogt, %min3A_1589, %max3A_1546 : vector<16xf32>
      %max3A_1593 = arith.maximumf %max3A_1546, %min3A_1589 : vector<16xf32>
      %min3A_1594 = arith.minimumf %max3A_1546, %min3A_1589 : vector<16xf32>
      %select_n3A_1595 = arith.select %gt3A_1592, %select_n3A_1549, %select_n3A_1590 : vector<16xi1>, vector<16xi32>
      %select_n3A_1596 = arith.select %gt3A_1592, %select_n3A_1590, %select_n3A_1549 : vector<16xi1>, vector<16xi32>
      %gt3A_1597 = arith.cmpf ogt, %min3A_1594, %max3A_1551 : vector<16xf32>
      %max3A_1598 = arith.maximumf %max3A_1551, %min3A_1594 : vector<16xf32>
      %min3A_1599 = arith.minimumf %max3A_1551, %min3A_1594 : vector<16xf32>
      %select_n3A_1600 = arith.select %gt3A_1597, %select_n3A_1554, %select_n3A_1595 : vector<16xi1>, vector<16xi32>
      %select_n3A_1601 = arith.select %gt3A_1597, %select_n3A_1595, %select_n3A_1554 : vector<16xi1>, vector<16xi32>
      %gt3A_1602 = arith.cmpf ogt, %min3A_1599, %max3A_1556 : vector<16xf32>
      %max3A_1603 = arith.maximumf %max3A_1556, %min3A_1599 : vector<16xf32>
      %min3A_1604 = arith.minimumf %max3A_1556, %min3A_1599 : vector<16xf32>
      %select_n3A_1605 = arith.select %gt3A_1602, %select_n3A_1559, %select_n3A_1600 : vector<16xi1>, vector<16xi32>
      %select_n3A_1606 = arith.select %gt3A_1602, %select_n3A_1600, %select_n3A_1559 : vector<16xi1>, vector<16xi32>
      %get3A_1607 = arith.constant 34 : i32
      %get3A_1608 = arith.index_cast %get3A_1607 : i32 to index
      %get3A_1609 = arith.index_cast %mul3A_10 : i32 to index
      %get3A_1610 = tpu.vector_load %arg5[%get3A_1608, %get3A_1609] {strides = array<i32>} : memref<64x512xf32, #tpu.memory_space<vmem>>, vector<1x16xf32>,
      %get3A_1611 = vector.shape_cast %get3A_1610 : vector<1x16xf32> to vector<16xf32>
      %broadcast_in_dim3A_1612 = arith.constant 34 : i32
      %broadcast_in_dim3A_1613 = vector.broadcast %broadcast_in_dim3A_1612 : i32 to vector<16xi32>
      %gt3A_1614 = arith.cmpf ogt, %get3A_1611, %max3A_1568 : vector<16xf32>
      %max3A_1615 = arith.maximumf %max3A_1568, %get3A_1611 : vector<16xf32>
      %min3A_1616 = arith.minimumf %max3A_1568, %get3A_1611 : vector<16xf32>
      %select_n3A_1617 = arith.select %gt3A_1614, %select_n3A_1571, %broadcast_in_dim3A_1613 : vector<16xi1>, vector<16xi32>
      %select_n3A_1618 = arith.select %gt3A_1614, %broadcast_in_dim3A_1613, %select_n3A_1571 : vector<16xi1>, vector<16xi32>
      %gt3A_1619 = arith.cmpf ogt, %min3A_1616, %max3A_1573 : vector<16xf32>
      %max3A_1620 = arith.maximumf %max3A_1573, %min3A_1616 : vector<16xf32>
      %min3A_1621 = arith.minimumf %max3A_1573, %min3A_1616 : vector<16xf32>
      %select_n3A_1622 = arith.select %gt3A_1619, %select_n3A_1576, %select_n3A_1617 : vector<16xi1>, vector<16xi32>
      %select_n3A_1623 = arith.select %gt3A_1619, %select_n3A_1617, %select_n3A_1576 : vector<16xi1>, vector<16xi32>
      %gt3A_1624 = arith.cmpf ogt, %min3A_1621, %max3A_1578 : vector<16xf32>
      %max3A_1625 = arith.maximumf %max3A_1578, %min3A_1621 : vector<16xf32>
      %min3A_1626 = arith.minimumf %max3A_1578, %min3A_1621 : vector<16xf32>
      %select_n3A_1627 = arith.select %gt3A_1624, %select_n3A_1581, %select_n3A_1622 : vector<16xi1>, vector<16xi32>
      %select_n3A_1628 = arith.select %gt3A_1624, %select_n3A_1622, %select_n3A_1581 : vector<16xi1>, vector<16xi32>
      %gt3A_1629 = arith.cmpf ogt, %min3A_1626, %max3A_1583 : vector<16xf32>
      %max3A_1630 = arith.maximumf %max3A_1583, %min3A_1626 : vector<16xf32>
      %min3A_1631 = arith.minimumf %max3A_1583, %min3A_1626 : vector<16xf32>
      %select_n3A_1632 = arith.select %gt3A_1629, %select_n3A_1586, %select_n3A_1627 : vector<16xi1>, vector<16xi32>
      %select_n3A_1633 = arith.select %gt3A_1629, %select_n3A_1627, %select_n3A_1586 : vector<16xi1>, vector<16xi32>
      %gt3A_1634 = arith.cmpf ogt, %min3A_1631, %max3A_1588 : vector<16xf32>
      %max3A_1635 = arith.maximumf %max3A_1588, %min3A_1631 : vector<16xf32>
      %min3A_1636 = arith.minimumf %max3A_1588, %min3A_1631 : vector<16xf32>
      %select_n3A_1637 = arith.select %gt3A_1634, %select_n3A_1591, %select_n3A_1632 : vector<16xi1>, vector<16xi32>
      %select_n3A_1638 = arith.select %gt3A_1634, %select_n3A_1632, %select_n3A_1591 : vector<16xi1>, vector<16xi32>
      %gt3A_1639 = arith.cmpf ogt, %min3A_1636, %max3A_1593 : vector<16xf32>
      %max3A_1640 = arith.maximumf %max3A_1593, %min3A_1636 : vector<16xf32>
      %min3A_1641 = arith.minimumf %max3A_1593, %min3A_1636 : vector<16xf32>
      %select_n3A_1642 = arith.select %gt3A_1639, %select_n3A_1596, %select_n3A_1637 : vector<16xi1>, vector<16xi32>
      %select_n3A_1643 = arith.select %gt3A_1639, %select_n3A_1637, %select_n3A_1596 : vector<16xi1>, vector<16xi32>
      %gt3A_1644 = arith.cmpf ogt, %min3A_1641, %max3A_1598 : vector<16xf32>
      %max3A_1645 = arith.maximumf %max3A_1598, %min3A_1641 : vector<16xf32>
      %min3A_1646 = arith.minimumf %max3A_1598, %min3A_1641 : vector<16xf32>
      %select_n3A_1647 = arith.select %gt3A_1644, %select_n3A_1601, %select_n3A_1642 : vector<16xi1>, vector<16xi32>
      %select_n3A_1648 = arith.select %gt3A_1644, %select_n3A_1642, %select_n3A_1601 : vector<16xi1>, vector<16xi32>
      %gt3A_1649 = arith.cmpf ogt, %min3A_1646, %max3A_1603 : vector<16xf32>
      %max3A_1650 = arith.maximumf %max3A_1603, %min3A_1646 : vector<16xf32>
      %min3A_1651 = arith.minimumf %max3A_1603, %min3A_1646 : vector<16xf32>
      %select_n3A_1652 = arith.select %gt3A_1649, %select_n3A_1606, %select_n3A_1647 : vector<16xi1>, vector<16xi32>
      %select_n3A_1653 = arith.select %gt3A_1649, %select_n3A_1647, %select_n3A_1606 : vector<16xi1>, vector<16xi32>
      %get3A_1654 = arith.constant 35 : i32
      %get3A_1655 = arith.index_cast %get3A_1654 : i32 to index
      %get3A_1656 = arith.index_cast %mul3A_10 : i32 to index
      %get3A_1657 = tpu.vector_load %arg5[%get3A_1655, %get3A_1656] {strides = array<i32>} : memref<64x512xf32, #tpu.memory_space<vmem>>, vector<1x16xf32>,
      %get3A_1658 = vector.shape_cast %get3A_1657 : vector<1x16xf32> to vector<16xf32>
      %broadcast_in_dim3A_1659 = arith.constant 35 : i32
      %broadcast_in_dim3A_1660 = vector.broadcast %broadcast_in_dim3A_1659 : i32 to vector<16xi32>
      %gt3A_1661 = arith.cmpf ogt, %get3A_1658, %max3A_1615 : vector<16xf32>
      %max3A_1662 = arith.maximumf %max3A_1615, %get3A_1658 : vector<16xf32>
      %min3A_1663 = arith.minimumf %max3A_1615, %get3A_1658 : vector<16xf32>
      %select_n3A_1664 = arith.select %gt3A_1661, %select_n3A_1618, %broadcast_in_dim3A_1660 : vector<16xi1>, vector<16xi32>
      %select_n3A_1665 = arith.select %gt3A_1661, %broadcast_in_dim3A_1660, %select_n3A_1618 : vector<16xi1>, vector<16xi32>
      %gt3A_1666 = arith.cmpf ogt, %min3A_1663, %max3A_1620 : vector<16xf32>
      %max3A_1667 = arith.maximumf %max3A_1620, %min3A_1663 : vector<16xf32>
      %min3A_1668 = arith.minimumf %max3A_1620, %min3A_1663 : vector<16xf32>
      %select_n3A_1669 = arith.select %gt3A_1666, %select_n3A_1623, %select_n3A_1664 : vector<16xi1>, vector<16xi32>
      %select_n3A_1670 = arith.select %gt3A_1666, %select_n3A_1664, %select_n3A_1623 : vector<16xi1>, vector<16xi32>
      %gt3A_1671 = arith.cmpf ogt, %min3A_1668, %max3A_1625 : vector<16xf32>
      %max3A_1672 = arith.maximumf %max3A_1625, %min3A_1668 : vector<16xf32>
      %min3A_1673 = arith.minimumf %max3A_1625, %min3A_1668 : vector<16xf32>
      %select_n3A_1674 = arith.select %gt3A_1671, %select_n3A_1628, %select_n3A_1669 : vector<16xi1>, vector<16xi32>
      %select_n3A_1675 = arith.select %gt3A_1671, %select_n3A_1669, %select_n3A_1628 : vector<16xi1>, vector<16xi32>
      %gt3A_1676 = arith.cmpf ogt, %min3A_1673, %max3A_1630 : vector<16xf32>
      %max3A_1677 = arith.maximumf %max3A_1630, %min3A_1673 : vector<16xf32>
      %min3A_1678 = arith.minimumf %max3A_1630, %min3A_1673 : vector<16xf32>
      %select_n3A_1679 = arith.select %gt3A_1676, %select_n3A_1633, %select_n3A_1674 : vector<16xi1>, vector<16xi32>
      %select_n3A_1680 = arith.select %gt3A_1676, %select_n3A_1674, %select_n3A_1633 : vector<16xi1>, vector<16xi32>
      %gt3A_1681 = arith.cmpf ogt, %min3A_1678, %max3A_1635 : vector<16xf32>
      %max3A_1682 = arith.maximumf %max3A_1635, %min3A_1678 : vector<16xf32>
      %min3A_1683 = arith.minimumf %max3A_1635, %min3A_1678 : vector<16xf32>
      %select_n3A_1684 = arith.select %gt3A_1681, %select_n3A_1638, %select_n3A_1679 : vector<16xi1>, vector<16xi32>
      %select_n3A_1685 = arith.select %gt3A_1681, %select_n3A_1679, %select_n3A_1638 : vector<16xi1>, vector<16xi32>
      %gt3A_1686 = arith.cmpf ogt, %min3A_1683, %max3A_1640 : vector<16xf32>
      %max3A_1687 = arith.maximumf %max3A_1640, %min3A_1683 : vector<16xf32>
      %min3A_1688 = arith.minimumf %max3A_1640, %min3A_1683 : vector<16xf32>
      %select_n3A_1689 = arith.select %gt3A_1686, %select_n3A_1643, %select_n3A_1684 : vector<16xi1>, vector<16xi32>
      %select_n3A_1690 = arith.select %gt3A_1686, %select_n3A_1684, %select_n3A_1643 : vector<16xi1>, vector<16xi32>
      %gt3A_1691 = arith.cmpf ogt, %min3A_1688, %max3A_1645 : vector<16xf32>
      %max3A_1692 = arith.maximumf %max3A_1645, %min3A_1688 : vector<16xf32>
      %min3A_1693 = arith.minimumf %max3A_1645, %min3A_1688 : vector<16xf32>
      %select_n3A_1694 = arith.select %gt3A_1691, %select_n3A_1648, %select_n3A_1689 : vector<16xi1>, vector<16xi32>
      %select_n3A_1695 = arith.select %gt3A_1691, %select_n3A_1689, %select_n3A_1648 : vector<16xi1>, vector<16xi32>
      %gt3A_1696 = arith.cmpf ogt, %min3A_1693, %max3A_1650 : vector<16xf32>
      %max3A_1697 = arith.maximumf %max3A_1650, %min3A_1693 : vector<16xf32>
      %min3A_1698 = arith.minimumf %max3A_1650, %min3A_1693 : vector<16xf32>
      %select_n3A_1699 = arith.select %gt3A_1696, %select_n3A_1653, %select_n3A_1694 : vector<16xi1>, vector<16xi32>
      %select_n3A_1700 = arith.select %gt3A_1696, %select_n3A_1694, %select_n3A_1653 : vector<16xi1>, vector<16xi32>
      %get3A_1701 = arith.constant 36 : i32
      %get3A_1702 = arith.index_cast %get3A_1701 : i32 to index
      %get3A_1703 = arith.index_cast %mul3A_10 : i32 to index
      %get3A_1704 = tpu.vector_load %arg5[%get3A_1702, %get3A_1703] {strides = array<i32>} : memref<64x512xf32, #tpu.memory_space<vmem>>, vector<1x16xf32>,
      %get3A_1705 = vector.shape_cast %get3A_1704 : vector<1x16xf32> to vector<16xf32>
      %broadcast_in_dim3A_1706 = arith.constant 36 : i32
      %broadcast_in_dim3A_1707 = vector.broadcast %broadcast_in_dim3A_1706 : i32 to vector<16xi32>
      %gt3A_1708 = arith.cmpf ogt, %get3A_1705, %max3A_1662 : vector<16xf32>
      %max3A_1709 = arith.maximumf %max3A_1662, %get3A_1705 : vector<16xf32>
      %min3A_1710 = arith.minimumf %max3A_1662, %get3A_1705 : vector<16xf32>
      %select_n3A_1711 = arith.select %gt3A_1708, %select_n3A_1665, %broadcast_in_dim3A_1707 : vector<16xi1>, vector<16xi32>
      %select_n3A_1712 = arith.select %gt3A_1708, %broadcast_in_dim3A_1707, %select_n3A_1665 : vector<16xi1>, vector<16xi32>
      %gt3A_1713 = arith.cmpf ogt, %min3A_1710, %max3A_1667 : vector<16xf32>
      %max3A_1714 = arith.maximumf %max3A_1667, %min3A_1710 : vector<16xf32>
      %min3A_1715 = arith.minimumf %max3A_1667, %min3A_1710 : vector<16xf32>
      %select_n3A_1716 = arith.select %gt3A_1713, %select_n3A_1670, %select_n3A_1711 : vector<16xi1>, vector<16xi32>
      %select_n3A_1717 = arith.select %gt3A_1713, %select_n3A_1711, %select_n3A_1670 : vector<16xi1>, vector<16xi32>
      %gt3A_1718 = arith.cmpf ogt, %min3A_1715, %max3A_1672 : vector<16xf32>
      %max3A_1719 = arith.maximumf %max3A_1672, %min3A_1715 : vector<16xf32>
      %min3A_1720 = arith.minimumf %max3A_1672, %min3A_1715 : vector<16xf32>
      %select_n3A_1721 = arith.select %gt3A_1718, %select_n3A_1675, %select_n3A_1716 : vector<16xi1>, vector<16xi32>
      %select_n3A_1722 = arith.select %gt3A_1718, %select_n3A_1716, %select_n3A_1675 : vector<16xi1>, vector<16xi32>
      %gt3A_1723 = arith.cmpf ogt, %min3A_1720, %max3A_1677 : vector<16xf32>
      %max3A_1724 = arith.maximumf %max3A_1677, %min3A_1720 : vector<16xf32>
      %min3A_1725 = arith.minimumf %max3A_1677, %min3A_1720 : vector<16xf32>
      %select_n3A_1726 = arith.select %gt3A_1723, %select_n3A_1680, %select_n3A_1721 : vector<16xi1>, vector<16xi32>
      %select_n3A_1727 = arith.select %gt3A_1723, %select_n3A_1721, %select_n3A_1680 : vector<16xi1>, vector<16xi32>
      %gt3A_1728 = arith.cmpf ogt, %min3A_1725, %max3A_1682 : vector<16xf32>
      %max3A_1729 = arith.maximumf %max3A_1682, %min3A_1725 : vector<16xf32>
      %min3A_1730 = arith.minimumf %max3A_1682, %min3A_1725 : vector<16xf32>
      %select_n3A_1731 = arith.select %gt3A_1728, %select_n3A_1685, %select_n3A_1726 : vector<16xi1>, vector<16xi32>
      %select_n3A_1732 = arith.select %gt3A_1728, %select_n3A_1726, %select_n3A_1685 : vector<16xi1>, vector<16xi32>
      %gt3A_1733 = arith.cmpf ogt, %min3A_1730, %max3A_1687 : vector<16xf32>
      %max3A_1734 = arith.maximumf %max3A_1687, %min3A_1730 : vector<16xf32>
      %min3A_1735 = arith.minimumf %max3A_1687, %min3A_1730 : vector<16xf32>
      %select_n3A_1736 = arith.select %gt3A_1733, %select_n3A_1690, %select_n3A_1731 : vector<16xi1>, vector<16xi32>
      %select_n3A_1737 = arith.select %gt3A_1733, %select_n3A_1731, %select_n3A_1690 : vector<16xi1>, vector<16xi32>
      %gt3A_1738 = arith.cmpf ogt, %min3A_1735, %max3A_1692 : vector<16xf32>
      %max3A_1739 = arith.maximumf %max3A_1692, %min3A_1735 : vector<16xf32>
      %min3A_1740 = arith.minimumf %max3A_1692, %min3A_1735 : vector<16xf32>
      %select_n3A_1741 = arith.select %gt3A_1738, %select_n3A_1695, %select_n3A_1736 : vector<16xi1>, vector<16xi32>
      %select_n3A_1742 = arith.select %gt3A_1738, %select_n3A_1736, %select_n3A_1695 : vector<16xi1>, vector<16xi32>
      %gt3A_1743 = arith.cmpf ogt, %min3A_1740, %max3A_1697 : vector<16xf32>
      %max3A_1744 = arith.maximumf %max3A_1697, %min3A_1740 : vector<16xf32>
      %min3A_1745 = arith.minimumf %max3A_1697, %min3A_1740 : vector<16xf32>
      %select_n3A_1746 = arith.select %gt3A_1743, %select_n3A_1700, %select_n3A_1741 : vector<16xi1>, vector<16xi32>
      %select_n3A_1747 = arith.select %gt3A_1743, %select_n3A_1741, %select_n3A_1700 : vector<16xi1>, vector<16xi32>
      %get3A_1748 = arith.constant 37 : i32
      %get3A_1749 = arith.index_cast %get3A_1748 : i32 to index
      %get3A_1750 = arith.index_cast %mul3A_10 : i32 to index
      %get3A_1751 = tpu.vector_load %arg5[%get3A_1749, %get3A_1750] {strides = array<i32>} : memref<64x512xf32, #tpu.memory_space<vmem>>, vector<1x16xf32>,
      %get3A_1752 = vector.shape_cast %get3A_1751 : vector<1x16xf32> to vector<16xf32>
      %broadcast_in_dim3A_1753 = arith.constant 37 : i32
      %broadcast_in_dim3A_1754 = vector.broadcast %broadcast_in_dim3A_1753 : i32 to vector<16xi32>
      %gt3A_1755 = arith.cmpf ogt, %get3A_1752, %max3A_1709 : vector<16xf32>
      %max3A_1756 = arith.maximumf %max3A_1709, %get3A_1752 : vector<16xf32>
      %min3A_1757 = arith.minimumf %max3A_1709, %get3A_1752 : vector<16xf32>
      %select_n3A_1758 = arith.select %gt3A_1755, %select_n3A_1712, %broadcast_in_dim3A_1754 : vector<16xi1>, vector<16xi32>
      %select_n3A_1759 = arith.select %gt3A_1755, %broadcast_in_dim3A_1754, %select_n3A_1712 : vector<16xi1>, vector<16xi32>
      %gt3A_1760 = arith.cmpf ogt, %min3A_1757, %max3A_1714 : vector<16xf32>
      %max3A_1761 = arith.maximumf %max3A_1714, %min3A_1757 : vector<16xf32>
      %min3A_1762 = arith.minimumf %max3A_1714, %min3A_1757 : vector<16xf32>
      %select_n3A_1763 = arith.select %gt3A_1760, %select_n3A_1717, %select_n3A_1758 : vector<16xi1>, vector<16xi32>
      %select_n3A_1764 = arith.select %gt3A_1760, %select_n3A_1758, %select_n3A_1717 : vector<16xi1>, vector<16xi32>
      %gt3A_1765 = arith.cmpf ogt, %min3A_1762, %max3A_1719 : vector<16xf32>
      %max3A_1766 = arith.maximumf %max3A_1719, %min3A_1762 : vector<16xf32>
      %min3A_1767 = arith.minimumf %max3A_1719, %min3A_1762 : vector<16xf32>
      %select_n3A_1768 = arith.select %gt3A_1765, %select_n3A_1722, %select_n3A_1763 : vector<16xi1>, vector<16xi32>
      %select_n3A_1769 = arith.select %gt3A_1765, %select_n3A_1763, %select_n3A_1722 : vector<16xi1>, vector<16xi32>
      %gt3A_1770 = arith.cmpf ogt, %min3A_1767, %max3A_1724 : vector<16xf32>
      %max3A_1771 = arith.maximumf %max3A_1724, %min3A_1767 : vector<16xf32>
      %min3A_1772 = arith.minimumf %max3A_1724, %min3A_1767 : vector<16xf32>
      %select_n3A_1773 = arith.select %gt3A_1770, %select_n3A_1727, %select_n3A_1768 : vector<16xi1>, vector<16xi32>
      %select_n3A_1774 = arith.select %gt3A_1770, %select_n3A_1768, %select_n3A_1727 : vector<16xi1>, vector<16xi32>
      %gt3A_1775 = arith.cmpf ogt, %min3A_1772, %max3A_1729 : vector<16xf32>
      %max3A_1776 = arith.maximumf %max3A_1729, %min3A_1772 : vector<16xf32>
      %min3A_1777 = arith.minimumf %max3A_1729, %min3A_1772 : vector<16xf32>
      %select_n3A_1778 = arith.select %gt3A_1775, %select_n3A_1732, %select_n3A_1773 : vector<16xi1>, vector<16xi32>
      %select_n3A_1779 = arith.select %gt3A_1775, %select_n3A_1773, %select_n3A_1732 : vector<16xi1>, vector<16xi32>
      %gt3A_1780 = arith.cmpf ogt, %min3A_1777, %max3A_1734 : vector<16xf32>
      %max3A_1781 = arith.maximumf %max3A_1734, %min3A_1777 : vector<16xf32>
      %min3A_1782 = arith.minimumf %max3A_1734, %min3A_1777 : vector<16xf32>
      %select_n3A_1783 = arith.select %gt3A_1780, %select_n3A_1737, %select_n3A_1778 : vector<16xi1>, vector<16xi32>
      %select_n3A_1784 = arith.select %gt3A_1780, %select_n3A_1778, %select_n3A_1737 : vector<16xi1>, vector<16xi32>
      %gt3A_1785 = arith.cmpf ogt, %min3A_1782, %max3A_1739 : vector<16xf32>
      %max3A_1786 = arith.maximumf %max3A_1739, %min3A_1782 : vector<16xf32>
      %min3A_1787 = arith.minimumf %max3A_1739, %min3A_1782 : vector<16xf32>
      %select_n3A_1788 = arith.select %gt3A_1785, %select_n3A_1742, %select_n3A_1783 : vector<16xi1>, vector<16xi32>
      %select_n3A_1789 = arith.select %gt3A_1785, %select_n3A_1783, %select_n3A_1742 : vector<16xi1>, vector<16xi32>
      %gt3A_1790 = arith.cmpf ogt, %min3A_1787, %max3A_1744 : vector<16xf32>
      %max3A_1791 = arith.maximumf %max3A_1744, %min3A_1787 : vector<16xf32>
      %min3A_1792 = arith.minimumf %max3A_1744, %min3A_1787 : vector<16xf32>
      %select_n3A_1793 = arith.select %gt3A_1790, %select_n3A_1747, %select_n3A_1788 : vector<16xi1>, vector<16xi32>
      %select_n3A_1794 = arith.select %gt3A_1790, %select_n3A_1788, %select_n3A_1747 : vector<16xi1>, vector<16xi32>
      %get3A_1795 = arith.constant 38 : i32
      %get3A_1796 = arith.index_cast %get3A_1795 : i32 to index
      %get3A_1797 = arith.index_cast %mul3A_10 : i32 to index
      %get3A_1798 = tpu.vector_load %arg5[%get3A_1796, %get3A_1797] {strides = array<i32>} : memref<64x512xf32, #tpu.memory_space<vmem>>, vector<1x16xf32>,
      %get3A_1799 = vector.shape_cast %get3A_1798 : vector<1x16xf32> to vector<16xf32>
      %broadcast_in_dim3A_1800 = arith.constant 38 : i32
      %broadcast_in_dim3A_1801 = vector.broadcast %broadcast_in_dim3A_1800 : i32 to vector<16xi32>
      %gt3A_1802 = arith.cmpf ogt, %get3A_1799, %max3A_1756 : vector<16xf32>
      %max3A_1803 = arith.maximumf %max3A_1756, %get3A_1799 : vector<16xf32>
      %min3A_1804 = arith.minimumf %max3A_1756, %get3A_1799 : vector<16xf32>
      %select_n3A_1805 = arith.select %gt3A_1802, %select_n3A_1759, %broadcast_in_dim3A_1801 : vector<16xi1>, vector<16xi32>
      %select_n3A_1806 = arith.select %gt3A_1802, %broadcast_in_dim3A_1801, %select_n3A_1759 : vector<16xi1>, vector<16xi32>
      %gt3A_1807 = arith.cmpf ogt, %min3A_1804, %max3A_1761 : vector<16xf32>
      %max3A_1808 = arith.maximumf %max3A_1761, %min3A_1804 : vector<16xf32>
      %min3A_1809 = arith.minimumf %max3A_1761, %min3A_1804 : vector<16xf32>
      %select_n3A_1810 = arith.select %gt3A_1807, %select_n3A_1764, %select_n3A_1805 : vector<16xi1>, vector<16xi32>
      %select_n3A_1811 = arith.select %gt3A_1807, %select_n3A_1805, %select_n3A_1764 : vector<16xi1>, vector<16xi32>
      %gt3A_1812 = arith.cmpf ogt, %min3A_1809, %max3A_1766 : vector<16xf32>
      %max3A_1813 = arith.maximumf %max3A_1766, %min3A_1809 : vector<16xf32>
      %min3A_1814 = arith.minimumf %max3A_1766, %min3A_1809 : vector<16xf32>
      %select_n3A_1815 = arith.select %gt3A_1812, %select_n3A_1769, %select_n3A_1810 : vector<16xi1>, vector<16xi32>
      %select_n3A_1816 = arith.select %gt3A_1812, %select_n3A_1810, %select_n3A_1769 : vector<16xi1>, vector<16xi32>
      %gt3A_1817 = arith.cmpf ogt, %min3A_1814, %max3A_1771 : vector<16xf32>
      %max3A_1818 = arith.maximumf %max3A_1771, %min3A_1814 : vector<16xf32>
      %min3A_1819 = arith.minimumf %max3A_1771, %min3A_1814 : vector<16xf32>
      %select_n3A_1820 = arith.select %gt3A_1817, %select_n3A_1774, %select_n3A_1815 : vector<16xi1>, vector<16xi32>
      %select_n3A_1821 = arith.select %gt3A_1817, %select_n3A_1815, %select_n3A_1774 : vector<16xi1>, vector<16xi32>
      %gt3A_1822 = arith.cmpf ogt, %min3A_1819, %max3A_1776 : vector<16xf32>
      %max3A_1823 = arith.maximumf %max3A_1776, %min3A_1819 : vector<16xf32>
      %min3A_1824 = arith.minimumf %max3A_1776, %min3A_1819 : vector<16xf32>
      %select_n3A_1825 = arith.select %gt3A_1822, %select_n3A_1779, %select_n3A_1820 : vector<16xi1>, vector<16xi32>
      %select_n3A_1826 = arith.select %gt3A_1822, %select_n3A_1820, %select_n3A_1779 : vector<16xi1>, vector<16xi32>
      %gt3A_1827 = arith.cmpf ogt, %min3A_1824, %max3A_1781 : vector<16xf32>
      %max3A_1828 = arith.maximumf %max3A_1781, %min3A_1824 : vector<16xf32>
      %min3A_1829 = arith.minimumf %max3A_1781, %min3A_1824 : vector<16xf32>
      %select_n3A_1830 = arith.select %gt3A_1827, %select_n3A_1784, %select_n3A_1825 : vector<16xi1>, vector<16xi32>
      %select_n3A_1831 = arith.select %gt3A_1827, %select_n3A_1825, %select_n3A_1784 : vector<16xi1>, vector<16xi32>
      %gt3A_1832 = arith.cmpf ogt, %min3A_1829, %max3A_1786 : vector<16xf32>
      %max3A_1833 = arith.maximumf %max3A_1786, %min3A_1829 : vector<16xf32>
      %min3A_1834 = arith.minimumf %max3A_1786, %min3A_1829 : vector<16xf32>
      %select_n3A_1835 = arith.select %gt3A_1832, %select_n3A_1789, %select_n3A_1830 : vector<16xi1>, vector<16xi32>
      %select_n3A_1836 = arith.select %gt3A_1832, %select_n3A_1830, %select_n3A_1789 : vector<16xi1>, vector<16xi32>
      %gt3A_1837 = arith.cmpf ogt, %min3A_1834, %max3A_1791 : vector<16xf32>
      %max3A_1838 = arith.maximumf %max3A_1791, %min3A_1834 : vector<16xf32>
      %min3A_1839 = arith.minimumf %max3A_1791, %min3A_1834 : vector<16xf32>
      %select_n3A_1840 = arith.select %gt3A_1837, %select_n3A_1794, %select_n3A_1835 : vector<16xi1>, vector<16xi32>
      %select_n3A_1841 = arith.select %gt3A_1837, %select_n3A_1835, %select_n3A_1794 : vector<16xi1>, vector<16xi32>
      %get3A_1842 = arith.constant 39 : i32
      %get3A_1843 = arith.index_cast %get3A_1842 : i32 to index
      %get3A_1844 = arith.index_cast %mul3A_10 : i32 to index
      %get3A_1845 = tpu.vector_load %arg5[%get3A_1843, %get3A_1844] {strides = array<i32>} : memref<64x512xf32, #tpu.memory_space<vmem>>, vector<1x16xf32>,
      %get3A_1846 = vector.shape_cast %get3A_1845 : vector<1x16xf32> to vector<16xf32>
      %broadcast_in_dim3A_1847 = arith.constant 39 : i32
      %broadcast_in_dim3A_1848 = vector.broadcast %broadcast_in_dim3A_1847 : i32 to vector<16xi32>
      %gt3A_1849 = arith.cmpf ogt, %get3A_1846, %max3A_1803 : vector<16xf32>
      %max3A_1850 = arith.maximumf %max3A_1803, %get3A_1846 : vector<16xf32>
      %min3A_1851 = arith.minimumf %max3A_1803, %get3A_1846 : vector<16xf32>
      %select_n3A_1852 = arith.select %gt3A_1849, %select_n3A_1806, %broadcast_in_dim3A_1848 : vector<16xi1>, vector<16xi32>
      %select_n3A_1853 = arith.select %gt3A_1849, %broadcast_in_dim3A_1848, %select_n3A_1806 : vector<16xi1>, vector<16xi32>
      %gt3A_1854 = arith.cmpf ogt, %min3A_1851, %max3A_1808 : vector<16xf32>
      %max3A_1855 = arith.maximumf %max3A_1808, %min3A_1851 : vector<16xf32>
      %min3A_1856 = arith.minimumf %max3A_1808, %min3A_1851 : vector<16xf32>
      %select_n3A_1857 = arith.select %gt3A_1854, %select_n3A_1811, %select_n3A_1852 : vector<16xi1>, vector<16xi32>
      %select_n3A_1858 = arith.select %gt3A_1854, %select_n3A_1852, %select_n3A_1811 : vector<16xi1>, vector<16xi32>
      %gt3A_1859 = arith.cmpf ogt, %min3A_1856, %max3A_1813 : vector<16xf32>
      %max3A_1860 = arith.maximumf %max3A_1813, %min3A_1856 : vector<16xf32>
      %min3A_1861 = arith.minimumf %max3A_1813, %min3A_1856 : vector<16xf32>
      %select_n3A_1862 = arith.select %gt3A_1859, %select_n3A_1816, %select_n3A_1857 : vector<16xi1>, vector<16xi32>
      %select_n3A_1863 = arith.select %gt3A_1859, %select_n3A_1857, %select_n3A_1816 : vector<16xi1>, vector<16xi32>
      %gt3A_1864 = arith.cmpf ogt, %min3A_1861, %max3A_1818 : vector<16xf32>
      %max3A_1865 = arith.maximumf %max3A_1818, %min3A_1861 : vector<16xf32>
      %min3A_1866 = arith.minimumf %max3A_1818, %min3A_1861 : vector<16xf32>
      %select_n3A_1867 = arith.select %gt3A_1864, %select_n3A_1821, %select_n3A_1862 : vector<16xi1>, vector<16xi32>
      %select_n3A_1868 = arith.select %gt3A_1864, %select_n3A_1862, %select_n3A_1821 : vector<16xi1>, vector<16xi32>
      %gt3A_1869 = arith.cmpf ogt, %min3A_1866, %max3A_1823 : vector<16xf32>
      %max3A_1870 = arith.maximumf %max3A_1823, %min3A_1866 : vector<16xf32>
      %min3A_1871 = arith.minimumf %max3A_1823, %min3A_1866 : vector<16xf32>
      %select_n3A_1872 = arith.select %gt3A_1869, %select_n3A_1826, %select_n3A_1867 : vector<16xi1>, vector<16xi32>
      %select_n3A_1873 = arith.select %gt3A_1869, %select_n3A_1867, %select_n3A_1826 : vector<16xi1>, vector<16xi32>
      %gt3A_1874 = arith.cmpf ogt, %min3A_1871, %max3A_1828 : vector<16xf32>
      %max3A_1875 = arith.maximumf %max3A_1828, %min3A_1871 : vector<16xf32>
      %min3A_1876 = arith.minimumf %max3A_1828, %min3A_1871 : vector<16xf32>
      %select_n3A_1877 = arith.select %gt3A_1874, %select_n3A_1831, %select_n3A_1872 : vector<16xi1>, vector<16xi32>
      %select_n3A_1878 = arith.select %gt3A_1874, %select_n3A_1872, %select_n3A_1831 : vector<16xi1>, vector<16xi32>
      %gt3A_1879 = arith.cmpf ogt, %min3A_1876, %max3A_1833 : vector<16xf32>
      %max3A_1880 = arith.maximumf %max3A_1833, %min3A_1876 : vector<16xf32>
      %min3A_1881 = arith.minimumf %max3A_1833, %min3A_1876 : vector<16xf32>
      %select_n3A_1882 = arith.select %gt3A_1879, %select_n3A_1836, %select_n3A_1877 : vector<16xi1>, vector<16xi32>
      %select_n3A_1883 = arith.select %gt3A_1879, %select_n3A_1877, %select_n3A_1836 : vector<16xi1>, vector<16xi32>
      %gt3A_1884 = arith.cmpf ogt, %min3A_1881, %max3A_1838 : vector<16xf32>
      %max3A_1885 = arith.maximumf %max3A_1838, %min3A_1881 : vector<16xf32>
      %min3A_1886 = arith.minimumf %max3A_1838, %min3A_1881 : vector<16xf32>
      %select_n3A_1887 = arith.select %gt3A_1884, %select_n3A_1841, %select_n3A_1882 : vector<16xi1>, vector<16xi32>
      %select_n3A_1888 = arith.select %gt3A_1884, %select_n3A_1882, %select_n3A_1841 : vector<16xi1>, vector<16xi32>
      %get3A_1889 = arith.constant 40 : i32
      %get3A_1890 = arith.index_cast %get3A_1889 : i32 to index
      %get3A_1891 = arith.index_cast %mul3A_10 : i32 to index
      %get3A_1892 = tpu.vector_load %arg5[%get3A_1890, %get3A_1891] {strides = array<i32>} : memref<64x512xf32, #tpu.memory_space<vmem>>, vector<1x16xf32>,
      %get3A_1893 = vector.shape_cast %get3A_1892 : vector<1x16xf32> to vector<16xf32>
      %broadcast_in_dim3A_1894 = arith.constant 40 : i32
      %broadcast_in_dim3A_1895 = vector.broadcast %broadcast_in_dim3A_1894 : i32 to vector<16xi32>
      %gt3A_1896 = arith.cmpf ogt, %get3A_1893, %max3A_1850 : vector<16xf32>
      %max3A_1897 = arith.maximumf %max3A_1850, %get3A_1893 : vector<16xf32>
      %min3A_1898 = arith.minimumf %max3A_1850, %get3A_1893 : vector<16xf32>
      %select_n3A_1899 = arith.select %gt3A_1896, %select_n3A_1853, %broadcast_in_dim3A_1895 : vector<16xi1>, vector<16xi32>
      %select_n3A_1900 = arith.select %gt3A_1896, %broadcast_in_dim3A_1895, %select_n3A_1853 : vector<16xi1>, vector<16xi32>
      %gt3A_1901 = arith.cmpf ogt, %min3A_1898, %max3A_1855 : vector<16xf32>
      %max3A_1902 = arith.maximumf %max3A_1855, %min3A_1898 : vector<16xf32>
      %min3A_1903 = arith.minimumf %max3A_1855, %min3A_1898 : vector<16xf32>
      %select_n3A_1904 = arith.select %gt3A_1901, %select_n3A_1858, %select_n3A_1899 : vector<16xi1>, vector<16xi32>
      %select_n3A_1905 = arith.select %gt3A_1901, %select_n3A_1899, %select_n3A_1858 : vector<16xi1>, vector<16xi32>
      %gt3A_1906 = arith.cmpf ogt, %min3A_1903, %max3A_1860 : vector<16xf32>
      %max3A_1907 = arith.maximumf %max3A_1860, %min3A_1903 : vector<16xf32>
      %min3A_1908 = arith.minimumf %max3A_1860, %min3A_1903 : vector<16xf32>
      %select_n3A_1909 = arith.select %gt3A_1906, %select_n3A_1863, %select_n3A_1904 : vector<16xi1>, vector<16xi32>
      %select_n3A_1910 = arith.select %gt3A_1906, %select_n3A_1904, %select_n3A_1863 : vector<16xi1>, vector<16xi32>
      %gt3A_1911 = arith.cmpf ogt, %min3A_1908, %max3A_1865 : vector<16xf32>
      %max3A_1912 = arith.maximumf %max3A_1865, %min3A_1908 : vector<16xf32>
      %min3A_1913 = arith.minimumf %max3A_1865, %min3A_1908 : vector<16xf32>
      %select_n3A_1914 = arith.select %gt3A_1911, %select_n3A_1868, %select_n3A_1909 : vector<16xi1>, vector<16xi32>
      %select_n3A_1915 = arith.select %gt3A_1911, %select_n3A_1909, %select_n3A_1868 : vector<16xi1>, vector<16xi32>
      %gt3A_1916 = arith.cmpf ogt, %min3A_1913, %max3A_1870 : vector<16xf32>
      %max3A_1917 = arith.maximumf %max3A_1870, %min3A_1913 : vector<16xf32>
      %min3A_1918 = arith.minimumf %max3A_1870, %min3A_1913 : vector<16xf32>
      %select_n3A_1919 = arith.select %gt3A_1916, %select_n3A_1873, %select_n3A_1914 : vector<16xi1>, vector<16xi32>
      %select_n3A_1920 = arith.select %gt3A_1916, %select_n3A_1914, %select_n3A_1873 : vector<16xi1>, vector<16xi32>
      %gt3A_1921 = arith.cmpf ogt, %min3A_1918, %max3A_1875 : vector<16xf32>
      %max3A_1922 = arith.maximumf %max3A_1875, %min3A_1918 : vector<16xf32>
      %min3A_1923 = arith.minimumf %max3A_1875, %min3A_1918 : vector<16xf32>
      %select_n3A_1924 = arith.select %gt3A_1921, %select_n3A_1878, %select_n3A_1919 : vector<16xi1>, vector<16xi32>
      %select_n3A_1925 = arith.select %gt3A_1921, %select_n3A_1919, %select_n3A_1878 : vector<16xi1>, vector<16xi32>
      %gt3A_1926 = arith.cmpf ogt, %min3A_1923, %max3A_1880 : vector<16xf32>
      %max3A_1927 = arith.maximumf %max3A_1880, %min3A_1923 : vector<16xf32>
      %min3A_1928 = arith.minimumf %max3A_1880, %min3A_1923 : vector<16xf32>
      %select_n3A_1929 = arith.select %gt3A_1926, %select_n3A_1883, %select_n3A_1924 : vector<16xi1>, vector<16xi32>
      %select_n3A_1930 = arith.select %gt3A_1926, %select_n3A_1924, %select_n3A_1883 : vector<16xi1>, vector<16xi32>
      %gt3A_1931 = arith.cmpf ogt, %min3A_1928, %max3A_1885 : vector<16xf32>
      %max3A_1932 = arith.maximumf %max3A_1885, %min3A_1928 : vector<16xf32>
      %min3A_1933 = arith.minimumf %max3A_1885, %min3A_1928 : vector<16xf32>
      %select_n3A_1934 = arith.select %gt3A_1931, %select_n3A_1888, %select_n3A_1929 : vector<16xi1>, vector<16xi32>
      %select_n3A_1935 = arith.select %gt3A_1931, %select_n3A_1929, %select_n3A_1888 : vector<16xi1>, vector<16xi32>
      %get3A_1936 = arith.constant 41 : i32
      %get3A_1937 = arith.index_cast %get3A_1936 : i32 to index
      %get3A_1938 = arith.index_cast %mul3A_10 : i32 to index
      %get3A_1939 = tpu.vector_load %arg5[%get3A_1937, %get3A_1938] {strides = array<i32>} : memref<64x512xf32, #tpu.memory_space<vmem>>, vector<1x16xf32>,
      %get3A_1940 = vector.shape_cast %get3A_1939 : vector<1x16xf32> to vector<16xf32>
      %broadcast_in_dim3A_1941 = arith.constant 41 : i32
      %broadcast_in_dim3A_1942 = vector.broadcast %broadcast_in_dim3A_1941 : i32 to vector<16xi32>
      %gt3A_1943 = arith.cmpf ogt, %get3A_1940, %max3A_1897 : vector<16xf32>
      %max3A_1944 = arith.maximumf %max3A_1897, %get3A_1940 : vector<16xf32>
      %min3A_1945 = arith.minimumf %max3A_1897, %get3A_1940 : vector<16xf32>
      %select_n3A_1946 = arith.select %gt3A_1943, %select_n3A_1900, %broadcast_in_dim3A_1942 : vector<16xi1>, vector<16xi32>
      %select_n3A_1947 = arith.select %gt3A_1943, %broadcast_in_dim3A_1942, %select_n3A_1900 : vector<16xi1>, vector<16xi32>
      %gt3A_1948 = arith.cmpf ogt, %min3A_1945, %max3A_1902 : vector<16xf32>
      %max3A_1949 = arith.maximumf %max3A_1902, %min3A_1945 : vector<16xf32>
      %min3A_1950 = arith.minimumf %max3A_1902, %min3A_1945 : vector<16xf32>
      %select_n3A_1951 = arith.select %gt3A_1948, %select_n3A_1905, %select_n3A_1946 : vector<16xi1>, vector<16xi32>
      %select_n3A_1952 = arith.select %gt3A_1948, %select_n3A_1946, %select_n3A_1905 : vector<16xi1>, vector<16xi32>
      %gt3A_1953 = arith.cmpf ogt, %min3A_1950, %max3A_1907 : vector<16xf32>
      %max3A_1954 = arith.maximumf %max3A_1907, %min3A_1950 : vector<16xf32>
      %min3A_1955 = arith.minimumf %max3A_1907, %min3A_1950 : vector<16xf32>
      %select_n3A_1956 = arith.select %gt3A_1953, %select_n3A_1910, %select_n3A_1951 : vector<16xi1>, vector<16xi32>
      %select_n3A_1957 = arith.select %gt3A_1953, %select_n3A_1951, %select_n3A_1910 : vector<16xi1>, vector<16xi32>
      %gt3A_1958 = arith.cmpf ogt, %min3A_1955, %max3A_1912 : vector<16xf32>
      %max3A_1959 = arith.maximumf %max3A_1912, %min3A_1955 : vector<16xf32>
      %min3A_1960 = arith.minimumf %max3A_1912, %min3A_1955 : vector<16xf32>
      %select_n3A_1961 = arith.select %gt3A_1958, %select_n3A_1915, %select_n3A_1956 : vector<16xi1>, vector<16xi32>
      %select_n3A_1962 = arith.select %gt3A_1958, %select_n3A_1956, %select_n3A_1915 : vector<16xi1>, vector<16xi32>
      %gt3A_1963 = arith.cmpf ogt, %min3A_1960, %max3A_1917 : vector<16xf32>
      %max3A_1964 = arith.maximumf %max3A_1917, %min3A_1960 : vector<16xf32>
      %min3A_1965 = arith.minimumf %max3A_1917, %min3A_1960 : vector<16xf32>
      %select_n3A_1966 = arith.select %gt3A_1963, %select_n3A_1920, %select_n3A_1961 : vector<16xi1>, vector<16xi32>
      %select_n3A_1967 = arith.select %gt3A_1963, %select_n3A_1961, %select_n3A_1920 : vector<16xi1>, vector<16xi32>
      %gt3A_1968 = arith.cmpf ogt, %min3A_1965, %max3A_1922 : vector<16xf32>
      %max3A_1969 = arith.maximumf %max3A_1922, %min3A_1965 : vector<16xf32>
      %min3A_1970 = arith.minimumf %max3A_1922, %min3A_1965 : vector<16xf32>
      %select_n3A_1971 = arith.select %gt3A_1968, %select_n3A_1925, %select_n3A_1966 : vector<16xi1>, vector<16xi32>
      %select_n3A_1972 = arith.select %gt3A_1968, %select_n3A_1966, %select_n3A_1925 : vector<16xi1>, vector<16xi32>
      %gt3A_1973 = arith.cmpf ogt, %min3A_1970, %max3A_1927 : vector<16xf32>
      %max3A_1974 = arith.maximumf %max3A_1927, %min3A_1970 : vector<16xf32>
      %min3A_1975 = arith.minimumf %max3A_1927, %min3A_1970 : vector<16xf32>
      %select_n3A_1976 = arith.select %gt3A_1973, %select_n3A_1930, %select_n3A_1971 : vector<16xi1>, vector<16xi32>
      %select_n3A_1977 = arith.select %gt3A_1973, %select_n3A_1971, %select_n3A_1930 : vector<16xi1>, vector<16xi32>
      %gt3A_1978 = arith.cmpf ogt, %min3A_1975, %max3A_1932 : vector<16xf32>
      %max3A_1979 = arith.maximumf %max3A_1932, %min3A_1975 : vector<16xf32>
      %min3A_1980 = arith.minimumf %max3A_1932, %min3A_1975 : vector<16xf32>
      %select_n3A_1981 = arith.select %gt3A_1978, %select_n3A_1935, %select_n3A_1976 : vector<16xi1>, vector<16xi32>
      %select_n3A_1982 = arith.select %gt3A_1978, %select_n3A_1976, %select_n3A_1935 : vector<16xi1>, vector<16xi32>
      %get3A_1983 = arith.constant 42 : i32
      %get3A_1984 = arith.index_cast %get3A_1983 : i32 to index
      %get3A_1985 = arith.index_cast %mul3A_10 : i32 to index
      %get3A_1986 = tpu.vector_load %arg5[%get3A_1984, %get3A_1985] {strides = array<i32>} : memref<64x512xf32, #tpu.memory_space<vmem>>, vector<1x16xf32>,
      %get3A_1987 = vector.shape_cast %get3A_1986 : vector<1x16xf32> to vector<16xf32>
      %broadcast_in_dim3A_1988 = arith.constant 42 : i32
      %broadcast_in_dim3A_1989 = vector.broadcast %broadcast_in_dim3A_1988 : i32 to vector<16xi32>
      %gt3A_1990 = arith.cmpf ogt, %get3A_1987, %max3A_1944 : vector<16xf32>
      %max3A_1991 = arith.maximumf %max3A_1944, %get3A_1987 : vector<16xf32>
      %min3A_1992 = arith.minimumf %max3A_1944, %get3A_1987 : vector<16xf32>
      %select_n3A_1993 = arith.select %gt3A_1990, %select_n3A_1947, %broadcast_in_dim3A_1989 : vector<16xi1>, vector<16xi32>
      %select_n3A_1994 = arith.select %gt3A_1990, %broadcast_in_dim3A_1989, %select_n3A_1947 : vector<16xi1>, vector<16xi32>
      %gt3A_1995 = arith.cmpf ogt, %min3A_1992, %max3A_1949 : vector<16xf32>
      %max3A_1996 = arith.maximumf %max3A_1949, %min3A_1992 : vector<16xf32>
      %min3A_1997 = arith.minimumf %max3A_1949, %min3A_1992 : vector<16xf32>
      %select_n3A_1998 = arith.select %gt3A_1995, %select_n3A_1952, %select_n3A_1993 : vector<16xi1>, vector<16xi32>
      %select_n3A_1999 = arith.select %gt3A_1995, %select_n3A_1993, %select_n3A_1952 : vector<16xi1>, vector<16xi32>
      %gt3A_2000 = arith.cmpf ogt, %min3A_1997, %max3A_1954 : vector<16xf32>
      %max3A_2001 = arith.maximumf %max3A_1954, %min3A_1997 : vector<16xf32>
      %min3A_2002 = arith.minimumf %max3A_1954, %min3A_1997 : vector<16xf32>
      %select_n3A_2003 = arith.select %gt3A_2000, %select_n3A_1957, %select_n3A_1998 : vector<16xi1>, vector<16xi32>
      %select_n3A_2004 = arith.select %gt3A_2000, %select_n3A_1998, %select_n3A_1957 : vector<16xi1>, vector<16xi32>
      %gt3A_2005 = arith.cmpf ogt, %min3A_2002, %max3A_1959 : vector<16xf32>
      %max3A_2006 = arith.maximumf %max3A_1959, %min3A_2002 : vector<16xf32>
      %min3A_2007 = arith.minimumf %max3A_1959, %min3A_2002 : vector<16xf32>
      %select_n3A_2008 = arith.select %gt3A_2005, %select_n3A_1962, %select_n3A_2003 : vector<16xi1>, vector<16xi32>
      %select_n3A_2009 = arith.select %gt3A_2005, %select_n3A_2003, %select_n3A_1962 : vector<16xi1>, vector<16xi32>
      %gt3A_2010 = arith.cmpf ogt, %min3A_2007, %max3A_1964 : vector<16xf32>
      %max3A_2011 = arith.maximumf %max3A_1964, %min3A_2007 : vector<16xf32>
      %min3A_2012 = arith.minimumf %max3A_1964, %min3A_2007 : vector<16xf32>
      %select_n3A_2013 = arith.select %gt3A_2010, %select_n3A_1967, %select_n3A_2008 : vector<16xi1>, vector<16xi32>
      %select_n3A_2014 = arith.select %gt3A_2010, %select_n3A_2008, %select_n3A_1967 : vector<16xi1>, vector<16xi32>
      %gt3A_2015 = arith.cmpf ogt, %min3A_2012, %max3A_1969 : vector<16xf32>
      %max3A_2016 = arith.maximumf %max3A_1969, %min3A_2012 : vector<16xf32>
      %min3A_2017 = arith.minimumf %max3A_1969, %min3A_2012 : vector<16xf32>
      %select_n3A_2018 = arith.select %gt3A_2015, %select_n3A_1972, %select_n3A_2013 : vector<16xi1>, vector<16xi32>
      %select_n3A_2019 = arith.select %gt3A_2015, %select_n3A_2013, %select_n3A_1972 : vector<16xi1>, vector<16xi32>
      %gt3A_2020 = arith.cmpf ogt, %min3A_2017, %max3A_1974 : vector<16xf32>
      %max3A_2021 = arith.maximumf %max3A_1974, %min3A_2017 : vector<16xf32>
      %min3A_2022 = arith.minimumf %max3A_1974, %min3A_2017 : vector<16xf32>
      %select_n3A_2023 = arith.select %gt3A_2020, %select_n3A_1977, %select_n3A_2018 : vector<16xi1>, vector<16xi32>
      %select_n3A_2024 = arith.select %gt3A_2020, %select_n3A_2018, %select_n3A_1977 : vector<16xi1>, vector<16xi32>
      %gt3A_2025 = arith.cmpf ogt, %min3A_2022, %max3A_1979 : vector<16xf32>
      %max3A_2026 = arith.maximumf %max3A_1979, %min3A_2022 : vector<16xf32>
      %min3A_2027 = arith.minimumf %max3A_1979, %min3A_2022 : vector<16xf32>
      %select_n3A_2028 = arith.select %gt3A_2025, %select_n3A_1982, %select_n3A_2023 : vector<16xi1>, vector<16xi32>
      %select_n3A_2029 = arith.select %gt3A_2025, %select_n3A_2023, %select_n3A_1982 : vector<16xi1>, vector<16xi32>
      %get3A_2030 = arith.constant 43 : i32
      %get3A_2031 = arith.index_cast %get3A_2030 : i32 to index
      %get3A_2032 = arith.index_cast %mul3A_10 : i32 to index
      %get3A_2033 = tpu.vector_load %arg5[%get3A_2031, %get3A_2032] {strides = array<i32>} : memref<64x512xf32, #tpu.memory_space<vmem>>, vector<1x16xf32>,
      %get3A_2034 = vector.shape_cast %get3A_2033 : vector<1x16xf32> to vector<16xf32>
      %broadcast_in_dim3A_2035 = arith.constant 43 : i32
      %broadcast_in_dim3A_2036 = vector.broadcast %broadcast_in_dim3A_2035 : i32 to vector<16xi32>
      %gt3A_2037 = arith.cmpf ogt, %get3A_2034, %max3A_1991 : vector<16xf32>
      %max3A_2038 = arith.maximumf %max3A_1991, %get3A_2034 : vector<16xf32>
      %min3A_2039 = arith.minimumf %max3A_1991, %get3A_2034 : vector<16xf32>
      %select_n3A_2040 = arith.select %gt3A_2037, %select_n3A_1994, %broadcast_in_dim3A_2036 : vector<16xi1>, vector<16xi32>
      %select_n3A_2041 = arith.select %gt3A_2037, %broadcast_in_dim3A_2036, %select_n3A_1994 : vector<16xi1>, vector<16xi32>
      %gt3A_2042 = arith.cmpf ogt, %min3A_2039, %max3A_1996 : vector<16xf32>
      %max3A_2043 = arith.maximumf %max3A_1996, %min3A_2039 : vector<16xf32>
      %min3A_2044 = arith.minimumf %max3A_1996, %min3A_2039 : vector<16xf32>
      %select_n3A_2045 = arith.select %gt3A_2042, %select_n3A_1999, %select_n3A_2040 : vector<16xi1>, vector<16xi32>
      %select_n3A_2046 = arith.select %gt3A_2042, %select_n3A_2040, %select_n3A_1999 : vector<16xi1>, vector<16xi32>
      %gt3A_2047 = arith.cmpf ogt, %min3A_2044, %max3A_2001 : vector<16xf32>
      %max3A_2048 = arith.maximumf %max3A_2001, %min3A_2044 : vector<16xf32>
      %min3A_2049 = arith.minimumf %max3A_2001, %min3A_2044 : vector<16xf32>
      %select_n3A_2050 = arith.select %gt3A_2047, %select_n3A_2004, %select_n3A_2045 : vector<16xi1>, vector<16xi32>
      %select_n3A_2051 = arith.select %gt3A_2047, %select_n3A_2045, %select_n3A_2004 : vector<16xi1>, vector<16xi32>
      %gt3A_2052 = arith.cmpf ogt, %min3A_2049, %max3A_2006 : vector<16xf32>
      %max3A_2053 = arith.maximumf %max3A_2006, %min3A_2049 : vector<16xf32>
      %min3A_2054 = arith.minimumf %max3A_2006, %min3A_2049 : vector<16xf32>
      %select_n3A_2055 = arith.select %gt3A_2052, %select_n3A_2009, %select_n3A_2050 : vector<16xi1>, vector<16xi32>
      %select_n3A_2056 = arith.select %gt3A_2052, %select_n3A_2050, %select_n3A_2009 : vector<16xi1>, vector<16xi32>
      %gt3A_2057 = arith.cmpf ogt, %min3A_2054, %max3A_2011 : vector<16xf32>
      %max3A_2058 = arith.maximumf %max3A_2011, %min3A_2054 : vector<16xf32>
      %min3A_2059 = arith.minimumf %max3A_2011, %min3A_2054 : vector<16xf32>
      %select_n3A_2060 = arith.select %gt3A_2057, %select_n3A_2014, %select_n3A_2055 : vector<16xi1>, vector<16xi32>
      %select_n3A_2061 = arith.select %gt3A_2057, %select_n3A_2055, %select_n3A_2014 : vector<16xi1>, vector<16xi32>
      %gt3A_2062 = arith.cmpf ogt, %min3A_2059, %max3A_2016 : vector<16xf32>
      %max3A_2063 = arith.maximumf %max3A_2016, %min3A_2059 : vector<16xf32>
      %min3A_2064 = arith.minimumf %max3A_2016, %min3A_2059 : vector<16xf32>
      %select_n3A_2065 = arith.select %gt3A_2062, %select_n3A_2019, %select_n3A_2060 : vector<16xi1>, vector<16xi32>
      %select_n3A_2066 = arith.select %gt3A_2062, %select_n3A_2060, %select_n3A_2019 : vector<16xi1>, vector<16xi32>
      %gt3A_2067 = arith.cmpf ogt, %min3A_2064, %max3A_2021 : vector<16xf32>
      %max3A_2068 = arith.maximumf %max3A_2021, %min3A_2064 : vector<16xf32>
      %min3A_2069 = arith.minimumf %max3A_2021, %min3A_2064 : vector<16xf32>
      %select_n3A_2070 = arith.select %gt3A_2067, %select_n3A_2024, %select_n3A_2065 : vector<16xi1>, vector<16xi32>
      %select_n3A_2071 = arith.select %gt3A_2067, %select_n3A_2065, %select_n3A_2024 : vector<16xi1>, vector<16xi32>
      %gt3A_2072 = arith.cmpf ogt, %min3A_2069, %max3A_2026 : vector<16xf32>
      %max3A_2073 = arith.maximumf %max3A_2026, %min3A_2069 : vector<16xf32>
      %min3A_2074 = arith.minimumf %max3A_2026, %min3A_2069 : vector<16xf32>
      %select_n3A_2075 = arith.select %gt3A_2072, %select_n3A_2029, %select_n3A_2070 : vector<16xi1>, vector<16xi32>
      %select_n3A_2076 = arith.select %gt3A_2072, %select_n3A_2070, %select_n3A_2029 : vector<16xi1>, vector<16xi32>
      %get3A_2077 = arith.constant 44 : i32
      %get3A_2078 = arith.index_cast %get3A_2077 : i32 to index
      %get3A_2079 = arith.index_cast %mul3A_10 : i32 to index
      %get3A_2080 = tpu.vector_load %arg5[%get3A_2078, %get3A_2079] {strides = array<i32>} : memref<64x512xf32, #tpu.memory_space<vmem>>, vector<1x16xf32>,
      %get3A_2081 = vector.shape_cast %get3A_2080 : vector<1x16xf32> to vector<16xf32>
      %broadcast_in_dim3A_2082 = arith.constant 44 : i32
      %broadcast_in_dim3A_2083 = vector.broadcast %broadcast_in_dim3A_2082 : i32 to vector<16xi32>
      %gt3A_2084 = arith.cmpf ogt, %get3A_2081, %max3A_2038 : vector<16xf32>
      %max3A_2085 = arith.maximumf %max3A_2038, %get3A_2081 : vector<16xf32>
      %min3A_2086 = arith.minimumf %max3A_2038, %get3A_2081 : vector<16xf32>
      %select_n3A_2087 = arith.select %gt3A_2084, %select_n3A_2041, %broadcast_in_dim3A_2083 : vector<16xi1>, vector<16xi32>
      %select_n3A_2088 = arith.select %gt3A_2084, %broadcast_in_dim3A_2083, %select_n3A_2041 : vector<16xi1>, vector<16xi32>
      %gt3A_2089 = arith.cmpf ogt, %min3A_2086, %max3A_2043 : vector<16xf32>
      %max3A_2090 = arith.maximumf %max3A_2043, %min3A_2086 : vector<16xf32>
      %min3A_2091 = arith.minimumf %max3A_2043, %min3A_2086 : vector<16xf32>
      %select_n3A_2092 = arith.select %gt3A_2089, %select_n3A_2046, %select_n3A_2087 : vector<16xi1>, vector<16xi32>
      %select_n3A_2093 = arith.select %gt3A_2089, %select_n3A_2087, %select_n3A_2046 : vector<16xi1>, vector<16xi32>
      %gt3A_2094 = arith.cmpf ogt, %min3A_2091, %max3A_2048 : vector<16xf32>
      %max3A_2095 = arith.maximumf %max3A_2048, %min3A_2091 : vector<16xf32>
      %min3A_2096 = arith.minimumf %max3A_2048, %min3A_2091 : vector<16xf32>
      %select_n3A_2097 = arith.select %gt3A_2094, %select_n3A_2051, %select_n3A_2092 : vector<16xi1>, vector<16xi32>
      %select_n3A_2098 = arith.select %gt3A_2094, %select_n3A_2092, %select_n3A_2051 : vector<16xi1>, vector<16xi32>
      %gt3A_2099 = arith.cmpf ogt, %min3A_2096, %max3A_2053 : vector<16xf32>
      %max3A_2100 = arith.maximumf %max3A_2053, %min3A_2096 : vector<16xf32>
      %min3A_2101 = arith.minimumf %max3A_2053, %min3A_2096 : vector<16xf32>
      %select_n3A_2102 = arith.select %gt3A_2099, %select_n3A_2056, %select_n3A_2097 : vector<16xi1>, vector<16xi32>
      %select_n3A_2103 = arith.select %gt3A_2099, %select_n3A_2097, %select_n3A_2056 : vector<16xi1>, vector<16xi32>
      %gt3A_2104 = arith.cmpf ogt, %min3A_2101, %max3A_2058 : vector<16xf32>
      %max3A_2105 = arith.maximumf %max3A_2058, %min3A_2101 : vector<16xf32>
      %min3A_2106 = arith.minimumf %max3A_2058, %min3A_2101 : vector<16xf32>
      %select_n3A_2107 = arith.select %gt3A_2104, %select_n3A_2061, %select_n3A_2102 : vector<16xi1>, vector<16xi32>
      %select_n3A_2108 = arith.select %gt3A_2104, %select_n3A_2102, %select_n3A_2061 : vector<16xi1>, vector<16xi32>
      %gt3A_2109 = arith.cmpf ogt, %min3A_2106, %max3A_2063 : vector<16xf32>
      %max3A_2110 = arith.maximumf %max3A_2063, %min3A_2106 : vector<16xf32>
      %min3A_2111 = arith.minimumf %max3A_2063, %min3A_2106 : vector<16xf32>
      %select_n3A_2112 = arith.select %gt3A_2109, %select_n3A_2066, %select_n3A_2107 : vector<16xi1>, vector<16xi32>
      %select_n3A_2113 = arith.select %gt3A_2109, %select_n3A_2107, %select_n3A_2066 : vector<16xi1>, vector<16xi32>
      %gt3A_2114 = arith.cmpf ogt, %min3A_2111, %max3A_2068 : vector<16xf32>
      %max3A_2115 = arith.maximumf %max3A_2068, %min3A_2111 : vector<16xf32>
      %min3A_2116 = arith.minimumf %max3A_2068, %min3A_2111 : vector<16xf32>
      %select_n3A_2117 = arith.select %gt3A_2114, %select_n3A_2071, %select_n3A_2112 : vector<16xi1>, vector<16xi32>
      %select_n3A_2118 = arith.select %gt3A_2114, %select_n3A_2112, %select_n3A_2071 : vector<16xi1>, vector<16xi32>
      %gt3A_2119 = arith.cmpf ogt, %min3A_2116, %max3A_2073 : vector<16xf32>
      %max3A_2120 = arith.maximumf %max3A_2073, %min3A_2116 : vector<16xf32>
      %min3A_2121 = arith.minimumf %max3A_2073, %min3A_2116 : vector<16xf32>
      %select_n3A_2122 = arith.select %gt3A_2119, %select_n3A_2076, %select_n3A_2117 : vector<16xi1>, vector<16xi32>
      %select_n3A_2123 = arith.select %gt3A_2119, %select_n3A_2117, %select_n3A_2076 : vector<16xi1>, vector<16xi32>
      %get3A_2124 = arith.constant 45 : i32
      %get3A_2125 = arith.index_cast %get3A_2124 : i32 to index
      %get3A_2126 = arith.index_cast %mul3A_10 : i32 to index
      %get3A_2127 = tpu.vector_load %arg5[%get3A_2125, %get3A_2126] {strides = array<i32>} : memref<64x512xf32, #tpu.memory_space<vmem>>, vector<1x16xf32>,
      %get3A_2128 = vector.shape_cast %get3A_2127 : vector<1x16xf32> to vector<16xf32>
      %broadcast_in_dim3A_2129 = arith.constant 45 : i32
      %broadcast_in_dim3A_2130 = vector.broadcast %broadcast_in_dim3A_2129 : i32 to vector<16xi32>
      %gt3A_2131 = arith.cmpf ogt, %get3A_2128, %max3A_2085 : vector<16xf32>
      %max3A_2132 = arith.maximumf %max3A_2085, %get3A_2128 : vector<16xf32>
      %min3A_2133 = arith.minimumf %max3A_2085, %get3A_2128 : vector<16xf32>
      %select_n3A_2134 = arith.select %gt3A_2131, %select_n3A_2088, %broadcast_in_dim3A_2130 : vector<16xi1>, vector<16xi32>
      %select_n3A_2135 = arith.select %gt3A_2131, %broadcast_in_dim3A_2130, %select_n3A_2088 : vector<16xi1>, vector<16xi32>
      %gt3A_2136 = arith.cmpf ogt, %min3A_2133, %max3A_2090 : vector<16xf32>
      %max3A_2137 = arith.maximumf %max3A_2090, %min3A_2133 : vector<16xf32>
      %min3A_2138 = arith.minimumf %max3A_2090, %min3A_2133 : vector<16xf32>
      %select_n3A_2139 = arith.select %gt3A_2136, %select_n3A_2093, %select_n3A_2134 : vector<16xi1>, vector<16xi32>
      %select_n3A_2140 = arith.select %gt3A_2136, %select_n3A_2134, %select_n3A_2093 : vector<16xi1>, vector<16xi32>
      %gt3A_2141 = arith.cmpf ogt, %min3A_2138, %max3A_2095 : vector<16xf32>
      %max3A_2142 = arith.maximumf %max3A_2095, %min3A_2138 : vector<16xf32>
      %min3A_2143 = arith.minimumf %max3A_2095, %min3A_2138 : vector<16xf32>
      %select_n3A_2144 = arith.select %gt3A_2141, %select_n3A_2098, %select_n3A_2139 : vector<16xi1>, vector<16xi32>
      %select_n3A_2145 = arith.select %gt3A_2141, %select_n3A_2139, %select_n3A_2098 : vector<16xi1>, vector<16xi32>
      %gt3A_2146 = arith.cmpf ogt, %min3A_2143, %max3A_2100 : vector<16xf32>
      %max3A_2147 = arith.maximumf %max3A_2100, %min3A_2143 : vector<16xf32>
      %min3A_2148 = arith.minimumf %max3A_2100, %min3A_2143 : vector<16xf32>
      %select_n3A_2149 = arith.select %gt3A_2146, %select_n3A_2103, %select_n3A_2144 : vector<16xi1>, vector<16xi32>
      %select_n3A_2150 = arith.select %gt3A_2146, %select_n3A_2144, %select_n3A_2103 : vector<16xi1>, vector<16xi32>
      %gt3A_2151 = arith.cmpf ogt, %min3A_2148, %max3A_2105 : vector<16xf32>
      %max3A_2152 = arith.maximumf %max3A_2105, %min3A_2148 : vector<16xf32>
      %min3A_2153 = arith.minimumf %max3A_2105, %min3A_2148 : vector<16xf32>
      %select_n3A_2154 = arith.select %gt3A_2151, %select_n3A_2108, %select_n3A_2149 : vector<16xi1>, vector<16xi32>
      %select_n3A_2155 = arith.select %gt3A_2151, %select_n3A_2149, %select_n3A_2108 : vector<16xi1>, vector<16xi32>
      %gt3A_2156 = arith.cmpf ogt, %min3A_2153, %max3A_2110 : vector<16xf32>
      %max3A_2157 = arith.maximumf %max3A_2110, %min3A_2153 : vector<16xf32>
      %min3A_2158 = arith.minimumf %max3A_2110, %min3A_2153 : vector<16xf32>
      %select_n3A_2159 = arith.select %gt3A_2156, %select_n3A_2113, %select_n3A_2154 : vector<16xi1>, vector<16xi32>
      %select_n3A_2160 = arith.select %gt3A_2156, %select_n3A_2154, %select_n3A_2113 : vector<16xi1>, vector<16xi32>
      %gt3A_2161 = arith.cmpf ogt, %min3A_2158, %max3A_2115 : vector<16xf32>
      %max3A_2162 = arith.maximumf %max3A_2115, %min3A_2158 : vector<16xf32>
      %min3A_2163 = arith.minimumf %max3A_2115, %min3A_2158 : vector<16xf32>
      %select_n3A_2164 = arith.select %gt3A_2161, %select_n3A_2118, %select_n3A_2159 : vector<16xi1>, vector<16xi32>
      %select_n3A_2165 = arith.select %gt3A_2161, %select_n3A_2159, %select_n3A_2118 : vector<16xi1>, vector<16xi32>
      %gt3A_2166 = arith.cmpf ogt, %min3A_2163, %max3A_2120 : vector<16xf32>
      %max3A_2167 = arith.maximumf %max3A_2120, %min3A_2163 : vector<16xf32>
      %min3A_2168 = arith.minimumf %max3A_2120, %min3A_2163 : vector<16xf32>
      %select_n3A_2169 = arith.select %gt3A_2166, %select_n3A_2123, %select_n3A_2164 : vector<16xi1>, vector<16xi32>
      %select_n3A_2170 = arith.select %gt3A_2166, %select_n3A_2164, %select_n3A_2123 : vector<16xi1>, vector<16xi32>
      %get3A_2171 = arith.constant 46 : i32
      %get3A_2172 = arith.index_cast %get3A_2171 : i32 to index
      %get3A_2173 = arith.index_cast %mul3A_10 : i32 to index
      %get3A_2174 = tpu.vector_load %arg5[%get3A_2172, %get3A_2173] {strides = array<i32>} : memref<64x512xf32, #tpu.memory_space<vmem>>, vector<1x16xf32>,
      %get3A_2175 = vector.shape_cast %get3A_2174 : vector<1x16xf32> to vector<16xf32>
      %broadcast_in_dim3A_2176 = arith.constant 46 : i32
      %broadcast_in_dim3A_2177 = vector.broadcast %broadcast_in_dim3A_2176 : i32 to vector<16xi32>
      %gt3A_2178 = arith.cmpf ogt, %get3A_2175, %max3A_2132 : vector<16xf32>
      %max3A_2179 = arith.maximumf %max3A_2132, %get3A_2175 : vector<16xf32>
      %min3A_2180 = arith.minimumf %max3A_2132, %get3A_2175 : vector<16xf32>
      %select_n3A_2181 = arith.select %gt3A_2178, %select_n3A_2135, %broadcast_in_dim3A_2177 : vector<16xi1>, vector<16xi32>
      %select_n3A_2182 = arith.select %gt3A_2178, %broadcast_in_dim3A_2177, %select_n3A_2135 : vector<16xi1>, vector<16xi32>
      %gt3A_2183 = arith.cmpf ogt, %min3A_2180, %max3A_2137 : vector<16xf32>
      %max3A_2184 = arith.maximumf %max3A_2137, %min3A_2180 : vector<16xf32>
      %min3A_2185 = arith.minimumf %max3A_2137, %min3A_2180 : vector<16xf32>
      %select_n3A_2186 = arith.select %gt3A_2183, %select_n3A_2140, %select_n3A_2181 : vector<16xi1>, vector<16xi32>
      %select_n3A_2187 = arith.select %gt3A_2183, %select_n3A_2181, %select_n3A_2140 : vector<16xi1>, vector<16xi32>
      %gt3A_2188 = arith.cmpf ogt, %min3A_2185, %max3A_2142 : vector<16xf32>
      %max3A_2189 = arith.maximumf %max3A_2142, %min3A_2185 : vector<16xf32>
      %min3A_2190 = arith.minimumf %max3A_2142, %min3A_2185 : vector<16xf32>
      %select_n3A_2191 = arith.select %gt3A_2188, %select_n3A_2145, %select_n3A_2186 : vector<16xi1>, vector<16xi32>
      %select_n3A_2192 = arith.select %gt3A_2188, %select_n3A_2186, %select_n3A_2145 : vector<16xi1>, vector<16xi32>
      %gt3A_2193 = arith.cmpf ogt, %min3A_2190, %max3A_2147 : vector<16xf32>
      %max3A_2194 = arith.maximumf %max3A_2147, %min3A_2190 : vector<16xf32>
      %min3A_2195 = arith.minimumf %max3A_2147, %min3A_2190 : vector<16xf32>
      %select_n3A_2196 = arith.select %gt3A_2193, %select_n3A_2150, %select_n3A_2191 : vector<16xi1>, vector<16xi32>
      %select_n3A_2197 = arith.select %gt3A_2193, %select_n3A_2191, %select_n3A_2150 : vector<16xi1>, vector<16xi32>
      %gt3A_2198 = arith.cmpf ogt, %min3A_2195, %max3A_2152 : vector<16xf32>
      %max3A_2199 = arith.maximumf %max3A_2152, %min3A_2195 : vector<16xf32>
      %min3A_2200 = arith.minimumf %max3A_2152, %min3A_2195 : vector<16xf32>
      %select_n3A_2201 = arith.select %gt3A_2198, %select_n3A_2155, %select_n3A_2196 : vector<16xi1>, vector<16xi32>
      %select_n3A_2202 = arith.select %gt3A_2198, %select_n3A_2196, %select_n3A_2155 : vector<16xi1>, vector<16xi32>
      %gt3A_2203 = arith.cmpf ogt, %min3A_2200, %max3A_2157 : vector<16xf32>
      %max3A_2204 = arith.maximumf %max3A_2157, %min3A_2200 : vector<16xf32>
      %min3A_2205 = arith.minimumf %max3A_2157, %min3A_2200 : vector<16xf32>
      %select_n3A_2206 = arith.select %gt3A_2203, %select_n3A_2160, %select_n3A_2201 : vector<16xi1>, vector<16xi32>
      %select_n3A_2207 = arith.select %gt3A_2203, %select_n3A_2201, %select_n3A_2160 : vector<16xi1>, vector<16xi32>
      %gt3A_2208 = arith.cmpf ogt, %min3A_2205, %max3A_2162 : vector<16xf32>
      %max3A_2209 = arith.maximumf %max3A_2162, %min3A_2205 : vector<16xf32>
      %min3A_2210 = arith.minimumf %max3A_2162, %min3A_2205 : vector<16xf32>
      %select_n3A_2211 = arith.select %gt3A_2208, %select_n3A_2165, %select_n3A_2206 : vector<16xi1>, vector<16xi32>
      %select_n3A_2212 = arith.select %gt3A_2208, %select_n3A_2206, %select_n3A_2165 : vector<16xi1>, vector<16xi32>
      %gt3A_2213 = arith.cmpf ogt, %min3A_2210, %max3A_2167 : vector<16xf32>
      %max3A_2214 = arith.maximumf %max3A_2167, %min3A_2210 : vector<16xf32>
      %min3A_2215 = arith.minimumf %max3A_2167, %min3A_2210 : vector<16xf32>
      %select_n3A_2216 = arith.select %gt3A_2213, %select_n3A_2170, %select_n3A_2211 : vector<16xi1>, vector<16xi32>
      %select_n3A_2217 = arith.select %gt3A_2213, %select_n3A_2211, %select_n3A_2170 : vector<16xi1>, vector<16xi32>
      %get3A_2218 = arith.constant 47 : i32
      %get3A_2219 = arith.index_cast %get3A_2218 : i32 to index
      %get3A_2220 = arith.index_cast %mul3A_10 : i32 to index
      %get3A_2221 = tpu.vector_load %arg5[%get3A_2219, %get3A_2220] {strides = array<i32>} : memref<64x512xf32, #tpu.memory_space<vmem>>, vector<1x16xf32>,
      %get3A_2222 = vector.shape_cast %get3A_2221 : vector<1x16xf32> to vector<16xf32>
      %broadcast_in_dim3A_2223 = arith.constant 47 : i32
      %broadcast_in_dim3A_2224 = vector.broadcast %broadcast_in_dim3A_2223 : i32 to vector<16xi32>
      %gt3A_2225 = arith.cmpf ogt, %get3A_2222, %max3A_2179 : vector<16xf32>
      %max3A_2226 = arith.maximumf %max3A_2179, %get3A_2222 : vector<16xf32>
      %min3A_2227 = arith.minimumf %max3A_2179, %get3A_2222 : vector<16xf32>
      %select_n3A_2228 = arith.select %gt3A_2225, %select_n3A_2182, %broadcast_in_dim3A_2224 : vector<16xi1>, vector<16xi32>
      %select_n3A_2229 = arith.select %gt3A_2225, %broadcast_in_dim3A_2224, %select_n3A_2182 : vector<16xi1>, vector<16xi32>
      %gt3A_2230 = arith.cmpf ogt, %min3A_2227, %max3A_2184 : vector<16xf32>
      %max3A_2231 = arith.maximumf %max3A_2184, %min3A_2227 : vector<16xf32>
      %min3A_2232 = arith.minimumf %max3A_2184, %min3A_2227 : vector<16xf32>
      %select_n3A_2233 = arith.select %gt3A_2230, %select_n3A_2187, %select_n3A_2228 : vector<16xi1>, vector<16xi32>
      %select_n3A_2234 = arith.select %gt3A_2230, %select_n3A_2228, %select_n3A_2187 : vector<16xi1>, vector<16xi32>
      %gt3A_2235 = arith.cmpf ogt, %min3A_2232, %max3A_2189 : vector<16xf32>
      %max3A_2236 = arith.maximumf %max3A_2189, %min3A_2232 : vector<16xf32>
      %min3A_2237 = arith.minimumf %max3A_2189, %min3A_2232 : vector<16xf32>
      %select_n3A_2238 = arith.select %gt3A_2235, %select_n3A_2192, %select_n3A_2233 : vector<16xi1>, vector<16xi32>
      %select_n3A_2239 = arith.select %gt3A_2235, %select_n3A_2233, %select_n3A_2192 : vector<16xi1>, vector<16xi32>
      %gt3A_2240 = arith.cmpf ogt, %min3A_2237, %max3A_2194 : vector<16xf32>
      %max3A_2241 = arith.maximumf %max3A_2194, %min3A_2237 : vector<16xf32>
      %min3A_2242 = arith.minimumf %max3A_2194, %min3A_2237 : vector<16xf32>
      %select_n3A_2243 = arith.select %gt3A_2240, %select_n3A_2197, %select_n3A_2238 : vector<16xi1>, vector<16xi32>
      %select_n3A_2244 = arith.select %gt3A_2240, %select_n3A_2238, %select_n3A_2197 : vector<16xi1>, vector<16xi32>
      %gt3A_2245 = arith.cmpf ogt, %min3A_2242, %max3A_2199 : vector<16xf32>
      %max3A_2246 = arith.maximumf %max3A_2199, %min3A_2242 : vector<16xf32>
      %min3A_2247 = arith.minimumf %max3A_2199, %min3A_2242 : vector<16xf32>
      %select_n3A_2248 = arith.select %gt3A_2245, %select_n3A_2202, %select_n3A_2243 : vector<16xi1>, vector<16xi32>
      %select_n3A_2249 = arith.select %gt3A_2245, %select_n3A_2243, %select_n3A_2202 : vector<16xi1>, vector<16xi32>
      %gt3A_2250 = arith.cmpf ogt, %min3A_2247, %max3A_2204 : vector<16xf32>
      %max3A_2251 = arith.maximumf %max3A_2204, %min3A_2247 : vector<16xf32>
      %min3A_2252 = arith.minimumf %max3A_2204, %min3A_2247 : vector<16xf32>
      %select_n3A_2253 = arith.select %gt3A_2250, %select_n3A_2207, %select_n3A_2248 : vector<16xi1>, vector<16xi32>
      %select_n3A_2254 = arith.select %gt3A_2250, %select_n3A_2248, %select_n3A_2207 : vector<16xi1>, vector<16xi32>
      %gt3A_2255 = arith.cmpf ogt, %min3A_2252, %max3A_2209 : vector<16xf32>
      %max3A_2256 = arith.maximumf %max3A_2209, %min3A_2252 : vector<16xf32>
      %min3A_2257 = arith.minimumf %max3A_2209, %min3A_2252 : vector<16xf32>
      %select_n3A_2258 = arith.select %gt3A_2255, %select_n3A_2212, %select_n3A_2253 : vector<16xi1>, vector<16xi32>
      %select_n3A_2259 = arith.select %gt3A_2255, %select_n3A_2253, %select_n3A_2212 : vector<16xi1>, vector<16xi32>
      %gt3A_2260 = arith.cmpf ogt, %min3A_2257, %max3A_2214 : vector<16xf32>
      %max3A_2261 = arith.maximumf %max3A_2214, %min3A_2257 : vector<16xf32>
      %min3A_2262 = arith.minimumf %max3A_2214, %min3A_2257 : vector<16xf32>
      %select_n3A_2263 = arith.select %gt3A_2260, %select_n3A_2217, %select_n3A_2258 : vector<16xi1>, vector<16xi32>
      %select_n3A_2264 = arith.select %gt3A_2260, %select_n3A_2258, %select_n3A_2217 : vector<16xi1>, vector<16xi32>
      %get3A_2265 = arith.constant 48 : i32
      %get3A_2266 = arith.index_cast %get3A_2265 : i32 to index
      %get3A_2267 = arith.index_cast %mul3A_10 : i32 to index
      %get3A_2268 = tpu.vector_load %arg5[%get3A_2266, %get3A_2267] {strides = array<i32>} : memref<64x512xf32, #tpu.memory_space<vmem>>, vector<1x16xf32>,
      %get3A_2269 = vector.shape_cast %get3A_2268 : vector<1x16xf32> to vector<16xf32>
      %broadcast_in_dim3A_2270 = arith.constant 48 : i32
      %broadcast_in_dim3A_2271 = vector.broadcast %broadcast_in_dim3A_2270 : i32 to vector<16xi32>
      %gt3A_2272 = arith.cmpf ogt, %get3A_2269, %max3A_2226 : vector<16xf32>
      %max3A_2273 = arith.maximumf %max3A_2226, %get3A_2269 : vector<16xf32>
      %min3A_2274 = arith.minimumf %max3A_2226, %get3A_2269 : vector<16xf32>
      %select_n3A_2275 = arith.select %gt3A_2272, %select_n3A_2229, %broadcast_in_dim3A_2271 : vector<16xi1>, vector<16xi32>
      %select_n3A_2276 = arith.select %gt3A_2272, %broadcast_in_dim3A_2271, %select_n3A_2229 : vector<16xi1>, vector<16xi32>
      %gt3A_2277 = arith.cmpf ogt, %min3A_2274, %max3A_2231 : vector<16xf32>
      %max3A_2278 = arith.maximumf %max3A_2231, %min3A_2274 : vector<16xf32>
      %min3A_2279 = arith.minimumf %max3A_2231, %min3A_2274 : vector<16xf32>
      %select_n3A_2280 = arith.select %gt3A_2277, %select_n3A_2234, %select_n3A_2275 : vector<16xi1>, vector<16xi32>
      %select_n3A_2281 = arith.select %gt3A_2277, %select_n3A_2275, %select_n3A_2234 : vector<16xi1>, vector<16xi32>
      %gt3A_2282 = arith.cmpf ogt, %min3A_2279, %max3A_2236 : vector<16xf32>
      %max3A_2283 = arith.maximumf %max3A_2236, %min3A_2279 : vector<16xf32>
      %min3A_2284 = arith.minimumf %max3A_2236, %min3A_2279 : vector<16xf32>
      %select_n3A_2285 = arith.select %gt3A_2282, %select_n3A_2239, %select_n3A_2280 : vector<16xi1>, vector<16xi32>
      %select_n3A_2286 = arith.select %gt3A_2282, %select_n3A_2280, %select_n3A_2239 : vector<16xi1>, vector<16xi32>
      %gt3A_2287 = arith.cmpf ogt, %min3A_2284, %max3A_2241 : vector<16xf32>
      %max3A_2288 = arith.maximumf %max3A_2241, %min3A_2284 : vector<16xf32>
      %min3A_2289 = arith.minimumf %max3A_2241, %min3A_2284 : vector<16xf32>
      %select_n3A_2290 = arith.select %gt3A_2287, %select_n3A_2244, %select_n3A_2285 : vector<16xi1>, vector<16xi32>
      %select_n3A_2291 = arith.select %gt3A_2287, %select_n3A_2285, %select_n3A_2244 : vector<16xi1>, vector<16xi32>
      %gt3A_2292 = arith.cmpf ogt, %min3A_2289, %max3A_2246 : vector<16xf32>
      %max3A_2293 = arith.maximumf %max3A_2246, %min3A_2289 : vector<16xf32>
      %min3A_2294 = arith.minimumf %max3A_2246, %min3A_2289 : vector<16xf32>
      %select_n3A_2295 = arith.select %gt3A_2292, %select_n3A_2249, %select_n3A_2290 : vector<16xi1>, vector<16xi32>
      %select_n3A_2296 = arith.select %gt3A_2292, %select_n3A_2290, %select_n3A_2249 : vector<16xi1>, vector<16xi32>
      %gt3A_2297 = arith.cmpf ogt, %min3A_2294, %max3A_2251 : vector<16xf32>
      %max3A_2298 = arith.maximumf %max3A_2251, %min3A_2294 : vector<16xf32>
      %min3A_2299 = arith.minimumf %max3A_2251, %min3A_2294 : vector<16xf32>
      %select_n3A_2300 = arith.select %gt3A_2297, %select_n3A_2254, %select_n3A_2295 : vector<16xi1>, vector<16xi32>
      %select_n3A_2301 = arith.select %gt3A_2297, %select_n3A_2295, %select_n3A_2254 : vector<16xi1>, vector<16xi32>
      %gt3A_2302 = arith.cmpf ogt, %min3A_2299, %max3A_2256 : vector<16xf32>
      %max3A_2303 = arith.maximumf %max3A_2256, %min3A_2299 : vector<16xf32>
      %min3A_2304 = arith.minimumf %max3A_2256, %min3A_2299 : vector<16xf32>
      %select_n3A_2305 = arith.select %gt3A_2302, %select_n3A_2259, %select_n3A_2300 : vector<16xi1>, vector<16xi32>
      %select_n3A_2306 = arith.select %gt3A_2302, %select_n3A_2300, %select_n3A_2259 : vector<16xi1>, vector<16xi32>
      %gt3A_2307 = arith.cmpf ogt, %min3A_2304, %max3A_2261 : vector<16xf32>
      %max3A_2308 = arith.maximumf %max3A_2261, %min3A_2304 : vector<16xf32>
      %min3A_2309 = arith.minimumf %max3A_2261, %min3A_2304 : vector<16xf32>
      %select_n3A_2310 = arith.select %gt3A_2307, %select_n3A_2264, %select_n3A_2305 : vector<16xi1>, vector<16xi32>
      %select_n3A_2311 = arith.select %gt3A_2307, %select_n3A_2305, %select_n3A_2264 : vector<16xi1>, vector<16xi32>
      %get3A_2312 = arith.constant 49 : i32
      %get3A_2313 = arith.index_cast %get3A_2312 : i32 to index
      %get3A_2314 = arith.index_cast %mul3A_10 : i32 to index
      %get3A_2315 = tpu.vector_load %arg5[%get3A_2313, %get3A_2314] {strides = array<i32>} : memref<64x512xf32, #tpu.memory_space<vmem>>, vector<1x16xf32>,
      %get3A_2316 = vector.shape_cast %get3A_2315 : vector<1x16xf32> to vector<16xf32>
      %broadcast_in_dim3A_2317 = arith.constant 49 : i32
      %broadcast_in_dim3A_2318 = vector.broadcast %broadcast_in_dim3A_2317 : i32 to vector<16xi32>
      %gt3A_2319 = arith.cmpf ogt, %get3A_2316, %max3A_2273 : vector<16xf32>
      %max3A_2320 = arith.maximumf %max3A_2273, %get3A_2316 : vector<16xf32>
      %min3A_2321 = arith.minimumf %max3A_2273, %get3A_2316 : vector<16xf32>
      %select_n3A_2322 = arith.select %gt3A_2319, %select_n3A_2276, %broadcast_in_dim3A_2318 : vector<16xi1>, vector<16xi32>
      %select_n3A_2323 = arith.select %gt3A_2319, %broadcast_in_dim3A_2318, %select_n3A_2276 : vector<16xi1>, vector<16xi32>
      %gt3A_2324 = arith.cmpf ogt, %min3A_2321, %max3A_2278 : vector<16xf32>
      %max3A_2325 = arith.maximumf %max3A_2278, %min3A_2321 : vector<16xf32>
      %min3A_2326 = arith.minimumf %max3A_2278, %min3A_2321 : vector<16xf32>
      %select_n3A_2327 = arith.select %gt3A_2324, %select_n3A_2281, %select_n3A_2322 : vector<16xi1>, vector<16xi32>
      %select_n3A_2328 = arith.select %gt3A_2324, %select_n3A_2322, %select_n3A_2281 : vector<16xi1>, vector<16xi32>
      %gt3A_2329 = arith.cmpf ogt, %min3A_2326, %max3A_2283 : vector<16xf32>
      %max3A_2330 = arith.maximumf %max3A_2283, %min3A_2326 : vector<16xf32>
      %min3A_2331 = arith.minimumf %max3A_2283, %min3A_2326 : vector<16xf32>
      %select_n3A_2332 = arith.select %gt3A_2329, %select_n3A_2286, %select_n3A_2327 : vector<16xi1>, vector<16xi32>
      %select_n3A_2333 = arith.select %gt3A_2329, %select_n3A_2327, %select_n3A_2286 : vector<16xi1>, vector<16xi32>
      %gt3A_2334 = arith.cmpf ogt, %min3A_2331, %max3A_2288 : vector<16xf32>
      %max3A_2335 = arith.maximumf %max3A_2288, %min3A_2331 : vector<16xf32>
      %min3A_2336 = arith.minimumf %max3A_2288, %min3A_2331 : vector<16xf32>
      %select_n3A_2337 = arith.select %gt3A_2334, %select_n3A_2291, %select_n3A_2332 : vector<16xi1>, vector<16xi32>
      %select_n3A_2338 = arith.select %gt3A_2334, %select_n3A_2332, %select_n3A_2291 : vector<16xi1>, vector<16xi32>
      %gt3A_2339 = arith.cmpf ogt, %min3A_2336, %max3A_2293 : vector<16xf32>
      %max3A_2340 = arith.maximumf %max3A_2293, %min3A_2336 : vector<16xf32>
      %min3A_2341 = arith.minimumf %max3A_2293, %min3A_2336 : vector<16xf32>
      %select_n3A_2342 = arith.select %gt3A_2339, %select_n3A_2296, %select_n3A_2337 : vector<16xi1>, vector<16xi32>
      %select_n3A_2343 = arith.select %gt3A_2339, %select_n3A_2337, %select_n3A_2296 : vector<16xi1>, vector<16xi32>
      %gt3A_2344 = arith.cmpf ogt, %min3A_2341, %max3A_2298 : vector<16xf32>
      %max3A_2345 = arith.maximumf %max3A_2298, %min3A_2341 : vector<16xf32>
      %min3A_2346 = arith.minimumf %max3A_2298, %min3A_2341 : vector<16xf32>
      %select_n3A_2347 = arith.select %gt3A_2344, %select_n3A_2301, %select_n3A_2342 : vector<16xi1>, vector<16xi32>
      %select_n3A_2348 = arith.select %gt3A_2344, %select_n3A_2342, %select_n3A_2301 : vector<16xi1>, vector<16xi32>
      %gt3A_2349 = arith.cmpf ogt, %min3A_2346, %max3A_2303 : vector<16xf32>
      %max3A_2350 = arith.maximumf %max3A_2303, %min3A_2346 : vector<16xf32>
      %min3A_2351 = arith.minimumf %max3A_2303, %min3A_2346 : vector<16xf32>
      %select_n3A_2352 = arith.select %gt3A_2349, %select_n3A_2306, %select_n3A_2347 : vector<16xi1>, vector<16xi32>
      %select_n3A_2353 = arith.select %gt3A_2349, %select_n3A_2347, %select_n3A_2306 : vector<16xi1>, vector<16xi32>
      %gt3A_2354 = arith.cmpf ogt, %min3A_2351, %max3A_2308 : vector<16xf32>
      %max3A_2355 = arith.maximumf %max3A_2308, %min3A_2351 : vector<16xf32>
      %min3A_2356 = arith.minimumf %max3A_2308, %min3A_2351 : vector<16xf32>
      %select_n3A_2357 = arith.select %gt3A_2354, %select_n3A_2311, %select_n3A_2352 : vector<16xi1>, vector<16xi32>
      %select_n3A_2358 = arith.select %gt3A_2354, %select_n3A_2352, %select_n3A_2311 : vector<16xi1>, vector<16xi32>
      %get3A_2359 = arith.constant 50 : i32
      %get3A_2360 = arith.index_cast %get3A_2359 : i32 to index
      %get3A_2361 = arith.index_cast %mul3A_10 : i32 to index
      %get3A_2362 = tpu.vector_load %arg5[%get3A_2360, %get3A_2361] {strides = array<i32>} : memref<64x512xf32, #tpu.memory_space<vmem>>, vector<1x16xf32>,
      %get3A_2363 = vector.shape_cast %get3A_2362 : vector<1x16xf32> to vector<16xf32>
      %broadcast_in_dim3A_2364 = arith.constant 50 : i32
      %broadcast_in_dim3A_2365 = vector.broadcast %broadcast_in_dim3A_2364 : i32 to vector<16xi32>
      %gt3A_2366 = arith.cmpf ogt, %get3A_2363, %max3A_2320 : vector<16xf32>
      %max3A_2367 = arith.maximumf %max3A_2320, %get3A_2363 : vector<16xf32>
      %min3A_2368 = arith.minimumf %max3A_2320, %get3A_2363 : vector<16xf32>
      %select_n3A_2369 = arith.select %gt3A_2366, %select_n3A_2323, %broadcast_in_dim3A_2365 : vector<16xi1>, vector<16xi32>
      %select_n3A_2370 = arith.select %gt3A_2366, %broadcast_in_dim3A_2365, %select_n3A_2323 : vector<16xi1>, vector<16xi32>
      %gt3A_2371 = arith.cmpf ogt, %min3A_2368, %max3A_2325 : vector<16xf32>
      %max3A_2372 = arith.maximumf %max3A_2325, %min3A_2368 : vector<16xf32>
      %min3A_2373 = arith.minimumf %max3A_2325, %min3A_2368 : vector<16xf32>
      %select_n3A_2374 = arith.select %gt3A_2371, %select_n3A_2328, %select_n3A_2369 : vector<16xi1>, vector<16xi32>
      %select_n3A_2375 = arith.select %gt3A_2371, %select_n3A_2369, %select_n3A_2328 : vector<16xi1>, vector<16xi32>
      %gt3A_2376 = arith.cmpf ogt, %min3A_2373, %max3A_2330 : vector<16xf32>
      %max3A_2377 = arith.maximumf %max3A_2330, %min3A_2373 : vector<16xf32>
      %min3A_2378 = arith.minimumf %max3A_2330, %min3A_2373 : vector<16xf32>
      %select_n3A_2379 = arith.select %gt3A_2376, %select_n3A_2333, %select_n3A_2374 : vector<16xi1>, vector<16xi32>
      %select_n3A_2380 = arith.select %gt3A_2376, %select_n3A_2374, %select_n3A_2333 : vector<16xi1>, vector<16xi32>
      %gt3A_2381 = arith.cmpf ogt, %min3A_2378, %max3A_2335 : vector<16xf32>
      %max3A_2382 = arith.maximumf %max3A_2335, %min3A_2378 : vector<16xf32>
      %min3A_2383 = arith.minimumf %max3A_2335, %min3A_2378 : vector<16xf32>
      %select_n3A_2384 = arith.select %gt3A_2381, %select_n3A_2338, %select_n3A_2379 : vector<16xi1>, vector<16xi32>
      %select_n3A_2385 = arith.select %gt3A_2381, %select_n3A_2379, %select_n3A_2338 : vector<16xi1>, vector<16xi32>
      %gt3A_2386 = arith.cmpf ogt, %min3A_2383, %max3A_2340 : vector<16xf32>
      %max3A_2387 = arith.maximumf %max3A_2340, %min3A_2383 : vector<16xf32>
      %min3A_2388 = arith.minimumf %max3A_2340, %min3A_2383 : vector<16xf32>
      %select_n3A_2389 = arith.select %gt3A_2386, %select_n3A_2343, %select_n3A_2384 : vector<16xi1>, vector<16xi32>
      %select_n3A_2390 = arith.select %gt3A_2386, %select_n3A_2384, %select_n3A_2343 : vector<16xi1>, vector<16xi32>
      %gt3A_2391 = arith.cmpf ogt, %min3A_2388, %max3A_2345 : vector<16xf32>
      %max3A_2392 = arith.maximumf %max3A_2345, %min3A_2388 : vector<16xf32>
      %min3A_2393 = arith.minimumf %max3A_2345, %min3A_2388 : vector<16xf32>
      %select_n3A_2394 = arith.select %gt3A_2391, %select_n3A_2348, %select_n3A_2389 : vector<16xi1>, vector<16xi32>
      %select_n3A_2395 = arith.select %gt3A_2391, %select_n3A_2389, %select_n3A_2348 : vector<16xi1>, vector<16xi32>
      %gt3A_2396 = arith.cmpf ogt, %min3A_2393, %max3A_2350 : vector<16xf32>
      %max3A_2397 = arith.maximumf %max3A_2350, %min3A_2393 : vector<16xf32>
      %min3A_2398 = arith.minimumf %max3A_2350, %min3A_2393 : vector<16xf32>
      %select_n3A_2399 = arith.select %gt3A_2396, %select_n3A_2353, %select_n3A_2394 : vector<16xi1>, vector<16xi32>
      %select_n3A_2400 = arith.select %gt3A_2396, %select_n3A_2394, %select_n3A_2353 : vector<16xi1>, vector<16xi32>
      %gt3A_2401 = arith.cmpf ogt, %min3A_2398, %max3A_2355 : vector<16xf32>
      %max3A_2402 = arith.maximumf %max3A_2355, %min3A_2398 : vector<16xf32>
      %min3A_2403 = arith.minimumf %max3A_2355, %min3A_2398 : vector<16xf32>
      %select_n3A_2404 = arith.select %gt3A_2401, %select_n3A_2358, %select_n3A_2399 : vector<16xi1>, vector<16xi32>
      %select_n3A_2405 = arith.select %gt3A_2401, %select_n3A_2399, %select_n3A_2358 : vector<16xi1>, vector<16xi32>
      %get3A_2406 = arith.constant 51 : i32
      %get3A_2407 = arith.index_cast %get3A_2406 : i32 to index
      %get3A_2408 = arith.index_cast %mul3A_10 : i32 to index
      %get3A_2409 = tpu.vector_load %arg5[%get3A_2407, %get3A_2408] {strides = array<i32>} : memref<64x512xf32, #tpu.memory_space<vmem>>, vector<1x16xf32>,
      %get3A_2410 = vector.shape_cast %get3A_2409 : vector<1x16xf32> to vector<16xf32>
      %broadcast_in_dim3A_2411 = arith.constant 51 : i32
      %broadcast_in_dim3A_2412 = vector.broadcast %broadcast_in_dim3A_2411 : i32 to vector<16xi32>
      %gt3A_2413 = arith.cmpf ogt, %get3A_2410, %max3A_2367 : vector<16xf32>
      %max3A_2414 = arith.maximumf %max3A_2367, %get3A_2410 : vector<16xf32>
      %min3A_2415 = arith.minimumf %max3A_2367, %get3A_2410 : vector<16xf32>
      %select_n3A_2416 = arith.select %gt3A_2413, %select_n3A_2370, %broadcast_in_dim3A_2412 : vector<16xi1>, vector<16xi32>
      %select_n3A_2417 = arith.select %gt3A_2413, %broadcast_in_dim3A_2412, %select_n3A_2370 : vector<16xi1>, vector<16xi32>
      %gt3A_2418 = arith.cmpf ogt, %min3A_2415, %max3A_2372 : vector<16xf32>
      %max3A_2419 = arith.maximumf %max3A_2372, %min3A_2415 : vector<16xf32>
      %min3A_2420 = arith.minimumf %max3A_2372, %min3A_2415 : vector<16xf32>
      %select_n3A_2421 = arith.select %gt3A_2418, %select_n3A_2375, %select_n3A_2416 : vector<16xi1>, vector<16xi32>
      %select_n3A_2422 = arith.select %gt3A_2418, %select_n3A_2416, %select_n3A_2375 : vector<16xi1>, vector<16xi32>
      %gt3A_2423 = arith.cmpf ogt, %min3A_2420, %max3A_2377 : vector<16xf32>
      %max3A_2424 = arith.maximumf %max3A_2377, %min3A_2420 : vector<16xf32>
      %min3A_2425 = arith.minimumf %max3A_2377, %min3A_2420 : vector<16xf32>
      %select_n3A_2426 = arith.select %gt3A_2423, %select_n3A_2380, %select_n3A_2421 : vector<16xi1>, vector<16xi32>
      %select_n3A_2427 = arith.select %gt3A_2423, %select_n3A_2421, %select_n3A_2380 : vector<16xi1>, vector<16xi32>
      %gt3A_2428 = arith.cmpf ogt, %min3A_2425, %max3A_2382 : vector<16xf32>
      %max3A_2429 = arith.maximumf %max3A_2382, %min3A_2425 : vector<16xf32>
      %min3A_2430 = arith.minimumf %max3A_2382, %min3A_2425 : vector<16xf32>
      %select_n3A_2431 = arith.select %gt3A_2428, %select_n3A_2385, %select_n3A_2426 : vector<16xi1>, vector<16xi32>
      %select_n3A_2432 = arith.select %gt3A_2428, %select_n3A_2426, %select_n3A_2385 : vector<16xi1>, vector<16xi32>
      %gt3A_2433 = arith.cmpf ogt, %min3A_2430, %max3A_2387 : vector<16xf32>
      %max3A_2434 = arith.maximumf %max3A_2387, %min3A_2430 : vector<16xf32>
      %min3A_2435 = arith.minimumf %max3A_2387, %min3A_2430 : vector<16xf32>
      %select_n3A_2436 = arith.select %gt3A_2433, %select_n3A_2390, %select_n3A_2431 : vector<16xi1>, vector<16xi32>
      %select_n3A_2437 = arith.select %gt3A_2433, %select_n3A_2431, %select_n3A_2390 : vector<16xi1>, vector<16xi32>
      %gt3A_2438 = arith.cmpf ogt, %min3A_2435, %max3A_2392 : vector<16xf32>
      %max3A_2439 = arith.maximumf %max3A_2392, %min3A_2435 : vector<16xf32>
      %min3A_2440 = arith.minimumf %max3A_2392, %min3A_2435 : vector<16xf32>
      %select_n3A_2441 = arith.select %gt3A_2438, %select_n3A_2395, %select_n3A_2436 : vector<16xi1>, vector<16xi32>
      %select_n3A_2442 = arith.select %gt3A_2438, %select_n3A_2436, %select_n3A_2395 : vector<16xi1>, vector<16xi32>
      %gt3A_2443 = arith.cmpf ogt, %min3A_2440, %max3A_2397 : vector<16xf32>
      %max3A_2444 = arith.maximumf %max3A_2397, %min3A_2440 : vector<16xf32>
      %min3A_2445 = arith.minimumf %max3A_2397, %min3A_2440 : vector<16xf32>
      %select_n3A_2446 = arith.select %gt3A_2443, %select_n3A_2400, %select_n3A_2441 : vector<16xi1>, vector<16xi32>
      %select_n3A_2447 = arith.select %gt3A_2443, %select_n3A_2441, %select_n3A_2400 : vector<16xi1>, vector<16xi32>
      %gt3A_2448 = arith.cmpf ogt, %min3A_2445, %max3A_2402 : vector<16xf32>
      %max3A_2449 = arith.maximumf %max3A_2402, %min3A_2445 : vector<16xf32>
      %min3A_2450 = arith.minimumf %max3A_2402, %min3A_2445 : vector<16xf32>
      %select_n3A_2451 = arith.select %gt3A_2448, %select_n3A_2405, %select_n3A_2446 : vector<16xi1>, vector<16xi32>
      %select_n3A_2452 = arith.select %gt3A_2448, %select_n3A_2446, %select_n3A_2405 : vector<16xi1>, vector<16xi32>
      %get3A_2453 = arith.constant 52 : i32
      %get3A_2454 = arith.index_cast %get3A_2453 : i32 to index
      %get3A_2455 = arith.index_cast %mul3A_10 : i32 to index
      %get3A_2456 = tpu.vector_load %arg5[%get3A_2454, %get3A_2455] {strides = array<i32>} : memref<64x512xf32, #tpu.memory_space<vmem>>, vector<1x16xf32>,
      %get3A_2457 = vector.shape_cast %get3A_2456 : vector<1x16xf32> to vector<16xf32>
      %broadcast_in_dim3A_2458 = arith.constant 52 : i32
      %broadcast_in_dim3A_2459 = vector.broadcast %broadcast_in_dim3A_2458 : i32 to vector<16xi32>
      %gt3A_2460 = arith.cmpf ogt, %get3A_2457, %max3A_2414 : vector<16xf32>
      %max3A_2461 = arith.maximumf %max3A_2414, %get3A_2457 : vector<16xf32>
      %min3A_2462 = arith.minimumf %max3A_2414, %get3A_2457 : vector<16xf32>
      %select_n3A_2463 = arith.select %gt3A_2460, %select_n3A_2417, %broadcast_in_dim3A_2459 : vector<16xi1>, vector<16xi32>
      %select_n3A_2464 = arith.select %gt3A_2460, %broadcast_in_dim3A_2459, %select_n3A_2417 : vector<16xi1>, vector<16xi32>
      %gt3A_2465 = arith.cmpf ogt, %min3A_2462, %max3A_2419 : vector<16xf32>
      %max3A_2466 = arith.maximumf %max3A_2419, %min3A_2462 : vector<16xf32>
      %min3A_2467 = arith.minimumf %max3A_2419, %min3A_2462 : vector<16xf32>
      %select_n3A_2468 = arith.select %gt3A_2465, %select_n3A_2422, %select_n3A_2463 : vector<16xi1>, vector<16xi32>
      %select_n3A_2469 = arith.select %gt3A_2465, %select_n3A_2463, %select_n3A_2422 : vector<16xi1>, vector<16xi32>
      %gt3A_2470 = arith.cmpf ogt, %min3A_2467, %max3A_2424 : vector<16xf32>
      %max3A_2471 = arith.maximumf %max3A_2424, %min3A_2467 : vector<16xf32>
      %min3A_2472 = arith.minimumf %max3A_2424, %min3A_2467 : vector<16xf32>
      %select_n3A_2473 = arith.select %gt3A_2470, %select_n3A_2427, %select_n3A_2468 : vector<16xi1>, vector<16xi32>
      %select_n3A_2474 = arith.select %gt3A_2470, %select_n3A_2468, %select_n3A_2427 : vector<16xi1>, vector<16xi32>
      %gt3A_2475 = arith.cmpf ogt, %min3A_2472, %max3A_2429 : vector<16xf32>
      %max3A_2476 = arith.maximumf %max3A_2429, %min3A_2472 : vector<16xf32>
      %min3A_2477 = arith.minimumf %max3A_2429, %min3A_2472 : vector<16xf32>
      %select_n3A_2478 = arith.select %gt3A_2475, %select_n3A_2432, %select_n3A_2473 : vector<16xi1>, vector<16xi32>
      %select_n3A_2479 = arith.select %gt3A_2475, %select_n3A_2473, %select_n3A_2432 : vector<16xi1>, vector<16xi32>
      %gt3A_2480 = arith.cmpf ogt, %min3A_2477, %max3A_2434 : vector<16xf32>
      %max3A_2481 = arith.maximumf %max3A_2434, %min3A_2477 : vector<16xf32>
      %min3A_2482 = arith.minimumf %max3A_2434, %min3A_2477 : vector<16xf32>
      %select_n3A_2483 = arith.select %gt3A_2480, %select_n3A_2437, %select_n3A_2478 : vector<16xi1>, vector<16xi32>
      %select_n3A_2484 = arith.select %gt3A_2480, %select_n3A_2478, %select_n3A_2437 : vector<16xi1>, vector<16xi32>
      %gt3A_2485 = arith.cmpf ogt, %min3A_2482, %max3A_2439 : vector<16xf32>
      %max3A_2486 = arith.maximumf %max3A_2439, %min3A_2482 : vector<16xf32>
      %min3A_2487 = arith.minimumf %max3A_2439, %min3A_2482 : vector<16xf32>
      %select_n3A_2488 = arith.select %gt3A_2485, %select_n3A_2442, %select_n3A_2483 : vector<16xi1>, vector<16xi32>
      %select_n3A_2489 = arith.select %gt3A_2485, %select_n3A_2483, %select_n3A_2442 : vector<16xi1>, vector<16xi32>
      %gt3A_2490 = arith.cmpf ogt, %min3A_2487, %max3A_2444 : vector<16xf32>
      %max3A_2491 = arith.maximumf %max3A_2444, %min3A_2487 : vector<16xf32>
      %min3A_2492 = arith.minimumf %max3A_2444, %min3A_2487 : vector<16xf32>
      %select_n3A_2493 = arith.select %gt3A_2490, %select_n3A_2447, %select_n3A_2488 : vector<16xi1>, vector<16xi32>
      %select_n3A_2494 = arith.select %gt3A_2490, %select_n3A_2488, %select_n3A_2447 : vector<16xi1>, vector<16xi32>
      %gt3A_2495 = arith.cmpf ogt, %min3A_2492, %max3A_2449 : vector<16xf32>
      %max3A_2496 = arith.maximumf %max3A_2449, %min3A_2492 : vector<16xf32>
      %min3A_2497 = arith.minimumf %max3A_2449, %min3A_2492 : vector<16xf32>
      %select_n3A_2498 = arith.select %gt3A_2495, %select_n3A_2452, %select_n3A_2493 : vector<16xi1>, vector<16xi32>
      %select_n3A_2499 = arith.select %gt3A_2495, %select_n3A_2493, %select_n3A_2452 : vector<16xi1>, vector<16xi32>
      %get3A_2500 = arith.constant 53 : i32
      %get3A_2501 = arith.index_cast %get3A_2500 : i32 to index
      %get3A_2502 = arith.index_cast %mul3A_10 : i32 to index
      %get3A_2503 = tpu.vector_load %arg5[%get3A_2501, %get3A_2502] {strides = array<i32>} : memref<64x512xf32, #tpu.memory_space<vmem>>, vector<1x16xf32>,
      %get3A_2504 = vector.shape_cast %get3A_2503 : vector<1x16xf32> to vector<16xf32>
      %broadcast_in_dim3A_2505 = arith.constant 53 : i32
      %broadcast_in_dim3A_2506 = vector.broadcast %broadcast_in_dim3A_2505 : i32 to vector<16xi32>
      %gt3A_2507 = arith.cmpf ogt, %get3A_2504, %max3A_2461 : vector<16xf32>
      %max3A_2508 = arith.maximumf %max3A_2461, %get3A_2504 : vector<16xf32>
      %min3A_2509 = arith.minimumf %max3A_2461, %get3A_2504 : vector<16xf32>
      %select_n3A_2510 = arith.select %gt3A_2507, %select_n3A_2464, %broadcast_in_dim3A_2506 : vector<16xi1>, vector<16xi32>
      %select_n3A_2511 = arith.select %gt3A_2507, %broadcast_in_dim3A_2506, %select_n3A_2464 : vector<16xi1>, vector<16xi32>
      %gt3A_2512 = arith.cmpf ogt, %min3A_2509, %max3A_2466 : vector<16xf32>
      %max3A_2513 = arith.maximumf %max3A_2466, %min3A_2509 : vector<16xf32>
      %min3A_2514 = arith.minimumf %max3A_2466, %min3A_2509 : vector<16xf32>
      %select_n3A_2515 = arith.select %gt3A_2512, %select_n3A_2469, %select_n3A_2510 : vector<16xi1>, vector<16xi32>
      %select_n3A_2516 = arith.select %gt3A_2512, %select_n3A_2510, %select_n3A_2469 : vector<16xi1>, vector<16xi32>
      %gt3A_2517 = arith.cmpf ogt, %min3A_2514, %max3A_2471 : vector<16xf32>
      %max3A_2518 = arith.maximumf %max3A_2471, %min3A_2514 : vector<16xf32>
      %min3A_2519 = arith.minimumf %max3A_2471, %min3A_2514 : vector<16xf32>
      %select_n3A_2520 = arith.select %gt3A_2517, %select_n3A_2474, %select_n3A_2515 : vector<16xi1>, vector<16xi32>
      %select_n3A_2521 = arith.select %gt3A_2517, %select_n3A_2515, %select_n3A_2474 : vector<16xi1>, vector<16xi32>
      %gt3A_2522 = arith.cmpf ogt, %min3A_2519, %max3A_2476 : vector<16xf32>
      %max3A_2523 = arith.maximumf %max3A_2476, %min3A_2519 : vector<16xf32>
      %min3A_2524 = arith.minimumf %max3A_2476, %min3A_2519 : vector<16xf32>
      %select_n3A_2525 = arith.select %gt3A_2522, %select_n3A_2479, %select_n3A_2520 : vector<16xi1>, vector<16xi32>
      %select_n3A_2526 = arith.select %gt3A_2522, %select_n3A_2520, %select_n3A_2479 : vector<16xi1>, vector<16xi32>
      %gt3A_2527 = arith.cmpf ogt, %min3A_2524, %max3A_2481 : vector<16xf32>
      %max3A_2528 = arith.maximumf %max3A_2481, %min3A_2524 : vector<16xf32>
      %min3A_2529 = arith.minimumf %max3A_2481, %min3A_2524 : vector<16xf32>
      %select_n3A_2530 = arith.select %gt3A_2527, %select_n3A_2484, %select_n3A_2525 : vector<16xi1>, vector<16xi32>
      %select_n3A_2531 = arith.select %gt3A_2527, %select_n3A_2525, %select_n3A_2484 : vector<16xi1>, vector<16xi32>
      %gt3A_2532 = arith.cmpf ogt, %min3A_2529, %max3A_2486 : vector<16xf32>
      %max3A_2533 = arith.maximumf %max3A_2486, %min3A_2529 : vector<16xf32>
      %min3A_2534 = arith.minimumf %max3A_2486, %min3A_2529 : vector<16xf32>
      %select_n3A_2535 = arith.select %gt3A_2532, %select_n3A_2489, %select_n3A_2530 : vector<16xi1>, vector<16xi32>
      %select_n3A_2536 = arith.select %gt3A_2532, %select_n3A_2530, %select_n3A_2489 : vector<16xi1>, vector<16xi32>
      %gt3A_2537 = arith.cmpf ogt, %min3A_2534, %max3A_2491 : vector<16xf32>
      %max3A_2538 = arith.maximumf %max3A_2491, %min3A_2534 : vector<16xf32>
      %min3A_2539 = arith.minimumf %max3A_2491, %min3A_2534 : vector<16xf32>
      %select_n3A_2540 = arith.select %gt3A_2537, %select_n3A_2494, %select_n3A_2535 : vector<16xi1>, vector<16xi32>
      %select_n3A_2541 = arith.select %gt3A_2537, %select_n3A_2535, %select_n3A_2494 : vector<16xi1>, vector<16xi32>
      %gt3A_2542 = arith.cmpf ogt, %min3A_2539, %max3A_2496 : vector<16xf32>
      %max3A_2543 = arith.maximumf %max3A_2496, %min3A_2539 : vector<16xf32>
      %min3A_2544 = arith.minimumf %max3A_2496, %min3A_2539 : vector<16xf32>
      %select_n3A_2545 = arith.select %gt3A_2542, %select_n3A_2499, %select_n3A_2540 : vector<16xi1>, vector<16xi32>
      %select_n3A_2546 = arith.select %gt3A_2542, %select_n3A_2540, %select_n3A_2499 : vector<16xi1>, vector<16xi32>
      %get3A_2547 = arith.constant 54 : i32
      %get3A_2548 = arith.index_cast %get3A_2547 : i32 to index
      %get3A_2549 = arith.index_cast %mul3A_10 : i32 to index
      %get3A_2550 = tpu.vector_load %arg5[%get3A_2548, %get3A_2549] {strides = array<i32>} : memref<64x512xf32, #tpu.memory_space<vmem>>, vector<1x16xf32>,
      %get3A_2551 = vector.shape_cast %get3A_2550 : vector<1x16xf32> to vector<16xf32>
      %broadcast_in_dim3A_2552 = arith.constant 54 : i32
      %broadcast_in_dim3A_2553 = vector.broadcast %broadcast_in_dim3A_2552 : i32 to vector<16xi32>
      %gt3A_2554 = arith.cmpf ogt, %get3A_2551, %max3A_2508 : vector<16xf32>
      %max3A_2555 = arith.maximumf %max3A_2508, %get3A_2551 : vector<16xf32>
      %min3A_2556 = arith.minimumf %max3A_2508, %get3A_2551 : vector<16xf32>
      %select_n3A_2557 = arith.select %gt3A_2554, %select_n3A_2511, %broadcast_in_dim3A_2553 : vector<16xi1>, vector<16xi32>
      %select_n3A_2558 = arith.select %gt3A_2554, %broadcast_in_dim3A_2553, %select_n3A_2511 : vector<16xi1>, vector<16xi32>
      %gt3A_2559 = arith.cmpf ogt, %min3A_2556, %max3A_2513 : vector<16xf32>
      %max3A_2560 = arith.maximumf %max3A_2513, %min3A_2556 : vector<16xf32>
      %min3A_2561 = arith.minimumf %max3A_2513, %min3A_2556 : vector<16xf32>
      %select_n3A_2562 = arith.select %gt3A_2559, %select_n3A_2516, %select_n3A_2557 : vector<16xi1>, vector<16xi32>
      %select_n3A_2563 = arith.select %gt3A_2559, %select_n3A_2557, %select_n3A_2516 : vector<16xi1>, vector<16xi32>
      %gt3A_2564 = arith.cmpf ogt, %min3A_2561, %max3A_2518 : vector<16xf32>
      %max3A_2565 = arith.maximumf %max3A_2518, %min3A_2561 : vector<16xf32>
      %min3A_2566 = arith.minimumf %max3A_2518, %min3A_2561 : vector<16xf32>
      %select_n3A_2567 = arith.select %gt3A_2564, %select_n3A_2521, %select_n3A_2562 : vector<16xi1>, vector<16xi32>
      %select_n3A_2568 = arith.select %gt3A_2564, %select_n3A_2562, %select_n3A_2521 : vector<16xi1>, vector<16xi32>
      %gt3A_2569 = arith.cmpf ogt, %min3A_2566, %max3A_2523 : vector<16xf32>
      %max3A_2570 = arith.maximumf %max3A_2523, %min3A_2566 : vector<16xf32>
      %min3A_2571 = arith.minimumf %max3A_2523, %min3A_2566 : vector<16xf32>
      %select_n3A_2572 = arith.select %gt3A_2569, %select_n3A_2526, %select_n3A_2567 : vector<16xi1>, vector<16xi32>
      %select_n3A_2573 = arith.select %gt3A_2569, %select_n3A_2567, %select_n3A_2526 : vector<16xi1>, vector<16xi32>
      %gt3A_2574 = arith.cmpf ogt, %min3A_2571, %max3A_2528 : vector<16xf32>
      %max3A_2575 = arith.maximumf %max3A_2528, %min3A_2571 : vector<16xf32>
      %min3A_2576 = arith.minimumf %max3A_2528, %min3A_2571 : vector<16xf32>
      %select_n3A_2577 = arith.select %gt3A_2574, %select_n3A_2531, %select_n3A_2572 : vector<16xi1>, vector<16xi32>
      %select_n3A_2578 = arith.select %gt3A_2574, %select_n3A_2572, %select_n3A_2531 : vector<16xi1>, vector<16xi32>
      %gt3A_2579 = arith.cmpf ogt, %min3A_2576, %max3A_2533 : vector<16xf32>
      %max3A_2580 = arith.maximumf %max3A_2533, %min3A_2576 : vector<16xf32>
      %min3A_2581 = arith.minimumf %max3A_2533, %min3A_2576 : vector<16xf32>
      %select_n3A_2582 = arith.select %gt3A_2579, %select_n3A_2536, %select_n3A_2577 : vector<16xi1>, vector<16xi32>
      %select_n3A_2583 = arith.select %gt3A_2579, %select_n3A_2577, %select_n3A_2536 : vector<16xi1>, vector<16xi32>
      %gt3A_2584 = arith.cmpf ogt, %min3A_2581, %max3A_2538 : vector<16xf32>
      %max3A_2585 = arith.maximumf %max3A_2538, %min3A_2581 : vector<16xf32>
      %min3A_2586 = arith.minimumf %max3A_2538, %min3A_2581 : vector<16xf32>
      %select_n3A_2587 = arith.select %gt3A_2584, %select_n3A_2541, %select_n3A_2582 : vector<16xi1>, vector<16xi32>
      %select_n3A_2588 = arith.select %gt3A_2584, %select_n3A_2582, %select_n3A_2541 : vector<16xi1>, vector<16xi32>
      %gt3A_2589 = arith.cmpf ogt, %min3A_2586, %max3A_2543 : vector<16xf32>
      %max3A_2590 = arith.maximumf %max3A_2543, %min3A_2586 : vector<16xf32>
      %min3A_2591 = arith.minimumf %max3A_2543, %min3A_2586 : vector<16xf32>
      %select_n3A_2592 = arith.select %gt3A_2589, %select_n3A_2546, %select_n3A_2587 : vector<16xi1>, vector<16xi32>
      %select_n3A_2593 = arith.select %gt3A_2589, %select_n3A_2587, %select_n3A_2546 : vector<16xi1>, vector<16xi32>
      %get3A_2594 = arith.constant 55 : i32
      %get3A_2595 = arith.index_cast %get3A_2594 : i32 to index
      %get3A_2596 = arith.index_cast %mul3A_10 : i32 to index
      %get3A_2597 = tpu.vector_load %arg5[%get3A_2595, %get3A_2596] {strides = array<i32>} : memref<64x512xf32, #tpu.memory_space<vmem>>, vector<1x16xf32>,
      %get3A_2598 = vector.shape_cast %get3A_2597 : vector<1x16xf32> to vector<16xf32>
      %broadcast_in_dim3A_2599 = arith.constant 55 : i32
      %broadcast_in_dim3A_2600 = vector.broadcast %broadcast_in_dim3A_2599 : i32 to vector<16xi32>
      %gt3A_2601 = arith.cmpf ogt, %get3A_2598, %max3A_2555 : vector<16xf32>
      %max3A_2602 = arith.maximumf %max3A_2555, %get3A_2598 : vector<16xf32>
      %min3A_2603 = arith.minimumf %max3A_2555, %get3A_2598 : vector<16xf32>
      %select_n3A_2604 = arith.select %gt3A_2601, %select_n3A_2558, %broadcast_in_dim3A_2600 : vector<16xi1>, vector<16xi32>
      %select_n3A_2605 = arith.select %gt3A_2601, %broadcast_in_dim3A_2600, %select_n3A_2558 : vector<16xi1>, vector<16xi32>
      %gt3A_2606 = arith.cmpf ogt, %min3A_2603, %max3A_2560 : vector<16xf32>
      %max3A_2607 = arith.maximumf %max3A_2560, %min3A_2603 : vector<16xf32>
      %min3A_2608 = arith.minimumf %max3A_2560, %min3A_2603 : vector<16xf32>
      %select_n3A_2609 = arith.select %gt3A_2606, %select_n3A_2563, %select_n3A_2604 : vector<16xi1>, vector<16xi32>
      %select_n3A_2610 = arith.select %gt3A_2606, %select_n3A_2604, %select_n3A_2563 : vector<16xi1>, vector<16xi32>
      %gt3A_2611 = arith.cmpf ogt, %min3A_2608, %max3A_2565 : vector<16xf32>
      %max3A_2612 = arith.maximumf %max3A_2565, %min3A_2608 : vector<16xf32>
      %min3A_2613 = arith.minimumf %max3A_2565, %min3A_2608 : vector<16xf32>
      %select_n3A_2614 = arith.select %gt3A_2611, %select_n3A_2568, %select_n3A_2609 : vector<16xi1>, vector<16xi32>
      %select_n3A_2615 = arith.select %gt3A_2611, %select_n3A_2609, %select_n3A_2568 : vector<16xi1>, vector<16xi32>
      %gt3A_2616 = arith.cmpf ogt, %min3A_2613, %max3A_2570 : vector<16xf32>
      %max3A_2617 = arith.maximumf %max3A_2570, %min3A_2613 : vector<16xf32>
      %min3A_2618 = arith.minimumf %max3A_2570, %min3A_2613 : vector<16xf32>
      %select_n3A_2619 = arith.select %gt3A_2616, %select_n3A_2573, %select_n3A_2614 : vector<16xi1>, vector<16xi32>
      %select_n3A_2620 = arith.select %gt3A_2616, %select_n3A_2614, %select_n3A_2573 : vector<16xi1>, vector<16xi32>
      %gt3A_2621 = arith.cmpf ogt, %min3A_2618, %max3A_2575 : vector<16xf32>
      %max3A_2622 = arith.maximumf %max3A_2575, %min3A_2618 : vector<16xf32>
      %min3A_2623 = arith.minimumf %max3A_2575, %min3A_2618 : vector<16xf32>
      %select_n3A_2624 = arith.select %gt3A_2621, %select_n3A_2578, %select_n3A_2619 : vector<16xi1>, vector<16xi32>
      %select_n3A_2625 = arith.select %gt3A_2621, %select_n3A_2619, %select_n3A_2578 : vector<16xi1>, vector<16xi32>
      %gt3A_2626 = arith.cmpf ogt, %min3A_2623, %max3A_2580 : vector<16xf32>
      %max3A_2627 = arith.maximumf %max3A_2580, %min3A_2623 : vector<16xf32>
      %min3A_2628 = arith.minimumf %max3A_2580, %min3A_2623 : vector<16xf32>
      %select_n3A_2629 = arith.select %gt3A_2626, %select_n3A_2583, %select_n3A_2624 : vector<16xi1>, vector<16xi32>
      %select_n3A_2630 = arith.select %gt3A_2626, %select_n3A_2624, %select_n3A_2583 : vector<16xi1>, vector<16xi32>
      %gt3A_2631 = arith.cmpf ogt, %min3A_2628, %max3A_2585 : vector<16xf32>
      %max3A_2632 = arith.maximumf %max3A_2585, %min3A_2628 : vector<16xf32>
      %min3A_2633 = arith.minimumf %max3A_2585, %min3A_2628 : vector<16xf32>
      %select_n3A_2634 = arith.select %gt3A_2631, %select_n3A_2588, %select_n3A_2629 : vector<16xi1>, vector<16xi32>
      %select_n3A_2635 = arith.select %gt3A_2631, %select_n3A_2629, %select_n3A_2588 : vector<16xi1>, vector<16xi32>
      %gt3A_2636 = arith.cmpf ogt, %min3A_2633, %max3A_2590 : vector<16xf32>
      %max3A_2637 = arith.maximumf %max3A_2590, %min3A_2633 : vector<16xf32>
      %min3A_2638 = arith.minimumf %max3A_2590, %min3A_2633 : vector<16xf32>
      %select_n3A_2639 = arith.select %gt3A_2636, %select_n3A_2593, %select_n3A_2634 : vector<16xi1>, vector<16xi32>
      %select_n3A_2640 = arith.select %gt3A_2636, %select_n3A_2634, %select_n3A_2593 : vector<16xi1>, vector<16xi32>
      %get3A_2641 = arith.constant 56 : i32
      %get3A_2642 = arith.index_cast %get3A_2641 : i32 to index
      %get3A_2643 = arith.index_cast %mul3A_10 : i32 to index
      %get3A_2644 = tpu.vector_load %arg5[%get3A_2642, %get3A_2643] {strides = array<i32>} : memref<64x512xf32, #tpu.memory_space<vmem>>, vector<1x16xf32>,
      %get3A_2645 = vector.shape_cast %get3A_2644 : vector<1x16xf32> to vector<16xf32>
      %broadcast_in_dim3A_2646 = arith.constant 56 : i32
      %broadcast_in_dim3A_2647 = vector.broadcast %broadcast_in_dim3A_2646 : i32 to vector<16xi32>
      %gt3A_2648 = arith.cmpf ogt, %get3A_2645, %max3A_2602 : vector<16xf32>
      %max3A_2649 = arith.maximumf %max3A_2602, %get3A_2645 : vector<16xf32>
      %min3A_2650 = arith.minimumf %max3A_2602, %get3A_2645 : vector<16xf32>
      %select_n3A_2651 = arith.select %gt3A_2648, %select_n3A_2605, %broadcast_in_dim3A_2647 : vector<16xi1>, vector<16xi32>
      %select_n3A_2652 = arith.select %gt3A_2648, %broadcast_in_dim3A_2647, %select_n3A_2605 : vector<16xi1>, vector<16xi32>
      %gt3A_2653 = arith.cmpf ogt, %min3A_2650, %max3A_2607 : vector<16xf32>
      %max3A_2654 = arith.maximumf %max3A_2607, %min3A_2650 : vector<16xf32>
      %min3A_2655 = arith.minimumf %max3A_2607, %min3A_2650 : vector<16xf32>
      %select_n3A_2656 = arith.select %gt3A_2653, %select_n3A_2610, %select_n3A_2651 : vector<16xi1>, vector<16xi32>
      %select_n3A_2657 = arith.select %gt3A_2653, %select_n3A_2651, %select_n3A_2610 : vector<16xi1>, vector<16xi32>
      %gt3A_2658 = arith.cmpf ogt, %min3A_2655, %max3A_2612 : vector<16xf32>
      %max3A_2659 = arith.maximumf %max3A_2612, %min3A_2655 : vector<16xf32>
      %min3A_2660 = arith.minimumf %max3A_2612, %min3A_2655 : vector<16xf32>
      %select_n3A_2661 = arith.select %gt3A_2658, %select_n3A_2615, %select_n3A_2656 : vector<16xi1>, vector<16xi32>
      %select_n3A_2662 = arith.select %gt3A_2658, %select_n3A_2656, %select_n3A_2615 : vector<16xi1>, vector<16xi32>
      %gt3A_2663 = arith.cmpf ogt, %min3A_2660, %max3A_2617 : vector<16xf32>
      %max3A_2664 = arith.maximumf %max3A_2617, %min3A_2660 : vector<16xf32>
      %min3A_2665 = arith.minimumf %max3A_2617, %min3A_2660 : vector<16xf32>
      %select_n3A_2666 = arith.select %gt3A_2663, %select_n3A_2620, %select_n3A_2661 : vector<16xi1>, vector<16xi32>
      %select_n3A_2667 = arith.select %gt3A_2663, %select_n3A_2661, %select_n3A_2620 : vector<16xi1>, vector<16xi32>
      %gt3A_2668 = arith.cmpf ogt, %min3A_2665, %max3A_2622 : vector<16xf32>
      %max3A_2669 = arith.maximumf %max3A_2622, %min3A_2665 : vector<16xf32>
      %min3A_2670 = arith.minimumf %max3A_2622, %min3A_2665 : vector<16xf32>
      %select_n3A_2671 = arith.select %gt3A_2668, %select_n3A_2625, %select_n3A_2666 : vector<16xi1>, vector<16xi32>
      %select_n3A_2672 = arith.select %gt3A_2668, %select_n3A_2666, %select_n3A_2625 : vector<16xi1>, vector<16xi32>
      %gt3A_2673 = arith.cmpf ogt, %min3A_2670, %max3A_2627 : vector<16xf32>
      %max3A_2674 = arith.maximumf %max3A_2627, %min3A_2670 : vector<16xf32>
      %min3A_2675 = arith.minimumf %max3A_2627, %min3A_2670 : vector<16xf32>
      %select_n3A_2676 = arith.select %gt3A_2673, %select_n3A_2630, %select_n3A_2671 : vector<16xi1>, vector<16xi32>
      %select_n3A_2677 = arith.select %gt3A_2673, %select_n3A_2671, %select_n3A_2630 : vector<16xi1>, vector<16xi32>
      %gt3A_2678 = arith.cmpf ogt, %min3A_2675, %max3A_2632 : vector<16xf32>
      %max3A_2679 = arith.maximumf %max3A_2632, %min3A_2675 : vector<16xf32>
      %min3A_2680 = arith.minimumf %max3A_2632, %min3A_2675 : vector<16xf32>
      %select_n3A_2681 = arith.select %gt3A_2678, %select_n3A_2635, %select_n3A_2676 : vector<16xi1>, vector<16xi32>
      %select_n3A_2682 = arith.select %gt3A_2678, %select_n3A_2676, %select_n3A_2635 : vector<16xi1>, vector<16xi32>
      %gt3A_2683 = arith.cmpf ogt, %min3A_2680, %max3A_2637 : vector<16xf32>
      %max3A_2684 = arith.maximumf %max3A_2637, %min3A_2680 : vector<16xf32>
      %min3A_2685 = arith.minimumf %max3A_2637, %min3A_2680 : vector<16xf32>
      %select_n3A_2686 = arith.select %gt3A_2683, %select_n3A_2640, %select_n3A_2681 : vector<16xi1>, vector<16xi32>
      %select_n3A_2687 = arith.select %gt3A_2683, %select_n3A_2681, %select_n3A_2640 : vector<16xi1>, vector<16xi32>
      %get3A_2688 = arith.constant 57 : i32
      %get3A_2689 = arith.index_cast %get3A_2688 : i32 to index
      %get3A_2690 = arith.index_cast %mul3A_10 : i32 to index
      %get3A_2691 = tpu.vector_load %arg5[%get3A_2689, %get3A_2690] {strides = array<i32>} : memref<64x512xf32, #tpu.memory_space<vmem>>, vector<1x16xf32>,
      %get3A_2692 = vector.shape_cast %get3A_2691 : vector<1x16xf32> to vector<16xf32>
      %broadcast_in_dim3A_2693 = arith.constant 57 : i32
      %broadcast_in_dim3A_2694 = vector.broadcast %broadcast_in_dim3A_2693 : i32 to vector<16xi32>
      %gt3A_2695 = arith.cmpf ogt, %get3A_2692, %max3A_2649 : vector<16xf32>
      %max3A_2696 = arith.maximumf %max3A_2649, %get3A_2692 : vector<16xf32>
      %min3A_2697 = arith.minimumf %max3A_2649, %get3A_2692 : vector<16xf32>
      %select_n3A_2698 = arith.select %gt3A_2695, %select_n3A_2652, %broadcast_in_dim3A_2694 : vector<16xi1>, vector<16xi32>
      %select_n3A_2699 = arith.select %gt3A_2695, %broadcast_in_dim3A_2694, %select_n3A_2652 : vector<16xi1>, vector<16xi32>
      %gt3A_2700 = arith.cmpf ogt, %min3A_2697, %max3A_2654 : vector<16xf32>
      %max3A_2701 = arith.maximumf %max3A_2654, %min3A_2697 : vector<16xf32>
      %min3A_2702 = arith.minimumf %max3A_2654, %min3A_2697 : vector<16xf32>
      %select_n3A_2703 = arith.select %gt3A_2700, %select_n3A_2657, %select_n3A_2698 : vector<16xi1>, vector<16xi32>
      %select_n3A_2704 = arith.select %gt3A_2700, %select_n3A_2698, %select_n3A_2657 : vector<16xi1>, vector<16xi32>
      %gt3A_2705 = arith.cmpf ogt, %min3A_2702, %max3A_2659 : vector<16xf32>
      %max3A_2706 = arith.maximumf %max3A_2659, %min3A_2702 : vector<16xf32>
      %min3A_2707 = arith.minimumf %max3A_2659, %min3A_2702 : vector<16xf32>
      %select_n3A_2708 = arith.select %gt3A_2705, %select_n3A_2662, %select_n3A_2703 : vector<16xi1>, vector<16xi32>
      %select_n3A_2709 = arith.select %gt3A_2705, %select_n3A_2703, %select_n3A_2662 : vector<16xi1>, vector<16xi32>
      %gt3A_2710 = arith.cmpf ogt, %min3A_2707, %max3A_2664 : vector<16xf32>
      %max3A_2711 = arith.maximumf %max3A_2664, %min3A_2707 : vector<16xf32>
      %min3A_2712 = arith.minimumf %max3A_2664, %min3A_2707 : vector<16xf32>
      %select_n3A_2713 = arith.select %gt3A_2710, %select_n3A_2667, %select_n3A_2708 : vector<16xi1>, vector<16xi32>
      %select_n3A_2714 = arith.select %gt3A_2710, %select_n3A_2708, %select_n3A_2667 : vector<16xi1>, vector<16xi32>
      %gt3A_2715 = arith.cmpf ogt, %min3A_2712, %max3A_2669 : vector<16xf32>
      %max3A_2716 = arith.maximumf %max3A_2669, %min3A_2712 : vector<16xf32>
      %min3A_2717 = arith.minimumf %max3A_2669, %min3A_2712 : vector<16xf32>
      %select_n3A_2718 = arith.select %gt3A_2715, %select_n3A_2672, %select_n3A_2713 : vector<16xi1>, vector<16xi32>
      %select_n3A_2719 = arith.select %gt3A_2715, %select_n3A_2713, %select_n3A_2672 : vector<16xi1>, vector<16xi32>
      %gt3A_2720 = arith.cmpf ogt, %min3A_2717, %max3A_2674 : vector<16xf32>
      %max3A_2721 = arith.maximumf %max3A_2674, %min3A_2717 : vector<16xf32>
      %min3A_2722 = arith.minimumf %max3A_2674, %min3A_2717 : vector<16xf32>
      %select_n3A_2723 = arith.select %gt3A_2720, %select_n3A_2677, %select_n3A_2718 : vector<16xi1>, vector<16xi32>
      %select_n3A_2724 = arith.select %gt3A_2720, %select_n3A_2718, %select_n3A_2677 : vector<16xi1>, vector<16xi32>
      %gt3A_2725 = arith.cmpf ogt, %min3A_2722, %max3A_2679 : vector<16xf32>
      %max3A_2726 = arith.maximumf %max3A_2679, %min3A_2722 : vector<16xf32>
      %min3A_2727 = arith.minimumf %max3A_2679, %min3A_2722 : vector<16xf32>
      %select_n3A_2728 = arith.select %gt3A_2725, %select_n3A_2682, %select_n3A_2723 : vector<16xi1>, vector<16xi32>
      %select_n3A_2729 = arith.select %gt3A_2725, %select_n3A_2723, %select_n3A_2682 : vector<16xi1>, vector<16xi32>
      %gt3A_2730 = arith.cmpf ogt, %min3A_2727, %max3A_2684 : vector<16xf32>
      %max3A_2731 = arith.maximumf %max3A_2684, %min3A_2727 : vector<16xf32>
      %min3A_2732 = arith.minimumf %max3A_2684, %min3A_2727 : vector<16xf32>
      %select_n3A_2733 = arith.select %gt3A_2730, %select_n3A_2687, %select_n3A_2728 : vector<16xi1>, vector<16xi32>
      %select_n3A_2734 = arith.select %gt3A_2730, %select_n3A_2728, %select_n3A_2687 : vector<16xi1>, vector<16xi32>
      %get3A_2735 = arith.constant 58 : i32
      %get3A_2736 = arith.index_cast %get3A_2735 : i32 to index
      %get3A_2737 = arith.index_cast %mul3A_10 : i32 to index
      %get3A_2738 = tpu.vector_load %arg5[%get3A_2736, %get3A_2737] {strides = array<i32>} : memref<64x512xf32, #tpu.memory_space<vmem>>, vector<1x16xf32>,
      %get3A_2739 = vector.shape_cast %get3A_2738 : vector<1x16xf32> to vector<16xf32>
      %broadcast_in_dim3A_2740 = arith.constant 58 : i32
      %broadcast_in_dim3A_2741 = vector.broadcast %broadcast_in_dim3A_2740 : i32 to vector<16xi32>
      %gt3A_2742 = arith.cmpf ogt, %get3A_2739, %max3A_2696 : vector<16xf32>
      %max3A_2743 = arith.maximumf %max3A_2696, %get3A_2739 : vector<16xf32>
      %min3A_2744 = arith.minimumf %max3A_2696, %get3A_2739 : vector<16xf32>
      %select_n3A_2745 = arith.select %gt3A_2742, %select_n3A_2699, %broadcast_in_dim3A_2741 : vector<16xi1>, vector<16xi32>
      %select_n3A_2746 = arith.select %gt3A_2742, %broadcast_in_dim3A_2741, %select_n3A_2699 : vector<16xi1>, vector<16xi32>
      %gt3A_2747 = arith.cmpf ogt, %min3A_2744, %max3A_2701 : vector<16xf32>
      %max3A_2748 = arith.maximumf %max3A_2701, %min3A_2744 : vector<16xf32>
      %min3A_2749 = arith.minimumf %max3A_2701, %min3A_2744 : vector<16xf32>
      %select_n3A_2750 = arith.select %gt3A_2747, %select_n3A_2704, %select_n3A_2745 : vector<16xi1>, vector<16xi32>
      %select_n3A_2751 = arith.select %gt3A_2747, %select_n3A_2745, %select_n3A_2704 : vector<16xi1>, vector<16xi32>
      %gt3A_2752 = arith.cmpf ogt, %min3A_2749, %max3A_2706 : vector<16xf32>
      %max3A_2753 = arith.maximumf %max3A_2706, %min3A_2749 : vector<16xf32>
      %min3A_2754 = arith.minimumf %max3A_2706, %min3A_2749 : vector<16xf32>
      %select_n3A_2755 = arith.select %gt3A_2752, %select_n3A_2709, %select_n3A_2750 : vector<16xi1>, vector<16xi32>
      %select_n3A_2756 = arith.select %gt3A_2752, %select_n3A_2750, %select_n3A_2709 : vector<16xi1>, vector<16xi32>
      %gt3A_2757 = arith.cmpf ogt, %min3A_2754, %max3A_2711 : vector<16xf32>
      %max3A_2758 = arith.maximumf %max3A_2711, %min3A_2754 : vector<16xf32>
      %min3A_2759 = arith.minimumf %max3A_2711, %min3A_2754 : vector<16xf32>
      %select_n3A_2760 = arith.select %gt3A_2757, %select_n3A_2714, %select_n3A_2755 : vector<16xi1>, vector<16xi32>
      %select_n3A_2761 = arith.select %gt3A_2757, %select_n3A_2755, %select_n3A_2714 : vector<16xi1>, vector<16xi32>
      %gt3A_2762 = arith.cmpf ogt, %min3A_2759, %max3A_2716 : vector<16xf32>
      %max3A_2763 = arith.maximumf %max3A_2716, %min3A_2759 : vector<16xf32>
      %min3A_2764 = arith.minimumf %max3A_2716, %min3A_2759 : vector<16xf32>
      %select_n3A_2765 = arith.select %gt3A_2762, %select_n3A_2719, %select_n3A_2760 : vector<16xi1>, vector<16xi32>
      %select_n3A_2766 = arith.select %gt3A_2762, %select_n3A_2760, %select_n3A_2719 : vector<16xi1>, vector<16xi32>
      %gt3A_2767 = arith.cmpf ogt, %min3A_2764, %max3A_2721 : vector<16xf32>
      %max3A_2768 = arith.maximumf %max3A_2721, %min3A_2764 : vector<16xf32>
      %min3A_2769 = arith.minimumf %max3A_2721, %min3A_2764 : vector<16xf32>
      %select_n3A_2770 = arith.select %gt3A_2767, %select_n3A_2724, %select_n3A_2765 : vector<16xi1>, vector<16xi32>
      %select_n3A_2771 = arith.select %gt3A_2767, %select_n3A_2765, %select_n3A_2724 : vector<16xi1>, vector<16xi32>
      %gt3A_2772 = arith.cmpf ogt, %min3A_2769, %max3A_2726 : vector<16xf32>
      %max3A_2773 = arith.maximumf %max3A_2726, %min3A_2769 : vector<16xf32>
      %min3A_2774 = arith.minimumf %max3A_2726, %min3A_2769 : vector<16xf32>
      %select_n3A_2775 = arith.select %gt3A_2772, %select_n3A_2729, %select_n3A_2770 : vector<16xi1>, vector<16xi32>
      %select_n3A_2776 = arith.select %gt3A_2772, %select_n3A_2770, %select_n3A_2729 : vector<16xi1>, vector<16xi32>
      %gt3A_2777 = arith.cmpf ogt, %min3A_2774, %max3A_2731 : vector<16xf32>
      %max3A_2778 = arith.maximumf %max3A_2731, %min3A_2774 : vector<16xf32>
      %min3A_2779 = arith.minimumf %max3A_2731, %min3A_2774 : vector<16xf32>
      %select_n3A_2780 = arith.select %gt3A_2777, %select_n3A_2734, %select_n3A_2775 : vector<16xi1>, vector<16xi32>
      %select_n3A_2781 = arith.select %gt3A_2777, %select_n3A_2775, %select_n3A_2734 : vector<16xi1>, vector<16xi32>
      %get3A_2782 = arith.constant 59 : i32
      %get3A_2783 = arith.index_cast %get3A_2782 : i32 to index
      %get3A_2784 = arith.index_cast %mul3A_10 : i32 to index
      %get3A_2785 = tpu.vector_load %arg5[%get3A_2783, %get3A_2784] {strides = array<i32>} : memref<64x512xf32, #tpu.memory_space<vmem>>, vector<1x16xf32>,
      %get3A_2786 = vector.shape_cast %get3A_2785 : vector<1x16xf32> to vector<16xf32>
      %broadcast_in_dim3A_2787 = arith.constant 59 : i32
      %broadcast_in_dim3A_2788 = vector.broadcast %broadcast_in_dim3A_2787 : i32 to vector<16xi32>
      %gt3A_2789 = arith.cmpf ogt, %get3A_2786, %max3A_2743 : vector<16xf32>
      %max3A_2790 = arith.maximumf %max3A_2743, %get3A_2786 : vector<16xf32>
      %min3A_2791 = arith.minimumf %max3A_2743, %get3A_2786 : vector<16xf32>
      %select_n3A_2792 = arith.select %gt3A_2789, %select_n3A_2746, %broadcast_in_dim3A_2788 : vector<16xi1>, vector<16xi32>
      %select_n3A_2793 = arith.select %gt3A_2789, %broadcast_in_dim3A_2788, %select_n3A_2746 : vector<16xi1>, vector<16xi32>
      %gt3A_2794 = arith.cmpf ogt, %min3A_2791, %max3A_2748 : vector<16xf32>
      %max3A_2795 = arith.maximumf %max3A_2748, %min3A_2791 : vector<16xf32>
      %min3A_2796 = arith.minimumf %max3A_2748, %min3A_2791 : vector<16xf32>
      %select_n3A_2797 = arith.select %gt3A_2794, %select_n3A_2751, %select_n3A_2792 : vector<16xi1>, vector<16xi32>
      %select_n3A_2798 = arith.select %gt3A_2794, %select_n3A_2792, %select_n3A_2751 : vector<16xi1>, vector<16xi32>
      %gt3A_2799 = arith.cmpf ogt, %min3A_2796, %max3A_2753 : vector<16xf32>
      %max3A_2800 = arith.maximumf %max3A_2753, %min3A_2796 : vector<16xf32>
      %min3A_2801 = arith.minimumf %max3A_2753, %min3A_2796 : vector<16xf32>
      %select_n3A_2802 = arith.select %gt3A_2799, %select_n3A_2756, %select_n3A_2797 : vector<16xi1>, vector<16xi32>
      %select_n3A_2803 = arith.select %gt3A_2799, %select_n3A_2797, %select_n3A_2756 : vector<16xi1>, vector<16xi32>
      %gt3A_2804 = arith.cmpf ogt, %min3A_2801, %max3A_2758 : vector<16xf32>
      %max3A_2805 = arith.maximumf %max3A_2758, %min3A_2801 : vector<16xf32>
      %min3A_2806 = arith.minimumf %max3A_2758, %min3A_2801 : vector<16xf32>
      %select_n3A_2807 = arith.select %gt3A_2804, %select_n3A_2761, %select_n3A_2802 : vector<16xi1>, vector<16xi32>
      %select_n3A_2808 = arith.select %gt3A_2804, %select_n3A_2802, %select_n3A_2761 : vector<16xi1>, vector<16xi32>
      %gt3A_2809 = arith.cmpf ogt, %min3A_2806, %max3A_2763 : vector<16xf32>
      %max3A_2810 = arith.maximumf %max3A_2763, %min3A_2806 : vector<16xf32>
      %min3A_2811 = arith.minimumf %max3A_2763, %min3A_2806 : vector<16xf32>
      %select_n3A_2812 = arith.select %gt3A_2809, %select_n3A_2766, %select_n3A_2807 : vector<16xi1>, vector<16xi32>
      %select_n3A_2813 = arith.select %gt3A_2809, %select_n3A_2807, %select_n3A_2766 : vector<16xi1>, vector<16xi32>
      %gt3A_2814 = arith.cmpf ogt, %min3A_2811, %max3A_2768 : vector<16xf32>
      %max3A_2815 = arith.maximumf %max3A_2768, %min3A_2811 : vector<16xf32>
      %min3A_2816 = arith.minimumf %max3A_2768, %min3A_2811 : vector<16xf32>
      %select_n3A_2817 = arith.select %gt3A_2814, %select_n3A_2771, %select_n3A_2812 : vector<16xi1>, vector<16xi32>
      %select_n3A_2818 = arith.select %gt3A_2814, %select_n3A_2812, %select_n3A_2771 : vector<16xi1>, vector<16xi32>
      %gt3A_2819 = arith.cmpf ogt, %min3A_2816, %max3A_2773 : vector<16xf32>
      %max3A_2820 = arith.maximumf %max3A_2773, %min3A_2816 : vector<16xf32>
      %min3A_2821 = arith.minimumf %max3A_2773, %min3A_2816 : vector<16xf32>
      %select_n3A_2822 = arith.select %gt3A_2819, %select_n3A_2776, %select_n3A_2817 : vector<16xi1>, vector<16xi32>
      %select_n3A_2823 = arith.select %gt3A_2819, %select_n3A_2817, %select_n3A_2776 : vector<16xi1>, vector<16xi32>
      %gt3A_2824 = arith.cmpf ogt, %min3A_2821, %max3A_2778 : vector<16xf32>
      %max3A_2825 = arith.maximumf %max3A_2778, %min3A_2821 : vector<16xf32>
      %min3A_2826 = arith.minimumf %max3A_2778, %min3A_2821 : vector<16xf32>
      %select_n3A_2827 = arith.select %gt3A_2824, %select_n3A_2781, %select_n3A_2822 : vector<16xi1>, vector<16xi32>
      %select_n3A_2828 = arith.select %gt3A_2824, %select_n3A_2822, %select_n3A_2781 : vector<16xi1>, vector<16xi32>
      %get3A_2829 = arith.constant 60 : i32
      %get3A_2830 = arith.index_cast %get3A_2829 : i32 to index
      %get3A_2831 = arith.index_cast %mul3A_10 : i32 to index
      %get3A_2832 = tpu.vector_load %arg5[%get3A_2830, %get3A_2831] {strides = array<i32>} : memref<64x512xf32, #tpu.memory_space<vmem>>, vector<1x16xf32>,
      %get3A_2833 = vector.shape_cast %get3A_2832 : vector<1x16xf32> to vector<16xf32>
      %broadcast_in_dim3A_2834 = arith.constant 60 : i32
      %broadcast_in_dim3A_2835 = vector.broadcast %broadcast_in_dim3A_2834 : i32 to vector<16xi32>
      %gt3A_2836 = arith.cmpf ogt, %get3A_2833, %max3A_2790 : vector<16xf32>
      %max3A_2837 = arith.maximumf %max3A_2790, %get3A_2833 : vector<16xf32>
      %min3A_2838 = arith.minimumf %max3A_2790, %get3A_2833 : vector<16xf32>
      %select_n3A_2839 = arith.select %gt3A_2836, %select_n3A_2793, %broadcast_in_dim3A_2835 : vector<16xi1>, vector<16xi32>
      %select_n3A_2840 = arith.select %gt3A_2836, %broadcast_in_dim3A_2835, %select_n3A_2793 : vector<16xi1>, vector<16xi32>
      %gt3A_2841 = arith.cmpf ogt, %min3A_2838, %max3A_2795 : vector<16xf32>
      %max3A_2842 = arith.maximumf %max3A_2795, %min3A_2838 : vector<16xf32>
      %min3A_2843 = arith.minimumf %max3A_2795, %min3A_2838 : vector<16xf32>
      %select_n3A_2844 = arith.select %gt3A_2841, %select_n3A_2798, %select_n3A_2839 : vector<16xi1>, vector<16xi32>
      %select_n3A_2845 = arith.select %gt3A_2841, %select_n3A_2839, %select_n3A_2798 : vector<16xi1>, vector<16xi32>
      %gt3A_2846 = arith.cmpf ogt, %min3A_2843, %max3A_2800 : vector<16xf32>
      %max3A_2847 = arith.maximumf %max3A_2800, %min3A_2843 : vector<16xf32>
      %min3A_2848 = arith.minimumf %max3A_2800, %min3A_2843 : vector<16xf32>
      %select_n3A_2849 = arith.select %gt3A_2846, %select_n3A_2803, %select_n3A_2844 : vector<16xi1>, vector<16xi32>
      %select_n3A_2850 = arith.select %gt3A_2846, %select_n3A_2844, %select_n3A_2803 : vector<16xi1>, vector<16xi32>
      %gt3A_2851 = arith.cmpf ogt, %min3A_2848, %max3A_2805 : vector<16xf32>
      %max3A_2852 = arith.maximumf %max3A_2805, %min3A_2848 : vector<16xf32>
      %min3A_2853 = arith.minimumf %max3A_2805, %min3A_2848 : vector<16xf32>
      %select_n3A_2854 = arith.select %gt3A_2851, %select_n3A_2808, %select_n3A_2849 : vector<16xi1>, vector<16xi32>
      %select_n3A_2855 = arith.select %gt3A_2851, %select_n3A_2849, %select_n3A_2808 : vector<16xi1>, vector<16xi32>
      %gt3A_2856 = arith.cmpf ogt, %min3A_2853, %max3A_2810 : vector<16xf32>
      %max3A_2857 = arith.maximumf %max3A_2810, %min3A_2853 : vector<16xf32>
      %min3A_2858 = arith.minimumf %max3A_2810, %min3A_2853 : vector<16xf32>
      %select_n3A_2859 = arith.select %gt3A_2856, %select_n3A_2813, %select_n3A_2854 : vector<16xi1>, vector<16xi32>
      %select_n3A_2860 = arith.select %gt3A_2856, %select_n3A_2854, %select_n3A_2813 : vector<16xi1>, vector<16xi32>
      %gt3A_2861 = arith.cmpf ogt, %min3A_2858, %max3A_2815 : vector<16xf32>
      %max3A_2862 = arith.maximumf %max3A_2815, %min3A_2858 : vector<16xf32>
      %min3A_2863 = arith.minimumf %max3A_2815, %min3A_2858 : vector<16xf32>
      %select_n3A_2864 = arith.select %gt3A_2861, %select_n3A_2818, %select_n3A_2859 : vector<16xi1>, vector<16xi32>
      %select_n3A_2865 = arith.select %gt3A_2861, %select_n3A_2859, %select_n3A_2818 : vector<16xi1>, vector<16xi32>
      %gt3A_2866 = arith.cmpf ogt, %min3A_2863, %max3A_2820 : vector<16xf32>
      %max3A_2867 = arith.maximumf %max3A_2820, %min3A_2863 : vector<16xf32>
      %min3A_2868 = arith.minimumf %max3A_2820, %min3A_2863 : vector<16xf32>
      %select_n3A_2869 = arith.select %gt3A_2866, %select_n3A_2823, %select_n3A_2864 : vector<16xi1>, vector<16xi32>
      %select_n3A_2870 = arith.select %gt3A_2866, %select_n3A_2864, %select_n3A_2823 : vector<16xi1>, vector<16xi32>
      %gt3A_2871 = arith.cmpf ogt, %min3A_2868, %max3A_2825 : vector<16xf32>
      %max3A_2872 = arith.maximumf %max3A_2825, %min3A_2868 : vector<16xf32>
      %min3A_2873 = arith.minimumf %max3A_2825, %min3A_2868 : vector<16xf32>
      %select_n3A_2874 = arith.select %gt3A_2871, %select_n3A_2828, %select_n3A_2869 : vector<16xi1>, vector<16xi32>
      %select_n3A_2875 = arith.select %gt3A_2871, %select_n3A_2869, %select_n3A_2828 : vector<16xi1>, vector<16xi32>
      %get3A_2876 = arith.constant 61 : i32
      %get3A_2877 = arith.index_cast %get3A_2876 : i32 to index
      %get3A_2878 = arith.index_cast %mul3A_10 : i32 to index
      %get3A_2879 = tpu.vector_load %arg5[%get3A_2877, %get3A_2878] {strides = array<i32>} : memref<64x512xf32, #tpu.memory_space<vmem>>, vector<1x16xf32>,
      %get3A_2880 = vector.shape_cast %get3A_2879 : vector<1x16xf32> to vector<16xf32>
      %broadcast_in_dim3A_2881 = arith.constant 61 : i32
      %broadcast_in_dim3A_2882 = vector.broadcast %broadcast_in_dim3A_2881 : i32 to vector<16xi32>
      %gt3A_2883 = arith.cmpf ogt, %get3A_2880, %max3A_2837 : vector<16xf32>
      %max3A_2884 = arith.maximumf %max3A_2837, %get3A_2880 : vector<16xf32>
      %min3A_2885 = arith.minimumf %max3A_2837, %get3A_2880 : vector<16xf32>
      %select_n3A_2886 = arith.select %gt3A_2883, %select_n3A_2840, %broadcast_in_dim3A_2882 : vector<16xi1>, vector<16xi32>
      %select_n3A_2887 = arith.select %gt3A_2883, %broadcast_in_dim3A_2882, %select_n3A_2840 : vector<16xi1>, vector<16xi32>
      %gt3A_2888 = arith.cmpf ogt, %min3A_2885, %max3A_2842 : vector<16xf32>
      %max3A_2889 = arith.maximumf %max3A_2842, %min3A_2885 : vector<16xf32>
      %min3A_2890 = arith.minimumf %max3A_2842, %min3A_2885 : vector<16xf32>
      %select_n3A_2891 = arith.select %gt3A_2888, %select_n3A_2845, %select_n3A_2886 : vector<16xi1>, vector<16xi32>
      %select_n3A_2892 = arith.select %gt3A_2888, %select_n3A_2886, %select_n3A_2845 : vector<16xi1>, vector<16xi32>
      %gt3A_2893 = arith.cmpf ogt, %min3A_2890, %max3A_2847 : vector<16xf32>
      %max3A_2894 = arith.maximumf %max3A_2847, %min3A_2890 : vector<16xf32>
      %min3A_2895 = arith.minimumf %max3A_2847, %min3A_2890 : vector<16xf32>
      %select_n3A_2896 = arith.select %gt3A_2893, %select_n3A_2850, %select_n3A_2891 : vector<16xi1>, vector<16xi32>
      %select_n3A_2897 = arith.select %gt3A_2893, %select_n3A_2891, %select_n3A_2850 : vector<16xi1>, vector<16xi32>
      %gt3A_2898 = arith.cmpf ogt, %min3A_2895, %max3A_2852 : vector<16xf32>
      %max3A_2899 = arith.maximumf %max3A_2852, %min3A_2895 : vector<16xf32>
      %min3A_2900 = arith.minimumf %max3A_2852, %min3A_2895 : vector<16xf32>
      %select_n3A_2901 = arith.select %gt3A_2898, %select_n3A_2855, %select_n3A_2896 : vector<16xi1>, vector<16xi32>
      %select_n3A_2902 = arith.select %gt3A_2898, %select_n3A_2896, %select_n3A_2855 : vector<16xi1>, vector<16xi32>
      %gt3A_2903 = arith.cmpf ogt, %min3A_2900, %max3A_2857 : vector<16xf32>
      %max3A_2904 = arith.maximumf %max3A_2857, %min3A_2900 : vector<16xf32>
      %min3A_2905 = arith.minimumf %max3A_2857, %min3A_2900 : vector<16xf32>
      %select_n3A_2906 = arith.select %gt3A_2903, %select_n3A_2860, %select_n3A_2901 : vector<16xi1>, vector<16xi32>
      %select_n3A_2907 = arith.select %gt3A_2903, %select_n3A_2901, %select_n3A_2860 : vector<16xi1>, vector<16xi32>
      %gt3A_2908 = arith.cmpf ogt, %min3A_2905, %max3A_2862 : vector<16xf32>
      %max3A_2909 = arith.maximumf %max3A_2862, %min3A_2905 : vector<16xf32>
      %min3A_2910 = arith.minimumf %max3A_2862, %min3A_2905 : vector<16xf32>
      %select_n3A_2911 = arith.select %gt3A_2908, %select_n3A_2865, %select_n3A_2906 : vector<16xi1>, vector<16xi32>
      %select_n3A_2912 = arith.select %gt3A_2908, %select_n3A_2906, %select_n3A_2865 : vector<16xi1>, vector<16xi32>
      %gt3A_2913 = arith.cmpf ogt, %min3A_2910, %max3A_2867 : vector<16xf32>
      %max3A_2914 = arith.maximumf %max3A_2867, %min3A_2910 : vector<16xf32>
      %min3A_2915 = arith.minimumf %max3A_2867, %min3A_2910 : vector<16xf32>
      %select_n3A_2916 = arith.select %gt3A_2913, %select_n3A_2870, %select_n3A_2911 : vector<16xi1>, vector<16xi32>
      %select_n3A_2917 = arith.select %gt3A_2913, %select_n3A_2911, %select_n3A_2870 : vector<16xi1>, vector<16xi32>
      %gt3A_2918 = arith.cmpf ogt, %min3A_2915, %max3A_2872 : vector<16xf32>
      %max3A_2919 = arith.maximumf %max3A_2872, %min3A_2915 : vector<16xf32>
      %min3A_2920 = arith.minimumf %max3A_2872, %min3A_2915 : vector<16xf32>
      %select_n3A_2921 = arith.select %gt3A_2918, %select_n3A_2875, %select_n3A_2916 : vector<16xi1>, vector<16xi32>
      %select_n3A_2922 = arith.select %gt3A_2918, %select_n3A_2916, %select_n3A_2875 : vector<16xi1>, vector<16xi32>
      %get3A_2923 = arith.constant 62 : i32
      %get3A_2924 = arith.index_cast %get3A_2923 : i32 to index
      %get3A_2925 = arith.index_cast %mul3A_10 : i32 to index
      %get3A_2926 = tpu.vector_load %arg5[%get3A_2924, %get3A_2925] {strides = array<i32>} : memref<64x512xf32, #tpu.memory_space<vmem>>, vector<1x16xf32>,
      %get3A_2927 = vector.shape_cast %get3A_2926 : vector<1x16xf32> to vector<16xf32>
      %broadcast_in_dim3A_2928 = arith.constant 62 : i32
      %broadcast_in_dim3A_2929 = vector.broadcast %broadcast_in_dim3A_2928 : i32 to vector<16xi32>
      %gt3A_2930 = arith.cmpf ogt, %get3A_2927, %max3A_2884 : vector<16xf32>
      %max3A_2931 = arith.maximumf %max3A_2884, %get3A_2927 : vector<16xf32>
      %min3A_2932 = arith.minimumf %max3A_2884, %get3A_2927 : vector<16xf32>
      %select_n3A_2933 = arith.select %gt3A_2930, %select_n3A_2887, %broadcast_in_dim3A_2929 : vector<16xi1>, vector<16xi32>
      %select_n3A_2934 = arith.select %gt3A_2930, %broadcast_in_dim3A_2929, %select_n3A_2887 : vector<16xi1>, vector<16xi32>
      %gt3A_2935 = arith.cmpf ogt, %min3A_2932, %max3A_2889 : vector<16xf32>
      %max3A_2936 = arith.maximumf %max3A_2889, %min3A_2932 : vector<16xf32>
      %min3A_2937 = arith.minimumf %max3A_2889, %min3A_2932 : vector<16xf32>
      %select_n3A_2938 = arith.select %gt3A_2935, %select_n3A_2892, %select_n3A_2933 : vector<16xi1>, vector<16xi32>
      %select_n3A_2939 = arith.select %gt3A_2935, %select_n3A_2933, %select_n3A_2892 : vector<16xi1>, vector<16xi32>
      %gt3A_2940 = arith.cmpf ogt, %min3A_2937, %max3A_2894 : vector<16xf32>
      %max3A_2941 = arith.maximumf %max3A_2894, %min3A_2937 : vector<16xf32>
      %min3A_2942 = arith.minimumf %max3A_2894, %min3A_2937 : vector<16xf32>
      %select_n3A_2943 = arith.select %gt3A_2940, %select_n3A_2897, %select_n3A_2938 : vector<16xi1>, vector<16xi32>
      %select_n3A_2944 = arith.select %gt3A_2940, %select_n3A_2938, %select_n3A_2897 : vector<16xi1>, vector<16xi32>
      %gt3A_2945 = arith.cmpf ogt, %min3A_2942, %max3A_2899 : vector<16xf32>
      %max3A_2946 = arith.maximumf %max3A_2899, %min3A_2942 : vector<16xf32>
      %min3A_2947 = arith.minimumf %max3A_2899, %min3A_2942 : vector<16xf32>
      %select_n3A_2948 = arith.select %gt3A_2945, %select_n3A_2902, %select_n3A_2943 : vector<16xi1>, vector<16xi32>
      %select_n3A_2949 = arith.select %gt3A_2945, %select_n3A_2943, %select_n3A_2902 : vector<16xi1>, vector<16xi32>
      %gt3A_2950 = arith.cmpf ogt, %min3A_2947, %max3A_2904 : vector<16xf32>
      %max3A_2951 = arith.maximumf %max3A_2904, %min3A_2947 : vector<16xf32>
      %min3A_2952 = arith.minimumf %max3A_2904, %min3A_2947 : vector<16xf32>
      %select_n3A_2953 = arith.select %gt3A_2950, %select_n3A_2907, %select_n3A_2948 : vector<16xi1>, vector<16xi32>
      %select_n3A_2954 = arith.select %gt3A_2950, %select_n3A_2948, %select_n3A_2907 : vector<16xi1>, vector<16xi32>
      %gt3A_2955 = arith.cmpf ogt, %min3A_2952, %max3A_2909 : vector<16xf32>
      %max3A_2956 = arith.maximumf %max3A_2909, %min3A_2952 : vector<16xf32>
      %min3A_2957 = arith.minimumf %max3A_2909, %min3A_2952 : vector<16xf32>
      %select_n3A_2958 = arith.select %gt3A_2955, %select_n3A_2912, %select_n3A_2953 : vector<16xi1>, vector<16xi32>
      %select_n3A_2959 = arith.select %gt3A_2955, %select_n3A_2953, %select_n3A_2912 : vector<16xi1>, vector<16xi32>
      %gt3A_2960 = arith.cmpf ogt, %min3A_2957, %max3A_2914 : vector<16xf32>
      %max3A_2961 = arith.maximumf %max3A_2914, %min3A_2957 : vector<16xf32>
      %min3A_2962 = arith.minimumf %max3A_2914, %min3A_2957 : vector<16xf32>
      %select_n3A_2963 = arith.select %gt3A_2960, %select_n3A_2917, %select_n3A_2958 : vector<16xi1>, vector<16xi32>
      %select_n3A_2964 = arith.select %gt3A_2960, %select_n3A_2958, %select_n3A_2917 : vector<16xi1>, vector<16xi32>
      %gt3A_2965 = arith.cmpf ogt, %min3A_2962, %max3A_2919 : vector<16xf32>
      %max3A_2966 = arith.maximumf %max3A_2919, %min3A_2962 : vector<16xf32>
      %min3A_2967 = arith.minimumf %max3A_2919, %min3A_2962 : vector<16xf32>
      %select_n3A_2968 = arith.select %gt3A_2965, %select_n3A_2922, %select_n3A_2963 : vector<16xi1>, vector<16xi32>
      %select_n3A_2969 = arith.select %gt3A_2965, %select_n3A_2963, %select_n3A_2922 : vector<16xi1>, vector<16xi32>
      %get3A_2970 = arith.constant 63 : i32
      %get3A_2971 = arith.index_cast %get3A_2970 : i32 to index
      %get3A_2972 = arith.index_cast %mul3A_10 : i32 to index
      %get3A_2973 = tpu.vector_load %arg5[%get3A_2971, %get3A_2972] {strides = array<i32>} : memref<64x512xf32, #tpu.memory_space<vmem>>, vector<1x16xf32>,
      %get3A_2974 = vector.shape_cast %get3A_2973 : vector<1x16xf32> to vector<16xf32>
      %broadcast_in_dim3A_2975 = arith.constant 63 : i32
      %broadcast_in_dim3A_2976 = vector.broadcast %broadcast_in_dim3A_2975 : i32 to vector<16xi32>
      %gt3A_2977 = arith.cmpf ogt, %get3A_2974, %max3A_2931 : vector<16xf32>
      %max3A_2978 = arith.maximumf %max3A_2931, %get3A_2974 : vector<16xf32>
      %min3A_2979 = arith.minimumf %max3A_2931, %get3A_2974 : vector<16xf32>
      %select_n3A_2980 = arith.select %gt3A_2977, %select_n3A_2934, %broadcast_in_dim3A_2976 : vector<16xi1>, vector<16xi32>
      %select_n3A_2981 = arith.select %gt3A_2977, %broadcast_in_dim3A_2976, %select_n3A_2934 : vector<16xi1>, vector<16xi32>
      %gt3A_2982 = arith.cmpf ogt, %min3A_2979, %max3A_2936 : vector<16xf32>
      %max3A_2983 = arith.maximumf %max3A_2936, %min3A_2979 : vector<16xf32>
      %min3A_2984 = arith.minimumf %max3A_2936, %min3A_2979 : vector<16xf32>
      %select_n3A_2985 = arith.select %gt3A_2982, %select_n3A_2939, %select_n3A_2980 : vector<16xi1>, vector<16xi32>
      %select_n3A_2986 = arith.select %gt3A_2982, %select_n3A_2980, %select_n3A_2939 : vector<16xi1>, vector<16xi32>
      %gt3A_2987 = arith.cmpf ogt, %min3A_2984, %max3A_2941 : vector<16xf32>
      %max3A_2988 = arith.maximumf %max3A_2941, %min3A_2984 : vector<16xf32>
      %min3A_2989 = arith.minimumf %max3A_2941, %min3A_2984 : vector<16xf32>
      %select_n3A_2990 = arith.select %gt3A_2987, %select_n3A_2944, %select_n3A_2985 : vector<16xi1>, vector<16xi32>
      %select_n3A_2991 = arith.select %gt3A_2987, %select_n3A_2985, %select_n3A_2944 : vector<16xi1>, vector<16xi32>
      %gt3A_2992 = arith.cmpf ogt, %min3A_2989, %max3A_2946 : vector<16xf32>
      %max3A_2993 = arith.maximumf %max3A_2946, %min3A_2989 : vector<16xf32>
      %min3A_2994 = arith.minimumf %max3A_2946, %min3A_2989 : vector<16xf32>
      %select_n3A_2995 = arith.select %gt3A_2992, %select_n3A_2949, %select_n3A_2990 : vector<16xi1>, vector<16xi32>
      %select_n3A_2996 = arith.select %gt3A_2992, %select_n3A_2990, %select_n3A_2949 : vector<16xi1>, vector<16xi32>
      %gt3A_2997 = arith.cmpf ogt, %min3A_2994, %max3A_2951 : vector<16xf32>
      %max3A_2998 = arith.maximumf %max3A_2951, %min3A_2994 : vector<16xf32>
      %min3A_2999 = arith.minimumf %max3A_2951, %min3A_2994 : vector<16xf32>
      %select_n3A_3000 = arith.select %gt3A_2997, %select_n3A_2954, %select_n3A_2995 : vector<16xi1>, vector<16xi32>
      %select_n3A_3001 = arith.select %gt3A_2997, %select_n3A_2995, %select_n3A_2954 : vector<16xi1>, vector<16xi32>
      %gt3A_3002 = arith.cmpf ogt, %min3A_2999, %max3A_2956 : vector<16xf32>
      %max3A_3003 = arith.maximumf %max3A_2956, %min3A_2999 : vector<16xf32>
      %min3A_3004 = arith.minimumf %max3A_2956, %min3A_2999 : vector<16xf32>
      %select_n3A_3005 = arith.select %gt3A_3002, %select_n3A_2959, %select_n3A_3000 : vector<16xi1>, vector<16xi32>
      %select_n3A_3006 = arith.select %gt3A_3002, %select_n3A_3000, %select_n3A_2959 : vector<16xi1>, vector<16xi32>
      %gt3A_3007 = arith.cmpf ogt, %min3A_3004, %max3A_2961 : vector<16xf32>
      %max3A_3008 = arith.maximumf %max3A_2961, %min3A_3004 : vector<16xf32>
      %min3A_3009 = arith.minimumf %max3A_2961, %min3A_3004 : vector<16xf32>
      %select_n3A_3010 = arith.select %gt3A_3007, %select_n3A_2964, %select_n3A_3005 : vector<16xi1>, vector<16xi32>
      %select_n3A_3011 = arith.select %gt3A_3007, %select_n3A_3005, %select_n3A_2964 : vector<16xi1>, vector<16xi32>
      %gt3A_3012 = arith.cmpf ogt, %min3A_3009, %max3A_2966 : vector<16xf32>
      %max3A_3013 = arith.maximumf %max3A_2966, %min3A_3009 : vector<16xf32>
      %min3A_3014 = arith.minimumf %max3A_2966, %min3A_3009 : vector<16xf32>
      %select_n3A_3015 = arith.select %gt3A_3012, %select_n3A_2969, %select_n3A_3010 : vector<16xi1>, vector<16xi32>
      %select_n3A_3016 = arith.select %gt3A_3012, %select_n3A_3010, %select_n3A_2969 : vector<16xi1>, vector<16xi32>
      %sub3A = arith.subf %max3A_2978, %max3A_2978 : vector<16xf32>
      %exp3A = math.exp %sub3A : vector<16xf32>
      %sub3A_3017 = arith.subf %max3A_2983, %max3A_2978 : vector<16xf32>
      %exp3A_3018 = math.exp %sub3A_3017 : vector<16xf32>
      %sub3A_3019 = arith.subf %max3A_2988, %max3A_2978 : vector<16xf32>
      %exp3A_3020 = math.exp %sub3A_3019 : vector<16xf32>
      %sub3A_3021 = arith.subf %max3A_2993, %max3A_2978 : vector<16xf32>
      %exp3A_3022 = math.exp %sub3A_3021 : vector<16xf32>
      %sub3A_3023 = arith.subf %max3A_2998, %max3A_2978 : vector<16xf32>
      %exp3A_3024 = math.exp %sub3A_3023 : vector<16xf32>
      %sub3A_3025 = arith.subf %max3A_3003, %max3A_2978 : vector<16xf32>
      %exp3A_3026 = math.exp %sub3A_3025 : vector<16xf32>
      %sub3A_3027 = arith.subf %max3A_3008, %max3A_2978 : vector<16xf32>
      %exp3A_3028 = math.exp %sub3A_3027 : vector<16xf32>
      %sub3A_3029 = arith.subf %max3A_3013, %max3A_2978 : vector<16xf32>
      %exp3A_3030 = math.exp %sub3A_3029 : vector<16xf32>
      %add3A_3031 = arith.addf %exp3A, %exp3A_3018 : vector<16xf32>
      %add3A_3032 = arith.addf %add3A_3031, %exp3A_3020 : vector<16xf32>
      %add3A_3033 = arith.addf %add3A_3032, %exp3A_3022 : vector<16xf32>
      %add3A_3034 = arith.addf %add3A_3033, %exp3A_3024 : vector<16xf32>
      %add3A_3035 = arith.addf %add3A_3034, %exp3A_3026 : vector<16xf32>
      %add3A_3036 = arith.addf %add3A_3035, %exp3A_3028 : vector<16xf32>
      %add3A_3037 = arith.addf %add3A_3036, %exp3A_3030 : vector<16xf32>
      %div3A = arith.divf %exp3A, %add3A_3037 : vector<16xf32>
      %swap3A = arith.constant 0 : i32
      %swap3A_3038 = arith.index_cast %swap3A : i32 to index
      %swap3A_3039 = arith.index_cast %mul3A_10 : i32 to index
      %swap3A_3040 = tpu.vector_load %arg6[%swap3A_3038, %swap3A_3039] {strides = array<i32>} : memref<8x512xf32, #tpu.memory_space<vmem>>, vector<1x16xf32>,
      %swap3A_3041 = vector.shape_cast %swap3A_3040 : vector<1x16xf32> to vector<16xf32>
      %swap3A_3042 = vector.shape_cast %div3A : vector<16xf32> to vector<1x16xf32>
      tpu.vector_store %arg6[%swap3A_3038, %swap3A_3039], %swap3A_3042 {strides = array<i32>} : memref<8x512xf32, #tpu.memory_space<vmem>>, vector<1x16xf32>,
      %swap3A_3043 = arith.constant 0 : i32
      %swap3A_3044 = arith.index_cast %swap3A_3043 : i32 to index
      %swap3A_3045 = arith.index_cast %mul3A_10 : i32 to index
      %swap3A_3046 = tpu.vector_load %arg7[%swap3A_3044, %swap3A_3045] {strides = array<i32>} : memref<8x512xi32, #tpu.memory_space<vmem>>, vector<1x16xi32>,
      %swap3A_3047 = vector.shape_cast %swap3A_3046 : vector<1x16xi32> to vector<16xi32>
      %swap3A_3048 = vector.shape_cast %select_n3A_2981 : vector<16xi32> to vector<1x16xi32>
      tpu.vector_store %arg7[%swap3A_3044, %swap3A_3045], %swap3A_3048 {strides = array<i32>} : memref<8x512xi32, #tpu.memory_space<vmem>>, vector<1x16xi32>,
      %div3A_3049 = arith.divf %exp3A_3018, %add3A_3037 : vector<16xf32>
      %swap3A_3050 = arith.constant 1 : i32
      %swap3A_3051 = arith.index_cast %swap3A_3050 : i32 to index
      %swap3A_3052 = arith.index_cast %mul3A_10 : i32 to index
      %swap3A_3053 = tpu.vector_load %arg6[%swap3A_3051, %swap3A_3052] {strides = array<i32>} : memref<8x512xf32, #tpu.memory_space<vmem>>, vector<1x16xf32>,
      %swap3A_3054 = vector.shape_cast %swap3A_3053 : vector<1x16xf32> to vector<16xf32>
      %swap3A_3055 = vector.shape_cast %div3A_3049 : vector<16xf32> to vector<1x16xf32>
      tpu.vector_store %arg6[%swap3A_3051, %swap3A_3052], %swap3A_3055 {strides = array<i32>} : memref<8x512xf32, #tpu.memory_space<vmem>>, vector<1x16xf32>,
      %swap3A_3056 = arith.constant 1 : i32
      %swap3A_3057 = arith.index_cast %swap3A_3056 : i32 to index
      %swap3A_3058 = arith.index_cast %mul3A_10 : i32 to index
      %swap3A_3059 = tpu.vector_load %arg7[%swap3A_3057, %swap3A_3058] {strides = array<i32>} : memref<8x512xi32, #tpu.memory_space<vmem>>, vector<1x16xi32>,
      %swap3A_3060 = vector.shape_cast %swap3A_3059 : vector<1x16xi32> to vector<16xi32>
      %swap3A_3061 = vector.shape_cast %select_n3A_2986 : vector<16xi32> to vector<1x16xi32>
      tpu.vector_store %arg7[%swap3A_3057, %swap3A_3058], %swap3A_3061 {strides = array<i32>} : memref<8x512xi32, #tpu.memory_space<vmem>>, vector<1x16xi32>,
      %div3A_3062 = arith.divf %exp3A_3020, %add3A_3037 : vector<16xf32>
      %swap3A_3063 = arith.constant 2 : i32
      %swap3A_3064 = arith.index_cast %swap3A_3063 : i32 to index
      %swap3A_3065 = arith.index_cast %mul3A_10 : i32 to index
      %swap3A_3066 = tpu.vector_load %arg6[%swap3A_3064, %swap3A_3065] {strides = array<i32>} : memref<8x512xf32, #tpu.memory_space<vmem>>, vector<1x16xf32>,
      %swap3A_3067 = vector.shape_cast %swap3A_3066 : vector<1x16xf32> to vector<16xf32>
      %swap3A_3068 = vector.shape_cast %div3A_3062 : vector<16xf32> to vector<1x16xf32>
      tpu.vector_store %arg6[%swap3A_3064, %swap3A_3065], %swap3A_3068 {strides = array<i32>} : memref<8x512xf32, #tpu.memory_space<vmem>>, vector<1x16xf32>,
      %swap3A_3069 = arith.constant 2 : i32
      %swap3A_3070 = arith.index_cast %swap3A_3069 : i32 to index
      %swap3A_3071 = arith.index_cast %mul3A_10 : i32 to index
      %swap3A_3072 = tpu.vector_load %arg7[%swap3A_3070, %swap3A_3071] {strides = array<i32>} : memref<8x512xi32, #tpu.memory_space<vmem>>, vector<1x16xi32>,
      %swap3A_3073 = vector.shape_cast %swap3A_3072 : vector<1x16xi32> to vector<16xi32>
      %swap3A_3074 = vector.shape_cast %select_n3A_2991 : vector<16xi32> to vector<1x16xi32>
      tpu.vector_store %arg7[%swap3A_3070, %swap3A_3071], %swap3A_3074 {strides = array<i32>} : memref<8x512xi32, #tpu.memory_space<vmem>>, vector<1x16xi32>,
      %div3A_3075 = arith.divf %exp3A_3022, %add3A_3037 : vector<16xf32>
      %swap3A_3076 = arith.constant 3 : i32
      %swap3A_3077 = arith.index_cast %swap3A_3076 : i32 to index
      %swap3A_3078 = arith.index_cast %mul3A_10 : i32 to index
      %swap3A_3079 = tpu.vector_load %arg6[%swap3A_3077, %swap3A_3078] {strides = array<i32>} : memref<8x512xf32, #tpu.memory_space<vmem>>, vector<1x16xf32>,
      %swap3A_3080 = vector.shape_cast %swap3A_3079 : vector<1x16xf32> to vector<16xf32>
      %swap3A_3081 = vector.shape_cast %div3A_3075 : vector<16xf32> to vector<1x16xf32>
      tpu.vector_store %arg6[%swap3A_3077, %swap3A_3078], %swap3A_3081 {strides = array<i32>} : memref<8x512xf32, #tpu.memory_space<vmem>>, vector<1x16xf32>,
      %swap3A_3082 = arith.constant 3 : i32
      %swap3A_3083 = arith.index_cast %swap3A_3082 : i32 to index
      %swap3A_3084 = arith.index_cast %mul3A_10 : i32 to index
      %swap3A_3085 = tpu.vector_load %arg7[%swap3A_3083, %swap3A_3084] {strides = array<i32>} : memref<8x512xi32, #tpu.memory_space<vmem>>, vector<1x16xi32>,
      %swap3A_3086 = vector.shape_cast %swap3A_3085 : vector<1x16xi32> to vector<16xi32>
      %swap3A_3087 = vector.shape_cast %select_n3A_2996 : vector<16xi32> to vector<1x16xi32>
      tpu.vector_store %arg7[%swap3A_3083, %swap3A_3084], %swap3A_3087 {strides = array<i32>} : memref<8x512xi32, #tpu.memory_space<vmem>>, vector<1x16xi32>,
      %div3A_3088 = arith.divf %exp3A_3024, %add3A_3037 : vector<16xf32>
      %swap3A_3089 = arith.constant 4 : i32
      %swap3A_3090 = arith.index_cast %swap3A_3089 : i32 to index
      %swap3A_3091 = arith.index_cast %mul3A_10 : i32 to index
      %swap3A_3092 = tpu.vector_load %arg6[%swap3A_3090, %swap3A_3091] {strides = array<i32>} : memref<8x512xf32, #tpu.memory_space<vmem>>, vector<1x16xf32>,
      %swap3A_3093 = vector.shape_cast %swap3A_3092 : vector<1x16xf32> to vector<16xf32>
      %swap3A_3094 = vector.shape_cast %div3A_3088 : vector<16xf32> to vector<1x16xf32>
      tpu.vector_store %arg6[%swap3A_3090, %swap3A_3091], %swap3A_3094 {strides = array<i32>} : memref<8x512xf32, #tpu.memory_space<vmem>>, vector<1x16xf32>,
      %swap3A_3095 = arith.constant 4 : i32
      %swap3A_3096 = arith.index_cast %swap3A_3095 : i32 to index
      %swap3A_3097 = arith.index_cast %mul3A_10 : i32 to index
      %swap3A_3098 = tpu.vector_load %arg7[%swap3A_3096, %swap3A_3097] {strides = array<i32>} : memref<8x512xi32, #tpu.memory_space<vmem>>, vector<1x16xi32>,
      %swap3A_3099 = vector.shape_cast %swap3A_3098 : vector<1x16xi32> to vector<16xi32>
      %swap3A_3100 = vector.shape_cast %select_n3A_3001 : vector<16xi32> to vector<1x16xi32>
      tpu.vector_store %arg7[%swap3A_3096, %swap3A_3097], %swap3A_3100 {strides = array<i32>} : memref<8x512xi32, #tpu.memory_space<vmem>>, vector<1x16xi32>,
      %div3A_3101 = arith.divf %exp3A_3026, %add3A_3037 : vector<16xf32>
      %swap3A_3102 = arith.constant 5 : i32
      %swap3A_3103 = arith.index_cast %swap3A_3102 : i32 to index
      %swap3A_3104 = arith.index_cast %mul3A_10 : i32 to index
      %swap3A_3105 = tpu.vector_load %arg6[%swap3A_3103, %swap3A_3104] {strides = array<i32>} : memref<8x512xf32, #tpu.memory_space<vmem>>, vector<1x16xf32>,
      %swap3A_3106 = vector.shape_cast %swap3A_3105 : vector<1x16xf32> to vector<16xf32>
      %swap3A_3107 = vector.shape_cast %div3A_3101 : vector<16xf32> to vector<1x16xf32>
      tpu.vector_store %arg6[%swap3A_3103, %swap3A_3104], %swap3A_3107 {strides = array<i32>} : memref<8x512xf32, #tpu.memory_space<vmem>>, vector<1x16xf32>,
      %swap3A_3108 = arith.constant 5 : i32
      %swap3A_3109 = arith.index_cast %swap3A_3108 : i32 to index
      %swap3A_3110 = arith.index_cast %mul3A_10 : i32 to index
      %swap3A_3111 = tpu.vector_load %arg7[%swap3A_3109, %swap3A_3110] {strides = array<i32>} : memref<8x512xi32, #tpu.memory_space<vmem>>, vector<1x16xi32>,
      %swap3A_3112 = vector.shape_cast %swap3A_3111 : vector<1x16xi32> to vector<16xi32>
      %swap3A_3113 = vector.shape_cast %select_n3A_3006 : vector<16xi32> to vector<1x16xi32>
      tpu.vector_store %arg7[%swap3A_3109, %swap3A_3110], %swap3A_3113 {strides = array<i32>} : memref<8x512xi32, #tpu.memory_space<vmem>>, vector<1x16xi32>,
      %div3A_3114 = arith.divf %exp3A_3028, %add3A_3037 : vector<16xf32>
      %swap3A_3115 = arith.constant 6 : i32
      %swap3A_3116 = arith.index_cast %swap3A_3115 : i32 to index
      %swap3A_3117 = arith.index_cast %mul3A_10 : i32 to index
      %swap3A_3118 = tpu.vector_load %arg6[%swap3A_3116, %swap3A_3117] {strides = array<i32>} : memref<8x512xf32, #tpu.memory_space<vmem>>, vector<1x16xf32>,
      %swap3A_3119 = vector.shape_cast %swap3A_3118 : vector<1x16xf32> to vector<16xf32>
      %swap3A_3120 = vector.shape_cast %div3A_3114 : vector<16xf32> to vector<1x16xf32>
      tpu.vector_store %arg6[%swap3A_3116, %swap3A_3117], %swap3A_3120 {strides = array<i32>} : memref<8x512xf32, #tpu.memory_space<vmem>>, vector<1x16xf32>,
      %swap3A_3121 = arith.constant 6 : i32
      %swap3A_3122 = arith.index_cast %swap3A_3121 : i32 to index
      %swap3A_3123 = arith.index_cast %mul3A_10 : i32 to index
      %swap3A_3124 = tpu.vector_load %arg7[%swap3A_3122, %swap3A_3123] {strides = array<i32>} : memref<8x512xi32, #tpu.memory_space<vmem>>, vector<1x16xi32>,
      %swap3A_3125 = vector.shape_cast %swap3A_3124 : vector<1x16xi32> to vector<16xi32>
      %swap3A_3126 = vector.shape_cast %select_n3A_3011 : vector<16xi32> to vector<1x16xi32>
      tpu.vector_store %arg7[%swap3A_3122, %swap3A_3123], %swap3A_3126 {strides = array<i32>} : memref<8x512xi32, #tpu.memory_space<vmem>>, vector<1x16xi32>,
      %div3A_3127 = arith.divf %exp3A_3030, %add3A_3037 : vector<16xf32>
      %swap3A_3128 = arith.constant 7 : i32
      %swap3A_3129 = arith.index_cast %swap3A_3128 : i32 to index
      %swap3A_3130 = arith.index_cast %mul3A_10 : i32 to index
      %swap3A_3131 = tpu.vector_load %arg6[%swap3A_3129, %swap3A_3130] {strides = array<i32>} : memref<8x512xf32, #tpu.memory_space<vmem>>, vector<1x16xf32>,
      %swap3A_3132 = vector.shape_cast %swap3A_3131 : vector<1x16xf32> to vector<16xf32>
      %swap3A_3133 = vector.shape_cast %div3A_3127 : vector<16xf32> to vector<1x16xf32>
      tpu.vector_store %arg6[%swap3A_3129, %swap3A_3130], %swap3A_3133 {strides = array<i32>} : memref<8x512xf32, #tpu.memory_space<vmem>>, vector<1x16xf32>,
      %swap3A_3134 = arith.constant 7 : i32
      %swap3A_3135 = arith.index_cast %swap3A_3134 : i32 to index
      %swap3A_3136 = arith.index_cast %mul3A_10 : i32 to index
      %swap3A_3137 = tpu.vector_load %arg7[%swap3A_3135, %swap3A_3136] {strides = array<i32>} : memref<8x512xi32, #tpu.memory_space<vmem>>, vector<1x16xi32>,
      %swap3A_3138 = vector.shape_cast %swap3A_3137 : vector<1x16xi32> to vector<16xi32>
      %swap3A_3139 = vector.shape_cast %select_n3A_3016 : vector<16xi32> to vector<1x16xi32>
      tpu.vector_store %arg7[%swap3A_3135, %swap3A_3136], %swap3A_3139 {strides = array<i32>} : memref<8x512xi32, #tpu.memory_space<vmem>>, vector<1x16xi32>,
    }
    %scan3A_7 = arith.constant 32 : i32
    "tpu.region"() ({
      %run_scoped3A = tpu.sem_alloc : memref<!tpu.dma_semaphore, #tpu.memory_space<semaphore_mem>>
      %dma_start3A = arith.constant 0 : i32
      %dma_start3A_8 = tpu.memref_slice %arg3[%dma_start3A, %mul3A_2] : memref<8x16384xf32, #tpu.memory_space<hbm>> -> memref<8x512xf32, #tpu.memory_space<hbm>>
      %dma_start3A_9 = arith.constant 0 : i32
      %dma_start3A_10 = tpu.memref_slice %arg3[%dma_start3A_9, %mul3A_2] : memref<8x16384xf32, #tpu.memory_space<hbm>> -> memref<8x512xf32, #tpu.memory_space<hbm>>
      tpu.enqueue_dma source(%arg6 : memref<8x512xf32, #tpu.memory_space<vmem>>) target(%dma_start3A_10 : memref<8x512xf32, #tpu.memory_space<hbm>>) target_semaphore(%run_scoped3A : memref<!tpu.dma_semaphore, #tpu.memory_space<semaphore_mem>>)
      %dma_wait3A = arith.constant 0 : i32
      %dma_wait3A_11 = tpu.memref_slice %arg3[%dma_wait3A, %mul3A_2] : memref<8x16384xf32, #tpu.memory_space<hbm>> -> memref<8x512xf32, #tpu.memory_space<hbm>>
      %dma_wait3A_12 = arith.constant 0 : i32
      %dma_wait3A_13 = tpu.memref_slice %arg3[%dma_wait3A_12, %mul3A_2] : memref<8x16384xf32, #tpu.memory_space<hbm>> -> memref<8x512xf32, #tpu.memory_space<hbm>>
      tpu.wait_dma2 semaphore(%run_scoped3A : memref<!tpu.dma_semaphore, #tpu.memory_space<semaphore_mem>>) src(%arg6 : memref<8x512xf32, #tpu.memory_space<vmem>>) dst(%dma_wait3A_13 : memref<8x512xf32, #tpu.memory_space<hbm>>)
      tpu.yield
    }) : () -> ()
    "tpu.region"() ({
      %run_scoped3A = tpu.sem_alloc : memref<!tpu.dma_semaphore, #tpu.memory_space<semaphore_mem>>
      %dma_start3A = arith.constant 0 : i32
      %dma_start3A_8 = tpu.memref_slice %arg4[%dma_start3A, %mul3A_2] : memref<8x16384xi32, #tpu.memory_space<hbm>> -> memref<8x512xi32, #tpu.memory_space<hbm>>
      %dma_start3A_9 = arith.constant 0 : i32
      %dma_start3A_10 = tpu.memref_slice %arg4[%dma_start3A_9, %mul3A_2] : memref<8x16384xi32, #tpu.memory_space<hbm>> -> memref<8x512xi32, #tpu.memory_space<hbm>>
      tpu.enqueue_dma source(%arg7 : memref<8x512xi32, #tpu.memory_space<vmem>>) target(%dma_start3A_10 : memref<8x512xi32, #tpu.memory_space<hbm>>) target_semaphore(%run_scoped3A : memref<!tpu.dma_semaphore, #tpu.memory_space<semaphore_mem>>)
      %dma_wait3A = arith.constant 0 : i32
      %dma_wait3A_11 = tpu.memref_slice %arg4[%dma_wait3A, %mul3A_2] : memref<8x16384xi32, #tpu.memory_space<hbm>> -> memref<8x512xi32, #tpu.memory_space<hbm>>
      %dma_wait3A_12 = arith.constant 0 : i32
      %dma_wait3A_13 = tpu.memref_slice %arg4[%dma_wait3A_12, %mul3A_2] : memref<8x16384xi32, #tpu.memory_space<hbm>> -> memref<8x512xi32, #tpu.memory_space<hbm>>
      tpu.wait_dma2 semaphore(%run_scoped3A : memref<!tpu.dma_semaphore, #tpu.memory_space<semaphore_mem>>) src(%arg7 : memref<8x512xi32, #tpu.memory_space<vmem>>) dst(%dma_wait3A_13 : memref<8x512xi32, #tpu.memory_space<hbm>>)
      tpu.yield
    }) : () -> ()
    return
  }
}

module attributes {stable_mosaic.version = 14 : i64} {
  func.func @_mlp_body(%arg0: i32, %arg1: memref<1024x2048xf32, #tpu.memory_space<vmem>>, %arg2: memref<2048x1024xf32, #tpu.memory_space<vmem>>, %arg3: memref<1x1024xf32, #tpu.memory_space<vmem>>, %arg4: memref<1024x1024xf32, #tpu.memory_space<vmem>>, %arg5: memref<1x1024xf32, #tpu.memory_space<vmem>>, %arg6: memref<1024x64xf32, #tpu.memory_space<vmem>>, %arg7: memref<1x64xf32, #tpu.memory_space<vmem>>, %arg8: memref<1x64xf32, #tpu.memory_space<vmem>>, %arg9: memref<64x1024xf32, #tpu.memory_space<vmem>>, %arg10: memref<1x1xf32, #tpu.memory_space<smem>>, %arg11: memref<1x64xf32, #tpu.memory_space<vmem>>) attributes {dimension_semantics = [#tpu.dimension_semantics<arbitrary>], iteration_bounds = array<i64: 16>, scalar_prefetch = 0 : i64, scratch_operands = 1 : i64, tpu.core_type = #tpu.core_type<tc>, window_params = [{transform_indices = @transform_0, window_bounds = array<i64: 1024, 2048>}, {pipeline_mode = #tpu.pipeline_mode<synchronous>, transform_indices = @transform_1, window_bounds = array<i64: 2048, 1024>}, {pipeline_mode = #tpu.pipeline_mode<synchronous>, transform_indices = @transform_2, window_bounds = array<i64: 1, 1024>}, {pipeline_mode = #tpu.pipeline_mode<synchronous>, transform_indices = @transform_3, window_bounds = array<i64: 1024, 1024>}, {pipeline_mode = #tpu.pipeline_mode<synchronous>, transform_indices = @transform_4, window_bounds = array<i64: 1, 1024>}, {pipeline_mode = #tpu.pipeline_mode<synchronous>, transform_indices = @transform_5, window_bounds = array<i64: 1024, 64>}, {pipeline_mode = #tpu.pipeline_mode<synchronous>, transform_indices = @transform_6, window_bounds = array<i64: 1, 64>}, {pipeline_mode = #tpu.pipeline_mode<synchronous>, transform_indices = @transform_7, window_bounds = array<i64: 1, 64>}, {transform_indices = @transform_8, window_bounds = array<i64: 64, 1024>}, {transform_indices = @transform_9, window_bounds = array<i64: 1, 1>}]} {
    %get3A = arith.constant 0 : index
    %get3A_0 = arith.constant 0 : index
    %get3A_1 = vector.load %arg1[%get3A, %get3A_0] : memref<1024x2048xf32, #tpu.memory_space<vmem>>, vector<1024x2048xf32>
    %get3A_2 = arith.constant 0 : index
    %get3A_3 = arith.constant 0 : index
    %get3A_4 = vector.load %arg2[%get3A_2, %get3A_3] : memref<2048x1024xf32, #tpu.memory_space<vmem>>, vector<2048x1024xf32>
    %dot_general3A = arith.constant dense<0.000000e+00> : vector<1024x1024xf32>
    %dot_general3A_5 = tpu.matmul %get3A_1, %get3A_4, %dot_general3A {dimension_numbers = #tpu.dot_dimension_numbers<[1], [0], [0], [1], [0, 0, 1, 1], [], []>, transpose_lhs_hint = false} : vector<1024x2048xf32>, vector<2048x1024xf32>, vector<1024x1024xf32> -> vector<1024x1024xf32>
    %get3A_6 = arith.constant 0 : index
    %get3A_7 = arith.constant 0 : index
    %get3A_8 = vector.load %arg3[%get3A_6, %get3A_7] : memref<1x1024xf32, #tpu.memory_space<vmem>>, vector<1x1024xf32>
    %add3A = vector.broadcast %get3A_8 : vector<1x1024xf32> to vector<1024x1024xf32>
    %add3A_9 = arith.addf %dot_general3A_5, %add3A : vector<1024x1024xf32>
    %max3A = arith.constant 0.000000e+00 : f32
    %max3A_10 = vector.broadcast %max3A : f32 to vector<1024x1024xf32>
    %max3A_11 = arith.maximumf %add3A_9, %max3A_10 : vector<1024x1024xf32>
    %get3A_12 = arith.constant 0 : index
    %get3A_13 = arith.constant 0 : index
    %get3A_14 = vector.load %arg4[%get3A_12, %get3A_13] : memref<1024x1024xf32, #tpu.memory_space<vmem>>, vector<1024x1024xf32>
    %dot_general3A_15 = arith.constant dense<0.000000e+00> : vector<1024x1024xf32>
    %dot_general3A_16 = tpu.matmul %max3A_11, %get3A_14, %dot_general3A_15 {dimension_numbers = #tpu.dot_dimension_numbers<[1], [0], [0], [1], [0, 0, 1, 1], [], []>, transpose_lhs_hint = false} : vector<1024x1024xf32>, vector<1024x1024xf32>, vector<1024x1024xf32> -> vector<1024x1024xf32>
    %get3A_17 = arith.constant 0 : index
    %get3A_18 = arith.constant 0 : index
    %get3A_19 = vector.load %arg5[%get3A_17, %get3A_18] : memref<1x1024xf32, #tpu.memory_space<vmem>>, vector<1x1024xf32>
    %add3A_20 = vector.broadcast %get3A_19 : vector<1x1024xf32> to vector<1024x1024xf32>
    %add3A_21 = arith.addf %dot_general3A_16, %add3A_20 : vector<1024x1024xf32>
    %max3A_22 = arith.constant 0.000000e+00 : f32
    %max3A_23 = vector.broadcast %max3A_22 : f32 to vector<1024x1024xf32>
    %max3A_24 = arith.maximumf %add3A_21, %max3A_23 : vector<1024x1024xf32>
    %get3A_25 = arith.constant 0 : index
    %get3A_26 = arith.constant 0 : index
    %get3A_27 = vector.load %arg6[%get3A_25, %get3A_26] : memref<1024x64xf32, #tpu.memory_space<vmem>>, vector<1024x64xf32>
    %dot_general3A_28 = arith.constant dense<0.000000e+00> : vector<1024x64xf32>
    %dot_general3A_29 = tpu.matmul %max3A_24, %get3A_27, %dot_general3A_28 {dimension_numbers = #tpu.dot_dimension_numbers<[1], [0], [0], [1], [0, 0, 1, 1], [], []>, transpose_lhs_hint = false} : vector<1024x1024xf32>, vector<1024x64xf32>, vector<1024x64xf32> -> vector<1024x64xf32>
    %get3A_30 = arith.constant 0 : index
    %get3A_31 = arith.constant 0 : index
    %get3A_32 = vector.load %arg7[%get3A_30, %get3A_31] : memref<1x64xf32, #tpu.memory_space<vmem>>, vector<1x64xf32>
    %add3A_33 = vector.broadcast %get3A_32 : vector<1x64xf32> to vector<1024x64xf32>
    %add3A_34 = arith.addf %dot_general3A_29, %add3A_33 : vector<1024x64xf32>
    %get3A_35 = arith.constant 0 : index
    %get3A_36 = arith.constant 0 : index
    %get3A_37 = vector.load %arg8[%get3A_35, %get3A_36] : memref<1x64xf32, #tpu.memory_space<vmem>>, vector<1x64xf32>
    %mul3A = vector.broadcast %get3A_37 : vector<1x64xf32> to vector<1024x64xf32>
    %mul3A_38 = arith.mulf %add3A_34, %mul3A : vector<1024x64xf32>
    %transpose3A = tpu.transpose %mul3A_38, [1, 0] : vector<1024x64xf32> -> vector<64x1024xf32>
    %swap3A = arith.constant 0 : index
    %swap3A_39 = arith.constant 0 : index
    %swap3A_40 = vector.load %arg9[%swap3A, %swap3A_39] : memref<64x1024xf32, #tpu.memory_space<vmem>>, vector<64x1024xf32>
    tpu.vector_store %arg9[%swap3A, %swap3A_39], %transpose3A {strides = array<i32>} : memref<64x1024xf32, #tpu.memory_space<vmem>>, vector<64x1024xf32>,
    %reduce_max3A = arith.constant dense<0xFF800000> : vector<1024xf32>
    %reduce_max3A_41 = vector.multi_reduction <maximumf>, %transpose3A, %reduce_max3A [0] : vector<64x1024xf32> to vector<1024xf32>
    %broadcast_in_dim3A = vector.shape_cast %reduce_max3A_41 : vector<1024xf32> to vector<1x1024xf32>
    %sub3A = vector.broadcast %broadcast_in_dim3A : vector<1x1024xf32> to vector<64x1024xf32>
    %sub3A_42 = arith.subf %transpose3A, %sub3A : vector<64x1024xf32>
    %exp3A = math.exp %sub3A_42 : vector<64x1024xf32>
    %reduce_sum3A = arith.constant dense<0.000000e+00> : vector<1024xf32>
    %reduce_sum3A_43 = vector.multi_reduction <add>, %exp3A, %reduce_sum3A [0] : vector<64x1024xf32> to vector<1024xf32>
    %broadcast_in_dim3A_44 = vector.shape_cast %reduce_sum3A_43 : vector<1024xf32> to vector<1x1024xf32>
    %div3A = vector.broadcast %broadcast_in_dim3A_44 : vector<1x1024xf32> to vector<64x1024xf32>
    %div3A_45 = arith.divf %exp3A, %div3A : vector<64x1024xf32>
    %reduce_sum3A_46 = arith.constant dense<0.000000e+00> : vector<64xf32>
    %reduce_sum3A_47 = vector.multi_reduction <add>, %div3A_45, %reduce_sum3A_46 [1] : vector<64x1024xf32> to vector<64xf32>
    %reshape3A = vector.shape_cast %reduce_sum3A_47 : vector<64xf32> to vector<1x64xf32>
    %eq3A = arith.constant 0 : i32
    %eq3A_48 = arith.cmpi eq, %arg0, %eq3A : i32
    %convert_element_type3A = arith.extui %eq3A_48 : i1 to i32
    %cond3A = arith.constant 0 : i32
    %cond3A_49 = arith.cmpi ne, %convert_element_type3A, %cond3A : i32
    scf.if %cond3A_49 {
      %swap3A_59 = arith.constant 0 : index
      %swap3A_60 = arith.constant 0 : index
      %swap3A_61 = vector.load %arg11[%swap3A_59, %swap3A_60] : memref<1x64xf32, #tpu.memory_space<vmem>>, vector<1x64xf32>
      tpu.vector_store %arg11[%swap3A_59, %swap3A_60], %reshape3A {strides = array<i32>} : memref<1x64xf32, #tpu.memory_space<vmem>>, vector<1x64xf32>,
    } else {
    }
    %ne3A = arith.constant 0 : i32
    %ne3A_50 = arith.cmpi ne, %arg0, %ne3A : i32
    %convert_element_type3A_51 = arith.extui %ne3A_50 : i1 to i32
    %cond3A_52 = arith.constant 0 : i32
    %cond3A_53 = arith.cmpi ne, %convert_element_type3A_51, %cond3A_52 : i32
    scf.if %cond3A_53 {
      %get3A_59 = arith.constant 0 : index
      %get3A_60 = arith.constant 0 : index
      %get3A_61 = vector.load %arg11[%get3A_59, %get3A_60] : memref<1x64xf32, #tpu.memory_space<vmem>>, vector<1x64xf32>
      %add3A_62 = arith.addf %get3A_61, %reshape3A : vector<1x64xf32>
      %swap3A_63 = arith.constant 0 : index
      %swap3A_64 = arith.constant 0 : index
      %swap3A_65 = vector.load %arg11[%swap3A_63, %swap3A_64] : memref<1x64xf32, #tpu.memory_space<vmem>>, vector<1x64xf32>
      tpu.vector_store %arg11[%swap3A_63, %swap3A_64], %add3A_62 {strides = array<i32>} : memref<1x64xf32, #tpu.memory_space<vmem>>, vector<1x64xf32>,
    } else {
    }
    %eq3A_54 = arith.constant 15 : i32
    %eq3A_55 = arith.cmpi eq, %arg0, %eq3A_54 : i32
    %convert_element_type3A_56 = arith.extui %eq3A_55 : i1 to i32
    %cond3A_57 = arith.constant 0 : i32
    %cond3A_58 = arith.cmpi ne, %convert_element_type3A_56, %cond3A_57 : i32
    scf.if %cond3A_58 {
      %get3A_59 = arith.constant 0 : index
      %get3A_60 = arith.constant 0 : index
      %get3A_61 = vector.load %arg11[%get3A_59, %get3A_60] : memref<1x64xf32, #tpu.memory_space<vmem>>, vector<1x64xf32>
      %div3A_62 = arith.constant 1.638400e+04 : f32
      %div3A_63 = vector.broadcast %div3A_62 : f32 to vector<1x64xf32>
      %div3A_64 = arith.divf %get3A_61, %div3A_63 : vector<1x64xf32>
      %log3A = arith.constant 1.562500e-02 : f32
      %log3A_65 = math.log %log3A : f32
      %add3A_66 = arith.constant 9.99999993E-9 : f32
      %add3A_67 = vector.broadcast %add3A_66 : f32 to vector<1x64xf32>
      %add3A_68 = arith.addf %div3A_64, %add3A_67 : vector<1x64xf32>
      %log3A_69 = math.log %add3A_68 : vector<1x64xf32>
      %sub3A_70 = vector.broadcast %log3A_65 : f32 to vector<1x64xf32>
      %sub3A_71 = arith.subf %sub3A_70, %log3A_69 : vector<1x64xf32>
      %mul3A_72 = arith.constant 1.562500e-02 : f32
      %mul3A_73 = vector.broadcast %mul3A_72 : f32 to vector<1x64xf32>
      %mul3A_74 = arith.mulf %mul3A_73, %sub3A_71 : vector<1x64xf32>
      %reduce_sum3A_75 = vector.shape_cast %mul3A_74 : vector<1x64xf32> to vector<1x1x64xf32>
      %reduce_sum3A_76 = arith.constant dense<0.000000e+00> : vector<1xf32>
      %reduce_sum3A_77 = vector.multi_reduction <add>, %reduce_sum3A_75, %reduce_sum3A_76 [1, 2] : vector<1x1x64xf32> to vector<1xf32>
      %reduce_sum3A_78 = vector.shape_cast %reduce_sum3A_77 : vector<1xf32> to vector<1x1x1xf32>
      %reduce_sum3A_79 = vector.extract %reduce_sum3A_78[0, 0, 0] : f32 from vector<1x1x1xf32>
      %div3A_80 = arith.constant 6.400000e+01 : f32
      %div3A_81 = arith.divf %reduce_sum3A_79, %div3A_80 : f32
      %mul3A_82 = arith.constant 0.00999999977 : f32
      %mul3A_83 = arith.mulf %div3A_81, %mul3A_82 : f32
      %swap3A_84 = arith.constant 0 : index
      %swap3A_85 = arith.constant 0 : index
      %swap3A_86 = memref.load %arg10[%swap3A_84, %swap3A_85] : memref<1x1xf32, #tpu.memory_space<smem>>
      memref.store %mul3A_83, %arg10[%swap3A_84, %swap3A_85] : memref<1x1xf32, #tpu.memory_space<smem>>
    } else {
    }
    return
  }
  func.func @transform_0(%arg0: i32) -> (i32, i32) {
    %c0_i32 = arith.constant 0 : i32
    %c0_i32_0 = arith.constant 0 : i32
    return %arg0, %c0_i32 : i32, i32
  }
  func.func @transform_1(%arg0: i32) -> (i32, i32) {
    %c0_i32 = arith.constant 0 : i32
    %c0_i32_0 = arith.constant 0 : i32
    %c0_i32_1 = arith.constant 0 : i32
    return %c0_i32, %c0_i32_0 : i32, i32
  }
  func.func @transform_2(%arg0: i32) -> (i32, i32) {
    %c0_i32 = arith.constant 0 : i32
    %c0_i32_0 = arith.constant 0 : i32
    %c0_i32_1 = arith.constant 0 : i32
    return %c0_i32, %c0_i32_0 : i32, i32
  }
  func.func @transform_3(%arg0: i32) -> (i32, i32) {
    %c0_i32 = arith.constant 0 : i32
    %c0_i32_0 = arith.constant 0 : i32
    %c0_i32_1 = arith.constant 0 : i32
    return %c0_i32, %c0_i32_0 : i32, i32
  }
  func.func @transform_4(%arg0: i32) -> (i32, i32) {
    %c0_i32 = arith.constant 0 : i32
    %c0_i32_0 = arith.constant 0 : i32
    %c0_i32_1 = arith.constant 0 : i32
    return %c0_i32, %c0_i32_0 : i32, i32
  }
  func.func @transform_5(%arg0: i32) -> (i32, i32) {
    %c0_i32 = arith.constant 0 : i32
    %c0_i32_0 = arith.constant 0 : i32
    %c0_i32_1 = arith.constant 0 : i32
    return %c0_i32, %c0_i32_0 : i32, i32
  }
  func.func @transform_6(%arg0: i32) -> (i32, i32) {
    %c0_i32 = arith.constant 0 : i32
    %c0_i32_0 = arith.constant 0 : i32
    %c0_i32_1 = arith.constant 0 : i32
    return %c0_i32, %c0_i32_0 : i32, i32
  }
  func.func @transform_7(%arg0: i32) -> (i32, i32) {
    %c0_i32 = arith.constant 0 : i32
    %c0_i32_0 = arith.constant 0 : i32
    %c0_i32_1 = arith.constant 0 : i32
    return %c0_i32, %c0_i32_0 : i32, i32
  }
  func.func @transform_8(%arg0: i32) -> (i32, i32) {
    %c0_i32 = arith.constant 0 : i32
    %c0_i32_0 = arith.constant 0 : i32
    return %c0_i32, %arg0 : i32, i32
  }
  func.func @transform_9(%arg0: i32) -> (i32, i32) {
    %c0_i32 = arith.constant 0 : i32
    %c0_i32_0 = arith.constant 0 : i32
    %c0_i32_1 = arith.constant 0 : i32
    return %c0_i32, %c0_i32_0 : i32, i32
  }
}

</mosaic_0001>

<sc_bundles>
// kernel: kernel.4.cloned.1.call-start
scs
__scs_entry_jumppad:
0x0: {  	(pc) =	sbr.rel $0x88, $3  }
0x1: {  	(tag) =	ssettag $0x0;
	lr =	simm.s32 $0x1  }
0x2: {  	[smem:$0x3F98] =	sst lr;
	_ =	strace $0xD0000000  }
0x3: {  	_ = 	snop  }
0x4: {  	_ = 	snop  }
0x5: {  	_ = 	snop  }
0x6: {  	_ = 	snop  }
0x7: {  	_ = 	snop  }
__scs_overlays_trampoline_lowered:
0x8: {  	[smem:$0x3FA7] =	sst s0  }
0x9: {  	[smem:$0x3FA8] =	sst s1  }
0xa: {  	[smem:$0x3FA9] =	sst s2  }
0xb: {  	[smem:$0x3FAA] =	sst s3  }
0xc: {  	[smem:$0x3FAB] =	sst s4  }
0xd: {  	[smem:$0x3FAC] =	sst s5  }
0xe: {  	[smem:$0x3FAD] =	sst s6  }
0xf: {  	[smem:$0x3FAE] =	sst s7  }
0x10: {  	[smem:$0x3FAF] =	sst s8  }
0x11: {  	[smem:$0x3FB0] =	sst s9;
	s0 =	simm.s32 @!p0 $0x0  }
0x12: {  	s1 =	sld [smem:$0x3F96];
	s0 =	simm.s32 @p0 $0x1  }
0x13: {  	[smem:$0x3FB1] =	sst s0;
	s0 =	simm.s32 @!p1 $0x0  }
0x14: {  	s2 =	sld [smem:$0x3F95];
	s0 =	simm.s32 @p1 $0x1  }
0x15: {  	[smem:$0x3FB2] =	sst s0;
	s0 =	simm.s32 @!p2 $0x0  }
0x16: {  	s3 =	sld [smem:$0x3FDB];
	s0 =	simm.s32 @p2 $0x1  }
0x17: {  	s4 =	simm.s32 $0x1BF5;
	[smem:$0x3FB4] =	sst s0  }
0x18: {  	s0 =	sld [smem:$0x3F97];
	_ =	swait.ge [sflag:s4], $0x0  }
0x19: {  	s7 =	sld [smem:$0x3F98]  }
0x1a: {  	s8 =	sadd.s32 $0xFFFFE003, lr  }
0x1b: {  	s9 =	sadd.s32 $0xFFFFFEF7, lr;
	s5 =	simm.s32 $0xFFFFFFFF;
	p2 =	slt.u32 s8, $0xFFFFF086  }
0x1c: {  	p1 =	slt.u32 s9, $0xF7A;
	s5 =	simm.s32 @!p2 $0x0  }
0x1d: {  	s5 =	simm.s32 @p1 $0x1;
	p0 =	seq.s32 s7, s2  }
0x1e: {  	s7 =	smul.u32 @!p0 $0xF7A, s2;
	p2 =	seq.s32 @!p0 s5, $0x0  }
0x1f: {  	s9 =	smul.u32 $0xF7A, s1;
	s8 =	simm.s32 @!p0 $0x1BF5;
	p2 =	por !p2, p0  }
0x20: {  	[sflag:s8] =	ssyncset.s32 @!p0 $0xFFFFF086;
	s6 =	sadd.s32 @!p0 s3, s7;
	s7 =	simm.s32 @!p0 $0x108  }
0x21: {  	s3 =	sadd.s32 s3, s9;
	s6 =	sadd.s32 @!p0 $0x88, s6;
	s7 =	simm.s32 @p2 $0x1082  }
0x22: {  	[simem:s7], [sflag:s8] =	dma.local @!p0 [hbm:s6], $0xF7A  }
0x23: {  	s9 =	sor.u32 $0xD0000000, s2;
	s6 =	simm.s32 $0x108;
	_ =	swait.ge @!p0 [sflag:s8], $0x0  }
0x24: {  	s3 =	sadd.s32 $0x88, s3;
	s6 =	simm.s32 @!p1 $0x1082;
	[sflag:s4] =	ssyncset.s32 $0xFFFFF086  }
0x25: {  	[simem:s6], [sflag:s4] =	dma.local [hbm:s3], $0xF7A  }
0x26: {  	[smem:$0x3F98] =	sst s1;
	(tag) =	ssettag s2;
	_ =	strace s9  }
0x27: {  	s1 =	sld [smem:$0x3FA8]  }
0x28: {  	s2 =	sld [smem:$0x3FA9]  }
0x29: {  	s4 =	sld [smem:$0x3FAB]  }
0x2a: {  	p0 =	seq.s32 s5, $0x0;
	s5 =	sld [smem:$0x3FAC]  }
0x2b: {  	s6 =	sld [smem:$0x3FAD]  }
0x2c: {  	s7 =	sld [smem:$0x3FAE]  }
0x2d: {  	s3 =	simm.s32 $0x108;
	s8 =	sld [smem:$0x3FAF]  }
0x2e: {  	s3 =	simm.s32 @!p0 $0x1082;
	s9 =	sld [smem:$0x3FB0]  }
0x2f: {  	lr =	sadd.s32 s0, s3;
	s0 =	sld [smem:$0x3FA7]  }
0x30: {  	s3 =	sld [smem:$0x3FAA]  }
0x31: {  	[smem:$0x3FB3] =	sst s10  }
0x32: {  	s10 =	sld [smem:$0x3FB1];
	_ =	sdelay $0x3  }
0x33: {  	p0 =	seq.s32 s10, $0x1;
	s10 =	sld [smem:$0x3FB3];
	_ =	sdelay $0x3  }
0x34: {  	[smem:$0x3FB3] =	sst s10  }
0x35: {  	s10 =	sld [smem:$0x3FB2];
	_ =	sdelay $0x3  }
0x36: {  	p1 =	seq.s32 s10, $0x1;
	s10 =	sld [smem:$0x3FB3];
	_ =	sdelay $0x3  }
0x37: {  	[smem:$0x3FB3] =	sst s10  }
0x38: {  	s10 =	sld [smem:$0x3FB4]  }
0x39: {  	_ = 	snop;
	(pc) =	sbr.ind lr, $3  }
0x3a: {  	_ = 	snop  }
0x3b: {  	_ = 	snop  }
0x3c: {  	p2 =	seq.s32 s10, $0x1;
	s10 =	sld [smem:$0x3FB3]  }
0x3d: {  	_ =	shalt  }
0x3e: {  	_ =	shalt  }
0x3f: {  	_ =	shalt  }
0x40: {  	_ =	shalt  }
0x41: {  	_ =	shalt  }
0x42: {  	_ =	shalt  }
0x43: {  	_ =	shalt  }
0x44: {  	_ =	shalt  }
0x45: {  	_ =	shalt  }
0x46: {  	_ =	shalt  }
0x47: {  	_ =	shalt  }
0x48: {  	_ =	shalt  }
0x49: {  	_ =	shalt  }
0x4a: {  	_ =	shalt  }
0x4b: {  	_ =	shalt  }
0x4c: {  	_ =	shalt  }
0x4d: {  	_ =	shalt  }
0x4e: {  	_ =	shalt  }
0x4f: {  	_ =	shalt  }
0x50: {  	_ =	shalt  }
0x51: {  	_ =	shalt  }
0x52: {  	_ =	shalt  }
0x53: {  	_ =	shalt  }
0x54: {  	_ =	shalt  }
0x55: {  	_ =	shalt  }
0x56: {  	_ =	shalt  }
0x57: {  	_ =	shalt  }
0x58: {  	_ =	shalt  }
0x59: {  	_ =	shalt  }
0x5a: {  	_ =	shalt  }
0x5b: {  	_ =	shalt  }
0x5c: {  	_ =	shalt  }
0x5d: {  	_ =	shalt  }
0x5e: {  	_ =	shalt  }
0x5f: {  	_ =	shalt  }
0x60: {  	_ =	shalt  }
0x61: {  	_ =	shalt  }
0x62: {  	_ =	shalt  }
0x63: {  	_ =	shalt  }
0x64: {  	_ =	shalt  }
0x65: {  	_ =	shalt  }
0x66: {  	_ =	shalt  }
0x67: {  	_ =	shalt  }
0x68: {  	_ =	shalt  }
0x69: {  	_ =	shalt  }
0x6a: {  	_ =	shalt  }
0x6b: {  	_ =	shalt  }
0x6c: {  	_ =	shalt  }
0x6d: {  	_ =	shalt  }
0x6e: {  	_ =	shalt  }
0x6f: {  	_ =	shalt  }
0x70: {  	_ =	shalt  }
0x71: {  	_ =	shalt  }
0x72: {  	_ =	shalt  }
0x73: {  	_ =	shalt  }
0x74: {  	_ =	shalt  }
0x75: {  	_ =	shalt  }
0x76: {  	_ =	shalt  }
0x77: {  	_ =	shalt  }
0x78: {  	_ =	shalt  }
0x79: {  	_ =	shalt  }
0x7a: {  	_ =	shalt  }
0x7b: {  	_ =	shalt  }
0x7c: {  	_ =	shalt  }
0x7d: {  	_ =	shalt  }
0x7e: {  	_ =	shalt  }
0x7f: {  	_ =	shalt  }
0x80: {  	_ =	shalt  }
0x81: {  	_ =	shalt  }
0x82: {  	_ =	shalt  }
0x83: {  	_ =	shalt  }
0x84: {  	_ =	shalt  }
0x85: {  	_ =	shalt  }
0x86: {  	_ =	shalt  }
0x87: {  	_ =	shalt  }
.Lfunc_end0:
.L_simem_size_0:
called_computation_lowered:
.L_overlay_start_0:
0x88: {  	s2 =	sld [smem:$0x3FD9]  }
0x89: {  	s3 =	sld [smem:$0x3FFE];
	_ =	sdelay $0x1  }
0x8a: {  	s1 =	srdreg.scid  }
0x8b: {  	s0 =	sand.u32 $0x1, s1  }
0x8c: {  	s14 =	sshll.u32 s0, $0xA;
	s2 =	sadd.s32 s3, s2  }
0x8d: {  	s2 =	sadd.s32 s2, s14  }
0x8e: {  	[smem:$0x3FBF] =	sst s2  }
0x8f: {  	_ = 	snop  }
0x90: {  	s2 =	sld [smem:$0x3FD0];
	_ =	sdelay $0x2  }
0x91: {  	s15 =	simm.s32 $0xA;
	s4 =	simm.s32 $0x10  }
0x92: {  	[smem:s4], [sflag:s15] =	dma.local [hbm:s2], $0x1  }
0x93: {  	_ =	swait.eq [sflag:s15], $0x1  }
0x94: {  	[sflag:s15] =	ssyncset.done $0x0  }
0x95: {  	s16 =	sld [smem:$0x10];
	[sflag:s15] =	ssyncadd.s32 $0xFFFFFFFF  }
0x96: {  	s17 =	sld [smem:$0x11];
	(tm) =	ssettm $0x1  }
0x97: {  	s18 =	sld [smem:$0x3FFB];
	_ =	sdelay $0x3  }
0x98: {  	_ =	strace s18  }
0x99: {  	s4 =	sld [smem:$0x3FFC];
	_ =	sdelay $0x3  }
0x9a: {  	_ =	strace s4  }
0x9b: {  	s4 =	sld [smem:$0x3FFD];
	_ =	sdelay $0x3  }
0x9c: {  	_ =	strace s4  }
0x9d: {  	_ =	strace $0x8FFFFFFF  }
0x9e: {  	s19 =	sld [smem:$0x3FDB];
	_ =	sdelay $0x1  }
0x9f: {  	s5 =	simm.s32 $_scs_section_size  }
0xa0: {  	s6 =	simm.s32 $_size__tile_overlayer_lowered;
	s7 =	simm.s32 $_tile_overlayer_lowered  }
0xa1: {  	s22 =	simm.s32 $0x1BFF;
	s21 =	sshll.u32 s7, $0x1;
	s4 =	sadd.s32 s5, s19  }
0xa2: {  	s8 =	simm.s32 $0x0;
	s20 =	sshll.u32 s6, $0x1;
	s6 =	sadd.s32 s21, s4  }
0xa3: {  	[timem:s8], [sflag:s22] =	dma.local [hbm:s6], s20  }
0xa4: {  	_ =	swait.ge [sflag:s22], s20  }
0xa5: {  	s5 =	ssub.s32 $0x0, s20;
	[sflag:s22] =	ssyncset.done $0x0  }
0xa6: {  	[sflag:s22] =	ssyncadd.s32 s5;
	_ =	sdelay $0x1  }
0xa7: {  	s23 =	simm.s32 $0x1B8B  }
0xa8: {  	_ =	swait.ge [sflag:s23], $0x1  }
0xa9: {  	[sflag:s23] =	ssyncset.done $0x0  }
0xaa: {  	s25 =	simm.s32 $0x1B8E;
	s24 =	sld [smem:$0x3FFE];
	[sflag:s23] =	ssyncadd.s32 $0xFFFFFFFF  }
0xab: {  	s26 =	simm.s32 $execute0_lowered;
	[smem:$0x3FD2] =	sst s25  }
0xac: {  	s6 =	sshll.u32 s26, $0x1;
	_ =	strace $0x80000046;
	[dreg:$0x1] =	wrdreg $0xFFFFFFFF  }
0xad: {  	s28 =	simm.s32 $_size_execute0_lowered;
	s4 =	sadd.s32 s4, s6;
	[dreg:$0x0] =	wrdreg $0x0  }
0xae: {  	s6 =	sshll.u32 s28, $0x1;
	[dreg:$0x2] =	wrdreg s4  }
0xaf: {  	[dreg:$0x3] =	wrdreg s6  }
0xb0: {  	[dreg:$0x4] =	wrdreg $0xC0  }
0xb1: {  	_ =	task [dreg:s8], $0x5FFFF  }
0xb2: {  	[dreg:$0x1] =	wrdreg $0xFFFFFFFF  }
0xb3: {  	[dreg:$0x0] =	wrdreg $0x60  }
0xb4: {  	[dreg:$0x2] =	wrdreg s24  }
0xb5: {  	[dreg:$0x3] =	wrdreg s16  }
0xb6: {  	[dreg:$0x4] =	wrdreg s17  }
0xb7: {  	[dreg:$0x5] =	wrdreg $0x9  }
0xb8: {  	_ =	task.clear_ibuf [dreg:s8], $0x6FFFF;
	_ =	strace $0x90000046  }
0xb9: {  	s29 =	simm.s32 $0x9;
	_ =	strace $0x80000048  }
0xba: {  	_ =	swait.ge [sflag:s29], $0x1  }
0xbb: {  	[sflag:s29] =	ssyncadd.s32 $0xFFFFFFFF  }
0xbc: {  	_ =	strace $0x90000048  }
0xbd: {  	_ =	sfence  }
0xbe: {  	s30 =	sld [smem:$0x0];
	_ =	sdelay $0x2  }
0xbf: {  	s31 =	sshll.u32 s1, $0xD;
	s1 =	sshrl.u32 s1, $0x2  }
0xc0: {  	s3 =	sand.u32 $0x4000, s31;
	s1 =	sadd.s32 s1, s30  }
0xc1: {  	s0 =	sor.u32 s3, s0;
	s1 =	sshll.u32 s1, $0x11  }
0xc2: {  	s0 =	sor.u32 s1, s0  }
0xc3: {  	s0 =	sadd.s32 $0x8F2B, s0  }
0xc4: {  	[sflag:s0] =	ssyncadd.remote.s32 $0x1  }
0xc5: {  	_ =	sfence.sel $0xFFFF  }
0xc6: {  	[dreg:$0x0] =	wrdreg $0xFFFFFFFF;
	(pc) =	sbr.abs _section_cstart, $3  }
0xc7: {  	[dreg:$0x1] =	wrdreg $0xFFFFFFFF  }
0xc8: {  	_ =	task.clear_ibuf [dreg:s8], $0x2FFFF;
	_ =	strace $0x9FFFFFFF  }
0xc9: {  	(tm) =	ssettm $0x7FFFFFFF  }
tec
execute0_lowered:
.L_overlay_start_1:
0x0: {  	(tag) =	ssettag $0x1  }
0x1: {  	s3 =	rddreg [dreg:$0x0]  }
0x2: {  	s4 =	rddreg [dreg:$0x1];
	s0 =	srdreg.scid  }
0x3: {  	s5 =	rddreg [dreg:$0x2];
	s1 =	stileid.u32;
	s2 =	simm.s32 $0x0  }
0x4: {  	s9 =	simm.s32 $0x1;
	s10 =	simm.s32 $0x8000;
	s11 =	simm.s32 $0x9000  }
0x5: {  	s12 =	simm.s32 $0x0;
	s6 =	sand.u32 $0x1, s0;
	s0 =	rddreg [dreg:$0x3]  }
0x6: {  	s7 =	sshll.u32 s1, $0xA;
	[smem:$0x7FF] =	sst s2;
	s8 =	sshll.u32 s6, $0x9  }
0x7: {  	s6 =	ssub.s32 $0x2, s6;
	_ =	strace $0x80000047;
	s7 =	sor.u32 s8, s7  }
0x8: {  	s31 =	sshrl.u32 s6, $0x1;
	s8 =	simm.s32 $0x20000;
	s3 =	sadd.s32 s7, s3  }
0x9: {  	s6 =	ssub.s32 s6, s31;
	s4 =	sadd.s32 s4, s7;
	s5 =	sadd.s32 s5, s7  }
0xa: {  	v0 =	vimm.s32 $0x0;
	s7 =	simm.s32 $0x1000;
	s3 =	sadd.s32 $0x1600, s3;
	s6 =	smax.u32 s6, $0x1  }
.LBB2_1:
0xb: {  	[tilespmem:s2], [sflag:$0x1] =	stream.strided.gather [hbm4b:s3+s7], $0x8000, s8, s7, $0x38;
	[tilespmem:$0xA000] =	vst v63  }
0xc: {  	_ =	swait.ge [sflag:s9], $0x8000  }
0xd: {  	[sflag:s9] =	ssyncset.done $0x0  }
0xe: {  	s13 =	simm.s32 $0x0;
	s14 =	simm.s32 $0x0;
	[sflag:s9] =	ssyncadd.s32 $0xFFFF8000  }
.LBB2_2:
0xf: {  	s15 =	sand.u32 $0x70, s14;
	s16 =	sand.u32 $0xC00, s13  }
0x10: {  	s15 =	sor.u32 s15, s16  }
0x11: {  	v1 =	vld [tilespmem:s15+$0x0]  }
0x12: {  	v2 =	vld [tilespmem:s15+$0x80];
	_ =	sdelay $0x2  }
0x13: {  	v4 =	vld [tilespmem:s15+$0x100]  }
0x14: {  	v3 =	vmax.f32 v1, $-3.000000010e+38  }
0x15: {  	s16 =	sor.u32 s16, s14;
	v1 =	vmin.f32 v1, $-3.000000010e+38;
	vm0 =	vgt.f32 v2, v3  }
0x16: {  	s16 =	sor.u32 $0x180, s16;
	v1 =	vmax.f32 v1, $-3.000000010e+38;
	v5 =	vmax.f32 v3, v2;
	v2 =	vmin.f32 v3, v2  }
0x17: {  	v9 =	vld [tilespmem:s16+$0x0];
	vm1 =	vmneg vm0;
	v6 =	vsel vm0, $0x1, v0;
	vm10 =	vgt.f32 v2, v1  }
0x18: {  	v7 =	vmin.f32 v1, v2;
	v2 =	vmax.f32 v1, v2;
	vm12 =	vgt.f32 v4, v5  }
0x19: {  	v21 =	vmax.f32 v5, v4;
	v4 =	vmin.f32 v5, v4;
	v3 =	vsel vm1, $0x1, v0  }
0x1a: {  	vm0 =	vmneg vm10;
	vm11 =	vgt.f32 v7, v1;
	v1 =	vmax.f32 v1, v7  }
0x1b: {  	v22 =	vnsel vm12, $0x2, v6;
	v6 =	vsel vm12, $0x2, v6;
	vm13 =	vgt.f32 v4, v2  }
0x1c: {  	v29 =	vld [tilespmem:s15+$0x200];
	v10 =	vmax.f32 v2, v4;
	v2 =	vmin.f32 v2, v4;
	vm4 =	vgt.f32 v9, v21  }
0x1d: {  	v25 =	vmax.f32 v21, v9;
	v7 =	vmin.f32 v21, v9;
	v8 =	vsel vm0, $0x0, v3  }
0x1e: {  	vm0 =	vmand vm11, vm0;
	vm14 =	vgt.f32 v2, v1;
	v24 =	vmax.f32 v1, v2  }
0x1f: {  	v2 =	vmin.f32 v1, v2;
	v26 =	vnsel vm4, $0x3, v6;
	v6 =	vsel vm4, $0x3, v6  }
0x20: {  	vm5 =	vgt.f32 v7, v10;
	v27 =	vmax.f32 v10, v7;
	v7 =	vmin.f32 v10, v7  }
0x21: {  	v39 =	vld [tilespmem:s15+$0x280];
	vm9 =	vgt.f32 v29, v25;
	v33 =	vmax.f32 v25, v29;
	v4 =	vmin.f32 v25, v29  }
0x22: {  	v3 =	vnsel vm0, $0x0, v3;
	v23 =	vsel vm13, v8, v22;
	v5 =	vsel vm13, v22, v8  }
0x23: {  	vm15 =	vgt.f32 v2, v1;
	v1 =	vmax.f32 v1, v2;
	vm6 =	vgt.f32 v7, v24  }
0x24: {  	v12 =	vmax.f32 v24, v7;
	v7 =	vmin.f32 v24, v7;
	v34 =	vnsel vm9, $0x4, v6  }
0x25: {  	v6 =	vsel vm9, $0x4, v6;
	vm10 =	vgt.f32 v4, v27;
	v35 =	vmax.f32 v27, v4  }
0x26: {  	v51 =	vld [tilespmem:s15+$0x300];
	v4 =	vmin.f32 v27, v4;
	v43 =	vmax.f32 v33, v39;
	v10 =	vmin.f32 v33, v39  }
0x27: {  	v11 =	vsel vm14, v3, v23;
	v3 =	vsel vm14, v23, v3;
	v28 =	vsel vm5, v5, v26  }
0x28: {  	v5 =	vsel vm5, v26, v5;
	vm7 =	vgt.f32 v7, v1;
	v31 =	vmin.f32 v1, v7  }
0x29: {  	v7 =	vmax.f32 v1, v7;
	vm11 =	vgt.f32 v4, v12;
	v37 =	vmax.f32 v12, v4  }
0x2a: {  	v4 =	vmin.f32 v12, v4;
	vm4 =	vgt.f32 v10, v35;
	v45 =	vmax.f32 v35, v10  }
0x2b: {  	v10 =	vmin.f32 v35, v10;
	v55 =	vmax.f32 v43, v51;
	v8 =	vmin.f32 v43, v51  }
0x2c: {  	v2 =	vnsel vm15, $0x0, v11;
	v30 =	vsel vm6, v3, v28;
	v3 =	vsel vm6, v28, v3  }
0x2d: {  	vm8 =	vgt.f32 v31, v1;
	v1 =	vmax.f32 v1, v31;
	v36 =	vsel vm10, v5, v34  }
0x2e: {  	v5 =	vsel vm10, v34, v5;
	vm12 =	vgt.f32 v4, v7;
	v14 =	vmax.f32 v7, v4  }
0x2f: {  	v4 =	vmin.f32 v7, v4;
	vm15 =	vgt.f32 v39, v33;
	vm5 =	vgt.f32 v10, v37  }
0x30: {  	v47 =	vmax.f32 v37, v10;
	v9 =	vmin.f32 v37, v10;
	vm10 =	vgt.f32 v51, v43  }
0x31: {  	v57 =	vmax.f32 v45, v8;
	v13 =	vsel vm7, v2, v30;
	v2 =	vsel vm7, v30, v2  }
0x32: {  	v38 =	vsel vm11, v3, v36;
	v3 =	vsel vm11, v36, v3;
	vm13 =	vgt.f32 v4, v1  }
0x33: {  	v41 =	vmax.f32 v1, v4;
	v4 =	vmin.f32 v1, v4;
	v44 =	vnsel vm15, $0x5, v6  }
0x34: {  	v6 =	vsel vm15, $0x5, v6;
	vm6 =	vgt.f32 v9, v14;
	v49 =	vmax.f32 v14, v9  }
0x35: {  	v9 =	vmin.f32 v14, v9;
	vm11 =	vgt.f32 v8, v45;
	v8 =	vmin.f32 v45, v8  }
0x36: {  	v32 =	vnsel vm8, $0x0, v13;
	v40 =	vsel vm12, v2, v38;
	v2 =	vsel vm12, v38, v2  }
0x37: {  	vm14 =	vgt.f32 v4, v1;
	v1 =	vmax.f32 v1, v4;
	v46 =	vsel vm4, v5, v44  }
0x38: {  	s17 =	sor.u32 s13, s14;
	v5 =	vsel vm4, v44, v5;
	vm7 =	vgt.f32 v9, v41;
	v16 =	vmax.f32 v41, v9  }
0x39: {  	s17 =	sor.u32 $0x380, s17;
	v9 =	vmin.f32 v41, v9;
	v56 =	vnsel vm10, $0x6, v6;
	v6 =	vsel vm10, $0x6, v6  }
0x3a: {  	v22 =	vld [tilespmem:s17+$0x0];
	vm12 =	vgt.f32 v8, v47;
	v59 =	vmax.f32 v47, v8;
	v8 =	vmin.f32 v47, v8  }
0x3b: {  	v15 =	vsel vm13, v32, v40;
	v7 =	vsel vm13, v40, v32;
	v48 =	vsel vm5, v3, v46  }
0x3c: {  	v3 =	vsel vm5, v46, v3;
	vm8 =	vgt.f32 v9, v1;
	v53 =	vmax.f32 v1, v9  }
0x3d: {  	v9 =	vmin.f32 v1, v9;
	v58 =	vsel vm11, v5, v56;
	v5 =	vsel vm11, v56, v5  }
0x3e: {  	v20 =	vld [tilespmem:s15+$0x1000];
	vm13 =	vgt.f32 v8, v49;
	v61 =	vmax.f32 v49, v8;
	v8 =	vmin.f32 v49, v8  }
0x3f: {  	v26 =	vmax.f32 v55, v22;
	v12 =	vmin.f32 v55, v22;
	v42 =	vnsel vm14, $0x0, v15  }
0x40: {  	v50 =	vsel vm6, v2, v48;
	v2 =	vsel vm6, v48, v2;
	vm9 =	vgt.f32 v9, v1  }
0x41: {  	v1 =	vmax.f32 v1, v9;
	v60 =	vsel vm12, v3, v58;
	v3 =	vsel vm12, v58, v3  }
0x42: {  	vm14 =	vgt.f32 v8, v16;
	v63 =	vmax.f32 v16, v8;
	v8 =	vmin.f32 v16, v8  }
0x43: {  	vm6 =	vgt.f32 v22, v55;
	v28 =	vmax.f32 v57, v12;
	v41 =	vmax.f32 v26, v20  }
0x44: {  	v52 =	vsel vm7, v7, v50;
	v7 =	vsel vm7, v50, v7;
	v62 =	vsel vm13, v2, v60  }
0x45: {  	v2 =	vsel vm13, v60, v2;
	vm15 =	vgt.f32 v8, v53;
	v18 =	vmax.f32 v53, v8  }
0x46: {  	v8 =	vmin.f32 v53, v8;
	v27 =	vnsel vm6, $0x7, v6;
	v6 =	vsel vm6, $0x7, v6  }
0x47: {  	vm7 =	vgt.f32 v12, v57;
	v12 =	vmin.f32 v57, v12;
	v17 =	vsel vm8, v42, v52  }
0x48: {  	v4 =	vsel vm8, v52, v42;
	v21 =	vsel vm14, v7, v62;
	v7 =	vsel vm14, v62, v7  }
0x49: {  	vm4 =	vgt.f32 v8, v1;
	v24 =	vmin.f32 v1, v8;
	v8 =	vmax.f32 v1, v8  }
0x4a: {  	v29 =	vsel vm7, v5, v27;
	v5 =	vsel vm7, v27, v5;
	vm8 =	vgt.f32 v12, v59  }
0x4b: {  	v30 =	vmax.f32 v59, v12;
	v10 =	vmin.f32 v59, v12;
	vm14 =	vgt.f32 v20, v26  }
0x4c: {  	v42 =	vmin.f32 v26, v20;
	v54 =	vnsel vm9, $0x0, v17;
	v23 =	vsel vm15, v4, v21  }
0x4d: {  	v4 =	vsel vm15, v21, v4;
	vm5 =	vgt.f32 v24, v1;
	v1 =	vmax.f32 v1, v24  }
0x4e: {  	v31 =	vsel vm8, v3, v29;
	v3 =	vsel vm8, v29, v3;
	vm9 =	vgt.f32 v10, v61  }
0x4f: {  	v32 =	vmax.f32 v61, v10;
	v10 =	vmin.f32 v61, v10;
	v43 =	vnsel vm14, $0x8, v6  }
0x50: {  	v6 =	vsel vm14, $0x8, v6;
	vm15 =	vgt.f32 v42, v28;
	v44 =	vmax.f32 v28, v42  }
0x51: {  	v14 =	vmin.f32 v28, v42;
	v19 =	vsel vm4, v54, v23;
	v9 =	vsel vm4, v23, v54  }
0x52: {  	v33 =	vsel vm9, v2, v31;
	v2 =	vsel vm9, v31, v2;
	vm10 =	vgt.f32 v10, v63  }
0x53: {  	v34 =	vmax.f32 v63, v10;
	v10 =	vmin.f32 v63, v10;
	v45 =	vsel vm15, v5, v43  }
0x54: {  	v5 =	vsel vm15, v43, v5;
	vm4 =	vgt.f32 v14, v30;
	v46 =	vmax.f32 v30, v14  }
0x55: {  	v13 =	vmin.f32 v30, v14;
	v25 =	vnsel vm5, $0x0, v19;
	v35 =	vsel vm10, v7, v33  }
0x56: {  	v7 =	vsel vm10, v33, v7;
	vm11 =	vgt.f32 v10, v18;
	v36 =	vmax.f32 v18, v10  }
0x57: {  	v10 =	vmin.f32 v18, v10;
	v47 =	vsel vm4, v3, v45;
	v3 =	vsel vm4, v45, v3  }
0x58: {  	vm5 =	vgt.f32 v13, v32;
	v48 =	vmax.f32 v32, v13;
	v13 =	vmin.f32 v32, v13  }
0x59: {  	v37 =	vsel vm11, v4, v35;
	v4 =	vsel vm11, v35, v4;
	vm12 =	vgt.f32 v10, v8  }
0x5a: {  	v52 =	vld [tilespmem:s15+$0x1080];
	v38 =	vmax.f32 v8, v10;
	v8 =	vmin.f32 v8, v10;
	v49 =	vsel vm5, v2, v47  }
0x5b: {  	v2 =	vsel vm5, v47, v2;
	vm6 =	vgt.f32 v13, v34;
	v50 =	vmax.f32 v34, v13  }
0x5c: {  	v12 =	vmin.f32 v34, v13;
	v39 =	vsel vm12, v9, v37;
	v9 =	vsel vm12, v37, v9  }
0x5d: {  	vm13 =	vgt.f32 v8, v1;
	v1 =	vmax.f32 v1, v8;
	v51 =	vsel vm6, v7, v49  }
0x5e: {  	v7 =	vsel vm6, v49, v7;
	vm7 =	vgt.f32 v12, v36;
	v53 =	vmax.f32 v36, v12  }
0x5f: {  	v26 =	vld [tilespmem:s15+$0x1100];
	v12 =	vmin.f32 v36, v12;
	vm10 =	vgt.f32 v52, v41;
	v57 =	vmax.f32 v41, v52  }
0x60: {  	v10 =	vmin.f32 v41, v52;
	v40 =	vsel vm13, v39, v25;
	v54 =	vsel vm7, v4, v51  }
0x61: {  	v4 =	vsel vm7, v51, v4;
	vm8 =	vgt.f32 v12, v38;
	v55 =	vmax.f32 v38, v12  }
0x62: {  	v11 =	vmin.f32 v38, v12;
	v58 =	vnsel vm10, $0x9, v6;
	v6 =	vsel vm10, $0x9, v6  }
0x63: {  	vm11 =	vgt.f32 v10, v44;
	v59 =	vmax.f32 v44, v10;
	v10 =	vmin.f32 v44, v10  }
0x64: {  	vm6 =	vgt.f32 v26, v57;
	v31 =	vmax.f32 v57, v26;
	v56 =	vsel vm8, v9, v54  }
0x65: {  	v9 =	vsel vm8, v54, v9;
	vm9 =	vgt.f32 v11, v1;
	v1 =	vmax.f32 v1, v11  }
0x66: {  	v60 =	vsel vm11, v5, v58;
	v5 =	vsel vm11, v58, v5;
	vm12 =	vgt.f32 v10, v46  }
0x67: {  	v61 =	vmax.f32 v46, v10;
	v10 =	vmin.f32 v46, v10;
	v11 =	vmin.f32 v57, v26  }
0x68: {  	v32 =	vnsel vm6, $0xA, v6;
	v6 =	vsel vm6, $0xA, v6;
	v8 =	vsel vm9, v56, v40  }
0x69: {  	v62 =	vsel vm12, v3, v60;
	v3 =	vsel vm12, v60, v3;
	vm13 =	vgt.f32 v10, v48  }
0x6a: {  	v63 =	vmax.f32 v48, v10;
	v10 =	vmin.f32 v48, v10;
	vm7 =	vgt.f32 v11, v59  }
0x6b: {  	v18 =	vmax.f32 v59, v11;
	v11 =	vmin.f32 v59, v11;
	v23 =	vsel vm13, v2, v62  }
0x6c: {  	v2 =	vsel vm13, v62, v2;
	vm14 =	vgt.f32 v10, v50;
	v24 =	vmax.f32 v50, v10  }
0x6d: {  	v10 =	vmin.f32 v50, v10;
	v33 =	vsel vm7, v5, v32;
	v5 =	vsel vm7, v32, v5  }
0x6e: {  	vm8 =	vgt.f32 v11, v61;
	v34 =	vmax.f32 v61, v11;
	v11 =	vmin.f32 v61, v11  }
0x6f: {  	v25 =	vsel vm14, v7, v23;
	v7 =	vsel vm14, v23, v7;
	vm15 =	vgt.f32 v10, v53  }
0x70: {  	v27 =	vmax.f32 v53, v10;
	v10 =	vmin.f32 v53, v10;
	v35 =	vsel vm8, v3, v33  }
0x71: {  	v3 =	vsel vm8, v33, v3;
	vm9 =	vgt.f32 v11, v63;
	v36 =	vmax.f32 v63, v11  }
0x72: {  	v11 =	vmin.f32 v63, v11;
	v28 =	vsel vm15, v4, v25;
	v4 =	vsel vm15, v25, v4  }
0x73: {  	vm4 =	vgt.f32 v10, v55;
	v29 =	vmin.f32 v55, v10;
	v10 =	vmax.f32 v55, v10  }
0x74: {  	v37 =	vsel vm9, v2, v35;
	v2 =	vsel vm9, v35, v2;
	vm10 =	vgt.f32 v11, v24  }
0x75: {  	v40 =	vld [tilespmem:s15+$0x1180];
	v38 =	vmax.f32 v24, v11;
	v11 =	vmin.f32 v24, v11;
	v30 =	vsel vm4, v9, v28  }
0x76: {  	vm5 =	vgt.f32 v29, v1;
	v9 =	vsel vm4, v28, v9;
	v1 =	vmax.f32 v1, v29  }
0x77: {  	v39 =	vsel vm10, v7, v37;
	v7 =	vsel vm10, v37, v7;
	vm11 =	vgt.f32 v11, v27  }
0x78: {  	v41 =	vmax.f32 v27, v11;
	v11 =	vmin.f32 v27, v11;
	v8 =	vsel vm5, v30, v8  }
0x79: {  	v56 =	vld [tilespmem:s15+$0x1200];
	v42 =	vsel vm11, v4, v39;
	v4 =	vsel vm11, v39, v4;
	vm12 =	vgt.f32 v11, v10  }
0x7a: {  	v43 =	vmax.f32 v10, v11;
	v10 =	vmin.f32 v10, v11;
	vm14 =	vgt.f32 v40, v31  }
0x7b: {  	v45 =	vmax.f32 v31, v40;
	v46 =	vmin.f32 v31, v40;
	v44 =	vsel vm12, v9, v42  }
0x7c: {  	v9 =	vsel vm12, v42, v9;
	vm13 =	vgt.f32 v10, v1;
	v1 =	vmax.f32 v1, v10  }
0x7d: {  	v47 =	vnsel vm14, $0xB, v6;
	v6 =	vsel vm14, $0xB, v6;
	vm15 =	vgt.f32 v46, v18  }
0x7e: {  	v48 =	vmax.f32 v18, v46;
	v11 =	vmin.f32 v18, v46;
	vm10 =	vgt.f32 v56, v45  }
0x7f: {  	v61 =	vmax.f32 v45, v56;
	v10 =	vmin.f32 v45, v56;
	v8 =	vsel vm13, v44, v8  }
0x80: {  	v49 =	vsel vm15, v5, v47;
	v5 =	vsel vm15, v47, v5;
	vm4 =	vgt.f32 v11, v34  }
0x81: {  	v50 =	vmax.f32 v34, v11;
	v11 =	vmin.f32 v34, v11;
	v62 =	vnsel vm10, $0xC, v6  }
0x82: {  	v6 =	vsel vm10, $0xC, v6;
	vm11 =	vgt.f32 v10, v48;
	v63 =	vmax.f32 v48, v10  }
0x83: {  	v10 =	vmin.f32 v48, v10;
	v51 =	vsel vm4, v3, v49;
	v3 =	vsel vm4, v49, v3  }
0x84: {  	vm5 =	vgt.f32 v11, v36;
	v52 =	vmax.f32 v36, v11;
	v11 =	vmin.f32 v36, v11  }
0x85: {  	v23 =	vsel vm11, v5, v62;
	v5 =	vsel vm11, v62, v5;
	vm12 =	vgt.f32 v10, v50  }
0x86: {  	v24 =	vmax.f32 v50, v10;
	v10 =	vmin.f32 v50, v10;
	v53 =	vsel vm5, v2, v51  }
0x87: {  	v2 =	vsel vm5, v51, v2;
	vm6 =	vgt.f32 v11, v38;
	v54 =	vmax.f32 v38, v11  }
0x88: {  	v30 =	vld [tilespmem:s15+$0x1280];
	v11 =	vmin.f32 v38, v11;
	v25 =	vsel vm12, v3, v23;
	v3 =	vsel vm12, v23, v3  }
0x89: {  	vm13 =	vgt.f32 v10, v52;
	v26 =	vmax.f32 v52, v10;
	v10 =	vmin.f32 v52, v10  }
0x8a: {  	v55 =	vsel vm6, v7, v53;
	v7 =	vsel vm6, v53, v7;
	vm7 =	vgt.f32 v11, v41  }
0x8b: {  	v57 =	vmax.f32 v41, v11;
	v11 =	vmin.f32 v41, v11;
	v27 =	vsel vm13, v2, v25  }
0x8c: {  	v2 =	vsel vm13, v25, v2;
	vm14 =	vgt.f32 v10, v54;
	v28 =	vmax.f32 v54, v10  }
0x8d: {  	v10 =	vmin.f32 v54, v10;
	vm6 =	vgt.f32 v30, v61;
	v35 =	vmax.f32 v61, v30  }
0x8e: {  	v58 =	vsel vm7, v4, v55;
	v4 =	vsel vm7, v55, v4;
	vm8 =	vgt.f32 v11, v43  }
0x8f: {  	v59 =	vmax.f32 v43, v11;
	v11 =	vmin.f32 v43, v11;
	v29 =	vsel vm14, v7, v27  }
0x90: {  	v44 =	vld [tilespmem:s15+$0x1300];
	v7 =	vsel vm14, v27, v7;
	vm15 =	vgt.f32 v10, v57;
	v31 =	vmax.f32 v57, v10  }
0x91: {  	v10 =	vmin.f32 v57, v10;
	v36 =	vnsel vm6, $0xD, v6;
	v6 =	vsel vm6, $0xD, v6  }
0x92: {  	v60 =	vsel vm8, v9, v58;
	v9 =	vsel vm8, v58, v9;
	vm9 =	vgt.f32 v11, v1  }
0x93: {  	v1 =	vmax.f32 v1, v11;
	v32 =	vsel vm15, v4, v29;
	v4 =	vsel vm15, v29, v4  }
0x94: {  	vm4 =	vgt.f32 v10, v59;
	v33 =	vmin.f32 v59, v10;
	v10 =	vmax.f32 v59, v10  }
0x95: {  	v11 =	vmin.f32 v61, v30;
	vm14 =	vgt.f32 v44, v35;
	v49 =	vmax.f32 v35, v44  }
0x96: {  	v50 =	vmin.f32 v35, v44;
	v8 =	vsel vm9, v60, v8;
	v34 =	vsel vm4, v9, v32  }
0x97: {  	vm5 =	vgt.f32 v33, v1;
	v9 =	vsel vm4, v32, v9;
	v1 =	vmax.f32 v1, v33  }
0x98: {  	vm7 =	vgt.f32 v11, v63;
	v18 =	vmax.f32 v63, v11;
	v11 =	vmin.f32 v63, v11  }
0x99: {  	v51 =	vnsel vm14, $0xE, v6;
	v6 =	vsel vm14, $0xE, v6;
	v8 =	vsel vm5, v34, v8  }
0x9a: {  	v37 =	vsel vm7, v5, v36;
	v5 =	vsel vm7, v36, v5;
	vm8 =	vgt.f32 v11, v24  }
0x9b: {  	v38 =	vmax.f32 v24, v11;
	v11 =	vmin.f32 v24, v11;
	vm15 =	vgt.f32 v50, v18  }
0x9c: {  	v52 =	vmax.f32 v18, v50;
	v39 =	vsel vm8, v3, v37;
	v3 =	vsel vm8, v37, v3  }
0x9d: {  	vm9 =	vgt.f32 v11, v26;
	v40 =	vmax.f32 v26, v11;
	v11 =	vmin.f32 v26, v11  }
0x9e: {  	v53 =	vsel vm15, v5, v51;
	v5 =	vsel vm15, v51, v5;
	v41 =	vsel vm9, v2, v39  }
0x9f: {  	v60 =	vld [tilespmem:s15+$0x1380];
	v2 =	vsel vm9, v39, v2;
	vm10 =	vgt.f32 v11, v28;
	v42 =	vmax.f32 v28, v11  }
0xa0: {  	v11 =	vmin.f32 v28, v11;
	v43 =	vsel vm10, v7, v41;
	v7 =	vsel vm10, v41, v7  }
0xa1: {  	vm11 =	vgt.f32 v11, v31;
	v45 =	vmax.f32 v31, v11;
	v11 =	vmin.f32 v31, v11  }
0xa2: {  	v46 =	vsel vm11, v4, v43;
	v4 =	vsel vm11, v43, v4;
	vm12 =	vgt.f32 v11, v10  }
0xa3: {  	v33 =	vld [tilespmem:s15+$0x2000];
	v47 =	vmax.f32 v10, v11;
	v10 =	vmin.f32 v10, v11;
	v11 =	vmin.f32 v18, v50  }
0xa4: {  	vm10 =	vgt.f32 v60, v49;
	v24 =	vmax.f32 v49, v60;
	v48 =	vsel vm12, v9, v46  }
0xa5: {  	v9 =	vsel vm12, v46, v9;
	vm13 =	vgt.f32 v10, v1;
	v1 =	vmax.f32 v1, v10  }
0xa6: {  	vm4 =	vgt.f32 v11, v38;
	v54 =	vmax.f32 v38, v11;
	v11 =	vmin.f32 v38, v11  }
0xa7: {  	v10 =	vmin.f32 v49, v60;
	v25 =	vnsel vm10, $0xF, v6;
	v6 =	vsel vm10, $0xF, v6  }
0xa8: {  	v38 =	vmax.f32 v24, v33;
	v8 =	vsel vm13, v48, v8;
	v55 =	vsel vm4, v3, v53  }
0xa9: {  	v3 =	vsel vm4, v53, v3;
	vm5 =	vgt.f32 v11, v40;
	v56 =	vmax.f32 v40, v11  }
0xaa: {  	v11 =	vmin.f32 v40, v11;
	vm11 =	vgt.f32 v10, v52;
	v16 =	vmax.f32 v52, v10  }
0xab: {  	v10 =	vmin.f32 v52, v10;
	v57 =	vsel vm5, v2, v55;
	v2 =	vsel vm5, v55, v2  }
0xac: {  	vm6 =	vgt.f32 v11, v42;
	v58 =	vmax.f32 v42, v11;
	v11 =	vmin.f32 v42, v11  }
0xad: {  	v26 =	vsel vm11, v5, v25;
	v5 =	vsel vm11, v25, v5;
	vm12 =	vgt.f32 v10, v54  }
0xae: {  	v27 =	vmax.f32 v54, v10;
	v10 =	vmin.f32 v54, v10;
	v59 =	vsel vm6, v7, v57  }
0xaf: {  	v7 =	vsel vm6, v57, v7;
	vm7 =	vgt.f32 v11, v45;
	v61 =	vmax.f32 v45, v11  }
0xb0: {  	v11 =	vmin.f32 v45, v11;
	v28 =	vsel vm12, v3, v26;
	v3 =	vsel vm12, v26, v3  }
0xb1: {  	vm13 =	vgt.f32 v10, v56;
	v29 =	vmax.f32 v56, v10;
	v10 =	vmin.f32 v56, v10  }
0xb2: {  	vm6 =	vgt.f32 v33, v24;
	v62 =	vsel vm7, v4, v59;
	v4 =	vsel vm7, v59, v4  }
0xb3: {  	vm8 =	vgt.f32 v11, v47;
	v63 =	vmax.f32 v47, v11;
	v11 =	vmin.f32 v47, v11  }
0xb4: {  	v30 =	vsel vm13, v2, v28;
	v2 =	vsel vm13, v28, v2;
	vm14 =	vgt.f32 v10, v58  }
0xb5: {  	v31 =	vmax.f32 v58, v10;
	v10 =	vmin.f32 v58, v10;
	v39 =	vnsel vm6, $0x10, v6  }
0xb6: {  	v6 =	vsel vm6, $0x10, v6;
	v23 =	vsel vm8, v9, v62;
	v9 =	vsel vm8, v62, v9  }
0xb7: {  	vm9 =	vgt.f32 v11, v1;
	v1 =	vmax.f32 v1, v11;
	v32 =	vsel vm14, v7, v30  }
0xb8: {  	v7 =	vsel vm14, v30, v7;
	vm15 =	vgt.f32 v10, v61;
	v34 =	vmax.f32 v61, v10  }
0xb9: {  	v10 =	vmin.f32 v61, v10;
	v11 =	vmin.f32 v24, v33;
	v8 =	vsel vm9, v23, v8  }
0xba: {  	v35 =	vsel vm15, v4, v32;
	v4 =	vsel vm15, v32, v4;
	vm4 =	vgt.f32 v10, v63  }
0xbb: {  	v36 =	vmin.f32 v63, v10;
	v10 =	vmax.f32 v63, v10;
	vm7 =	vgt.f32 v11, v16  }
0xbc: {  	v18 =	vmax.f32 v16, v11;
	v11 =	vmin.f32 v16, v11;
	v37 =	vsel vm4, v9, v35  }
0xbd: {  	vm5 =	vgt.f32 v36, v1;
	v9 =	vsel vm4, v35, v9;
	v1 =	vmax.f32 v1, v36  }
0xbe: {  	v47 =	vld [tilespmem:s15+$0x2080];
	v40 =	vsel vm7, v5, v39;
	v5 =	vsel vm7, v39, v5;
	vm8 =	vgt.f32 v11, v27  }
0xbf: {  	v41 =	vmax.f32 v27, v11;
	v11 =	vmin.f32 v27, v11;
	v8 =	vsel vm5, v37, v8  }
0xc0: {  	v42 =	vsel vm8, v3, v40;
	v3 =	vsel vm8, v40, v3;
	vm9 =	vgt.f32 v11, v29  }
0xc1: {  	v43 =	vmax.f32 v29, v11;
	v11 =	vmin.f32 v29, v11;
	v44 =	vsel vm9, v2, v42  }
0xc2: {  	v2 =	vsel vm9, v42, v2;
	vm10 =	vgt.f32 v11, v31;
	v45 =	vmax.f32 v31, v11  }
0xc3: {  	v11 =	vmin.f32 v31, v11;
	vm14 =	vgt.f32 v47, v38;
	v52 =	vmax.f32 v38, v47  }
0xc4: {  	v53 =	vmin.f32 v38, v47;
	v46 =	vsel vm10, v7, v44;
	v7 =	vsel vm10, v44, v7  }
0xc5: {  	v63 =	vld [tilespmem:s15+$0x2100];
	vm11 =	vgt.f32 v11, v34;
	v48 =	vmax.f32 v34, v11;
	v11 =	vmin.f32 v34, v11  }
0xc6: {  	v54 =	vnsel vm14, $0x11, v6;
	v6 =	vsel vm14, $0x11, v6;
	vm15 =	vgt.f32 v53, v18  }
0xc7: {  	v55 =	vmax.f32 v18, v53;
	v49 =	vsel vm11, v4, v46;
	v4 =	vsel vm11, v46, v4  }
0xc8: {  	vm12 =	vgt.f32 v11, v10;
	v50 =	vmax.f32 v10, v11;
	v10 =	vmin.f32 v10, v11  }
0xc9: {  	v11 =	vmin.f32 v18, v53;
	v56 =	vsel vm15, v5, v54;
	v5 =	vsel vm15, v54, v5  }
0xca: {  	vm10 =	vgt.f32 v63, v52;
	v28 =	vmax.f32 v52, v63;
	v51 =	vsel vm12, v9, v49  }
0xcb: {  	v9 =	vsel vm12, v49, v9;
	vm13 =	vgt.f32 v10, v1;
	v1 =	vmax.f32 v1, v10  }
0xcc: {  	v37 =	vld [tilespmem:s15+$0x2180];
	vm4 =	vgt.f32 v11, v41;
	v57 =	vmax.f32 v41, v11;
	v11 =	vmin.f32 v41, v11  }
0xcd: {  	v10 =	vmin.f32 v52, v63;
	v29 =	vnsel vm10, $0x12, v6;
	v6 =	vsel vm10, $0x12, v6  }
0xce: {  	v8 =	vsel vm13, v51, v8;
	v58 =	vsel vm4, v3, v56;
	v3 =	vsel vm4, v56, v3  }
0xcf: {  	vm5 =	vgt.f32 v11, v43;
	v59 =	vmax.f32 v43, v11;
	v11 =	vmin.f32 v43, v11  }
0xd0: {  	vm11 =	vgt.f32 v10, v55;
	v16 =	vmax.f32 v55, v10;
	v10 =	vmin.f32 v55, v10  }
0xd1: {  	v42 =	vmax.f32 v28, v37;
	v60 =	vsel vm5, v2, v58;
	v2 =	vsel vm5, v58, v2  }
0xd2: {  	vm6 =	vgt.f32 v11, v45;
	v61 =	vmax.f32 v45, v11;
	v11 =	vmin.f32 v45, v11  }
0xd3: {  	v30 =	vsel vm11, v5, v29;
	v5 =	vsel vm11, v29, v5;
	vm12 =	vgt.f32 v10, v57  }
0xd4: {  	v31 =	vmax.f32 v57, v10;
	v10 =	vmin.f32 v57, v10;
	v62 =	vsel vm6, v7, v60  }
0xd5: {  	v7 =	vsel vm6, v60, v7;
	vm7 =	vgt.f32 v11, v48;
	v24 =	vmax.f32 v48, v11  }
0xd6: {  	v11 =	vmin.f32 v48, v11;
	v32 =	vsel vm12, v3, v30;
	v3 =	vsel vm12, v30, v3  }
0xd7: {  	vm13 =	vgt.f32 v10, v59;
	v33 =	vmax.f32 v59, v10;
	v10 =	vmin.f32 v59, v10  }
0xd8: {  	vm6 =	vgt.f32 v37, v28;
	v25 =	vsel vm7, v4, v62;
	v4 =	vsel vm7, v62, v4  }
0xd9: {  	vm8 =	vgt.f32 v11, v50;
	v26 =	vmax.f32 v50, v11;
	v11 =	vmin.f32 v50, v11  }
0xda: {  	v34 =	vsel vm13, v2, v32;
	v2 =	vsel vm13, v32, v2;
	vm14 =	vgt.f32 v10, v61  }
0xdb: {  	v35 =	vmax.f32 v61, v10;
	v10 =	vmin.f32 v61, v10;
	v43 =	vnsel vm6, $0x13, v6  }
0xdc: {  	v6 =	vsel vm6, $0x13, v6;
	v27 =	vsel vm8, v9, v25;
	v9 =	vsel vm8, v25, v9  }
0xdd: {  	v51 =	vld [tilespmem:s15+$0x2200];
	vm9 =	vgt.f32 v11, v1;
	v1 =	vmax.f32 v1, v11;
	v36 =	vsel vm14, v7, v34  }
0xde: {  	v7 =	vsel vm14, v34, v7;
	vm15 =	vgt.f32 v10, v24;
	v38 =	vmax.f32 v24, v10  }
0xdf: {  	v10 =	vmin.f32 v24, v10;
	v11 =	vmin.f32 v28, v37;
	v8 =	vsel vm9, v27, v8  }
0xe0: {  	v39 =	vsel vm15, v4, v36;
	v4 =	vsel vm15, v36, v4;
	vm4 =	vgt.f32 v10, v26  }
0xe1: {  	v40 =	vmin.f32 v26, v10;
	v10 =	vmax.f32 v26, v10;
	vm7 =	vgt.f32 v11, v16  }
0xe2: {  	v18 =	vmax.f32 v16, v11;
	v11 =	vmin.f32 v16, v11;
	vm14 =	vgt.f32 v51, v42  }
0xe3: {  	v56 =	vmax.f32 v42, v51;
	v57 =	vmin.f32 v42, v51;
	v41 =	vsel vm4, v9, v39  }
0xe4: {  	vm5 =	vgt.f32 v40, v1;
	v9 =	vsel vm4, v39, v9;
	v1 =	vmax.f32 v1, v40  }
0xe5: {  	v44 =	vsel vm7, v5, v43;
	v5 =	vsel vm7, v43, v5;
	vm8 =	vgt.f32 v11, v31  }
0xe6: {  	v45 =	vmax.f32 v31, v11;
	v11 =	vmin.f32 v31, v11;
	v58 =	vnsel vm14, $0x14, v6  }
0xe7: {  	v6 =	vsel vm14, $0x14, v6;
	vm15 =	vgt.f32 v57, v18;
	v59 =	vmax.f32 v18, v57  }
0xe8: {  	v8 =	vsel vm5, v41, v8;
	v46 =	vsel vm8, v3, v44;
	v3 =	vsel vm8, v44, v3  }
0xe9: {  	vm9 =	vgt.f32 v11, v33;
	v47 =	vmax.f32 v33, v11;
	v11 =	vmin.f32 v33, v11  }
0xea: {  	v60 =	vsel vm15, v5, v58;
	v5 =	vsel vm15, v58, v5;
	v48 =	vsel vm9, v2, v46  }
0xeb: {  	v27 =	vld [tilespmem:s15+$0x2280];
	v2 =	vsel vm9, v46, v2;
	vm10 =	vgt.f32 v11, v35;
	v49 =	vmax.f32 v35, v11  }
0xec: {  	v11 =	vmin.f32 v35, v11;
	v50 =	vsel vm10, v7, v48;
	v7 =	vsel vm10, v48, v7  }
0xed: {  	vm11 =	vgt.f32 v11, v38;
	v52 =	vmax.f32 v38, v11;
	v11 =	vmin.f32 v38, v11  }
0xee: {  	v53 =	vsel vm11, v4, v50;
	v4 =	vsel vm11, v50, v4;
	vm12 =	vgt.f32 v11, v10  }
0xef: {  	v54 =	vmax.f32 v10, v11;
	v10 =	vmin.f32 v10, v11;
	v11 =	vmin.f32 v18, v57  }
0xf0: {  	vm10 =	vgt.f32 v27, v56;
	v32 =	vmax.f32 v56, v27;
	v55 =	vsel vm12, v9, v53  }
0xf1: {  	v9 =	vsel vm12, v53, v9;
	vm13 =	vgt.f32 v10, v1;
	v1 =	vmax.f32 v1, v10  }
0xf2: {  	v41 =	vld [tilespmem:s15+$0x2300];
	vm4 =	vgt.f32 v11, v45;
	v61 =	vmax.f32 v45, v11;
	v11 =	vmin.f32 v45, v11  }
0xf3: {  	v10 =	vmin.f32 v56, v27;
	v33 =	vnsel vm10, $0x15, v6;
	v6 =	vsel vm10, $0x15, v6  }
0xf4: {  	v8 =	vsel vm13, v55, v8;
	v62 =	vsel vm4, v3, v60;
	v3 =	vsel vm4, v60, v3  }
0xf5: {  	vm5 =	vgt.f32 v11, v47;
	v63 =	vmax.f32 v47, v11;
	v11 =	vmin.f32 v47, v11  }
0xf6: {  	vm11 =	vgt.f32 v10, v59;
	v16 =	vmax.f32 v59, v10;
	v10 =	vmin.f32 v59, v10  }
0xf7: {  	v46 =	vmax.f32 v32, v41;
	v24 =	vsel vm5, v2, v62;
	v2 =	vsel vm5, v62, v2  }
0xf8: {  	vm6 =	vgt.f32 v11, v49;
	v25 =	vmax.f32 v49, v11;
	v11 =	vmin.f32 v49, v11  }
0xf9: {  	v34 =	vsel vm11, v5, v33;
	v5 =	vsel vm11, v33, v5;
	vm12 =	vgt.f32 v10, v61  }
0xfa: {  	v35 =	vmax.f32 v61, v10;
	v10 =	vmin.f32 v61, v10;
	v26 =	vsel vm6, v7, v24  }
0xfb: {  	v7 =	vsel vm6, v24, v7;
	vm7 =	vgt.f32 v11, v52;
	v28 =	vmax.f32 v52, v11  }
0xfc: {  	v11 =	vmin.f32 v52, v11;
	v36 =	vsel vm12, v3, v34;
	v3 =	vsel vm12, v34, v3  }
0xfd: {  	vm13 =	vgt.f32 v10, v63;
	v37 =	vmax.f32 v63, v10;
	v10 =	vmin.f32 v63, v10  }
0xfe: {  	vm6 =	vgt.f32 v41, v32;
	v29 =	vsel vm7, v4, v26;
	v4 =	vsel vm7, v26, v4  }
0xff: {  	vm8 =	vgt.f32 v11, v54;
	v30 =	vmax.f32 v54, v11;
	v11 =	vmin.f32 v54, v11  }
0x100: {  	v38 =	vsel vm13, v2, v36;
	v2 =	vsel vm13, v36, v2;
	vm14 =	vgt.f32 v10, v25  }
0x101: {  	v39 =	vmax.f32 v25, v10;
	v10 =	vmin.f32 v25, v10;
	v47 =	vnsel vm6, $0x16, v6  }
0x102: {  	v6 =	vsel vm6, $0x16, v6;
	v31 =	vsel vm8, v9, v29;
	v9 =	vsel vm8, v29, v9  }
0x103: {  	v55 =	vld [tilespmem:s15+$0x2380];
	vm9 =	vgt.f32 v11, v1;
	v1 =	vmax.f32 v1, v11;
	v40 =	vsel vm14, v7, v38  }
0x104: {  	v7 =	vsel vm14, v38, v7;
	vm15 =	vgt.f32 v10, v28;
	v42 =	vmax.f32 v28, v10  }
0x105: {  	v10 =	vmin.f32 v28, v10;
	v11 =	vmin.f32 v32, v41;
	v8 =	vsel vm9, v31, v8  }
0x106: {  	v43 =	vsel vm15, v4, v40;
	v4 =	vsel vm15, v40, v4;
	vm4 =	vgt.f32 v10, v30  }
0x107: {  	v44 =	vmin.f32 v30, v10;
	v10 =	vmax.f32 v30, v10;
	vm7 =	vgt.f32 v11, v16  }
0x108: {  	v18 =	vmax.f32 v16, v11;
	v11 =	vmin.f32 v16, v11;
	vm14 =	vgt.f32 v55, v46  }
0x109: {  	v60 =	vmax.f32 v46, v55;
	v61 =	vmin.f32 v46, v55;
	v45 =	vsel vm4, v9, v43  }
0x10a: {  	vm5 =	vgt.f32 v44, v1;
	v9 =	vsel vm4, v43, v9;
	v1 =	vmax.f32 v1, v44  }
0x10b: {  	v48 =	vsel vm7, v5, v47;
	v5 =	vsel vm7, v47, v5;
	vm8 =	vgt.f32 v11, v35  }
0x10c: {  	v49 =	vmax.f32 v35, v11;
	v11 =	vmin.f32 v35, v11;
	v62 =	vnsel vm14, $0x17, v6  }
0x10d: {  	v6 =	vsel vm14, $0x17, v6;
	vm15 =	vgt.f32 v61, v18;
	v63 =	vmax.f32 v18, v61  }
0x10e: {  	v8 =	vsel vm5, v45, v8;
	v50 =	vsel vm8, v3, v48;
	v3 =	vsel vm8, v48, v3  }
0x10f: {  	vm9 =	vgt.f32 v11, v37;
	v51 =	vmax.f32 v37, v11;
	v11 =	vmin.f32 v37, v11  }
0x110: {  	v23 =	vsel vm15, v5, v62;
	v5 =	vsel vm15, v62, v5;
	v52 =	vsel vm9, v2, v50  }
0x111: {  	v30 =	vld [tilespmem:s15+$0x3000];
	v2 =	vsel vm9, v50, v2;
	vm10 =	vgt.f32 v11, v39;
	v53 =	vmax.f32 v39, v11  }
0x112: {  	v11 =	vmin.f32 v39, v11;
	v54 =	vsel vm10, v7, v52;
	v7 =	vsel vm10, v52, v7  }
0x113: {  	vm11 =	vgt.f32 v11, v42;
	v56 =	vmax.f32 v42, v11;
	v11 =	vmin.f32 v42, v11  }
0x114: {  	v57 =	vsel vm11, v4, v54;
	v4 =	vsel vm11, v54, v4;
	vm12 =	vgt.f32 v11, v10  }
0x115: {  	v44 =	vld [tilespmem:s15+$0x3080];
	v58 =	vmax.f32 v10, v11;
	v10 =	vmin.f32 v10, v11;
	v11 =	vmin.f32 v18, v61  }
0x116: {  	vm10 =	vgt.f32 v30, v60;
	v35 =	vmax.f32 v60, v30;
	v59 =	vsel vm12, v9, v57  }
0x117: {  	v9 =	vsel vm12, v57, v9;
	vm13 =	vgt.f32 v10, v1;
	v1 =	vmax.f32 v1, v10  }
0x118: {  	vm4 =	vgt.f32 v11, v49;
	v24 =	vmax.f32 v49, v11;
	v11 =	vmin.f32 v49, v11  }
0x119: {  	v10 =	vmin.f32 v60, v30;
	v36 =	vnsel vm10, $0x18, v6;
	v6 =	vsel vm10, $0x18, v6  }
0x11a: {  	v49 =	vmax.f32 v35, v44;
	v8 =	vsel vm13, v59, v8;
	v25 =	vsel vm4, v3, v23  }
0x11b: {  	v3 =	vsel vm4, v23, v3;
	vm5 =	vgt.f32 v11, v51;
	v26 =	vmax.f32 v51, v11  }
0x11c: {  	v11 =	vmin.f32 v51, v11;
	vm11 =	vgt.f32 v10, v63;
	v16 =	vmax.f32 v63, v10  }
0x11d: {  	v10 =	vmin.f32 v63, v10;
	v27 =	vsel vm5, v2, v25;
	v2 =	vsel vm5, v25, v2  }
0x11e: {  	vm6 =	vgt.f32 v11, v53;
	v28 =	vmax.f32 v53, v11;
	v11 =	vmin.f32 v53, v11  }
0x11f: {  	v37 =	vsel vm11, v5, v36;
	v5 =	vsel vm11, v36, v5;
	vm12 =	vgt.f32 v10, v24  }
0x120: {  	v38 =	vmax.f32 v24, v10;
	v10 =	vmin.f32 v24, v10;
	v29 =	vsel vm6, v7, v27  }
0x121: {  	v7 =	vsel vm6, v27, v7;
	vm7 =	vgt.f32 v11, v56;
	v31 =	vmax.f32 v56, v11  }
0x122: {  	v11 =	vmin.f32 v56, v11;
	v39 =	vsel vm12, v3, v37;
	v3 =	vsel vm12, v37, v3  }
0x123: {  	vm13 =	vgt.f32 v10, v26;
	v40 =	vmax.f32 v26, v10;
	v10 =	vmin.f32 v26, v10  }
0x124: {  	vm6 =	vgt.f32 v44, v35;
	v32 =	vsel vm7, v4, v29;
	v4 =	vsel vm7, v29, v4  }
0x125: {  	vm8 =	vgt.f32 v11, v58;
	v33 =	vmax.f32 v58, v11;
	v11 =	vmin.f32 v58, v11  }
0x126: {  	v41 =	vsel vm13, v2, v39;
	v2 =	vsel vm13, v39, v2;
	vm14 =	vgt.f32 v10, v28  }
0x127: {  	v42 =	vmax.f32 v28, v10;
	v10 =	vmin.f32 v28, v10;
	v50 =	vnsel vm6, $0x19, v6  }
0x128: {  	v6 =	vsel vm6, $0x19, v6;
	v34 =	vsel vm8, v9, v32;
	v9 =	vsel vm8, v32, v9  }
0x129: {  	vm9 =	vgt.f32 v11, v1;
	v1 =	vmax.f32 v1, v11;
	v43 =	vsel vm14, v7, v41  }
0x12a: {  	v7 =	vsel vm14, v41, v7;
	vm15 =	vgt.f32 v10, v31;
	v45 =	vmax.f32 v31, v10  }
0x12b: {  	v10 =	vmin.f32 v31, v10;
	v11 =	vmin.f32 v35, v44;
	v8 =	vsel vm9, v34, v8  }
0x12c: {  	v46 =	vsel vm15, v4, v43;
	v4 =	vsel vm15, v43, v4;
	vm4 =	vgt.f32 v10, v33  }
0x12d: {  	v47 =	vmin.f32 v33, v10;
	v10 =	vmax.f32 v33, v10;
	vm7 =	vgt.f32 v11, v16  }
0x12e: {  	v18 =	vmax.f32 v16, v11;
	v11 =	vmin.f32 v16, v11;
	v48 =	vsel vm4, v9, v46  }
0x12f: {  	vm5 =	vgt.f32 v47, v1;
	v9 =	vsel vm4, v46, v9;
	v1 =	vmax.f32 v1, v47  }
0x130: {  	v58 =	vld [tilespmem:s15+$0x3100];
	v51 =	vsel vm7, v5, v50;
	v5 =	vsel vm7, v50, v5;
	vm8 =	vgt.f32 v11, v38  }
0x131: {  	v52 =	vmax.f32 v38, v11;
	v11 =	vmin.f32 v38, v11;
	v8 =	vsel vm5, v48, v8  }
0x132: {  	v53 =	vsel vm8, v3, v51;
	v3 =	vsel vm8, v51, v3;
	vm9 =	vgt.f32 v11, v40  }
0x133: {  	v54 =	vmax.f32 v40, v11;
	v11 =	vmin.f32 v40, v11;
	v55 =	vsel vm9, v2, v53  }
0x134: {  	v2 =	vsel vm9, v53, v2;
	vm10 =	vgt.f32 v11, v42;
	v56 =	vmax.f32 v42, v11  }
0x135: {  	v11 =	vmin.f32 v42, v11;
	vm14 =	vgt.f32 v58, v49;
	v63 =	vmax.f32 v49, v58  }
0x136: {  	v24 =	vmin.f32 v49, v58;
	v57 =	vsel vm10, v7, v55;
	v7 =	vsel vm10, v55, v7  }
0x137: {  	v34 =	vld [tilespmem:s15+$0x3180];
	vm11 =	vgt.f32 v11, v45;
	v59 =	vmax.f32 v45, v11;
	v11 =	vmin.f32 v45, v11  }
0x138: {  	v25 =	vnsel vm14, $0x1A, v6;
	v6 =	vsel vm14, $0x1A, v6;
	vm15 =	vgt.f32 v24, v18  }
0x139: {  	v26 =	vmax.f32 v18, v24;
	v60 =	vsel vm11, v4, v57;
	v4 =	vsel vm11, v57, v4  }
0x13a: {  	vm12 =	vgt.f32 v11, v10;
	v61 =	vmax.f32 v10, v11;
	v10 =	vmin.f32 v10, v11  }
0x13b: {  	v11 =	vmin.f32 v18, v24;
	v27 =	vsel vm15, v5, v25;
	v5 =	vsel vm15, v25, v5  }
0x13c: {  	vm10 =	vgt.f32 v34, v63;
	v39 =	vmax.f32 v63, v34;
	v62 =	vsel vm12, v9, v60  }
0x13d: {  	v9 =	vsel vm12, v60, v9;
	vm13 =	vgt.f32 v10, v1;
	v1 =	vmax.f32 v1, v10  }
0x13e: {  	v48 =	vld [tilespmem:s15+$0x3200];
	vm4 =	vgt.f32 v11, v52;
	v28 =	vmax.f32 v52, v11;
	v11 =	vmin.f32 v52, v11  }
0x13f: {  	v10 =	vmin.f32 v63, v34;
	v40 =	vnsel vm10, $0x1B, v6;
	v6 =	vsel vm10, $0x1B, v6  }
0x140: {  	v8 =	vsel vm13, v62, v8;
	v29 =	vsel vm4, v3, v27;
	v3 =	vsel vm4, v27, v3  }
0x141: {  	vm5 =	vgt.f32 v11, v54;
	v30 =	vmax.f32 v54, v11;
	v11 =	vmin.f32 v54, v11  }
0x142: {  	vm11 =	vgt.f32 v10, v26;
	v16 =	vmax.f32 v26, v10;
	v10 =	vmin.f32 v26, v10  }
0x143: {  	v53 =	vmax.f32 v39, v48;
	v31 =	vsel vm5, v2, v29;
	v2 =	vsel vm5, v29, v2  }
0x144: {  	vm6 =	vgt.f32 v11, v56;
	v32 =	vmax.f32 v56, v11;
	v11 =	vmin.f32 v56, v11  }
0x145: {  	v41 =	vsel vm11, v5, v40;
	v5 =	vsel vm11, v40, v5;
	vm12 =	vgt.f32 v10, v28  }
0x146: {  	v42 =	vmax.f32 v28, v10;
	v10 =	vmin.f32 v28, v10;
	v33 =	vsel vm6, v7, v31  }
0x147: {  	v7 =	vsel vm6, v31, v7;
	vm7 =	vgt.f32 v11, v59;
	v35 =	vmax.f32 v59, v11  }
0x148: {  	v11 =	vmin.f32 v59, v11;
	v43 =	vsel vm12, v3, v41;
	v3 =	vsel vm12, v41, v3  }
0x149: {  	vm13 =	vgt.f32 v10, v30;
	v44 =	vmax.f32 v30, v10;
	v10 =	vmin.f32 v30, v10  }
0x14a: {  	vm6 =	vgt.f32 v48, v39;
	v36 =	vsel vm7, v4, v33;
	v4 =	vsel vm7, v33, v4  }
0x14b: {  	vm8 =	vgt.f32 v11, v61;
	v37 =	vmax.f32 v61, v11;
	v11 =	vmin.f32 v61, v11  }
0x14c: {  	v45 =	vsel vm13, v2, v43;
	v2 =	vsel vm13, v43, v2;
	vm14 =	vgt.f32 v10, v32  }
0x14d: {  	v46 =	vmax.f32 v32, v10;
	v10 =	vmin.f32 v32, v10;
	v54 =	vnsel vm6, $0x1C, v6  }
0x14e: {  	v6 =	vsel vm6, $0x1C, v6;
	v38 =	vsel vm8, v9, v36;
	v9 =	vsel vm8, v36, v9  }
0x14f: {  	v62 =	vld [tilespmem:s15+$0x3280];
	vm9 =	vgt.f32 v11, v1;
	v1 =	vmax.f32 v1, v11;
	v47 =	vsel vm14, v7, v45  }
0x150: {  	v7 =	vsel vm14, v45, v7;
	vm15 =	vgt.f32 v10, v35;
	v49 =	vmax.f32 v35, v10  }
0x151: {  	v10 =	vmin.f32 v35, v10;
	v11 =	vmin.f32 v39, v48;
	v8 =	vsel vm9, v38, v8  }
0x152: {  	v50 =	vsel vm15, v4, v47;
	v4 =	vsel vm15, v47, v4;
	vm4 =	vgt.f32 v10, v37  }
0x153: {  	v51 =	vmin.f32 v37, v10;
	v10 =	vmax.f32 v37, v10;
	vm7 =	vgt.f32 v11, v16  }
0x154: {  	v18 =	vmax.f32 v16, v11;
	v11 =	vmin.f32 v16, v11;
	vm14 =	vgt.f32 v62, v53  }
0x155: {  	v26 =	vmax.f32 v53, v62;
	v27 =	vmin.f32 v53, v62;
	v52 =	vsel vm4, v9, v50  }
0x156: {  	vm5 =	vgt.f32 v51, v1;
	v9 =	vsel vm4, v50, v9;
	v1 =	vmax.f32 v1, v51  }
0x157: {  	v55 =	vsel vm7, v5, v54;
	v5 =	vsel vm7, v54, v5;
	vm8 =	vgt.f32 v11, v42  }
0x158: {  	v56 =	vmax.f32 v42, v11;
	v11 =	vmin.f32 v42, v11;
	v28 =	vnsel vm14, $0x1D, v6  }
0x159: {  	v6 =	vsel vm14, $0x1D, v6;
	vm15 =	vgt.f32 v27, v18;
	v29 =	vmax.f32 v18, v27  }
0x15a: {  	v8 =	vsel vm5, v52, v8;
	v57 =	vsel vm8, v3, v55;
	v3 =	vsel vm8, v55, v3  }
0x15b: {  	vm9 =	vgt.f32 v11, v44;
	v58 =	vmax.f32 v44, v11;
	v11 =	vmin.f32 v44, v11  }
0x15c: {  	v30 =	vsel vm15, v5, v28;
	v5 =	vsel vm15, v28, v5;
	v59 =	vsel vm9, v2, v57  }
0x15d: {  	v37 =	vld [tilespmem:s15+$0x3300];
	v2 =	vsel vm9, v57, v2;
	vm10 =	vgt.f32 v11, v46;
	v60 =	vmax.f32 v46, v11  }
0x15e: {  	v11 =	vmin.f32 v46, v11;
	v61 =	vsel vm10, v7, v59;
	v7 =	vsel vm10, v59, v7  }
0x15f: {  	vm11 =	vgt.f32 v11, v49;
	v63 =	vmax.f32 v49, v11;
	v11 =	vmin.f32 v49, v11  }
0x160: {  	v23 =	vsel vm11, v4, v61;
	v4 =	vsel vm11, v61, v4;
	vm12 =	vgt.f32 v11, v10  }
0x161: {  	v51 =	vld [tilespmem:s15+$0x3380];
	v24 =	vmax.f32 v10, v11;
	v10 =	vmin.f32 v10, v11;
	v11 =	vmin.f32 v18, v27  }
0x162: {  	vm10 =	vgt.f32 v37, v26;
	v42 =	vmax.f32 v26, v37;
	v25 =	vsel vm12, v9, v23  }
0x163: {  	v9 =	vsel vm12, v23, v9;
	vm13 =	vgt.f32 v10, v1;
	v1 =	vmax.f32 v1, v10  }
0x164: {  	vm4 =	vgt.f32 v11, v56;
	v31 =	vmax.f32 v56, v11;
	v11 =	vmin.f32 v56, v11  }
0x165: {  	v10 =	vmin.f32 v26, v37;
	v43 =	vnsel vm10, $0x1E, v6;
	v6 =	vsel vm10, $0x1E, v6  }
0x166: {  	v56 =	vmax.f32 v42, v51;
	v8 =	vsel vm13, v25, v8;
	v32 =	vsel vm4, v3, v30  }
0x167: {  	v3 =	vsel vm4, v30, v3;
	vm5 =	vgt.f32 v11, v58;
	v33 =	vmax.f32 v58, v11  }
0x168: {  	v11 =	vmin.f32 v58, v11;
	vm11 =	vgt.f32 v10, v29;
	v16 =	vmax.f32 v29, v10  }
0x169: {  	v10 =	vmin.f32 v29, v10;
	v34 =	vsel vm5, v2, v32;
	v2 =	vsel vm5, v32, v2  }
0x16a: {  	vm6 =	vgt.f32 v11, v60;
	v35 =	vmax.f32 v60, v11;
	v11 =	vmin.f32 v60, v11  }
0x16b: {  	v44 =	vsel vm11, v5, v43;
	v5 =	vsel vm11, v43, v5;
	vm12 =	vgt.f32 v10, v31  }
0x16c: {  	v45 =	vmax.f32 v31, v10;
	v10 =	vmin.f32 v31, v10;
	v36 =	vsel vm6, v7, v34  }
0x16d: {  	v7 =	vsel vm6, v34, v7;
	vm7 =	vgt.f32 v11, v63;
	v38 =	vmax.f32 v63, v11  }
0x16e: {  	v11 =	vmin.f32 v63, v11;
	v46 =	vsel vm12, v3, v44;
	v3 =	vsel vm12, v44, v3  }
0x16f: {  	vm13 =	vgt.f32 v10, v33;
	v47 =	vmax.f32 v33, v10;
	v10 =	vmin.f32 v33, v10  }
0x170: {  	vm6 =	vgt.f32 v51, v42;
	v39 =	vsel vm7, v4, v36;
	v4 =	vsel vm7, v36, v4  }
0x171: {  	vm8 =	vgt.f32 v11, v24;
	v40 =	vmax.f32 v24, v11;
	v11 =	vmin.f32 v24, v11  }
0x172: {  	v48 =	vsel vm13, v2, v46;
	v2 =	vsel vm13, v46, v2;
	vm14 =	vgt.f32 v10, v35  }
0x173: {  	v49 =	vmax.f32 v35, v10;
	v10 =	vmin.f32 v35, v10;
	v57 =	vnsel vm6, $0x1F, v6  }
0x174: {  	v6 =	vsel vm6, $0x1F, v6;
	v41 =	vsel vm8, v9, v39;
	v9 =	vsel vm8, v39, v9  }
0x175: {  	v25 =	vld [tilespmem:s15+$0x4000];
	vm9 =	vgt.f32 v11, v1;
	v1 =	vmax.f32 v1, v11;
	v50 =	vsel vm14, v7, v48  }
0x176: {  	v7 =	vsel vm14, v48, v7;
	vm15 =	vgt.f32 v10, v38;
	v52 =	vmax.f32 v38, v10  }
0x177: {  	v10 =	vmin.f32 v38, v10;
	v11 =	vmin.f32 v42, v51;
	v8 =	vsel vm9, v41, v8  }
0x178: {  	v53 =	vsel vm15, v4, v50;
	v4 =	vsel vm15, v50, v4;
	vm4 =	vgt.f32 v10, v40  }
0x179: {  	v54 =	vmin.f32 v40, v10;
	v10 =	vmax.f32 v40, v10;
	vm7 =	vgt.f32 v11, v16  }
0x17a: {  	v18 =	vmax.f32 v16, v11;
	v11 =	vmin.f32 v16, v11;
	vm14 =	vgt.f32 v25, v56  }
0x17b: {  	v30 =	vmax.f32 v56, v25;
	v31 =	vmin.f32 v56, v25;
	v55 =	vsel vm4, v9, v53  }
0x17c: {  	vm5 =	vgt.f32 v54, v1;
	v9 =	vsel vm4, v53, v9;
	v1 =	vmax.f32 v1, v54  }
0x17d: {  	v58 =	vsel vm7, v5, v57;
	v5 =	vsel vm7, v57, v5;
	vm8 =	vgt.f32 v11, v45  }
0x17e: {  	v59 =	vmax.f32 v45, v11;
	v11 =	vmin.f32 v45, v11;
	v32 =	vnsel vm14, $0x20, v6  }
0x17f: {  	v6 =	vsel vm14, $0x20, v6;
	vm15 =	vgt.f32 v31, v18;
	v33 =	vmax.f32 v18, v31  }
0x180: {  	v8 =	vsel vm5, v55, v8;
	v60 =	vsel vm8, v3, v58;
	v3 =	vsel vm8, v58, v3  }
0x181: {  	vm9 =	vgt.f32 v11, v47;
	v61 =	vmax.f32 v47, v11;
	v11 =	vmin.f32 v47, v11  }
0x182: {  	v34 =	vsel vm15, v5, v32;
	v5 =	vsel vm15, v32, v5;
	v62 =	vsel vm9, v2, v60  }
0x183: {  	v41 =	vld [tilespmem:s15+$0x4080];
	v2 =	vsel vm9, v60, v2;
	vm10 =	vgt.f32 v11, v49;
	v63 =	vmax.f32 v49, v11  }
0x184: {  	v11 =	vmin.f32 v49, v11;
	v24 =	vsel vm10, v7, v62;
	v7 =	vsel vm10, v62, v7  }
0x185: {  	vm11 =	vgt.f32 v11, v52;
	v26 =	vmax.f32 v52, v11;
	v11 =	vmin.f32 v52, v11  }
0x186: {  	v27 =	vsel vm11, v4, v24;
	v4 =	vsel vm11, v24, v4;
	vm12 =	vgt.f32 v11, v10  }
0x187: {  	v28 =	vmax.f32 v10, v11;
	v10 =	vmin.f32 v10, v11;
	v11 =	vmin.f32 v18, v31  }
0x188: {  	vm10 =	vgt.f32 v41, v30;
	v46 =	vmax.f32 v30, v41;
	v29 =	vsel vm12, v9, v27  }
0x189: {  	v9 =	vsel vm12, v27, v9;
	vm13 =	vgt.f32 v10, v1;
	v1 =	vmax.f32 v1, v10  }
0x18a: {  	v55 =	vld [tilespmem:s15+$0x4100];
	vm4 =	vgt.f32 v11, v59;
	v35 =	vmax.f32 v59, v11;
	v11 =	vmin.f32 v59, v11  }
0x18b: {  	v10 =	vmin.f32 v30, v41;
	v47 =	vnsel vm10, $0x21, v6;
	v6 =	vsel vm10, $0x21, v6  }
0x18c: {  	v8 =	vsel vm13, v29, v8;
	v36 =	vsel vm4, v3, v34;
	v3 =	vsel vm4, v34, v3  }
0x18d: {  	vm5 =	vgt.f32 v11, v61;
	v37 =	vmax.f32 v61, v11;
	v11 =	vmin.f32 v61, v11  }
0x18e: {  	vm11 =	vgt.f32 v10, v33;
	v16 =	vmax.f32 v33, v10;
	v10 =	vmin.f32 v33, v10  }
0x18f: {  	v60 =	vmax.f32 v46, v55;
	v38 =	vsel vm5, v2, v36;
	v2 =	vsel vm5, v36, v2  }
0x190: {  	vm6 =	vgt.f32 v11, v63;
	v39 =	vmax.f32 v63, v11;
	v11 =	vmin.f32 v63, v11  }
0x191: {  	v48 =	vsel vm11, v5, v47;
	v5 =	vsel vm11, v47, v5;
	vm12 =	vgt.f32 v10, v35  }
0x192: {  	v49 =	vmax.f32 v35, v10;
	v10 =	vmin.f32 v35, v10;
	v40 =	vsel vm6, v7, v38  }
0x193: {  	v7 =	vsel vm6, v38, v7;
	vm7 =	vgt.f32 v11, v26;
	v42 =	vmax.f32 v26, v11  }
0x194: {  	v11 =	vmin.f32 v26, v11;
	v50 =	vsel vm12, v3, v48;
	v3 =	vsel vm12, v48, v3  }
0x195: {  	vm13 =	vgt.f32 v10, v37;
	v51 =	vmax.f32 v37, v10;
	v10 =	vmin.f32 v37, v10  }
0x196: {  	vm6 =	vgt.f32 v55, v46;
	v43 =	vsel vm7, v4, v40;
	v4 =	vsel vm7, v40, v4  }
0x197: {  	vm8 =	vgt.f32 v11, v28;
	v44 =	vmax.f32 v28, v11;
	v11 =	vmin.f32 v28, v11  }
0x198: {  	v52 =	vsel vm13, v2, v50;
	v2 =	vsel vm13, v50, v2;
	vm14 =	vgt.f32 v10, v39  }
0x199: {  	v53 =	vmax.f32 v39, v10;
	v10 =	vmin.f32 v39, v10;
	v61 =	vnsel vm6, $0x22, v6  }
0x19a: {  	v6 =	vsel vm6, $0x22, v6;
	v45 =	vsel vm8, v9, v43;
	v9 =	vsel vm8, v43, v9  }
0x19b: {  	vm9 =	vgt.f32 v11, v1;
	v1 =	vmax.f32 v1, v11;
	v54 =	vsel vm14, v7, v52  }
0x19c: {  	v7 =	vsel vm14, v52, v7;
	vm15 =	vgt.f32 v10, v42;
	v56 =	vmax.f32 v42, v10  }
0x19d: {  	v10 =	vmin.f32 v42, v10;
	v11 =	vmin.f32 v46, v55;
	v8 =	vsel vm9, v45, v8  }
0x19e: {  	v57 =	vsel vm15, v4, v54;
	v4 =	vsel vm15, v54, v4;
	vm4 =	vgt.f32 v10, v44  }
0x19f: {  	v58 =	vmin.f32 v44, v10;
	v10 =	vmax.f32 v44, v10;
	vm7 =	vgt.f32 v11, v16  }
0x1a0: {  	v18 =	vmax.f32 v16, v11;
	v11 =	vmin.f32 v16, v11;
	v59 =	vsel vm4, v9, v57  }
0x1a1: {  	vm5 =	vgt.f32 v58, v1;
	v9 =	vsel vm4, v57, v9;
	v1 =	vmax.f32 v1, v58  }
0x1a2: {  	v28 =	vld [tilespmem:s15+$0x4180];
	v62 =	vsel vm7, v5, v61;
	v5 =	vsel vm7, v61, v5;
	vm8 =	vgt.f32 v11, v49  }
0x1a3: {  	v63 =	vmax.f32 v49, v11;
	v11 =	vmin.f32 v49, v11;
	v8 =	vsel vm5, v59, v8  }
0x1a4: {  	v23 =	vsel vm8, v3, v62;
	v3 =	vsel vm8, v62, v3;
	vm9 =	vgt.f32 v11, v51  }
0x1a5: {  	v24 =	vmax.f32 v51, v11;
	v11 =	vmin.f32 v51, v11;
	v25 =	vsel vm9, v2, v23  }
0x1a6: {  	v2 =	vsel vm9, v23, v2;
	vm10 =	vgt.f32 v11, v53;
	v26 =	vmax.f32 v53, v11  }
0x1a7: {  	v11 =	vmin.f32 v53, v11;
	vm14 =	vgt.f32 v28, v60;
	v33 =	vmax.f32 v60, v28  }
0x1a8: {  	v34 =	vmin.f32 v60, v28;
	v27 =	vsel vm10, v7, v25;
	v7 =	vsel vm10, v25, v7  }
0x1a9: {  	v44 =	vld [tilespmem:s15+$0x4200];
	vm11 =	vgt.f32 v11, v56;
	v29 =	vmax.f32 v56, v11;
	v11 =	vmin.f32 v56, v11  }
0x1aa: {  	v35 =	vnsel vm14, $0x23, v6;
	v6 =	vsel vm14, $0x23, v6;
	vm15 =	vgt.f32 v34, v18  }
0x1ab: {  	v36 =	vmax.f32 v18, v34;
	v30 =	vsel vm11, v4, v27;
	v4 =	vsel vm11, v27, v4  }
0x1ac: {  	vm12 =	vgt.f32 v11, v10;
	v31 =	vmax.f32 v10, v11;
	v10 =	vmin.f32 v10, v11  }
0x1ad: {  	v58 =	vld [tilespmem:s15+$0x4280];
	v11 =	vmin.f32 v18, v34;
	v37 =	vsel vm15, v5, v35;
	v5 =	vsel vm15, v35, v5  }
0x1ae: {  	vm10 =	vgt.f32 v44, v33;
	v49 =	vmax.f32 v33, v44;
	v32 =	vsel vm12, v9, v30  }
0x1af: {  	v9 =	vsel vm12, v30, v9;
	vm13 =	vgt.f32 v10, v1;
	v1 =	vmax.f32 v1, v10  }
0x1b0: {  	vm4 =	vgt.f32 v11, v63;
	v38 =	vmax.f32 v63, v11;
	v11 =	vmin.f32 v63, v11  }
0x1b1: {  	v10 =	vmin.f32 v33, v44;
	v50 =	vnsel vm10, $0x24, v6;
	v6 =	vsel vm10, $0x24, v6  }
0x1b2: {  	v63 =	vmax.f32 v49, v58;
	v8 =	vsel vm13, v32, v8;
	v39 =	vsel vm4, v3, v37  }
0x1b3: {  	v3 =	vsel vm4, v37, v3;
	vm5 =	vgt.f32 v11, v24;
	v40 =	vmax.f32 v24, v11  }
0x1b4: {  	v11 =	vmin.f32 v24, v11;
	vm11 =	vgt.f32 v10, v36;
	v16 =	vmax.f32 v36, v10  }
0x1b5: {  	v10 =	vmin.f32 v36, v10;
	v41 =	vsel vm5, v2, v39;
	v2 =	vsel vm5, v39, v2  }
0x1b6: {  	vm6 =	vgt.f32 v11, v26;
	v42 =	vmax.f32 v26, v11;
	v11 =	vmin.f32 v26, v11  }
0x1b7: {  	v51 =	vsel vm11, v5, v50;
	v5 =	vsel vm11, v50, v5;
	vm12 =	vgt.f32 v10, v38  }
0x1b8: {  	v52 =	vmax.f32 v38, v10;
	v10 =	vmin.f32 v38, v10;
	v43 =	vsel vm6, v7, v41  }
0x1b9: {  	v7 =	vsel vm6, v41, v7;
	vm7 =	vgt.f32 v11, v29;
	v45 =	vmax.f32 v29, v11  }
0x1ba: {  	v11 =	vmin.f32 v29, v11;
	v53 =	vsel vm12, v3, v51;
	v3 =	vsel vm12, v51, v3  }
0x1bb: {  	vm13 =	vgt.f32 v10, v40;
	v54 =	vmax.f32 v40, v10;
	v10 =	vmin.f32 v40, v10  }
0x1bc: {  	vm6 =	vgt.f32 v58, v49;
	v46 =	vsel vm7, v4, v43;
	v4 =	vsel vm7, v43, v4  }
0x1bd: {  	vm8 =	vgt.f32 v11, v31;
	v47 =	vmax.f32 v31, v11;
	v11 =	vmin.f32 v31, v11  }
0x1be: {  	v55 =	vsel vm13, v2, v53;
	v2 =	vsel vm13, v53, v2;
	vm14 =	vgt.f32 v10, v42  }
0x1bf: {  	v56 =	vmax.f32 v42, v10;
	v10 =	vmin.f32 v42, v10;
	v23 =	vnsel vm6, $0x25, v6  }
0x1c0: {  	v6 =	vsel vm6, $0x25, v6;
	v48 =	vsel vm8, v9, v46;
	v9 =	vsel vm8, v46, v9  }
0x1c1: {  	vm9 =	vgt.f32 v11, v1;
	v1 =	vmax.f32 v1, v11;
	v57 =	vsel vm14, v7, v55  }
0x1c2: {  	v7 =	vsel vm14, v55, v7;
	vm15 =	vgt.f32 v10, v45;
	v59 =	vmax.f32 v45, v10  }
0x1c3: {  	v10 =	vmin.f32 v45, v10;
	v11 =	vmin.f32 v49, v58;
	v8 =	vsel vm9, v48, v8  }
0x1c4: {  	v60 =	vsel vm15, v4, v57;
	v4 =	vsel vm15, v57, v4;
	vm4 =	vgt.f32 v10, v47  }
0x1c5: {  	v61 =	vmin.f32 v47, v10;
	v10 =	vmax.f32 v47, v10;
	vm7 =	vgt.f32 v11, v16  }
0x1c6: {  	v18 =	vmax.f32 v16, v11;
	v11 =	vmin.f32 v16, v11;
	v62 =	vsel vm4, v9, v60  }
0x1c7: {  	vm5 =	vgt.f32 v61, v1;
	v9 =	vsel vm4, v60, v9;
	v1 =	vmax.f32 v1, v61  }
0x1c8: {  	v31 =	vld [tilespmem:s15+$0x4300];
	v24 =	vsel vm7, v5, v23;
	v5 =	vsel vm7, v23, v5;
	vm8 =	vgt.f32 v11, v52  }
0x1c9: {  	v25 =	vmax.f32 v52, v11;
	v11 =	vmin.f32 v52, v11;
	v8 =	vsel vm5, v62, v8  }
0x1ca: {  	v26 =	vsel vm8, v3, v24;
	v3 =	vsel vm8, v24, v3;
	vm9 =	vgt.f32 v11, v54  }
0x1cb: {  	v27 =	vmax.f32 v54, v11;
	v11 =	vmin.f32 v54, v11;
	v28 =	vsel vm9, v2, v26  }
0x1cc: {  	v2 =	vsel vm9, v26, v2;
	vm10 =	vgt.f32 v11, v56;
	v29 =	vmax.f32 v56, v11  }
0x1cd: {  	v11 =	vmin.f32 v56, v11;
	vm14 =	vgt.f32 v31, v63;
	v36 =	vmax.f32 v63, v31  }
0x1ce: {  	v37 =	vmin.f32 v63, v31;
	v30 =	vsel vm10, v7, v28;
	v7 =	vsel vm10, v28, v7  }
0x1cf: {  	v47 =	vld [tilespmem:s15+$0x4380];
	vm11 =	vgt.f32 v11, v59;
	v32 =	vmax.f32 v59, v11;
	v11 =	vmin.f32 v59, v11  }
0x1d0: {  	v38 =	vnsel vm14, $0x26, v6;
	v6 =	vsel vm14, $0x26, v6;
	vm15 =	vgt.f32 v37, v18  }
0x1d1: {  	v39 =	vmax.f32 v18, v37;
	v33 =	vsel vm11, v4, v30;
	v4 =	vsel vm11, v30, v4  }
0x1d2: {  	vm12 =	vgt.f32 v11, v10;
	v34 =	vmax.f32 v10, v11;
	v10 =	vmin.f32 v10, v11  }
0x1d3: {  	v61 =	vld [tilespmem:s15+$0x5000];
	v11 =	vmin.f32 v18, v37;
	v40 =	vsel vm15, v5, v38;
	v5 =	vsel vm15, v38, v5  }
0x1d4: {  	vm10 =	vgt.f32 v47, v36;
	v52 =	vmax.f32 v36, v47;
	v35 =	vsel vm12, v9, v33  }
0x1d5: {  	v9 =	vsel vm12, v33, v9;
	vm13 =	vgt.f32 v10, v1;
	v1 =	vmax.f32 v1, v10  }
0x1d6: {  	vm4 =	vgt.f32 v11, v25;
	v41 =	vmax.f32 v25, v11;
	v11 =	vmin.f32 v25, v11  }
0x1d7: {  	v10 =	vmin.f32 v36, v47;
	v53 =	vnsel vm10, $0x27, v6;
	v6 =	vsel vm10, $0x27, v6  }
0x1d8: {  	v26 =	vmax.f32 v52, v61;
	v8 =	vsel vm13, v35, v8;
	v42 =	vsel vm4, v3, v40  }
0x1d9: {  	v3 =	vsel vm4, v40, v3;
	vm5 =	vgt.f32 v11, v27;
	v43 =	vmax.f32 v27, v11  }
0x1da: {  	v11 =	vmin.f32 v27, v11;
	vm11 =	vgt.f32 v10, v39;
	v16 =	vmax.f32 v39, v10  }
0x1db: {  	v10 =	vmin.f32 v39, v10;
	v44 =	vsel vm5, v2, v42;
	v2 =	vsel vm5, v42, v2  }
0x1dc: {  	vm6 =	vgt.f32 v11, v29;
	v45 =	vmax.f32 v29, v11;
	v11 =	vmin.f32 v29, v11  }
0x1dd: {  	v54 =	vsel vm11, v5, v53;
	v5 =	vsel vm11, v53, v5;
	vm12 =	vgt.f32 v10, v41  }
0x1de: {  	v55 =	vmax.f32 v41, v10;
	v10 =	vmin.f32 v41, v10;
	v46 =	vsel vm6, v7, v44  }
0x1df: {  	v7 =	vsel vm6, v44, v7;
	vm7 =	vgt.f32 v11, v32;
	v48 =	vmax.f32 v32, v11  }
0x1e0: {  	v11 =	vmin.f32 v32, v11;
	v56 =	vsel vm12, v3, v54;
	v3 =	vsel vm12, v54, v3  }
0x1e1: {  	vm13 =	vgt.f32 v10, v43;
	v57 =	vmax.f32 v43, v10;
	v10 =	vmin.f32 v43, v10  }
0x1e2: {  	vm6 =	vgt.f32 v61, v52;
	v49 =	vsel vm7, v4, v46;
	v4 =	vsel vm7, v46, v4  }
0x1e3: {  	vm8 =	vgt.f32 v11, v34;
	v50 =	vmax.f32 v34, v11;
	v11 =	vmin.f32 v34, v11  }
0x1e4: {  	v58 =	vsel vm13, v2, v56;
	v2 =	vsel vm13, v56, v2;
	vm14 =	vgt.f32 v10, v45  }
0x1e5: {  	v59 =	vmax.f32 v45, v10;
	v10 =	vmin.f32 v45, v10;
	v27 =	vnsel vm6, $0x28, v6  }
0x1e6: {  	v6 =	vsel vm6, $0x28, v6;
	v51 =	vsel vm8, v9, v49;
	v9 =	vsel vm8, v49, v9  }
0x1e7: {  	v35 =	vld [tilespmem:s15+$0x5080];
	vm9 =	vgt.f32 v11, v1;
	v1 =	vmax.f32 v1, v11;
	v60 =	vsel vm14, v7, v58  }
0x1e8: {  	v7 =	vsel vm14, v58, v7;
	vm15 =	vgt.f32 v10, v48;
	v62 =	vmax.f32 v48, v10  }
0x1e9: {  	v10 =	vmin.f32 v48, v10;
	v11 =	vmin.f32 v52, v61;
	v8 =	vsel vm9, v51, v8  }
0x1ea: {  	v63 =	vsel vm15, v4, v60;
	v4 =	vsel vm15, v60, v4;
	vm4 =	vgt.f32 v10, v50  }
0x1eb: {  	v24 =	vmin.f32 v50, v10;
	v10 =	vmax.f32 v50, v10;
	vm7 =	vgt.f32 v11, v16  }
0x1ec: {  	v18 =	vmax.f32 v16, v11;
	v11 =	vmin.f32 v16, v11;
	vm14 =	vgt.f32 v35, v26  }
0x1ed: {  	v40 =	vmax.f32 v26, v35;
	v41 =	vmin.f32 v26, v35;
	v25 =	vsel vm4, v9, v63  }
0x1ee: {  	vm5 =	vgt.f32 v24, v1;
	v9 =	vsel vm4, v63, v9;
	v1 =	vmax.f32 v1, v24  }
0x1ef: {  	v28 =	vsel vm7, v5, v27;
	v5 =	vsel vm7, v27, v5;
	vm8 =	vgt.f32 v11, v55  }
0x1f0: {  	v29 =	vmax.f32 v55, v11;
	v11 =	vmin.f32 v55, v11;
	v42 =	vnsel vm14, $0x29, v6  }
0x1f1: {  	v6 =	vsel vm14, $0x29, v6;
	vm15 =	vgt.f32 v41, v18;
	v43 =	vmax.f32 v18, v41  }
0x1f2: {  	v8 =	vsel vm5, v25, v8;
	v30 =	vsel vm8, v3, v28;
	v3 =	vsel vm8, v28, v3  }
0x1f3: {  	vm9 =	vgt.f32 v11, v57;
	v31 =	vmax.f32 v57, v11;
	v11 =	vmin.f32 v57, v11  }
0x1f4: {  	v44 =	vsel vm15, v5, v42;
	v5 =	vsel vm15, v42, v5;
	v32 =	vsel vm9, v2, v30  }
0x1f5: {  	v51 =	vld [tilespmem:s15+$0x5100];
	v2 =	vsel vm9, v30, v2;
	vm10 =	vgt.f32 v11, v59;
	v33 =	vmax.f32 v59, v11  }
0x1f6: {  	v11 =	vmin.f32 v59, v11;
	v34 =	vsel vm10, v7, v32;
	v7 =	vsel vm10, v32, v7  }
0x1f7: {  	vm11 =	vgt.f32 v11, v62;
	v36 =	vmax.f32 v62, v11;
	v11 =	vmin.f32 v62, v11  }
0x1f8: {  	v37 =	vsel vm11, v4, v34;
	v4 =	vsel vm11, v34, v4;
	vm12 =	vgt.f32 v11, v10  }
0x1f9: {  	v38 =	vmax.f32 v10, v11;
	v10 =	vmin.f32 v10, v11;
	v11 =	vmin.f32 v18, v41  }
0x1fa: {  	vm10 =	vgt.f32 v51, v40;
	v56 =	vmax.f32 v40, v51;
	v39 =	vsel vm12, v9, v37  }
0x1fb: {  	v9 =	vsel vm12, v37, v9;
	vm13 =	vgt.f32 v10, v1;
	v1 =	vmax.f32 v1, v10  }
0x1fc: {  	v25 =	vld [tilespmem:s15+$0x5180];
	vm4 =	vgt.f32 v11, v29;
	v45 =	vmax.f32 v29, v11;
	v11 =	vmin.f32 v29, v11  }
0x1fd: {  	v10 =	vmin.f32 v40, v51;
	v57 =	vnsel vm10, $0x2A, v6;
	v6 =	vsel vm10, $0x2A, v6  }
0x1fe: {  	v8 =	vsel vm13, v39, v8;
	v46 =	vsel vm4, v3, v44;
	v3 =	vsel vm4, v44, v3  }
0x1ff: {  	vm5 =	vgt.f32 v11, v31;
	v47 =	vmax.f32 v31, v11;
	v11 =	vmin.f32 v31, v11  }
0x200: {  	vm11 =	vgt.f32 v10, v43;
	v16 =	vmax.f32 v43, v10;
	v10 =	vmin.f32 v43, v10  }
0x201: {  	v30 =	vmax.f32 v56, v25;
	v48 =	vsel vm5, v2, v46;
	v2 =	vsel vm5, v46, v2  }
0x202: {  	vm6 =	vgt.f32 v11, v33;
	v49 =	vmax.f32 v33, v11;
	v11 =	vmin.f32 v33, v11  }
0x203: {  	v58 =	vsel vm11, v5, v57;
	v5 =	vsel vm11, v57, v5;
	vm12 =	vgt.f32 v10, v45  }
0x204: {  	v59 =	vmax.f32 v45, v10;
	v10 =	vmin.f32 v45, v10;
	v50 =	vsel vm6, v7, v48  }
0x205: {  	v7 =	vsel vm6, v48, v7;
	vm7 =	vgt.f32 v11, v36;
	v52 =	vmax.f32 v36, v11  }
0x206: {  	v11 =	vmin.f32 v36, v11;
	v60 =	vsel vm12, v3, v58;
	v3 =	vsel vm12, v58, v3  }
0x207: {  	vm13 =	vgt.f32 v10, v47;
	v61 =	vmax.f32 v47, v10;
	v10 =	vmin.f32 v47, v10  }
0x208: {  	vm6 =	vgt.f32 v25, v56;
	v53 =	vsel vm7, v4, v50;
	v4 =	vsel vm7, v50, v4  }
0x209: {  	vm8 =	vgt.f32 v11, v38;
	v54 =	vmax.f32 v38, v11;
	v11 =	vmin.f32 v38, v11  }
0x20a: {  	v62 =	vsel vm13, v2, v60;
	v2 =	vsel vm13, v60, v2;
	vm14 =	vgt.f32 v10, v49  }
0x20b: {  	v63 =	vmax.f32 v49, v10;
	v10 =	vmin.f32 v49, v10;
	v31 =	vnsel vm6, $0x2B, v6  }
0x20c: {  	v6 =	vsel vm6, $0x2B, v6;
	v55 =	vsel vm8, v9, v53;
	v9 =	vsel vm8, v53, v9  }
0x20d: {  	v39 =	vld [tilespmem:s15+$0x5200];
	vm9 =	vgt.f32 v11, v1;
	v1 =	vmax.f32 v1, v11;
	v24 =	vsel vm14, v7, v62  }
0x20e: {  	v7 =	vsel vm14, v62, v7;
	vm15 =	vgt.f32 v10, v52;
	v26 =	vmax.f32 v52, v10  }
0x20f: {  	v10 =	vmin.f32 v52, v10;
	v11 =	vmin.f32 v56, v25;
	v8 =	vsel vm9, v55, v8  }
0x210: {  	v27 =	vsel vm15, v4, v24;
	v4 =	vsel vm15, v24, v4;
	vm4 =	vgt.f32 v10, v54  }
0x211: {  	v28 =	vmin.f32 v54, v10;
	v10 =	vmax.f32 v54, v10;
	vm7 =	vgt.f32 v11, v16  }
0x212: {  	v18 =	vmax.f32 v16, v11;
	v11 =	vmin.f32 v16, v11;
	vm14 =	vgt.f32 v39, v30  }
0x213: {  	v44 =	vmax.f32 v30, v39;
	v45 =	vmin.f32 v30, v39;
	v29 =	vsel vm4, v9, v27  }
0x214: {  	vm5 =	vgt.f32 v28, v1;
	v9 =	vsel vm4, v27, v9;
	v1 =	vmax.f32 v1, v28  }
0x215: {  	v32 =	vsel vm7, v5, v31;
	v5 =	vsel vm7, v31, v5;
	vm8 =	vgt.f32 v11, v59  }
0x216: {  	v33 =	vmax.f32 v59, v11;
	v11 =	vmin.f32 v59, v11;
	v46 =	vnsel vm14, $0x2C, v6  }
0x217: {  	v6 =	vsel vm14, $0x2C, v6;
	vm15 =	vgt.f32 v45, v18;
	v47 =	vmax.f32 v18, v45  }
0x218: {  	v8 =	vsel vm5, v29, v8;
	v34 =	vsel vm8, v3, v32;
	v3 =	vsel vm8, v32, v3  }
0x219: {  	vm9 =	vgt.f32 v11, v61;
	v35 =	vmax.f32 v61, v11;
	v11 =	vmin.f32 v61, v11  }
0x21a: {  	v48 =	vsel vm15, v5, v46;
	v5 =	vsel vm15, v46, v5;
	v36 =	vsel vm9, v2, v34  }
0x21b: {  	v55 =	vld [tilespmem:s15+$0x5280];
	v2 =	vsel vm9, v34, v2;
	vm10 =	vgt.f32 v11, v63;
	v37 =	vmax.f32 v63, v11  }
0x21c: {  	v11 =	vmin.f32 v63, v11;
	v38 =	vsel vm10, v7, v36;
	v7 =	vsel vm10, v36, v7  }
0x21d: {  	vm11 =	vgt.f32 v11, v26;
	v40 =	vmax.f32 v26, v11;
	v11 =	vmin.f32 v26, v11  }
0x21e: {  	v41 =	vsel vm11, v4, v38;
	v4 =	vsel vm11, v38, v4;
	vm12 =	vgt.f32 v11, v10  }
0x21f: {  	v28 =	vld [tilespmem:s15+$0x5300];
	v42 =	vmax.f32 v10, v11;
	v10 =	vmin.f32 v10, v11;
	v11 =	vmin.f32 v18, v45  }
0x220: {  	vm10 =	vgt.f32 v55, v44;
	v60 =	vmax.f32 v44, v55;
	v43 =	vsel vm12, v9, v41  }
0x221: {  	v9 =	vsel vm12, v41, v9;
	vm13 =	vgt.f32 v10, v1;
	v1 =	vmax.f32 v1, v10  }
0x222: {  	vm4 =	vgt.f32 v11, v33;
	v49 =	vmax.f32 v33, v11;
	v11 =	vmin.f32 v33, v11  }
0x223: {  	v10 =	vmin.f32 v44, v55;
	v61 =	vnsel vm10, $0x2D, v6;
	v6 =	vsel vm10, $0x2D, v6  }
0x224: {  	v33 =	vmax.f32 v60, v28;
	v8 =	vsel vm13, v43, v8;
	v50 =	vsel vm4, v3, v48  }
0x225: {  	v3 =	vsel vm4, v48, v3;
	vm5 =	vgt.f32 v11, v35;
	v51 =	vmax.f32 v35, v11  }
0x226: {  	v11 =	vmin.f32 v35, v11;
	vm11 =	vgt.f32 v10, v47;
	v16 =	vmax.f32 v47, v10  }
0x227: {  	v10 =	vmin.f32 v47, v10;
	v52 =	vsel vm5, v2, v50;
	v2 =	vsel vm5, v50, v2  }
0x228: {  	vm6 =	vgt.f32 v11, v37;
	v53 =	vmax.f32 v37, v11;
	v11 =	vmin.f32 v37, v11  }
0x229: {  	v62 =	vsel vm11, v5, v61;
	v5 =	vsel vm11, v61, v5;
	vm12 =	vgt.f32 v10, v49  }
0x22a: {  	v63 =	vmax.f32 v49, v10;
	v10 =	vmin.f32 v49, v10;
	v54 =	vsel vm6, v7, v52  }
0x22b: {  	v7 =	vsel vm6, v52, v7;
	vm7 =	vgt.f32 v11, v40;
	v56 =	vmax.f32 v40, v11  }
0x22c: {  	v11 =	vmin.f32 v40, v11;
	v23 =	vsel vm12, v3, v62;
	v3 =	vsel vm12, v62, v3  }
0x22d: {  	vm13 =	vgt.f32 v10, v51;
	v24 =	vmax.f32 v51, v10;
	v10 =	vmin.f32 v51, v10  }
0x22e: {  	vm6 =	vgt.f32 v28, v60;
	v57 =	vsel vm7, v4, v54;
	v4 =	vsel vm7, v54, v4  }
0x22f: {  	vm8 =	vgt.f32 v11, v42;
	v58 =	vmax.f32 v42, v11;
	v11 =	vmin.f32 v42, v11  }
0x230: {  	v25 =	vsel vm13, v2, v23;
	v2 =	vsel vm13, v23, v2;
	vm14 =	vgt.f32 v10, v53  }
0x231: {  	v26 =	vmax.f32 v53, v10;
	v10 =	vmin.f32 v53, v10;
	v34 =	vnsel vm6, $0x2E, v6  }
0x232: {  	v6 =	vsel vm6, $0x2E, v6;
	v59 =	vsel vm8, v9, v57;
	v9 =	vsel vm8, v57, v9  }
0x233: {  	vm9 =	vgt.f32 v11, v1;
	v1 =	vmax.f32 v1, v11;
	v27 =	vsel vm14, v7, v25  }
0x234: {  	v7 =	vsel vm14, v25, v7;
	vm15 =	vgt.f32 v10, v56;
	v29 =	vmax.f32 v56, v10  }
0x235: {  	v10 =	vmin.f32 v56, v10;
	v11 =	vmin.f32 v60, v28;
	v8 =	vsel vm9, v59, v8  }
0x236: {  	v30 =	vsel vm15, v4, v27;
	v4 =	vsel vm15, v27, v4;
	vm4 =	vgt.f32 v10, v58  }
0x237: {  	v31 =	vmin.f32 v58, v10;
	v10 =	vmax.f32 v58, v10;
	vm7 =	vgt.f32 v11, v16  }
0x238: {  	v18 =	vmax.f32 v16, v11;
	v11 =	vmin.f32 v16, v11;
	v32 =	vsel vm4, v9, v30  }
0x239: {  	vm5 =	vgt.f32 v31, v1;
	v9 =	vsel vm4, v30, v9;
	v1 =	vmax.f32 v1, v31  }
0x23a: {  	v42 =	vld [tilespmem:s15+$0x5380];
	v35 =	vsel vm7, v5, v34;
	v5 =	vsel vm7, v34, v5;
	vm8 =	vgt.f32 v11, v63  }
0x23b: {  	v36 =	vmax.f32 v63, v11;
	v11 =	vmin.f32 v63, v11;
	v8 =	vsel vm5, v32, v8  }
0x23c: {  	v37 =	vsel vm8, v3, v35;
	v3 =	vsel vm8, v35, v3;
	vm9 =	vgt.f32 v11, v24  }
0x23d: {  	v38 =	vmax.f32 v24, v11;
	v11 =	vmin.f32 v24, v11;
	v39 =	vsel vm9, v2, v37  }
0x23e: {  	v2 =	vsel vm9, v37, v2;
	vm10 =	vgt.f32 v11, v26;
	v40 =	vmax.f32 v26, v11  }
0x23f: {  	v11 =	vmin.f32 v26, v11;
	vm14 =	vgt.f32 v42, v33;
	v47 =	vmax.f32 v33, v42  }
0x240: {  	v48 =	vmin.f32 v33, v42;
	v41 =	vsel vm10, v7, v39;
	v7 =	vsel vm10, v39, v7  }
0x241: {  	v58 =	vld [tilespmem:s15+$0x6000];
	vm11 =	vgt.f32 v11, v29;
	v43 =	vmax.f32 v29, v11;
	v11 =	vmin.f32 v29, v11  }
0x242: {  	v49 =	vnsel vm14, $0x2F, v6;
	v6 =	vsel vm14, $0x2F, v6;
	vm15 =	vgt.f32 v48, v18  }
0x243: {  	v50 =	vmax.f32 v18, v48;
	v44 =	vsel vm11, v4, v41;
	v4 =	vsel vm11, v41, v4  }
0x244: {  	vm12 =	vgt.f32 v11, v10;
	v45 =	vmax.f32 v10, v11;
	v10 =	vmin.f32 v10, v11  }
0x245: {  	v11 =	vmin.f32 v18, v48;
	v51 =	vsel vm15, v5, v49;
	v5 =	vsel vm15, v49, v5  }
0x246: {  	vm10 =	vgt.f32 v58, v47;
	v63 =	vmax.f32 v47, v58;
	v46 =	vsel vm12, v9, v44  }
0x247: {  	v9 =	vsel vm12, v44, v9;
	vm13 =	vgt.f32 v10, v1;
	v1 =	vmax.f32 v1, v10  }
0x248: {  	v32 =	vld [tilespmem:s15+$0x6080];
	vm4 =	vgt.f32 v11, v36;
	v52 =	vmax.f32 v36, v11;
	v11 =	vmin.f32 v36, v11  }
0x249: {  	v10 =	vmin.f32 v47, v58;
	v24 =	vnsel vm10, $0x30, v6;
	v6 =	vsel vm10, $0x30, v6  }
0x24a: {  	v8 =	vsel vm13, v46, v8;
	v53 =	vsel vm4, v3, v51;
	v3 =	vsel vm4, v51, v3  }
0x24b: {  	vm5 =	vgt.f32 v11, v38;
	v54 =	vmax.f32 v38, v11;
	v11 =	vmin.f32 v38, v11  }
0x24c: {  	vm11 =	vgt.f32 v10, v50;
	v16 =	vmax.f32 v50, v10;
	v10 =	vmin.f32 v50, v10  }
0x24d: {  	v37 =	vmax.f32 v63, v32;
	v55 =	vsel vm5, v2, v53;
	v2 =	vsel vm5, v53, v2  }
0x24e: {  	vm6 =	vgt.f32 v11, v40;
	v56 =	vmax.f32 v40, v11;
	v11 =	vmin.f32 v40, v11  }
0x24f: {  	v25 =	vsel vm11, v5, v24;
	v5 =	vsel vm11, v24, v5;
	vm12 =	vgt.f32 v10, v52  }
0x250: {  	v26 =	vmax.f32 v52, v10;
	v10 =	vmin.f32 v52, v10;
	v57 =	vsel vm6, v7, v55  }
0x251: {  	v7 =	vsel vm6, v55, v7;
	vm7 =	vgt.f32 v11, v43;
	v59 =	vmax.f32 v43, v11  }
0x252: {  	v11 =	vmin.f32 v43, v11;
	v27 =	vsel vm12, v3, v25;
	v3 =	vsel vm12, v25, v3  }
0x253: {  	vm13 =	vgt.f32 v10, v54;
	v28 =	vmax.f32 v54, v10;
	v10 =	vmin.f32 v54, v10  }
0x254: {  	vm6 =	vgt.f32 v32, v63;
	v60 =	vsel vm7, v4, v57;
	v4 =	vsel vm7, v57, v4  }
0x255: {  	vm8 =	vgt.f32 v11, v45;
	v61 =	vmax.f32 v45, v11;
	v11 =	vmin.f32 v45, v11  }
0x256: {  	v29 =	vsel vm13, v2, v27;
	v2 =	vsel vm13, v27, v2;
	vm14 =	vgt.f32 v10, v56  }
0x257: {  	v30 =	vmax.f32 v56, v10;
	v10 =	vmin.f32 v56, v10;
	v38 =	vnsel vm6, $0x31, v6  }
0x258: {  	v6 =	vsel vm6, $0x31, v6;
	v62 =	vsel vm8, v9, v60;
	v9 =	vsel vm8, v60, v9  }
0x259: {  	v46 =	vld [tilespmem:s15+$0x6100];
	vm9 =	vgt.f32 v11, v1;
	v1 =	vmax.f32 v1, v11;
	v31 =	vsel vm14, v7, v29  }
0x25a: {  	v7 =	vsel vm14, v29, v7;
	vm15 =	vgt.f32 v10, v59;
	v33 =	vmax.f32 v59, v10  }
0x25b: {  	v10 =	vmin.f32 v59, v10;
	v11 =	vmin.f32 v63, v32;
	v8 =	vsel vm9, v62, v8  }
0x25c: {  	v34 =	vsel vm15, v4, v31;
	v4 =	vsel vm15, v31, v4;
	vm4 =	vgt.f32 v10, v61  }
0x25d: {  	v35 =	vmin.f32 v61, v10;
	v10 =	vmax.f32 v61, v10;
	vm7 =	vgt.f32 v11, v16  }
0x25e: {  	v18 =	vmax.f32 v16, v11;
	v11 =	vmin.f32 v16, v11;
	vm14 =	vgt.f32 v46, v37  }
0x25f: {  	v51 =	vmax.f32 v37, v46;
	v52 =	vmin.f32 v37, v46;
	v36 =	vsel vm4, v9, v34  }
0x260: {  	vm5 =	vgt.f32 v35, v1;
	v9 =	vsel vm4, v34, v9;
	v1 =	vmax.f32 v1, v35  }
0x261: {  	v39 =	vsel vm7, v5, v38;
	v5 =	vsel vm7, v38, v5;
	vm8 =	vgt.f32 v11, v26  }
0x262: {  	v40 =	vmax.f32 v26, v11;
	v11 =	vmin.f32 v26, v11;
	v53 =	vnsel vm14, $0x32, v6  }
0x263: {  	v6 =	vsel vm14, $0x32, v6;
	vm15 =	vgt.f32 v52, v18;
	v54 =	vmax.f32 v18, v52  }
0x264: {  	v8 =	vsel vm5, v36, v8;
	v41 =	vsel vm8, v3, v39;
	v3 =	vsel vm8, v39, v3  }
0x265: {  	vm9 =	vgt.f32 v11, v28;
	v42 =	vmax.f32 v28, v11;
	v11 =	vmin.f32 v28, v11  }
0x266: {  	v55 =	vsel vm15, v5, v53;
	v5 =	vsel vm15, v53, v5;
	v43 =	vsel vm9, v2, v41  }
0x267: {  	v62 =	vld [tilespmem:s15+$0x6180];
	v2 =	vsel vm9, v41, v2;
	vm10 =	vgt.f32 v11, v30;
	v44 =	vmax.f32 v30, v11  }
0x268: {  	v11 =	vmin.f32 v30, v11;
	v45 =	vsel vm10, v7, v43;
	v7 =	vsel vm10, v43, v7  }
0x269: {  	vm11 =	vgt.f32 v11, v33;
	v47 =	vmax.f32 v33, v11;
	v11 =	vmin.f32 v33, v11  }
0x26a: {  	v48 =	vsel vm11, v4, v45;
	v4 =	vsel vm11, v45, v4;
	vm12 =	vgt.f32 v11, v10  }
0x26b: {  	v35 =	vld [tilespmem:s15+$0x6200];
	v49 =	vmax.f32 v10, v11;
	v10 =	vmin.f32 v10, v11;
	v11 =	vmin.f32 v18, v52  }
0x26c: {  	vm10 =	vgt.f32 v62, v51;
	v26 =	vmax.f32 v51, v62;
	v50 =	vsel vm12, v9, v48  }
0x26d: {  	v9 =	vsel vm12, v48, v9;
	vm13 =	vgt.f32 v10, v1;
	v1 =	vmax.f32 v1, v10  }
0x26e: {  	vm4 =	vgt.f32 v11, v40;
	v56 =	vmax.f32 v40, v11;
	v11 =	vmin.f32 v40, v11  }
0x26f: {  	v10 =	vmin.f32 v51, v62;
	v27 =	vnsel vm10, $0x33, v6;
	v6 =	vsel vm10, $0x33, v6  }
0x270: {  	v40 =	vmax.f32 v26, v35;
	v8 =	vsel vm13, v50, v8;
	v57 =	vsel vm4, v3, v55  }
0x271: {  	v3 =	vsel vm4, v55, v3;
	vm5 =	vgt.f32 v11, v42;
	v58 =	vmax.f32 v42, v11  }
0x272: {  	v11 =	vmin.f32 v42, v11;
	vm11 =	vgt.f32 v10, v54;
	v16 =	vmax.f32 v54, v10  }
0x273: {  	v10 =	vmin.f32 v54, v10;
	v59 =	vsel vm5, v2, v57;
	v2 =	vsel vm5, v57, v2  }
0x274: {  	vm6 =	vgt.f32 v11, v44;
	v60 =	vmax.f32 v44, v11;
	v11 =	vmin.f32 v44, v11  }
0x275: {  	v28 =	vsel vm11, v5, v27;
	v5 =	vsel vm11, v27, v5;
	vm12 =	vgt.f32 v10, v56  }
0x276: {  	v29 =	vmax.f32 v56, v10;
	v10 =	vmin.f32 v56, v10;
	v61 =	vsel vm6, v7, v59  }
0x277: {  	v7 =	vsel vm6, v59, v7;
	vm7 =	vgt.f32 v11, v47;
	v63 =	vmax.f32 v47, v11  }
0x278: {  	v11 =	vmin.f32 v47, v11;
	v30 =	vsel vm12, v3, v28;
	v3 =	vsel vm12, v28, v3  }
0x279: {  	vm13 =	vgt.f32 v10, v58;
	v31 =	vmax.f32 v58, v10;
	v10 =	vmin.f32 v58, v10  }
0x27a: {  	vm6 =	vgt.f32 v35, v26;
	v23 =	vsel vm7, v4, v61;
	v4 =	vsel vm7, v61, v4  }
0x27b: {  	vm8 =	vgt.f32 v11, v49;
	v24 =	vmax.f32 v49, v11;
	v11 =	vmin.f32 v49, v11  }
0x27c: {  	v32 =	vsel vm13, v2, v30;
	v2 =	vsel vm13, v30, v2;
	vm14 =	vgt.f32 v10, v60  }
0x27d: {  	v33 =	vmax.f32 v60, v10;
	v10 =	vmin.f32 v60, v10;
	v41 =	vnsel vm6, $0x34, v6  }
0x27e: {  	v6 =	vsel vm6, $0x34, v6;
	v25 =	vsel vm8, v9, v23;
	v9 =	vsel vm8, v23, v9  }
0x27f: {  	vm9 =	vgt.f32 v11, v1;
	v1 =	vmax.f32 v1, v11;
	v34 =	vsel vm14, v7, v32  }
0x280: {  	v7 =	vsel vm14, v32, v7;
	vm15 =	vgt.f32 v10, v63;
	v36 =	vmax.f32 v63, v10  }
0x281: {  	v10 =	vmin.f32 v63, v10;
	v11 =	vmin.f32 v26, v35;
	v8 =	vsel vm9, v25, v8  }
0x282: {  	v37 =	vsel vm15, v4, v34;
	v4 =	vsel vm15, v34, v4;
	vm4 =	vgt.f32 v10, v24  }
0x283: {  	v38 =	vmin.f32 v24, v10;
	v10 =	vmax.f32 v24, v10;
	vm7 =	vgt.f32 v11, v16  }
0x284: {  	v18 =	vmax.f32 v16, v11;
	v11 =	vmin.f32 v16, v11;
	v39 =	vsel vm4, v9, v37  }
0x285: {  	vm5 =	vgt.f32 v38, v1;
	v9 =	vsel vm4, v37, v9;
	v1 =	vmax.f32 v1, v38  }
0x286: {  	v49 =	vld [tilespmem:s15+$0x6280];
	v42 =	vsel vm7, v5, v41;
	v5 =	vsel vm7, v41, v5;
	vm8 =	vgt.f32 v11, v29  }
0x287: {  	v43 =	vmax.f32 v29, v11;
	v11 =	vmin.f32 v29, v11;
	v8 =	vsel vm5, v39, v8  }
0x288: {  	v44 =	vsel vm8, v3, v42;
	v3 =	vsel vm8, v42, v3;
	vm9 =	vgt.f32 v11, v31  }
0x289: {  	v45 =	vmax.f32 v31, v11;
	v11 =	vmin.f32 v31, v11;
	v46 =	vsel vm9, v2, v44  }
0x28a: {  	v2 =	vsel vm9, v44, v2;
	vm10 =	vgt.f32 v11, v33;
	v47 =	vmax.f32 v33, v11  }
0x28b: {  	v11 =	vmin.f32 v33, v11;
	vm14 =	vgt.f32 v49, v40;
	v54 =	vmax.f32 v40, v49  }
0x28c: {  	v55 =	vmin.f32 v40, v49;
	v48 =	vsel vm10, v7, v46;
	v7 =	vsel vm10, v46, v7  }
0x28d: {  	v25 =	vld [tilespmem:s15+$0x6300];
	vm11 =	vgt.f32 v11, v36;
	v50 =	vmax.f32 v36, v11;
	v11 =	vmin.f32 v36, v11  }
0x28e: {  	v56 =	vnsel vm14, $0x35, v6;
	v6 =	vsel vm14, $0x35, v6;
	vm15 =	vgt.f32 v55, v18  }
0x28f: {  	v57 =	vmax.f32 v18, v55;
	v51 =	vsel vm11, v4, v48;
	v4 =	vsel vm11, v48, v4  }
0x290: {  	vm12 =	vgt.f32 v11, v10;
	v52 =	vmax.f32 v10, v11;
	v10 =	vmin.f32 v10, v11  }
0x291: {  	v11 =	vmin.f32 v18, v55;
	v58 =	vsel vm15, v5, v56;
	v5 =	vsel vm15, v56, v5  }
0x292: {  	vm10 =	vgt.f32 v25, v54;
	v30 =	vmax.f32 v54, v25;
	v53 =	vsel vm12, v9, v51  }
0x293: {  	v9 =	vsel vm12, v51, v9;
	vm13 =	vgt.f32 v10, v1;
	v1 =	vmax.f32 v1, v10  }
0x294: {  	v39 =	vld [tilespmem:s15+$0x6380];
	vm4 =	vgt.f32 v11, v43;
	v59 =	vmax.f32 v43, v11;
	v11 =	vmin.f32 v43, v11  }
0x295: {  	v10 =	vmin.f32 v54, v25;
	v31 =	vnsel vm10, $0x36, v6;
	v6 =	vsel vm10, $0x36, v6  }
0x296: {  	v8 =	vsel vm13, v53, v8;
	v60 =	vsel vm4, v3, v58;
	v3 =	vsel vm4, v58, v3  }
0x297: {  	vm5 =	vgt.f32 v11, v45;
	v61 =	vmax.f32 v45, v11;
	v11 =	vmin.f32 v45, v11  }
0x298: {  	vm11 =	vgt.f32 v10, v57;
	v16 =	vmax.f32 v57, v10;
	v10 =	vmin.f32 v57, v10  }
0x299: {  	v44 =	vmax.f32 v30, v39;
	v62 =	vsel vm5, v2, v60;
	v2 =	vsel vm5, v60, v2  }
0x29a: {  	vm6 =	vgt.f32 v11, v47;
	v63 =	vmax.f32 v47, v11;
	v11 =	vmin.f32 v47, v11  }
0x29b: {  	v32 =	vsel vm11, v5, v31;
	v5 =	vsel vm11, v31, v5;
	vm12 =	vgt.f32 v10, v59  }
0x29c: {  	v33 =	vmax.f32 v59, v10;
	v10 =	vmin.f32 v59, v10;
	v24 =	vsel vm6, v7, v62  }
0x29d: {  	v7 =	vsel vm6, v62, v7;
	vm7 =	vgt.f32 v11, v50;
	v26 =	vmax.f32 v50, v11  }
0x29e: {  	v11 =	vmin.f32 v50, v11;
	v34 =	vsel vm12, v3, v32;
	v3 =	vsel vm12, v32, v3  }
0x29f: {  	vm13 =	vgt.f32 v10, v61;
	v35 =	vmax.f32 v61, v10;
	v10 =	vmin.f32 v61, v10  }
0x2a0: {  	vm6 =	vgt.f32 v39, v30;
	v27 =	vsel vm7, v4, v24;
	v4 =	vsel vm7, v24, v4  }
0x2a1: {  	vm8 =	vgt.f32 v11, v52;
	v28 =	vmax.f32 v52, v11;
	v11 =	vmin.f32 v52, v11  }
0x2a2: {  	v36 =	vsel vm13, v2, v34;
	v2 =	vsel vm13, v34, v2;
	vm14 =	vgt.f32 v10, v63  }
0x2a3: {  	v37 =	vmax.f32 v63, v10;
	v10 =	vmin.f32 v63, v10;
	v45 =	vnsel vm6, $0x37, v6  }
0x2a4: {  	v6 =	vsel vm6, $0x37, v6;
	v29 =	vsel vm8, v9, v27;
	v9 =	vsel vm8, v27, v9  }
0x2a5: {  	v53 =	vld [tilespmem:s15+$0x7000];
	vm9 =	vgt.f32 v11, v1;
	v1 =	vmax.f32 v1, v11;
	v38 =	vsel vm14, v7, v36  }
0x2a6: {  	v7 =	vsel vm14, v36, v7;
	vm15 =	vgt.f32 v10, v26;
	v40 =	vmax.f32 v26, v10  }
0x2a7: {  	v10 =	vmin.f32 v26, v10;
	v11 =	vmin.f32 v30, v39;
	v8 =	vsel vm9, v29, v8  }
0x2a8: {  	v41 =	vsel vm15, v4, v38;
	v4 =	vsel vm15, v38, v4;
	vm4 =	vgt.f32 v10, v28  }
0x2a9: {  	v42 =	vmin.f32 v28, v10;
	v10 =	vmax.f32 v28, v10;
	vm7 =	vgt.f32 v11, v16  }
0x2aa: {  	v18 =	vmax.f32 v16, v11;
	v11 =	vmin.f32 v16, v11;
	vm14 =	vgt.f32 v53, v44  }
0x2ab: {  	v58 =	vmax.f32 v44, v53;
	v59 =	vmin.f32 v44, v53;
	v43 =	vsel vm4, v9, v41  }
0x2ac: {  	vm5 =	vgt.f32 v42, v1;
	v9 =	vsel vm4, v41, v9;
	v1 =	vmax.f32 v1, v42  }
0x2ad: {  	v46 =	vsel vm7, v5, v45;
	v5 =	vsel vm7, v45, v5;
	vm8 =	vgt.f32 v11, v33  }
0x2ae: {  	v47 =	vmax.f32 v33, v11;
	v11 =	vmin.f32 v33, v11;
	v60 =	vnsel vm14, $0x38, v6  }
0x2af: {  	v6 =	vsel vm14, $0x38, v6;
	vm15 =	vgt.f32 v59, v18;
	v61 =	vmax.f32 v18, v59  }
0x2b0: {  	v8 =	vsel vm5, v43, v8;
	v48 =	vsel vm8, v3, v46;
	v3 =	vsel vm8, v46, v3  }
0x2b1: {  	vm9 =	vgt.f32 v11, v35;
	v49 =	vmax.f32 v35, v11;
	v11 =	vmin.f32 v35, v11  }
0x2b2: {  	v62 =	vsel vm15, v5, v60;
	v5 =	vsel vm15, v60, v5;
	v50 =	vsel vm9, v2, v48  }
0x2b3: {  	v28 =	vld [tilespmem:s15+$0x7080];
	v2 =	vsel vm9, v48, v2;
	vm10 =	vgt.f32 v11, v37;
	v51 =	vmax.f32 v37, v11  }
0x2b4: {  	v11 =	vmin.f32 v37, v11;
	v52 =	vsel vm10, v7, v50;
	v7 =	vsel vm10, v50, v7  }
0x2b5: {  	vm11 =	vgt.f32 v11, v40;
	v54 =	vmax.f32 v40, v11;
	v11 =	vmin.f32 v40, v11  }
0x2b6: {  	v55 =	vsel vm11, v4, v52;
	v4 =	vsel vm11, v52, v4;
	vm12 =	vgt.f32 v11, v10  }
0x2b7: {  	v56 =	vmax.f32 v10, v11;
	v10 =	vmin.f32 v10, v11;
	v11 =	vmin.f32 v18, v59  }
0x2b8: {  	vm10 =	vgt.f32 v28, v58;
	v33 =	vmax.f32 v58, v28;
	v57 =	vsel vm12, v9, v55  }
0x2b9: {  	v9 =	vsel vm12, v55, v9;
	vm13 =	vgt.f32 v10, v1;
	v1 =	vmax.f32 v1, v10  }
0x2ba: {  	v43 =	vld [tilespmem:s15+$0x7100];
	vm4 =	vgt.f32 v11, v47;
	v63 =	vmax.f32 v47, v11;
	v11 =	vmin.f32 v47, v11  }
0x2bb: {  	v10 =	vmin.f32 v58, v28;
	v34 =	vnsel vm10, $0x39, v6;
	v0 =	vsel vm10, $0x39, v6  }
0x2bc: {  	v8 =	vsel vm13, v57, v8;
	v23 =	vsel vm4, v3, v62;
	v3 =	vsel vm4, v62, v3  }
0x2bd: {  	vm5 =	vgt.f32 v11, v49;
	v24 =	vmax.f32 v49, v11;
	v11 =	vmin.f32 v49, v11  }
0x2be: {  	vm11 =	vgt.f32 v10, v61;
	v35 =	vmax.f32 v61, v10;
	v10 =	vmin.f32 v61, v10  }
0x2bf: {  	vm0 =	vgt.f32 v43, v33;
	v47 =	vmax.f32 v33, v43;
	v25 =	vsel vm5, v2, v23  }
0x2c0: {  	v2 =	vsel vm5, v23, v2;
	vm6 =	vgt.f32 v11, v51;
	v26 =	vmax.f32 v51, v11  }
0x2c1: {  	v11 =	vmin.f32 v51, v11;
	v36 =	vsel vm11, v5, v34;
	v5 =	vsel vm11, v34, v5  }
0x2c2: {  	vm12 =	vgt.f32 v10, v63;
	v37 =	vmax.f32 v63, v10;
	v10 =	vmin.f32 v63, v10  }
0x2c3: {  	v51 =	vmin.f32 v33, v43;
	v52 =	vnsel vm0, $0x3A, v0;
	v27 =	vsel vm6, v7, v25  }
0x2c4: {  	v7 =	vsel vm6, v25, v7;
	vm7 =	vgt.f32 v11, v54;
	v29 =	vmax.f32 v54, v11  }
0x2c5: {  	v11 =	vmin.f32 v54, v11;
	v38 =	vsel vm12, v3, v36;
	v3 =	vsel vm12, v36, v3  }
0x2c6: {  	vm13 =	vgt.f32 v10, v24;
	v39 =	vmax.f32 v24, v10;
	v10 =	vmin.f32 v24, v10  }
0x2c7: {  	vm6 =	vgt.f32 v51, v35;
	v14 =	vmax.f32 v35, v51;
	v6 =	vmin.f32 v35, v51  }
0x2c8: {  	v30 =	vsel vm7, v4, v27;
	v4 =	vsel vm7, v27, v4;
	vm8 =	vgt.f32 v11, v56  }
0x2c9: {  	v31 =	vmax.f32 v56, v11;
	v11 =	vmin.f32 v56, v11;
	v40 =	vsel vm13, v2, v38  }
0x2ca: {  	v2 =	vsel vm13, v38, v2;
	vm14 =	vgt.f32 v10, v26;
	v41 =	vmax.f32 v26, v10  }
0x2cb: {  	[tilespmem:$0x1FFB0] =	vst v0;
	v10 =	vmin.f32 v26, v10;
	v53 =	vsel vm6, v5, v52;
	v0 =	vsel vm6, v52, v5  }
0x2cc: {  	vm7 =	vgt.f32 v6, v37;
	v54 =	vmax.f32 v37, v6;
	v6 =	vmin.f32 v37, v6  }
0x2cd: {  	v32 =	vsel vm8, v9, v30;
	v9 =	vsel vm8, v30, v9;
	vm9 =	vgt.f32 v11, v1  }
0x2ce: {  	v11 =	vmax.f32 v1, v11;
	v42 =	vsel vm14, v7, v40;
	v7 =	vsel vm14, v40, v7  }
0x2cf: {  	vm15 =	vgt.f32 v10, v29;
	v44 =	vmax.f32 v29, v10;
	v10 =	vmin.f32 v29, v10  }
0x2d0: {  	v57 =	vld [tilespmem:s15+$0x7180];
	v55 =	vsel vm7, v3, v53;
	v13 =	vsel vm7, v53, v3;
	vm8 =	vgt.f32 v6, v39  }
0x2d1: {  	v3 =	vmax.f32 v39, v6;
	v6 =	vmin.f32 v39, v6;
	v8 =	vsel vm9, v32, v8  }
0x2d2: {  	v45 =	vsel vm15, v4, v42;
	v4 =	vsel vm15, v42, v4;
	vm4 =	vgt.f32 v10, v31  }
0x2d3: {  	v46 =	vmin.f32 v31, v10;
	v10 =	vmax.f32 v31, v10;
	v56 =	vsel vm8, v2, v55  }
0x2d4: {  	[tilespmem:$0x1FFD0] =	vst v0;
	v0 =	vsel vm8, v55, v2;
	vm9 =	vgt.f32 v6, v41;
	v2 =	vmax.f32 v41, v6  }
0x2d5: {  	v6 =	vmin.f32 v41, v6;
	vm2 =	vgt.f32 v57, v47;
	v61 =	vmin.f32 v47, v57  }
0x2d6: {  	v21 =	vsel vm4, v9, v45;
	vm5 =	vgt.f32 v46, v11;
	v1 =	vsel vm4, v45, v9  }
0x2d7: {  	v22 =	vmax.f32 v11, v46;
	v58 =	vsel vm9, v7, v56;
	vm10 =	vgt.f32 v6, v44  }
0x2d8: {  	v59 =	vmax.f32 v44, v6;
	v6 =	vmin.f32 v44, v6;
	vm7 =	vgt.f32 v61, v14  }
0x2d9: {  	v62 =	vmin.f32 v14, v61;
	[tilespmem:$0x1FFA0] =	vst v1;
	v1 =	vsel vm5, v21, v8;
	v21 =	vsel vm9, v56, v7  }
0x2da: {  	v48 =	vsel vm10, v4, v58;
	v24 =	vsel vm10, v58, v4;
	v60 =	vmin.f32 v10, v6  }
0x2db: {  	vm14 =	vgt.f32 v6, v10;
	v6 =	vmax.f32 v10, v6;
	v8 =	vmax.f32 v47, v57  }
0x2dc: {  	v10 =	vmax.f32 v14, v61;
	vm8 =	vgt.f32 v62, v54;
	v63 =	vmin.f32 v54, v62  }
0x2dd: {  	v9 =	vld [tilespmem:s15+$0x7200];
	v5 =	vmax.f32 v54, v62;
	vm11 =	vgt.f32 v60, v22;
	v4 =	vmax.f32 v22, v60  }
0x2de: {  	vm12 =	vgt.f32 v63, v3;
	v11 =	vmin.f32 v3, v63;
	v3 =	vmax.f32 v3, v63  }
0x2df: {  	v53 =	vld [tilespmem:s15+$0x7280];
	vm5 =	vgt.f32 v11, v2;
	v18 =	vmin.f32 v2, v11;
	v49 =	vmax.f32 v2, v11  }
0x2e0: {  	vm6 =	vgt.f32 v18, v59;
	v2 =	vmin.f32 v59, v18;
	v50 =	vmax.f32 v59, v18  }
0x2e1: {  	vm3 =	vgt.f32 v2, v6;
	v19 =	vmin.f32 v6, v2;
	v51 =	vmax.f32 v6, v2  }
0x2e2: {  	v26 =	vld [tilespmem:s15+$0x7300];
	v2 =	vmin.f32 v8, v9;
	vm1 =	vgt.f32 v9, v8;
	v54 =	vmax.f32 v8, v9  }
0x2e3: {  	vm4 =	vgt.f32 v19, v4;
	v52 =	vmax.f32 v4, v19;
	v20 =	vmin.f32 v10, v2  }
0x2e4: {  	vm9 =	vgt.f32 v2, v10;
	v44 =	vmax.f32 v10, v2;
	v59 =	vmin.f32 v54, v53  }
0x2e5: {  	v30 =	vld [tilespmem:s15+$0x7380];
	v36 =	vmax.f32 v54, v53;
	v22 =	vmin.f32 v5, v20;
	vm10 =	vgt.f32 v20, v5  }
0x2e6: {  	v45 =	vmax.f32 v5, v20;
	v60 =	vmin.f32 v44, v59;
	v34 =	vmax.f32 v44, v59  }
0x2e7: {  	v46 =	vmin.f32 v36, v26;
	v41 =	vmax.f32 v36, v26;
	v55 =	vmin.f32 v3, v22  }
0x2e8: {  	vm13 =	vgt.f32 v22, v3;
	v42 =	vmax.f32 v3, v22;
	v61 =	vmin.f32 v45, v60  }
0x2e9: {  	v31 =	vmax.f32 v45, v60;
	v47 =	vmin.f32 v34, v46;
	v32 =	vmax.f32 v34, v46  }
0x2ea: {  	[tilespmem:$0x1FFE0] =	vst v0;
	v0 =	vmax.f32 v41, v30;
	v43 =	vmin.f32 v41, v30;
	v56 =	vmin.f32 v49, v55  }
0x2eb: {  	v38 =	vmax.f32 v49, v55;
	v14 =	vmax.f32 v42, v61;
	v62 =	vmin.f32 v42, v61  }
0x2ec: {  	v37 =	vmin.f32 v31, v47;
	v15 =	vmax.f32 v31, v47;
	v23 =	vmax.f32 v32, v43  }
0x2ed: {  	v33 =	vmin.f32 v32, v43;
	v5 =	vsub.f32 v0, v0;
	v57 =	vmin.f32 v50, v56  }
0x2ee: {  	v39 =	vmax.f32 v50, v56;
	v6 =	vmax.f32 v38, v62;
	v63 =	vmin.f32 v38, v62  }
0x2ef: {  	v22 =	vmin.f32 v14, v37;
	v10 =	vmax.f32 v14, v37;
	v27 =	vmin.f32 v15, v33  }
0x2f0: {  	v8 =	vsub.f32 v23, v0;
	v23 =	vmax.f32 v15, v33;
	v58 =	vmin.f32 v51, v57  }
0x2f1: {  	v40 =	vmax.f32 v51, v57;
	v12 =	vmax.f32 v39, v63;
	v4 =	vmin.f32 v39, v63  }
0x2f2: {  	v9 =	vmax.f32 v6, v22;
	v7 =	vmin.f32 v6, v22;
	v28 =	vmax.f32 v10, v27  }
0x2f3: {  	v16 =	vmul.f32 $1.442695020e+00, v5;
	v18 =	vmin.f32 v10, v27;
	v17 =	vsub.f32 v23, v0  }
0x2f4: {  	v25 =	vmax.f32 v40, v4;
	v11 =	vmin.f32 v12, v7;
	v8 =	vmul.f32 $1.442695020e+00, v8  }
0x2f5: {  	v23 =	vmax.f32 v9, v18;
	v19 =	vsub.f32 v28, v0;
	v28 =	vmin.f32 v9, v18  }
0x2f6: {  	(erf) = vpow2.f32 v16;
	v17 =	vmul.f32 $1.442695020e+00, v17;
	v23 =	vsub.f32 v23, v0  }
0x2f7: {  	v16 =	vmax.f32 v12, v7;
	(erf) = vpow2.f32 v8;
	v19 =	vmul.f32 $1.442695020e+00, v19  }
0x2f8: {  	v8 =	vmax.f32 v25, v11;
	(erf) = vpow2.f32 v17;
	v29 =	vmul.f32 $1.442695020e+00, v23  }
0x2f9: {  	v5 =	vmax.f32 v16, v28;
	(erf) = vpow2.f32 v19;
	v19 =	vmin.f32 v16, v28  }
0x2fa: {  	v23 =	vsub.f32 v5, v0;
	(erf) = vpow2.f32 v29;
	v29 =	vmax.f32 v8, v19  }
0x2fb: {  	v35 =	vmax.f32 v52, v58;
	v20 =	vmin.f32 v40, v4;
	v2 =	vsub.f32 v29, v0  }
0x2fc: {  	[tilespmem:$0x1FFC0] =	vst v1;
	v17 =	vmax.f32 v35, v20;
	v1 =	vmul.f32 $1.442695020e+00, v23;
	v29 =	vmin.f32 v25, v11  }
0x2fd: {  	v23 =	vmin.f32 v8, v19;
	v3 =	vmax.f32 v17, v29;
	v2 =	vmul.f32 $1.442695020e+00, v2  }
0x2fe: {  	(erf) = vpow2.f32 v1;
	[tilespmem:$0x1FFF0] =	vst v3;
	v5 =	vmax.f32 v3, v23;
	v3 =	vld [tilespmem:$0x1FFA0]  }
0x2ff: {  	vm15 =	vgt.f32 v55, v49;
	v49 =	vpop (erf);
	(erf) = vpow2.f32 v2;
	v2 =	vld [tilespmem:$0x1FFB0];
	_ =	sdelay $0x3  }
0x300: {  	v1 =	vsel vm14, v3, v48  }
0x301: {  	v48 =	vsel vm14, v48, v3;
	vm14 =	vgt.f32 v56, v50;
	v50 =	vsel vm0, $0x3A, v2;
	v2 =	vld [tilespmem:$0x1FFC0];
	_ =	sdelay $0x4  }
0x302: {  	v3 =	vsel vm11, v1, v2;
	v1 =	vld [tilespmem:$0x1FFD0]  }
0x303: {  	v0 =	vsub.f32 v5, v0;
	_ =	sdelay $0x1  }
0x304: {  	v5 =	vpop (erf);
	v0 =	vmul.f32 $1.442695020e+00, v0  }
0x305: {  	v55 =	vadd.f32 v5, v49;
	vm0 =	vgt.f32 v57, v51;
	v51 =	vnsel vm2, $0x3B, v50  }
0x306: {  	v56 =	vpop (erf);
	(erf) = vpow2.f32 v0;
	v0 =	vsel vm7, v1, v51;
	v51 =	vsel vm7, v51, v1;
	v1 =	vld [tilespmem:$0x1FFE0]  }
0x307: {  	v55 =	vadd.f32 v56, v55  }
0x308: {  	v57 =	vsel vm8, v13, v0;
	v2 =	vsel vm8, v0, v13;
	v13 =	vpop (erf)  }
0x309: {  	v55 =	vadd.f32 v13, v55  }
0x30a: {  	v50 =	vsel vm2, $0x3B, v50;
	vm11 =	vgt.f32 v58, v52;
	vm7 =	vgt.f32 v61, v42;
	v52 =	vpop (erf)  }
0x30b: {  	vm8 =	vgt.f32 v62, v38;
	v55 =	vadd.f32 v52, v55;
	v0 =	vsel vm12, v1, v57  }
0x30c: {  	v57 =	vsel vm12, v57, v1;
	vm12 =	vgt.f32 v53, v54;
	v53 =	vnsel vm1, $0x3C, v50  }
0x30d: {  	v50 =	vsel vm1, $0x3C, v50;
	v58 =	vsel vm5, v21, v0;
	v1 =	vsel vm5, v0, v21  }
0x30e: {  	v0 =	vsel vm9, v51, v53;
	v51 =	vsel vm9, v53, v51;
	vm5 =	vgt.f32 v59, v44  }
0x30f: {  	vm9 =	vgt.f32 v63, v39;
	v38 =	vsel vm12, $0x3D, v50;
	v21 =	vsel vm6, v24, v58  }
0x310: {  	v24 =	vsel vm6, v58, v24;
	vm6 =	vgt.f32 v60, v45;
	v54 =	vsel vm3, v48, v21;
	v58 =	vpop (erf)  }
0x311: {  	v21 =	vsel vm3, v21, v48;
	v3 =	vsel vm4, v54, v3;
	v55 =	vadd.f32 v58, v55  }
0x312: {  	v54 =	vsel vm10, v2, v0;
	v0 =	vsel vm10, v0, v2;
	vm10 =	vgt.f32 v4, v40;
	v48 =	vpop (erf)  }
0x313: {  	vm4 =	vgt.f32 v37, v14;
	v53 =	vadd.f32 v48, v55;
	v55 =	vsel vm13, v57, v54  }
0x314: {  	v2 =	vsel vm13, v54, v57;
	v57 =	vpop (erf);
	vm13 =	vgt.f32 v46, v34;
	v54 =	vsel vm15, v1, v55  }
0x315: {  	v1 =	vsel vm15, v55, v1;
	vm15 =	vgt.f32 v30, v41;
	v53 =	vadd.f32 v57, v53  }
0x316: {  	v55 =	vsel vm14, v24, v54;
	v24 =	vsel vm14, v54, v24;
	vm14 =	vgt.f32 v47, v31  }
0x317: {  	v54 =	vsel vm0, v21, v55;
	v21 =	vsel vm0, v55, v21;
	v55 =	vnsel vm12, $0x3D, v50  }
0x318: {  	vm12 =	vgt.f32 v26, v36;
	(erf) = vrcp.f32 v53;
	v3 =	vsel vm11, v54, v3  }
0x319: {  	v59 =	vsel vm5, v51, v55;
	v44 =	vsel vm5, v55, v51;
	vm11 =	vgt.f32 v20, v35  }
0x31a: {  	v40 =	vnsel vm12, $0x3E, v38;
	v20 =	vsel vm12, $0x3E, v38;
	vm5 =	vgt.f32 v43, v32  }
0x31b: {  	vm12 =	vgt.f32 v28, v16;
	v60 =	vsel vm6, v0, v59;
	v0 =	vsel vm6, v59, v0  }
0x31c: {  	v42 =	vsel vm13, v44, v40;
	vm6 =	vgt.f32 v22, v6;
	v61 =	vsel vm7, v2, v60  }
0x31d: {  	v2 =	vsel vm7, v60, v2;
	v46 =	vsel vm14, v0, v42;
	v0 =	vsel vm14, v42, v0  }
0x31e: {  	vm7 =	vgt.f32 v33, v15;
	v62 =	vsel vm8, v1, v61;
	v1 =	vsel vm8, v61, v1  }
0x31f: {  	v50 =	vsel vm4, v2, v46;
	v2 =	vsel vm4, v46, v2;
	vm8 =	vgt.f32 v27, v10  }
0x320: {  	v63 =	vsel vm9, v24, v62;
	v24 =	vsel vm9, v62, v24;
	v55 =	vsel vm6, v1, v50  }
0x321: {  	v1 =	vsel vm6, v50, v1;
	vm9 =	vgt.f32 v7, v12;
	v39 =	vsel vm10, v21, v63;
	v45 =	vpop (erf)  }
0x322: {  	v4 =	vsel vm10, v63, v21;
	v47 =	vmul.f32 v45, v49;
	v49 =	vsel vm15, $0x3F, v20  }
0x323: {  	v21 =	vsel vm13, v40, v44;
	vm10 =	vgt.f32 v18, v9;
	v5 =	vmul.f32 v45, v5;
	[tilespmem:s15+$0x9000] =	vst v49  }
0x324: {  	vm13 =	vgt.f32 v19, v8;
	v3 =	vsel vm11, v39, v3;
	v20 =	vnsel vm15, $0x3F, v20;
	[tilespmem:s15+$0x8000] =	vst v47  }
0x325: {  	vm11 =	vgt.f32 v11, v25;
	v53 =	vmul.f32 v45, v56;
	v51 =	vsel vm5, v20, v21;
	[tilespmem:s15+$0x8080] =	vst v5  }
0x326: {  	v13 =	vmul.f32 v45, v13;
	v56 =	vmul.f32 v45, v52;
	v54 =	vsel vm5, v21, v20;
	[tilespmem:s15+$0x9080] =	vst v51  }
0x327: {  	[tilespmem:s15+$0x8100] =	vst v53;
	v15 =	vsel vm7, v54, v0;
	v0 =	vsel vm7, v0, v54;
	v5 =	vsel vm9, v55, v24  }
0x328: {  	[tilespmem:s15+$0x9100] =	vst v15;
	v6 =	vsel vm8, v0, v2;
	v0 =	vsel vm8, v2, v0;
	v2 =	vsel vm9, v24, v55  }
0x329: {  	[tilespmem:s16+$0x8000] =	vst v13;
	v59 =	vsel vm10, v0, v1;
	v0 =	vsel vm10, v1, v0;
	v1 =	vsel vm11, v4, v2  }
0x32a: {  	[tilespmem:s16+$0x9000] =	vst v6;
	v2 =	vsel vm11, v2, v4;
	v61 =	vsel vm12, v0, v5;
	v0 =	vsel vm12, v5, v0  }
0x32b: {  	v60 =	vmul.f32 v45, v58;
	[tilespmem:s15+$0x8200] =	vst v56;
	v4 =	vsel vm13, v0, v2;
	v0 =	vsel vm13, v2, v0;
	v2 =	vld [tilespmem:$0x1FFF0]  }
0x32c: {  	v62 =	vmul.f32 v45, v48;
	[tilespmem:s15+$0x9200] =	vst v59  }
0x32d: {  	p0 =	sne.s32 s14, $0x1F0;
	[tilespmem:s15+$0x8280] =	vst v60  }
.Ltmp0:
0x32e: {  	[tilespmem:s15+$0x8300] =	vst v62;
	(pc) =	sbr.rel @p0 .LBB2_2-.Ltmp0, $4  }
0x32f: {  	vm14 =	vgt.f32 v29, v17;
	v63 =	vmul.f32 v45, v57;
	[tilespmem:s15+$0x9280] =	vst v61  }
0x330: {  	v1 =	vsel vm14, v1, v3;
	[tilespmem:s15+$0x9300] =	vst v4;
	vm15 =	vgt.f32 v23, v2  }
0x331: {  	[tilespmem:s17+$0x8000] =	vst v63;
	v0 =	vsel vm15, v0, v1  }
0x332: {  	s13 =	sadd.s32 $0x80, s13;
	s14 =	sadd.s32 $0x10, s14;
	[tilespmem:s17+$0x9000] =	vst v0;
	v0 =	vimm.s32 $0x0  }
0x333: {  	[hbm4b:s4+s2] =	stream.linear.scatter [tilespmem:s10], [sflag:$0x1], $0x1000, $0x38;
	[tilespmem:$0xA000] =	vst v63  }
0x334: {  	s12 =	sadd.s32 $0x1, s12;
	_ =	swait.ge [sflag:s9], $0x1000  }
0x335: {  	p0 =	sne.s32 s12, s6;
	[sflag:s9] =	ssyncset.done $0x0  }
.Ltmp1:
0x336: {  	[sflag:s9] =	ssyncadd.s32 $0xFFFFF000;
	(pc) =	sbr.rel @p0 .LBB2_1-.Ltmp1, $4  }
0x337: {  	[hbm4b:s5+s2] =	stream.linear.scatter [tilespmem:s11], [sflag:$0x1], $0x1000, $0x38;
	[tilespmem:$0xA000] =	vst v63  }
0x338: {  	_ =	swait.ge [sflag:s9], $0x1000  }
0x339: {  	[sflag:s9] =	ssyncset.done $0x0  }
0x33a: {  	[sflag:s9] =	ssyncadd.s32 $0xFFFFF000  }
0x33b: {  	_ =	sfence.sel $0x180000  }
0x33c: {  	[bflag:$0x0] =	sbarrier.arrive $0xFFFF  }
0x33d: {  	p0 =	sne.s32 s1, $0x0;
	_ =	strace $0x90000047  }
0x33e: {  	s0 =	sadd.s32 @!p0 $0x100000, s0;
	[bflag:$0x2] =	sbarrier.arrive $0xFFFF  }
0x33f: {  	[sflag:s0] =	ssyncadd.tile.s32 @!p0 $0x1;
	_ =	shalt  }
.Lfunc_end2:
_tile_overlayer_lowered:
.L_overlay_start_2:
0x340: {  	(tag) =	ssettag $0x2  }
0x341: {  	s0 =	rddreg [dreg:$0x0];
	s2 =	stileid.u32  }
0x342: {  	s1 =	rddreg [dreg:$0x1];
	p0 =	sne.s32 s2, $0x0  }
0x343: {  	s3 =	rddreg [dreg:$0x2];
	[bflag:$0x3] =	sbarrier.arrive $0xFFFF;
	s2 =	simm.s32 @!p0 $0x1C01  }
0x344: {  	[timem:s3], [sflag:s2] =	dma.local @!p0 [hbm:s0], s1  }
0x345: {  	s0 =	simm.s32 @!p0 $0x1  }
0x346: {  	_ =	swait.ge @!p0 [sflag:s0], s1  }
0x347: {  	s1 =	ssub.s32 @!p0 $0x0, s1;
	[sflag:s0] =	ssyncset.done @!p0 $0x0  }
0x348: {  	[sflag:s0] =	ssyncadd.s32 @!p0 s1  }
0x349: {  	[bflag:$0x3] =	sbarrier.arrive $0xFFFF  }
0x34a: {  	_ =	shalt  }

</sc_bundles>
